<compile_context>
chip_gen: v7x
topology: tpu7x:2x2x1
jax: 0.10.2.dev20260603
libtpu: 0.0.44.dev20260713+nightly
codegen_flags: <defaults>
</compile_context>

<pallas_src>
import functools

import jax
import jax.numpy as jnp
from jax import lax
from jax.experimental import pallas as pl
from jax.experimental.pallas import tpu as pltpu
from jax.experimental.pallas import tpu_sc as plsc

BATCH = 16384
NIDX = 32
FEATS = 768
HID = 1024
NBKT = 8
PAD = FEATS

NCORES = 2
NSUB = 16
LANES = 16
DSLICE = HID // NSUB
NCH = DSLICE // LANES
CHUNK = 512

QSCALE = float(2 ** 19)
INV_QSCALE = 1.0 / QSCALE

NSC_SPLIT = 2048


def _make_sc_call(nsc):
    samp_per_core = nsc // NCORES
    nchunk = samp_per_core // CHUNK
    strip = samp_per_core // NSUB

    def _nnue_body(stm_hbm, nstm_hbm, tbl_hbm, bias_hbm, wst_hbm, wns_hbm,
                   b_hbm, out_hbm,
                   tbl_v, stm_v, nstm_v, wst_v, wns_v, bias_v, b_v,
                   part_v, red_v, fin_v, shared):
        c = lax.axis_index("c")
        s = lax.axis_index("s")
        base = c * samp_per_core

        pltpu.sync_copy(tbl_hbm.at[s], tbl_v)
        pltpu.sync_copy(wst_hbm.at[s], wst_v)
        pltpu.sync_copy(wns_hbm.at[s], wns_v)
        pltpu.sync_copy(bias_hbm.at[s], bias_v)
        pltpu.sync_copy(b_hbm, b_v)

        zero16 = jnp.zeros((LANES,), jnp.float32)
        for cc in range(NCH):
            tbl_v[PAD, pl.ds(LANES * cc, LANES)] = zero16

        bscale = jnp.where(s == 0, jnp.float32(1.0), jnp.float32(0.0))
        lane_iota = lax.iota(jnp.int32, LANES)
        zeros16i = jnp.zeros((LANES,), jnp.int32)
        zeros16f = jnp.zeros((LANES,), jnp.float32)
        bvec = b_v[pl.ds(0, LANES)]
        bias_ch = [bias_v[pl.ds(LANES * cc, LANES)] for cc in range(NCH)]

        def chunk_body(k, carry):
            cb = base + k * CHUNK
            pltpu.sync_copy(stm_hbm.at[pl.ds(cb, CHUNK)], stm_v)
            pltpu.sync_copy(nstm_hbm.at[pl.ds(cb, CHUNK)], nstm_v)

            def group_body(g, carry2):
                def samp_body(u, reg):
                    i = g * LANES + u
                    ivs0 = stm_v[i, pl.ds(0, LANES)]
                    ivs1 = stm_v[i, pl.ds(LANES, LANES)]
                    ivn0 = nstm_v[i, pl.ds(0, LANES)]
                    ivn1 = nstm_v[i, pl.ds(LANES, LANES)]
                    cntv = (plsc.all_reduce_population_count(ivs0 != PAD)
                            + plsc.all_reduce_population_count(ivs1 != PAD))
                    bktv = jnp.maximum((cntv - 2) >> 2, zeros16i)
                    bkt = bktv[0]

                    accs = [zeros16f for _ in range(2 * NCH)]
                    for r in range(LANES):
                        s0 = ivs0[r]
                        s1 = ivs1[r]
                        n0 = ivn0[r]
                        n1 = ivn1[r]
                        for cc in range(NCH):
                            sl = pl.ds(LANES * cc, LANES)
                            accs[cc] = (accs[cc]
                                        + tbl_v[s0, sl] + tbl_v[s1, sl])
                            accs[NCH + cc] = (accs[NCH + cc]
                                              + tbl_v[n0, sl] + tbl_v[n1, sl])
                    dot = zeros16f
                    for cc in range(NCH):
                        sl = pl.ds(LANES * cc, LANES)
                        bl = bias_ch[cc]
                        e_s = jnp.clip(accs[cc] + bl, 0.0, 1.0)
                        e_n = jnp.clip(accs[NCH + cc] + bl, 0.0, 1.0)
                        dot = dot + (e_s * e_s) * wst_v[bkt, sl]
                        dot = dot + (e_n * e_n) * wns_v[bkt, sl]
                    bval = jnp.sum(jnp.where(lane_iota == bktv, bvec,
                                             zeros16f))
                    res = jnp.sum(dot) + bscale * bval
                    return jnp.where(lane_iota == u, jnp.full((LANES,), res),
                                     reg)

                reg = lax.fori_loop(0, LANES, samp_body, zeros16f)
                part_v[pl.ds(k * CHUNK + g * LANES, LANES)] = reg
                return carry2

            lax.fori_loop(0, CHUNK // LANES, group_body, 0)
            return carry

        lax.fori_loop(0, nchunk, chunk_body, 0)

        pltpu.sync_copy(part_v, shared.at[s])
        plsc.subcore_barrier()
        pltpu.sync_copy(shared.at[:, pl.ds(s * strip, strip)], red_v)
        for j in range(strip // LANES):
            sl = pl.ds(LANES * j, LANES)
            acc = red_v[0, sl]
            for t in range(1, NSUB):
                acc = acc + red_v[t, sl]
            fin_v[sl] = acc
        pltpu.sync_copy(fin_v, out_hbm.at[pl.ds(base + s * strip, strip)])

    return functools.partial(
        pl.kernel,
        out_type=jax.ShapeDtypeStruct((nsc,), jnp.float32),
        mesh=plsc.VectorSubcoreMesh(core_axis_name="c", subcore_axis_name="s"),
        compiler_params=pltpu.CompilerParams(needs_layout_passes=False,
                                             use_tc_tiling_on_sc=False),
        scratch_types=[
            pltpu.VMEM((FEATS + 1, DSLICE), jnp.float32),
            pltpu.VMEM((CHUNK, NIDX), jnp.int32),
            pltpu.VMEM((CHUNK, NIDX), jnp.int32),
            pltpu.VMEM((NBKT, DSLICE), jnp.float32),
            pltpu.VMEM((NBKT, DSLICE), jnp.float32),
            pltpu.VMEM((DSLICE,), jnp.float32),
            pltpu.VMEM((2 * NBKT,), jnp.float32),
            pltpu.VMEM((samp_per_core,), jnp.float32),
            pltpu.VMEM((NSUB, strip), jnp.float32),
            pltpu.VMEM((strip,), jnp.float32),
            pltpu.VMEM_SHARED((NSUB, samp_per_core), jnp.float32),
        ],
    )(_nnue_body)


_sc_call = _make_sc_call(NSC_SPLIT) if NSC_SPLIT else None


TCB = 512


def _tc_body(stmt_ref, nstmt_ref, thi_ref, tlo_ref, bias_ref,
             wstt_ref, wnst_ref, b_ref, out_ref):
    fi = lax.broadcasted_iota(jnp.int32, (TCB, FEATS + 1), 1).astype(jnp.int16)
    one = jnp.ones((TCB, FEATS + 1), jnp.bfloat16)
    zero = jnp.zeros((TCB, FEATS + 1), jnp.bfloat16)

    def one_hot(idx_ref):
        oh = zero
        pc = jnp.zeros((TCB,), jnp.int32)
        for a in range(NIDX):
            col = idx_ref[a, :][:, None]
            oh = oh + jnp.where(col == fi, one, zero)
            pc = pc + (col[:, 0] == PAD).astype(jnp.int32)
        return oh, pc

    oh_s, pc_s = one_hot(stmt_ref)
    oh_n, _ = one_hot(nstmt_ref)

    def bag(oh):
        hi = jnp.dot(oh, thi_ref[...], preferred_element_type=jnp.float32)
        lo = jnp.dot(oh, tlo_ref[...], preferred_element_type=jnp.float32)
        acc = hi * 256.0 + lo
        e = jnp.clip(acc * INV_QSCALE + bias_ref[...], 0.0, 1.0)
        return e * e

    e_s = bag(oh_s)
    e_n = bag(oh_n)
    out_all = (jnp.dot(e_s, wstt_ref[...], preferred_element_type=jnp.float32)
               + jnp.dot(e_n, wnst_ref[...],
                         preferred_element_type=jnp.float32))
    cnt = NIDX - pc_s
    bkt = jnp.maximum((cnt - 2) >> 2, 0)
    res = jnp.zeros((TCB,), jnp.float32)
    for j in range(NBKT):
        sel = (bkt == j)
        res = res + jnp.where(sel, out_all[:, j] + b_ref[j], 0.0)
    out_ref[...] = res


def _tc_call(stmt, nstmt, thi, tlo, bias2d, wstt, wnst, b, n):
    ntc = n // TCB
    return pl.pallas_call(
        _tc_body,
        grid=(ntc,),
        in_specs=[
            pl.BlockSpec((NIDX, TCB), lambda i: (0, i)),
            pl.BlockSpec((NIDX, TCB), lambda i: (0, i)),
            pl.BlockSpec((FEATS + 1, HID), lambda i: (0, 0)),
            pl.BlockSpec((FEATS + 1, HID), lambda i: (0, 0)),
            pl.BlockSpec((1, HID), lambda i: (0, 0)),
            pl.BlockSpec((HID, NBKT), lambda i: (0, 0)),
            pl.BlockSpec((HID, NBKT), lambda i: (0, 0)),
            pl.BlockSpec(memory_space=pltpu.SMEM),
        ],
        out_specs=pl.BlockSpec((TCB,), lambda i: (i,)),
        out_shape=jax.ShapeDtypeStruct((n,), jnp.float32),
    )(stmt, nstmt, thi, tlo, bias2d, wstt, wnst, b)


def kernel(stm_indices, nstm_indices, table, input_bias, W, b):
    stm = stm_indices.astype(jnp.int32)
    nstm = nstm_indices.astype(jnp.int32)
    t32 = table.astype(jnp.float32)
    w32 = W.astype(jnp.float32)
    bias32 = input_bias.astype(jnp.float32)
    b32 = b.astype(jnp.float32)

    outs = []
    if NSC_SPLIT:
        tbl_r = t32.reshape(FEATS + 1, NSUB, DSLICE).transpose(1, 0, 2)
        wst_r = w32[:, :HID].reshape(NBKT, NSUB, DSLICE).transpose(1, 0, 2)
        wns_r = w32[:, HID:].reshape(NBKT, NSUB, DSLICE).transpose(1, 0, 2)
        bias_r = bias32.reshape(NSUB, DSLICE)
        b_pad = jnp.pad(b32, (0, NBKT))
        outs.append(_sc_call(stm[:NSC_SPLIT], nstm[:NSC_SPLIT], tbl_r,
                             bias_r, wst_r, wns_r, b_pad))

    if NSC_SPLIT < BATCH:
        qf = jnp.round(t32 * QSCALE).at[PAD].set(0.0)
        hi = jnp.round(qf * (1.0 / 256.0))
        lo = qf - 256.0 * hi
        thi = hi.astype(jnp.bfloat16)
        tlo = lo.astype(jnp.bfloat16)
        stmt = stm[NSC_SPLIT:].T.astype(jnp.int16)
        nstmt = nstm[NSC_SPLIT:].T.astype(jnp.int16)
        bias2d = bias32.reshape(1, HID)
        wstt = w32[:, :HID].T
        wnst = w32[:, HID:].T
        outs.append(_tc_call(stmt, nstmt, thi, tlo, bias2d, wstt, wnst, b32,
                             BATCH - NSC_SPLIT))

    out = outs[0] if len(outs) == 1 else jnp.concatenate(outs)
    return out.reshape(BATCH, 1)

# --- scband reference (transcript-rebuilt; emitter-appended) ---
"""Pipeline reference for scband-nnue-21680994910623 (READ-ONLY COPY).

The authoritative reference and input builder live on the scoring server;
editing this copy changes nothing except your own understanding.
"""

import jax, jax.numpy as jnp
import numpy as np

N_FEATURES = 768
L1 = 1024
N_BUCKETS = 8
B = 16384
A = 32


def setup_inputs(seed: int = 0) -> dict:
    key = jax.random.key(seed)
    k1, k2, k3, k4, k5, k6 = jax.random.split(key, 6)
    stm_indices = jax.random.randint(k1, (B, A), 0, N_FEATURES + 1)
    nstm_indices = jax.random.randint(k2, (B, A), 0, N_FEATURES + 1)
    scale = N_FEATURES ** (-0.5)
    table = jax.random.uniform(k3, (N_FEATURES + 1, L1), minval=-scale, maxval=scale, dtype=jnp.float32)
    input_bias = jax.random.uniform(k4, (L1,), minval=-scale, maxval=scale, dtype=jnp.float32)
    # hidden layers: N_BUCKETS linear layers mapping 2*L1 -> 1, stacked
    lim = (2 * L1) ** (-0.5)
    W = jax.random.uniform(k5, (N_BUCKETS, 2 * L1), minval=-lim, maxval=lim, dtype=jnp.float32)
    b = jax.random.uniform(k6, (N_BUCKETS,), minval=-lim, maxval=lim, dtype=jnp.float32)
    return {"stm_indices": stm_indices, "nstm_indices": nstm_indices, "table": table, "input_bias": input_bias, "W": W, "b": b}


def reference(stm_indices, nstm_indices, table, input_bias, W, b):
    pad = N_FEATURES
    # bucket index: (#non-padding stm features - 2) // ceil(32 / N_BUCKETS)
    div = -(32 // -N_BUCKETS)
    count = jnp.sum(stm_indices != pad, axis=-1, keepdims=True)
    bucket_idx = jnp.floor_divide(count - 2, div).astype(jnp.int32)

    def bag_sum(idx):
        # EmbeddingBag(mode='sum', padding_idx=pad): gather rows, exclude padding from the sum
        emb = jnp.take(table, idx, axis=0)  # [B, A, L1]
        mask = (idx != pad).astype(emb.dtype)[..., None]
        return jnp.sum(emb * mask, axis=1)  # [B, L1]

    stm_embeddings = bag_sum(stm_indices) + input_bias
    nstm_embeddings = bag_sum(nstm_indices) + input_bias
    embeddings = jnp.concatenate([stm_embeddings, nstm_embeddings], axis=-1)
    embeddings = jnp.clip(embeddings, 0.0, 1.0) ** 2  # clipped-relu squared
    out_all = embeddings @ W.T + b  # [B, N_BUCKETS]
    out = jnp.take_along_axis(out_all, bucket_idx, axis=-1)  # [B, 1]
    return out

if __name__ == "__main__":
    import jax
    _d = setup_inputs()
    print(jax.jit(kernel)(*tuple(_d.values())))

</pallas_src>

<mosaic_0001>
#map = affine_map<(d0, d1) -> (0, 0)>
#map1 = affine_map<(d0, d1) -> (0, 0, 0)>
#map2 = affine_map<(d0, d1) -> (0)>
module attributes {stable_mosaic.version = 14 : i64} {
  func.func @_nnue_body(%arg0: i32, %arg1: i32, %arg2: memref<2048x32xi32, #tpu.memory_space<hbm>>, %arg3: memref<2048x32xi32, #tpu.memory_space<hbm>>, %arg4: memref<16x769x64xf32, #tpu.memory_space<hbm>>, %arg5: memref<16x64xf32, #tpu.memory_space<hbm>>, %arg6: memref<16x8x64xf32, #tpu.memory_space<hbm>>, %arg7: memref<16x8x64xf32, #tpu.memory_space<hbm>>, %arg8: memref<16xf32, #tpu.memory_space<hbm>>, %arg9: memref<2048xf32, #tpu.memory_space<hbm>>, %arg10: memref<769x64xf32, #tpu.memory_space<vmem>>, %arg11: memref<512x32xi32, #tpu.memory_space<vmem>>, %arg12: memref<512x32xi32, #tpu.memory_space<vmem>>, %arg13: memref<8x64xf32, #tpu.memory_space<vmem>>, %arg14: memref<8x64xf32, #tpu.memory_space<vmem>>, %arg15: memref<64xf32, #tpu.memory_space<vmem>>, %arg16: memref<16xf32, #tpu.memory_space<vmem>>, %arg17: memref<1024xf32, #tpu.memory_space<vmem>>, %arg18: memref<16x64xf32, #tpu.memory_space<vmem>>, %arg19: memref<64xf32, #tpu.memory_space<vmem>>, %arg20: memref<16x1024xf32, #tpu.memory_space<vmem_shared>>) attributes {dimension_semantics = [#tpu.dimension_semantics<core_parallel>, #tpu.dimension_semantics<subcore_parallel>], iteration_bounds = array<i64: 2, 16>, scalar_prefetch = 0 : i64, scratch_operands = 11 : i64, tpu.core_type = #tpu.core_type<sc_vector_subcore>, window_params = [{transform_indices = #map}, {transform_indices = #map}, {transform_indices = #map1}, {transform_indices = #map}, {transform_indices = #map1}, {transform_indices = #map1}, {transform_indices = #map2}, {transform_indices = #map2}]} {
    %mul3A = arith.constant 1024 : i32
    %mul3A_0 = arith.muli %arg0, %mul3A : i32
    "tpu.region"() ({
      %run_scoped3A = tpu.sem_alloc : memref<!tpu.dma_semaphore, #tpu.memory_space<semaphore_mem>>
      %dma_start3A = arith.constant 0 : i32
      %dma_start3A_365 = arith.constant 0 : i32
      %dma_start3A_366 = tpu.memref_slice %arg4[%arg1, %dma_start3A, %dma_start3A_365] : memref<16x769x64xf32, #tpu.memory_space<hbm>> -> memref<1x769x64xf32, #tpu.memory_space<hbm>>
      %dma_start3A_367 = tpu.memref_squeeze %dma_start3A_366 : memref<1x769x64xf32, #tpu.memory_space<hbm>> -> memref<769x64xf32, #tpu.memory_space<hbm>>
      %dma_start3A_368 = arith.constant 0 : i32
      %dma_start3A_369 = arith.constant 0 : i32
      %dma_start3A_370 = tpu.memref_slice %arg4[%arg1, %dma_start3A_368, %dma_start3A_369] : memref<16x769x64xf32, #tpu.memory_space<hbm>> -> memref<1x769x64xf32, #tpu.memory_space<hbm>>
      %dma_start3A_371 = tpu.memref_squeeze %dma_start3A_370 : memref<1x769x64xf32, #tpu.memory_space<hbm>> -> memref<769x64xf32, #tpu.memory_space<hbm>>
      tpu.enqueue_dma source(%dma_start3A_371 : memref<769x64xf32, #tpu.memory_space<hbm>>) target(%arg10 : memref<769x64xf32, #tpu.memory_space<vmem>>) target_semaphore(%run_scoped3A : memref<!tpu.dma_semaphore, #tpu.memory_space<semaphore_mem>>)
      %dma_wait3A = arith.constant 0 : i32
      %dma_wait3A_372 = arith.constant 0 : i32
      %dma_wait3A_373 = tpu.memref_slice %arg4[%arg1, %dma_wait3A, %dma_wait3A_372] : memref<16x769x64xf32, #tpu.memory_space<hbm>> -> memref<1x769x64xf32, #tpu.memory_space<hbm>>
      %dma_wait3A_374 = tpu.memref_squeeze %dma_wait3A_373 : memref<1x769x64xf32, #tpu.memory_space<hbm>> -> memref<769x64xf32, #tpu.memory_space<hbm>>
      %dma_wait3A_375 = arith.constant 0 : i32
      %dma_wait3A_376 = arith.constant 0 : i32
      %dma_wait3A_377 = tpu.memref_slice %arg4[%arg1, %dma_wait3A_375, %dma_wait3A_376] : memref<16x769x64xf32, #tpu.memory_space<hbm>> -> memref<1x769x64xf32, #tpu.memory_space<hbm>>
      %dma_wait3A_378 = tpu.memref_squeeze %dma_wait3A_377 : memref<1x769x64xf32, #tpu.memory_space<hbm>> -> memref<769x64xf32, #tpu.memory_space<hbm>>
      tpu.wait_dma2 semaphore(%run_scoped3A : memref<!tpu.dma_semaphore, #tpu.memory_space<semaphore_mem>>) src(%dma_wait3A_378 : memref<769x64xf32, #tpu.memory_space<hbm>>) dst(%arg10 : memref<769x64xf32, #tpu.memory_space<vmem>>)
      tpu.yield
    }) : () -> ()
    "tpu.region"() ({
      %run_scoped3A = tpu.sem_alloc : memref<!tpu.dma_semaphore, #tpu.memory_space<semaphore_mem>>
      %dma_start3A = arith.constant 0 : i32
      %dma_start3A_365 = arith.constant 0 : i32
      %dma_start3A_366 = tpu.memref_slice %arg6[%arg1, %dma_start3A, %dma_start3A_365] : memref<16x8x64xf32, #tpu.memory_space<hbm>> -> memref<1x8x64xf32, #tpu.memory_space<hbm>>
      %dma_start3A_367 = tpu.memref_squeeze %dma_start3A_366 : memref<1x8x64xf32, #tpu.memory_space<hbm>> -> memref<8x64xf32, #tpu.memory_space<hbm>>
      %dma_start3A_368 = arith.constant 0 : i32
      %dma_start3A_369 = arith.constant 0 : i32
      %dma_start3A_370 = tpu.memref_slice %arg6[%arg1, %dma_start3A_368, %dma_start3A_369] : memref<16x8x64xf32, #tpu.memory_space<hbm>> -> memref<1x8x64xf32, #tpu.memory_space<hbm>>
      %dma_start3A_371 = tpu.memref_squeeze %dma_start3A_370 : memref<1x8x64xf32, #tpu.memory_space<hbm>> -> memref<8x64xf32, #tpu.memory_space<hbm>>
      tpu.enqueue_dma source(%dma_start3A_371 : memref<8x64xf32, #tpu.memory_space<hbm>>) target(%arg13 : memref<8x64xf32, #tpu.memory_space<vmem>>) target_semaphore(%run_scoped3A : memref<!tpu.dma_semaphore, #tpu.memory_space<semaphore_mem>>)
      %dma_wait3A = arith.constant 0 : i32
      %dma_wait3A_372 = arith.constant 0 : i32
      %dma_wait3A_373 = tpu.memref_slice %arg6[%arg1, %dma_wait3A, %dma_wait3A_372] : memref<16x8x64xf32, #tpu.memory_space<hbm>> -> memref<1x8x64xf32, #tpu.memory_space<hbm>>
      %dma_wait3A_374 = tpu.memref_squeeze %dma_wait3A_373 : memref<1x8x64xf32, #tpu.memory_space<hbm>> -> memref<8x64xf32, #tpu.memory_space<hbm>>
      %dma_wait3A_375 = arith.constant 0 : i32
      %dma_wait3A_376 = arith.constant 0 : i32
      %dma_wait3A_377 = tpu.memref_slice %arg6[%arg1, %dma_wait3A_375, %dma_wait3A_376] : memref<16x8x64xf32, #tpu.memory_space<hbm>> -> memref<1x8x64xf32, #tpu.memory_space<hbm>>
      %dma_wait3A_378 = tpu.memref_squeeze %dma_wait3A_377 : memref<1x8x64xf32, #tpu.memory_space<hbm>> -> memref<8x64xf32, #tpu.memory_space<hbm>>
      tpu.wait_dma2 semaphore(%run_scoped3A : memref<!tpu.dma_semaphore, #tpu.memory_space<semaphore_mem>>) src(%dma_wait3A_378 : memref<8x64xf32, #tpu.memory_space<hbm>>) dst(%arg13 : memref<8x64xf32, #tpu.memory_space<vmem>>)
      tpu.yield
    }) : () -> ()
    "tpu.region"() ({
      %run_scoped3A = tpu.sem_alloc : memref<!tpu.dma_semaphore, #tpu.memory_space<semaphore_mem>>
      %dma_start3A = arith.constant 0 : i32
      %dma_start3A_365 = arith.constant 0 : i32
      %dma_start3A_366 = tpu.memref_slice %arg7[%arg1, %dma_start3A, %dma_start3A_365] : memref<16x8x64xf32, #tpu.memory_space<hbm>> -> memref<1x8x64xf32, #tpu.memory_space<hbm>>
      %dma_start3A_367 = tpu.memref_squeeze %dma_start3A_366 : memref<1x8x64xf32, #tpu.memory_space<hbm>> -> memref<8x64xf32, #tpu.memory_space<hbm>>
      %dma_start3A_368 = arith.constant 0 : i32
      %dma_start3A_369 = arith.constant 0 : i32
      %dma_start3A_370 = tpu.memref_slice %arg7[%arg1, %dma_start3A_368, %dma_start3A_369] : memref<16x8x64xf32, #tpu.memory_space<hbm>> -> memref<1x8x64xf32, #tpu.memory_space<hbm>>
      %dma_start3A_371 = tpu.memref_squeeze %dma_start3A_370 : memref<1x8x64xf32, #tpu.memory_space<hbm>> -> memref<8x64xf32, #tpu.memory_space<hbm>>
      tpu.enqueue_dma source(%dma_start3A_371 : memref<8x64xf32, #tpu.memory_space<hbm>>) target(%arg14 : memref<8x64xf32, #tpu.memory_space<vmem>>) target_semaphore(%run_scoped3A : memref<!tpu.dma_semaphore, #tpu.memory_space<semaphore_mem>>)
      %dma_wait3A = arith.constant 0 : i32
      %dma_wait3A_372 = arith.constant 0 : i32
      %dma_wait3A_373 = tpu.memref_slice %arg7[%arg1, %dma_wait3A, %dma_wait3A_372] : memref<16x8x64xf32, #tpu.memory_space<hbm>> -> memref<1x8x64xf32, #tpu.memory_space<hbm>>
      %dma_wait3A_374 = tpu.memref_squeeze %dma_wait3A_373 : memref<1x8x64xf32, #tpu.memory_space<hbm>> -> memref<8x64xf32, #tpu.memory_space<hbm>>
      %dma_wait3A_375 = arith.constant 0 : i32
      %dma_wait3A_376 = arith.constant 0 : i32
      %dma_wait3A_377 = tpu.memref_slice %arg7[%arg1, %dma_wait3A_375, %dma_wait3A_376] : memref<16x8x64xf32, #tpu.memory_space<hbm>> -> memref<1x8x64xf32, #tpu.memory_space<hbm>>
      %dma_wait3A_378 = tpu.memref_squeeze %dma_wait3A_377 : memref<1x8x64xf32, #tpu.memory_space<hbm>> -> memref<8x64xf32, #tpu.memory_space<hbm>>
      tpu.wait_dma2 semaphore(%run_scoped3A : memref<!tpu.dma_semaphore, #tpu.memory_space<semaphore_mem>>) src(%dma_wait3A_378 : memref<8x64xf32, #tpu.memory_space<hbm>>) dst(%arg14 : memref<8x64xf32, #tpu.memory_space<vmem>>)
      tpu.yield
    }) : () -> ()
    "tpu.region"() ({
      %run_scoped3A = tpu.sem_alloc : memref<!tpu.dma_semaphore, #tpu.memory_space<semaphore_mem>>
      %dma_start3A = arith.constant 0 : i32
      %dma_start3A_365 = tpu.memref_slice %arg5[%arg1, %dma_start3A] : memref<16x64xf32, #tpu.memory_space<hbm>> -> memref<1x64xf32, #tpu.memory_space<hbm>>
      %dma_start3A_366 = tpu.memref_squeeze %dma_start3A_365 : memref<1x64xf32, #tpu.memory_space<hbm>> -> memref<64xf32, #tpu.memory_space<hbm>>
      %dma_start3A_367 = arith.constant 0 : i32
      %dma_start3A_368 = tpu.memref_slice %arg5[%arg1, %dma_start3A_367] : memref<16x64xf32, #tpu.memory_space<hbm>> -> memref<1x64xf32, #tpu.memory_space<hbm>>
      %dma_start3A_369 = tpu.memref_squeeze %dma_start3A_368 : memref<1x64xf32, #tpu.memory_space<hbm>> -> memref<64xf32, #tpu.memory_space<hbm>>
      tpu.enqueue_dma source(%dma_start3A_369 : memref<64xf32, #tpu.memory_space<hbm>>) target(%arg15 : memref<64xf32, #tpu.memory_space<vmem>>) target_semaphore(%run_scoped3A : memref<!tpu.dma_semaphore, #tpu.memory_space<semaphore_mem>>)
      %dma_wait3A = arith.constant 0 : i32
      %dma_wait3A_370 = tpu.memref_slice %arg5[%arg1, %dma_wait3A] : memref<16x64xf32, #tpu.memory_space<hbm>> -> memref<1x64xf32, #tpu.memory_space<hbm>>
      %dma_wait3A_371 = tpu.memref_squeeze %dma_wait3A_370 : memref<1x64xf32, #tpu.memory_space<hbm>> -> memref<64xf32, #tpu.memory_space<hbm>>
      %dma_wait3A_372 = arith.constant 0 : i32
      %dma_wait3A_373 = tpu.memref_slice %arg5[%arg1, %dma_wait3A_372] : memref<16x64xf32, #tpu.memory_space<hbm>> -> memref<1x64xf32, #tpu.memory_space<hbm>>
      %dma_wait3A_374 = tpu.memref_squeeze %dma_wait3A_373 : memref<1x64xf32, #tpu.memory_space<hbm>> -> memref<64xf32, #tpu.memory_space<hbm>>
      tpu.wait_dma2 semaphore(%run_scoped3A : memref<!tpu.dma_semaphore, #tpu.memory_space<semaphore_mem>>) src(%dma_wait3A_374 : memref<64xf32, #tpu.memory_space<hbm>>) dst(%arg15 : memref<64xf32, #tpu.memory_space<vmem>>)
      tpu.yield
    }) : () -> ()
    "tpu.region"() ({
      %run_scoped3A = tpu.sem_alloc : memref<!tpu.dma_semaphore, #tpu.memory_space<semaphore_mem>>
      tpu.enqueue_dma source(%arg8 : memref<16xf32, #tpu.memory_space<hbm>>) target(%arg16 : memref<16xf32, #tpu.memory_space<vmem>>) target_semaphore(%run_scoped3A : memref<!tpu.dma_semaphore, #tpu.memory_space<semaphore_mem>>)
      tpu.wait_dma2 semaphore(%run_scoped3A : memref<!tpu.dma_semaphore, #tpu.memory_space<semaphore_mem>>) src(%arg8 : memref<16xf32, #tpu.memory_space<hbm>>) dst(%arg16 : memref<16xf32, #tpu.memory_space<vmem>>)
      tpu.yield
    }) : () -> ()
    %broadcast_in_dim3A = arith.constant 0.000000e+00 : f32
    %broadcast_in_dim3A_1 = vector.broadcast %broadcast_in_dim3A : f32 to vector<16xf32>
    %swap3A = arith.constant 768 : i32
    %swap3A_2 = arith.index_cast %swap3A : i32 to index
    %swap3A_3 = arith.constant 0 : index
    %swap3A_4 = tpu.vector_load %arg10[%swap3A_2, %swap3A_3] {strides = array<i32>} : memref<769x64xf32, #tpu.memory_space<vmem>>, vector<16xf32>,
    tpu.vector_store %arg10[%swap3A_2, %swap3A_3], %broadcast_in_dim3A_1 {strides = array<i32>} : memref<769x64xf32, #tpu.memory_space<vmem>>, vector<16xf32>,
    %swap3A_5 = arith.constant 768 : i32
    %swap3A_6 = arith.index_cast %swap3A_5 : i32 to index
    %swap3A_7 = arith.constant 16 : index
    %swap3A_8 = tpu.vector_load %arg10[%swap3A_6, %swap3A_7] {strides = array<i32>} : memref<769x64xf32, #tpu.memory_space<vmem>>, vector<16xf32>,
    tpu.vector_store %arg10[%swap3A_6, %swap3A_7], %broadcast_in_dim3A_1 {strides = array<i32>} : memref<769x64xf32, #tpu.memory_space<vmem>>, vector<16xf32>,
    %swap3A_9 = arith.constant 768 : i32
    %swap3A_10 = arith.index_cast %swap3A_9 : i32 to index
    %swap3A_11 = arith.constant 32 : index
    %swap3A_12 = tpu.vector_load %arg10[%swap3A_10, %swap3A_11] {strides = array<i32>} : memref<769x64xf32, #tpu.memory_space<vmem>>, vector<16xf32>,
    tpu.vector_store %arg10[%swap3A_10, %swap3A_11], %broadcast_in_dim3A_1 {strides = array<i32>} : memref<769x64xf32, #tpu.memory_space<vmem>>, vector<16xf32>,
    %swap3A_13 = arith.constant 768 : i32
    %swap3A_14 = arith.index_cast %swap3A_13 : i32 to index
    %swap3A_15 = arith.constant 48 : index
    %swap3A_16 = tpu.vector_load %arg10[%swap3A_14, %swap3A_15] {strides = array<i32>} : memref<769x64xf32, #tpu.memory_space<vmem>>, vector<16xf32>,
    tpu.vector_store %arg10[%swap3A_14, %swap3A_15], %broadcast_in_dim3A_1 {strides = array<i32>} : memref<769x64xf32, #tpu.memory_space<vmem>>, vector<16xf32>,
    %eq3A = arith.constant 0 : i32
    %eq3A_17 = arith.cmpi eq, %arg1, %eq3A : i32
    %jit3A = arith.constant 1.000000e+00 : f32
    %jit3A_18 = arith.constant 0.000000e+00 : f32
    %select_n3A = arith.select %eq3A_17, %jit3A, %jit3A_18 : f32
    %iota3A = tpu.iota {dimensions = array<i32: 0>} : vector<16xi32>
    %broadcast_in_dim3A_19 = arith.constant 0 : i32
    %broadcast_in_dim3A_20 = vector.broadcast %broadcast_in_dim3A_19 : i32 to vector<16xi32>
    %broadcast_in_dim3A_21 = arith.constant 0.000000e+00 : f32
    %broadcast_in_dim3A_22 = vector.broadcast %broadcast_in_dim3A_21 : f32 to vector<16xf32>
    %get3A = arith.constant 0 : index
    %get3A_23 = tpu.vector_load %arg16[%get3A] {strides = array<i32>} : memref<16xf32, #tpu.memory_space<vmem>>, vector<16xf32>,
    %get3A_24 = arith.constant 0 : index
    %get3A_25 = tpu.vector_load %arg15[%get3A_24] {strides = array<i32>} : memref<64xf32, #tpu.memory_space<vmem>>, vector<16xf32>,
    %get3A_26 = arith.constant 16 : index
    %get3A_27 = tpu.vector_load %arg15[%get3A_26] {strides = array<i32>} : memref<64xf32, #tpu.memory_space<vmem>>, vector<16xf32>,
    %get3A_28 = arith.constant 32 : index
    %get3A_29 = tpu.vector_load %arg15[%get3A_28] {strides = array<i32>} : memref<64xf32, #tpu.memory_space<vmem>>, vector<16xf32>,
    %get3A_30 = arith.constant 48 : index
    %get3A_31 = tpu.vector_load %arg15[%get3A_30] {strides = array<i32>} : memref<64xf32, #tpu.memory_space<vmem>>, vector<16xf32>,
    %scan3A = arith.constant 0 : i32
    %scan3A_32 = arith.constant 0 : i32
    %scan3A_33 = arith.constant 2 : i32
    %scan3A_34 = arith.addi %scan3A_32, %scan3A_33 : i32
    %scan3A_35 = arith.constant 1 : i32
    scf.for %scan3A_365 = %scan3A_32 to %scan3A_34 step %scan3A_35  : i32 {
      %mul3A_366 = arith.constant 512 : i32
      %mul3A_367 = arith.muli %scan3A_365, %mul3A_366 : i32
      %add3A_368 = arith.addi %mul3A_0, %mul3A_367 : i32
      "tpu.region"() ({
        %run_scoped3A = tpu.sem_alloc : memref<!tpu.dma_semaphore, #tpu.memory_space<semaphore_mem>>
        %dma_start3A = arith.constant 0 : i32
        %dma_start3A_375 = tpu.memref_slice %arg2[%add3A_368, %dma_start3A] : memref<2048x32xi32, #tpu.memory_space<hbm>> -> memref<512x32xi32, #tpu.memory_space<hbm>>
        %dma_start3A_376 = arith.constant 0 : i32
        %dma_start3A_377 = tpu.memref_slice %arg2[%add3A_368, %dma_start3A_376] : memref<2048x32xi32, #tpu.memory_space<hbm>> -> memref<512x32xi32, #tpu.memory_space<hbm>>
        tpu.enqueue_dma source(%dma_start3A_377 : memref<512x32xi32, #tpu.memory_space<hbm>>) target(%arg11 : memref<512x32xi32, #tpu.memory_space<vmem>>) target_semaphore(%run_scoped3A : memref<!tpu.dma_semaphore, #tpu.memory_space<semaphore_mem>>)
        %dma_wait3A = arith.constant 0 : i32
        %dma_wait3A_378 = tpu.memref_slice %arg2[%add3A_368, %dma_wait3A] : memref<2048x32xi32, #tpu.memory_space<hbm>> -> memref<512x32xi32, #tpu.memory_space<hbm>>
        %dma_wait3A_379 = arith.constant 0 : i32
        %dma_wait3A_380 = tpu.memref_slice %arg2[%add3A_368, %dma_wait3A_379] : memref<2048x32xi32, #tpu.memory_space<hbm>> -> memref<512x32xi32, #tpu.memory_space<hbm>>
        tpu.wait_dma2 semaphore(%run_scoped3A : memref<!tpu.dma_semaphore, #tpu.memory_space<semaphore_mem>>) src(%dma_wait3A_380 : memref<512x32xi32, #tpu.memory_space<hbm>>) dst(%arg11 : memref<512x32xi32, #tpu.memory_space<vmem>>)
        tpu.yield
      }) : () -> ()
      "tpu.region"() ({
        %run_scoped3A = tpu.sem_alloc : memref<!tpu.dma_semaphore, #tpu.memory_space<semaphore_mem>>
        %dma_start3A = arith.constant 0 : i32
        %dma_start3A_375 = tpu.memref_slice %arg3[%add3A_368, %dma_start3A] : memref<2048x32xi32, #tpu.memory_space<hbm>> -> memref<512x32xi32, #tpu.memory_space<hbm>>
        %dma_start3A_376 = arith.constant 0 : i32
        %dma_start3A_377 = tpu.memref_slice %arg3[%add3A_368, %dma_start3A_376] : memref<2048x32xi32, #tpu.memory_space<hbm>> -> memref<512x32xi32, #tpu.memory_space<hbm>>
        tpu.enqueue_dma source(%dma_start3A_377 : memref<512x32xi32, #tpu.memory_space<hbm>>) target(%arg12 : memref<512x32xi32, #tpu.memory_space<vmem>>) target_semaphore(%run_scoped3A : memref<!tpu.dma_semaphore, #tpu.memory_space<semaphore_mem>>)
        %dma_wait3A = arith.constant 0 : i32
        %dma_wait3A_378 = tpu.memref_slice %arg3[%add3A_368, %dma_wait3A] : memref<2048x32xi32, #tpu.memory_space<hbm>> -> memref<512x32xi32, #tpu.memory_space<hbm>>
        %dma_wait3A_379 = arith.constant 0 : i32
        %dma_wait3A_380 = tpu.memref_slice %arg3[%add3A_368, %dma_wait3A_379] : memref<2048x32xi32, #tpu.memory_space<hbm>> -> memref<512x32xi32, #tpu.memory_space<hbm>>
        tpu.wait_dma2 semaphore(%run_scoped3A : memref<!tpu.dma_semaphore, #tpu.memory_space<semaphore_mem>>) src(%dma_wait3A_380 : memref<512x32xi32, #tpu.memory_space<hbm>>) dst(%arg12 : memref<512x32xi32, #tpu.memory_space<vmem>>)
        tpu.yield
      }) : () -> ()
      %scan3A_369 = arith.constant 0 : i32
      %scan3A_370 = arith.constant 0 : i32
      %scan3A_371 = arith.constant 32 : i32
      %scan3A_372 = arith.addi %scan3A_370, %scan3A_371 : i32
      %scan3A_373 = arith.constant 1 : i32
      scf.for %scan3A_375 = %scan3A_370 to %scan3A_372 step %scan3A_373  : i32 {
        %scan3A_376 = arith.constant 0 : i32
        %scan3A_377 = arith.constant 16 : i32
        %scan3A_378 = arith.addi %scan3A_376, %scan3A_377 : i32
        %scan3A_379 = arith.constant 1 : i32
        %scan3A_380 = scf.for %scan3A_389 = %scan3A_376 to %scan3A_378 step %scan3A_379 iter_args(%scan3A_390 = %broadcast_in_dim3A_22) -> (vector<16xf32>)  : i32 {
          %mul3A_391 = arith.constant 16 : i32
          %mul3A_392 = arith.muli %scan3A_375, %mul3A_391 : i32
          %add3A_393 = arith.addi %mul3A_392, %scan3A_389 : i32
          %get3A_394 = arith.index_cast %add3A_393 : i32 to index
          %get3A_395 = arith.constant 0 : index
          %get3A_396 = tpu.vector_load %arg11[%get3A_394, %get3A_395] {strides = array<i32>} : memref<512x32xi32, #tpu.memory_space<vmem>>, vector<16xi32>,
          %get3A_397 = arith.index_cast %add3A_393 : i32 to index
          %get3A_398 = arith.constant 16 : index
          %get3A_399 = tpu.vector_load %arg11[%get3A_397, %get3A_398] {strides = array<i32>} : memref<512x32xi32, #tpu.memory_space<vmem>>, vector<16xi32>,
          %get3A_400 = arith.index_cast %add3A_393 : i32 to index
          %get3A_401 = arith.constant 0 : index
          %get3A_402 = tpu.vector_load %arg12[%get3A_400, %get3A_401] {strides = array<i32>} : memref<512x32xi32, #tpu.memory_space<vmem>>, vector<16xi32>,
          %get3A_403 = arith.index_cast %add3A_393 : i32 to index
          %get3A_404 = arith.constant 16 : index
          %get3A_405 = tpu.vector_load %arg12[%get3A_403, %get3A_404] {strides = array<i32>} : memref<512x32xi32, #tpu.memory_space<vmem>>, vector<16xi32>,
          %ne3A = arith.constant 768 : i32
          %ne3A_406 = vector.broadcast %ne3A : i32 to vector<16xi32>
          %ne3A_407 = arith.cmpi ne, %get3A_396, %ne3A_406 : vector<16xi32>
          %all_reduce_population_count3A = tpu.all_reduce %ne3A_407 {dim = 0 : i64, kind = #tpu.reduction_kind<sum>} : vector<16xi1> -> vector<16xi32>
          %ne3A_408 = arith.constant 768 : i32
          %ne3A_409 = vector.broadcast %ne3A_408 : i32 to vector<16xi32>
          %ne3A_410 = arith.cmpi ne, %get3A_399, %ne3A_409 : vector<16xi32>
          %all_reduce_population_count3A_411 = tpu.all_reduce %ne3A_410 {dim = 0 : i64, kind = #tpu.reduction_kind<sum>} : vector<16xi1> -> vector<16xi32>
          %add3A_412 = arith.addi %all_reduce_population_count3A, %all_reduce_population_count3A_411 : vector<16xi32>
          %sub3A = arith.constant 2 : i32
          %sub3A_413 = vector.broadcast %sub3A : i32 to vector<16xi32>
          %sub3A_414 = arith.subi %add3A_412, %sub3A_413 : vector<16xi32>
          %shift_right_arithmetic3A = arith.constant 2 : i32
          %shift_right_arithmetic3A_415 = vector.broadcast %shift_right_arithmetic3A : i32 to vector<16xi32>
          %shift_right_arithmetic3A_416 = arith.shrsi %sub3A_414, %shift_right_arithmetic3A_415 : vector<16xi32>
          %max3A = arith.maxsi %shift_right_arithmetic3A_416, %broadcast_in_dim3A_20 : vector<16xi32>
          %slice3A = vector.extract_strided_slice %max3A {offsets = [0], sizes = [1], strides = [1]} : vector<16xi32> to vector<1xi32>
          %squeeze3A = vector.extract %slice3A[0] : i32 from vector<1xi32>
          %slice3A_417 = vector.extract_strided_slice %get3A_396 {offsets = [0], sizes = [1], strides = [1]} : vector<16xi32> to vector<1xi32>
          %squeeze3A_418 = vector.extract %slice3A_417[0] : i32 from vector<1xi32>
          %slice3A_419 = vector.extract_strided_slice %get3A_399 {offsets = [0], sizes = [1], strides = [1]} : vector<16xi32> to vector<1xi32>
          %squeeze3A_420 = vector.extract %slice3A_419[0] : i32 from vector<1xi32>
          %slice3A_421 = vector.extract_strided_slice %get3A_402 {offsets = [0], sizes = [1], strides = [1]} : vector<16xi32> to vector<1xi32>
          %squeeze3A_422 = vector.extract %slice3A_421[0] : i32 from vector<1xi32>
          %slice3A_423 = vector.extract_strided_slice %get3A_405 {offsets = [0], sizes = [1], strides = [1]} : vector<16xi32> to vector<1xi32>
          %squeeze3A_424 = vector.extract %slice3A_423[0] : i32 from vector<1xi32>
          %get3A_425 = arith.index_cast %squeeze3A_418 : i32 to index
          %get3A_426 = arith.constant 0 : index
          %get3A_427 = tpu.vector_load %arg10[%get3A_425, %get3A_426] {strides = array<i32>} : memref<769x64xf32, #tpu.memory_space<vmem>>, vector<16xf32>,
          %add3A_428 = arith.addf %broadcast_in_dim3A_22, %get3A_427 : vector<16xf32>
          %get3A_429 = arith.index_cast %squeeze3A_420 : i32 to index
          %get3A_430 = arith.constant 0 : index
          %get3A_431 = tpu.vector_load %arg10[%get3A_429, %get3A_430] {strides = array<i32>} : memref<769x64xf32, #tpu.memory_space<vmem>>, vector<16xf32>,
          %add3A_432 = arith.addf %add3A_428, %get3A_431 : vector<16xf32>
          %get3A_433 = arith.index_cast %squeeze3A_422 : i32 to index
          %get3A_434 = arith.constant 0 : index
          %get3A_435 = tpu.vector_load %arg10[%get3A_433, %get3A_434] {strides = array<i32>} : memref<769x64xf32, #tpu.memory_space<vmem>>, vector<16xf32>,
          %add3A_436 = arith.addf %broadcast_in_dim3A_22, %get3A_435 : vector<16xf32>
          %get3A_437 = arith.index_cast %squeeze3A_424 : i32 to index
          %get3A_438 = arith.constant 0 : index
          %get3A_439 = tpu.vector_load %arg10[%get3A_437, %get3A_438] {strides = array<i32>} : memref<769x64xf32, #tpu.memory_space<vmem>>, vector<16xf32>,
          %add3A_440 = arith.addf %add3A_436, %get3A_439 : vector<16xf32>
          %get3A_441 = arith.index_cast %squeeze3A_418 : i32 to index
          %get3A_442 = arith.constant 16 : index
          %get3A_443 = tpu.vector_load %arg10[%get3A_441, %get3A_442] {strides = array<i32>} : memref<769x64xf32, #tpu.memory_space<vmem>>, vector<16xf32>,
          %add3A_444 = arith.addf %broadcast_in_dim3A_22, %get3A_443 : vector<16xf32>
          %get3A_445 = arith.index_cast %squeeze3A_420 : i32 to index
          %get3A_446 = arith.constant 16 : index
          %get3A_447 = tpu.vector_load %arg10[%get3A_445, %get3A_446] {strides = array<i32>} : memref<769x64xf32, #tpu.memory_space<vmem>>, vector<16xf32>,
          %add3A_448 = arith.addf %add3A_444, %get3A_447 : vector<16xf32>
          %get3A_449 = arith.index_cast %squeeze3A_422 : i32 to index
          %get3A_450 = arith.constant 16 : index
          %get3A_451 = tpu.vector_load %arg10[%get3A_449, %get3A_450] {strides = array<i32>} : memref<769x64xf32, #tpu.memory_space<vmem>>, vector<16xf32>,
          %add3A_452 = arith.addf %broadcast_in_dim3A_22, %get3A_451 : vector<16xf32>
          %get3A_453 = arith.index_cast %squeeze3A_424 : i32 to index
          %get3A_454 = arith.constant 16 : index
          %get3A_455 = tpu.vector_load %arg10[%get3A_453, %get3A_454] {strides = array<i32>} : memref<769x64xf32, #tpu.memory_space<vmem>>, vector<16xf32>,
          %add3A_456 = arith.addf %add3A_452, %get3A_455 : vector<16xf32>
          %get3A_457 = arith.index_cast %squeeze3A_418 : i32 to index
          %get3A_458 = arith.constant 32 : index
          %get3A_459 = tpu.vector_load %arg10[%get3A_457, %get3A_458] {strides = array<i32>} : memref<769x64xf32, #tpu.memory_space<vmem>>, vector<16xf32>,
          %add3A_460 = arith.addf %broadcast_in_dim3A_22, %get3A_459 : vector<16xf32>
          %get3A_461 = arith.index_cast %squeeze3A_420 : i32 to index
          %get3A_462 = arith.constant 32 : index
          %get3A_463 = tpu.vector_load %arg10[%get3A_461, %get3A_462] {strides = array<i32>} : memref<769x64xf32, #tpu.memory_space<vmem>>, vector<16xf32>,
          %add3A_464 = arith.addf %add3A_460, %get3A_463 : vector<16xf32>
          %get3A_465 = arith.index_cast %squeeze3A_422 : i32 to index
          %get3A_466 = arith.constant 32 : index
          %get3A_467 = tpu.vector_load %arg10[%get3A_465, %get3A_466] {strides = array<i32>} : memref<769x64xf32, #tpu.memory_space<vmem>>, vector<16xf32>,
          %add3A_468 = arith.addf %broadcast_in_dim3A_22, %get3A_467 : vector<16xf32>
          %get3A_469 = arith.index_cast %squeeze3A_424 : i32 to index
          %get3A_470 = arith.constant 32 : index
          %get3A_471 = tpu.vector_load %arg10[%get3A_469, %get3A_470] {strides = array<i32>} : memref<769x64xf32, #tpu.memory_space<vmem>>, vector<16xf32>,
          %add3A_472 = arith.addf %add3A_468, %get3A_471 : vector<16xf32>
          %get3A_473 = arith.index_cast %squeeze3A_418 : i32 to index
          %get3A_474 = arith.constant 48 : index
          %get3A_475 = tpu.vector_load %arg10[%get3A_473, %get3A_474] {strides = array<i32>} : memref<769x64xf32, #tpu.memory_space<vmem>>, vector<16xf32>,
          %add3A_476 = arith.addf %broadcast_in_dim3A_22, %get3A_475 : vector<16xf32>
          %get3A_477 = arith.index_cast %squeeze3A_420 : i32 to index
          %get3A_478 = arith.constant 48 : index
          %get3A_479 = tpu.vector_load %arg10[%get3A_477, %get3A_478] {strides = array<i32>} : memref<769x64xf32, #tpu.memory_space<vmem>>, vector<16xf32>,
          %add3A_480 = arith.addf %add3A_476, %get3A_479 : vector<16xf32>
          %get3A_481 = arith.index_cast %squeeze3A_422 : i32 to index
          %get3A_482 = arith.constant 48 : index
          %get3A_483 = tpu.vector_load %arg10[%get3A_481, %get3A_482] {strides = array<i32>} : memref<769x64xf32, #tpu.memory_space<vmem>>, vector<16xf32>,
          %add3A_484 = arith.addf %broadcast_in_dim3A_22, %get3A_483 : vector<16xf32>
          %get3A_485 = arith.index_cast %squeeze3A_424 : i32 to index
          %get3A_486 = arith.constant 48 : index
          %get3A_487 = tpu.vector_load %arg10[%get3A_485, %get3A_486] {strides = array<i32>} : memref<769x64xf32, #tpu.memory_space<vmem>>, vector<16xf32>,
          %add3A_488 = arith.addf %add3A_484, %get3A_487 : vector<16xf32>
          %slice3A_489 = vector.extract_strided_slice %get3A_396 {offsets = [1], sizes = [1], strides = [1]} : vector<16xi32> to vector<1xi32>
          %squeeze3A_490 = vector.extract %slice3A_489[0] : i32 from vector<1xi32>
          %slice3A_491 = vector.extract_strided_slice %get3A_399 {offsets = [1], sizes = [1], strides = [1]} : vector<16xi32> to vector<1xi32>
          %squeeze3A_492 = vector.extract %slice3A_491[0] : i32 from vector<1xi32>
          %slice3A_493 = vector.extract_strided_slice %get3A_402 {offsets = [1], sizes = [1], strides = [1]} : vector<16xi32> to vector<1xi32>
          %squeeze3A_494 = vector.extract %slice3A_493[0] : i32 from vector<1xi32>
          %slice3A_495 = vector.extract_strided_slice %get3A_405 {offsets = [1], sizes = [1], strides = [1]} : vector<16xi32> to vector<1xi32>
          %squeeze3A_496 = vector.extract %slice3A_495[0] : i32 from vector<1xi32>
          %get3A_497 = arith.index_cast %squeeze3A_490 : i32 to index
          %get3A_498 = arith.constant 0 : index
          %get3A_499 = tpu.vector_load %arg10[%get3A_497, %get3A_498] {strides = array<i32>} : memref<769x64xf32, #tpu.memory_space<vmem>>, vector<16xf32>,
          %add3A_500 = arith.addf %add3A_432, %get3A_499 : vector<16xf32>
          %get3A_501 = arith.index_cast %squeeze3A_492 : i32 to index
          %get3A_502 = arith.constant 0 : index
          %get3A_503 = tpu.vector_load %arg10[%get3A_501, %get3A_502] {strides = array<i32>} : memref<769x64xf32, #tpu.memory_space<vmem>>, vector<16xf32>,
          %add3A_504 = arith.addf %add3A_500, %get3A_503 : vector<16xf32>
          %get3A_505 = arith.index_cast %squeeze3A_494 : i32 to index
          %get3A_506 = arith.constant 0 : index
          %get3A_507 = tpu.vector_load %arg10[%get3A_505, %get3A_506] {strides = array<i32>} : memref<769x64xf32, #tpu.memory_space<vmem>>, vector<16xf32>,
          %add3A_508 = arith.addf %add3A_440, %get3A_507 : vector<16xf32>
          %get3A_509 = arith.index_cast %squeeze3A_496 : i32 to index
          %get3A_510 = arith.constant 0 : index
          %get3A_511 = tpu.vector_load %arg10[%get3A_509, %get3A_510] {strides = array<i32>} : memref<769x64xf32, #tpu.memory_space<vmem>>, vector<16xf32>,
          %add3A_512 = arith.addf %add3A_508, %get3A_511 : vector<16xf32>
          %get3A_513 = arith.index_cast %squeeze3A_490 : i32 to index
          %get3A_514 = arith.constant 16 : index
          %get3A_515 = tpu.vector_load %arg10[%get3A_513, %get3A_514] {strides = array<i32>} : memref<769x64xf32, #tpu.memory_space<vmem>>, vector<16xf32>,
          %add3A_516 = arith.addf %add3A_448, %get3A_515 : vector<16xf32>
          %get3A_517 = arith.index_cast %squeeze3A_492 : i32 to index
          %get3A_518 = arith.constant 16 : index
          %get3A_519 = tpu.vector_load %arg10[%get3A_517, %get3A_518] {strides = array<i32>} : memref<769x64xf32, #tpu.memory_space<vmem>>, vector<16xf32>,
          %add3A_520 = arith.addf %add3A_516, %get3A_519 : vector<16xf32>
          %get3A_521 = arith.index_cast %squeeze3A_494 : i32 to index
          %get3A_522 = arith.constant 16 : index
          %get3A_523 = tpu.vector_load %arg10[%get3A_521, %get3A_522] {strides = array<i32>} : memref<769x64xf32, #tpu.memory_space<vmem>>, vector<16xf32>,
          %add3A_524 = arith.addf %add3A_456, %get3A_523 : vector<16xf32>
          %get3A_525 = arith.index_cast %squeeze3A_496 : i32 to index
          %get3A_526 = arith.constant 16 : index
          %get3A_527 = tpu.vector_load %arg10[%get3A_525, %get3A_526] {strides = array<i32>} : memref<769x64xf32, #tpu.memory_space<vmem>>, vector<16xf32>,
          %add3A_528 = arith.addf %add3A_524, %get3A_527 : vector<16xf32>
          %get3A_529 = arith.index_cast %squeeze3A_490 : i32 to index
          %get3A_530 = arith.constant 32 : index
          %get3A_531 = tpu.vector_load %arg10[%get3A_529, %get3A_530] {strides = array<i32>} : memref<769x64xf32, #tpu.memory_space<vmem>>, vector<16xf32>,
          %add3A_532 = arith.addf %add3A_464, %get3A_531 : vector<16xf32>
          %get3A_533 = arith.index_cast %squeeze3A_492 : i32 to index
          %get3A_534 = arith.constant 32 : index
          %get3A_535 = tpu.vector_load %arg10[%get3A_533, %get3A_534] {strides = array<i32>} : memref<769x64xf32, #tpu.memory_space<vmem>>, vector<16xf32>,
          %add3A_536 = arith.addf %add3A_532, %get3A_535 : vector<16xf32>
          %get3A_537 = arith.index_cast %squeeze3A_494 : i32 to index
          %get3A_538 = arith.constant 32 : index
          %get3A_539 = tpu.vector_load %arg10[%get3A_537, %get3A_538] {strides = array<i32>} : memref<769x64xf32, #tpu.memory_space<vmem>>, vector<16xf32>,
          %add3A_540 = arith.addf %add3A_472, %get3A_539 : vector<16xf32>
          %get3A_541 = arith.index_cast %squeeze3A_496 : i32 to index
          %get3A_542 = arith.constant 32 : index
          %get3A_543 = tpu.vector_load %arg10[%get3A_541, %get3A_542] {strides = array<i32>} : memref<769x64xf32, #tpu.memory_space<vmem>>, vector<16xf32>,
          %add3A_544 = arith.addf %add3A_540, %get3A_543 : vector<16xf32>
          %get3A_545 = arith.index_cast %squeeze3A_490 : i32 to index
          %get3A_546 = arith.constant 48 : index
          %get3A_547 = tpu.vector_load %arg10[%get3A_545, %get3A_546] {strides = array<i32>} : memref<769x64xf32, #tpu.memory_space<vmem>>, vector<16xf32>,
          %add3A_548 = arith.addf %add3A_480, %get3A_547 : vector<16xf32>
          %get3A_549 = arith.index_cast %squeeze3A_492 : i32 to index
          %get3A_550 = arith.constant 48 : index
          %get3A_551 = tpu.vector_load %arg10[%get3A_549, %get3A_550] {strides = array<i32>} : memref<769x64xf32, #tpu.memory_space<vmem>>, vector<16xf32>,
          %add3A_552 = arith.addf %add3A_548, %get3A_551 : vector<16xf32>
          %get3A_553 = arith.index_cast %squeeze3A_494 : i32 to index
          %get3A_554 = arith.constant 48 : index
          %get3A_555 = tpu.vector_load %arg10[%get3A_553, %get3A_554] {strides = array<i32>} : memref<769x64xf32, #tpu.memory_space<vmem>>, vector<16xf32>,
          %add3A_556 = arith.addf %add3A_488, %get3A_555 : vector<16xf32>
          %get3A_557 = arith.index_cast %squeeze3A_496 : i32 to index
          %get3A_558 = arith.constant 48 : index
          %get3A_559 = tpu.vector_load %arg10[%get3A_557, %get3A_558] {strides = array<i32>} : memref<769x64xf32, #tpu.memory_space<vmem>>, vector<16xf32>,
          %add3A_560 = arith.addf %add3A_556, %get3A_559 : vector<16xf32>
          %slice3A_561 = vector.extract_strided_slice %get3A_396 {offsets = [2], sizes = [1], strides = [1]} : vector<16xi32> to vector<1xi32>
          %squeeze3A_562 = vector.extract %slice3A_561[0] : i32 from vector<1xi32>
          %slice3A_563 = vector.extract_strided_slice %get3A_399 {offsets = [2], sizes = [1], strides = [1]} : vector<16xi32> to vector<1xi32>
          %squeeze3A_564 = vector.extract %slice3A_563[0] : i32 from vector<1xi32>
          %slice3A_565 = vector.extract_strided_slice %get3A_402 {offsets = [2], sizes = [1], strides = [1]} : vector<16xi32> to vector<1xi32>
          %squeeze3A_566 = vector.extract %slice3A_565[0] : i32 from vector<1xi32>
          %slice3A_567 = vector.extract_strided_slice %get3A_405 {offsets = [2], sizes = [1], strides = [1]} : vector<16xi32> to vector<1xi32>
          %squeeze3A_568 = vector.extract %slice3A_567[0] : i32 from vector<1xi32>
          %get3A_569 = arith.index_cast %squeeze3A_562 : i32 to index
          %get3A_570 = arith.constant 0 : index
          %get3A_571 = tpu.vector_load %arg10[%get3A_569, %get3A_570] {strides = array<i32>} : memref<769x64xf32, #tpu.memory_space<vmem>>, vector<16xf32>,
          %add3A_572 = arith.addf %add3A_504, %get3A_571 : vector<16xf32>
          %get3A_573 = arith.index_cast %squeeze3A_564 : i32 to index
          %get3A_574 = arith.constant 0 : index
          %get3A_575 = tpu.vector_load %arg10[%get3A_573, %get3A_574] {strides = array<i32>} : memref<769x64xf32, #tpu.memory_space<vmem>>, vector<16xf32>,
          %add3A_576 = arith.addf %add3A_572, %get3A_575 : vector<16xf32>
          %get3A_577 = arith.index_cast %squeeze3A_566 : i32 to index
          %get3A_578 = arith.constant 0 : index
          %get3A_579 = tpu.vector_load %arg10[%get3A_577, %get3A_578] {strides = array<i32>} : memref<769x64xf32, #tpu.memory_space<vmem>>, vector<16xf32>,
          %add3A_580 = arith.addf %add3A_512, %get3A_579 : vector<16xf32>
          %get3A_581 = arith.index_cast %squeeze3A_568 : i32 to index
          %get3A_582 = arith.constant 0 : index
          %get3A_583 = tpu.vector_load %arg10[%get3A_581, %get3A_582] {strides = array<i32>} : memref<769x64xf32, #tpu.memory_space<vmem>>, vector<16xf32>,
          %add3A_584 = arith.addf %add3A_580, %get3A_583 : vector<16xf32>
          %get3A_585 = arith.index_cast %squeeze3A_562 : i32 to index
          %get3A_586 = arith.constant 16 : index
          %get3A_587 = tpu.vector_load %arg10[%get3A_585, %get3A_586] {strides = array<i32>} : memref<769x64xf32, #tpu.memory_space<vmem>>, vector<16xf32>,
          %add3A_588 = arith.addf %add3A_520, %get3A_587 : vector<16xf32>
          %get3A_589 = arith.index_cast %squeeze3A_564 : i32 to index
          %get3A_590 = arith.constant 16 : index
          %get3A_591 = tpu.vector_load %arg10[%get3A_589, %get3A_590] {strides = array<i32>} : memref<769x64xf32, #tpu.memory_space<vmem>>, vector<16xf32>,
          %add3A_592 = arith.addf %add3A_588, %get3A_591 : vector<16xf32>
          %get3A_593 = arith.index_cast %squeeze3A_566 : i32 to index
          %get3A_594 = arith.constant 16 : index
          %get3A_595 = tpu.vector_load %arg10[%get3A_593, %get3A_594] {strides = array<i32>} : memref<769x64xf32, #tpu.memory_space<vmem>>, vector<16xf32>,
          %add3A_596 = arith.addf %add3A_528, %get3A_595 : vector<16xf32>
          %get3A_597 = arith.index_cast %squeeze3A_568 : i32 to index
          %get3A_598 = arith.constant 16 : index
          %get3A_599 = tpu.vector_load %arg10[%get3A_597, %get3A_598] {strides = array<i32>} : memref<769x64xf32, #tpu.memory_space<vmem>>, vector<16xf32>,
          %add3A_600 = arith.addf %add3A_596, %get3A_599 : vector<16xf32>
          %get3A_601 = arith.index_cast %squeeze3A_562 : i32 to index
          %get3A_602 = arith.constant 32 : index
          %get3A_603 = tpu.vector_load %arg10[%get3A_601, %get3A_602] {strides = array<i32>} : memref<769x64xf32, #tpu.memory_space<vmem>>, vector<16xf32>,
          %add3A_604 = arith.addf %add3A_536, %get3A_603 : vector<16xf32>
          %get3A_605 = arith.index_cast %squeeze3A_564 : i32 to index
          %get3A_606 = arith.constant 32 : index
          %get3A_607 = tpu.vector_load %arg10[%get3A_605, %get3A_606] {strides = array<i32>} : memref<769x64xf32, #tpu.memory_space<vmem>>, vector<16xf32>,
          %add3A_608 = arith.addf %add3A_604, %get3A_607 : vector<16xf32>
          %get3A_609 = arith.index_cast %squeeze3A_566 : i32 to index
          %get3A_610 = arith.constant 32 : index
          %get3A_611 = tpu.vector_load %arg10[%get3A_609, %get3A_610] {strides = array<i32>} : memref<769x64xf32, #tpu.memory_space<vmem>>, vector<16xf32>,
          %add3A_612 = arith.addf %add3A_544, %get3A_611 : vector<16xf32>
          %get3A_613 = arith.index_cast %squeeze3A_568 : i32 to index
          %get3A_614 = arith.constant 32 : index
          %get3A_615 = tpu.vector_load %arg10[%get3A_613, %get3A_614] {strides = array<i32>} : memref<769x64xf32, #tpu.memory_space<vmem>>, vector<16xf32>,
          %add3A_616 = arith.addf %add3A_612, %get3A_615 : vector<16xf32>
          %get3A_617 = arith.index_cast %squeeze3A_562 : i32 to index
          %get3A_618 = arith.constant 48 : index
          %get3A_619 = tpu.vector_load %arg10[%get3A_617, %get3A_618] {strides = array<i32>} : memref<769x64xf32, #tpu.memory_space<vmem>>, vector<16xf32>,
          %add3A_620 = arith.addf %add3A_552, %get3A_619 : vector<16xf32>
          %get3A_621 = arith.index_cast %squeeze3A_564 : i32 to index
          %get3A_622 = arith.constant 48 : index
          %get3A_623 = tpu.vector_load %arg10[%get3A_621, %get3A_622] {strides = array<i32>} : memref<769x64xf32, #tpu.memory_space<vmem>>, vector<16xf32>,
          %add3A_624 = arith.addf %add3A_620, %get3A_623 : vector<16xf32>
          %get3A_625 = arith.index_cast %squeeze3A_566 : i32 to index
          %get3A_626 = arith.constant 48 : index
          %get3A_627 = tpu.vector_load %arg10[%get3A_625, %get3A_626] {strides = array<i32>} : memref<769x64xf32, #tpu.memory_space<vmem>>, vector<16xf32>,
          %add3A_628 = arith.addf %add3A_560, %get3A_627 : vector<16xf32>
          %get3A_629 = arith.index_cast %squeeze3A_568 : i32 to index
          %get3A_630 = arith.constant 48 : index
          %get3A_631 = tpu.vector_load %arg10[%get3A_629, %get3A_630] {strides = array<i32>} : memref<769x64xf32, #tpu.memory_space<vmem>>, vector<16xf32>,
          %add3A_632 = arith.addf %add3A_628, %get3A_631 : vector<16xf32>
          %slice3A_633 = vector.extract_strided_slice %get3A_396 {offsets = [3], sizes = [1], strides = [1]} : vector<16xi32> to vector<1xi32>
          %squeeze3A_634 = vector.extract %slice3A_633[0] : i32 from vector<1xi32>
          %slice3A_635 = vector.extract_strided_slice %get3A_399 {offsets = [3], sizes = [1], strides = [1]} : vector<16xi32> to vector<1xi32>
          %squeeze3A_636 = vector.extract %slice3A_635[0] : i32 from vector<1xi32>
          %slice3A_637 = vector.extract_strided_slice %get3A_402 {offsets = [3], sizes = [1], strides = [1]} : vector<16xi32> to vector<1xi32>
          %squeeze3A_638 = vector.extract %slice3A_637[0] : i32 from vector<1xi32>
          %slice3A_639 = vector.extract_strided_slice %get3A_405 {offsets = [3], sizes = [1], strides = [1]} : vector<16xi32> to vector<1xi32>
          %squeeze3A_640 = vector.extract %slice3A_639[0] : i32 from vector<1xi32>
          %get3A_641 = arith.index_cast %squeeze3A_634 : i32 to index
          %get3A_642 = arith.constant 0 : index
          %get3A_643 = tpu.vector_load %arg10[%get3A_641, %get3A_642] {strides = array<i32>} : memref<769x64xf32, #tpu.memory_space<vmem>>, vector<16xf32>,
          %add3A_644 = arith.addf %add3A_576, %get3A_643 : vector<16xf32>
          %get3A_645 = arith.index_cast %squeeze3A_636 : i32 to index
          %get3A_646 = arith.constant 0 : index
          %get3A_647 = tpu.vector_load %arg10[%get3A_645, %get3A_646] {strides = array<i32>} : memref<769x64xf32, #tpu.memory_space<vmem>>, vector<16xf32>,
          %add3A_648 = arith.addf %add3A_644, %get3A_647 : vector<16xf32>
          %get3A_649 = arith.index_cast %squeeze3A_638 : i32 to index
          %get3A_650 = arith.constant 0 : index
          %get3A_651 = tpu.vector_load %arg10[%get3A_649, %get3A_650] {strides = array<i32>} : memref<769x64xf32, #tpu.memory_space<vmem>>, vector<16xf32>,
          %add3A_652 = arith.addf %add3A_584, %get3A_651 : vector<16xf32>
          %get3A_653 = arith.index_cast %squeeze3A_640 : i32 to index
          %get3A_654 = arith.constant 0 : index
          %get3A_655 = tpu.vector_load %arg10[%get3A_653, %get3A_654] {strides = array<i32>} : memref<769x64xf32, #tpu.memory_space<vmem>>, vector<16xf32>,
          %add3A_656 = arith.addf %add3A_652, %get3A_655 : vector<16xf32>
          %get3A_657 = arith.index_cast %squeeze3A_634 : i32 to index
          %get3A_658 = arith.constant 16 : index
          %get3A_659 = tpu.vector_load %arg10[%get3A_657, %get3A_658] {strides = array<i32>} : memref<769x64xf32, #tpu.memory_space<vmem>>, vector<16xf32>,
          %add3A_660 = arith.addf %add3A_592, %get3A_659 : vector<16xf32>
          %get3A_661 = arith.index_cast %squeeze3A_636 : i32 to index
          %get3A_662 = arith.constant 16 : index
          %get3A_663 = tpu.vector_load %arg10[%get3A_661, %get3A_662] {strides = array<i32>} : memref<769x64xf32, #tpu.memory_space<vmem>>, vector<16xf32>,
          %add3A_664 = arith.addf %add3A_660, %get3A_663 : vector<16xf32>
          %get3A_665 = arith.index_cast %squeeze3A_638 : i32 to index
          %get3A_666 = arith.constant 16 : index
          %get3A_667 = tpu.vector_load %arg10[%get3A_665, %get3A_666] {strides = array<i32>} : memref<769x64xf32, #tpu.memory_space<vmem>>, vector<16xf32>,
          %add3A_668 = arith.addf %add3A_600, %get3A_667 : vector<16xf32>
          %get3A_669 = arith.index_cast %squeeze3A_640 : i32 to index
          %get3A_670 = arith.constant 16 : index
          %get3A_671 = tpu.vector_load %arg10[%get3A_669, %get3A_670] {strides = array<i32>} : memref<769x64xf32, #tpu.memory_space<vmem>>, vector<16xf32>,
          %add3A_672 = arith.addf %add3A_668, %get3A_671 : vector<16xf32>
          %get3A_673 = arith.index_cast %squeeze3A_634 : i32 to index
          %get3A_674 = arith.constant 32 : index
          %get3A_675 = tpu.vector_load %arg10[%get3A_673, %get3A_674] {strides = array<i32>} : memref<769x64xf32, #tpu.memory_space<vmem>>, vector<16xf32>,
          %add3A_676 = arith.addf %add3A_608, %get3A_675 : vector<16xf32>
          %get3A_677 = arith.index_cast %squeeze3A_636 : i32 to index
          %get3A_678 = arith.constant 32 : index
          %get3A_679 = tpu.vector_load %arg10[%get3A_677, %get3A_678] {strides = array<i32>} : memref<769x64xf32, #tpu.memory_space<vmem>>, vector<16xf32>,
          %add3A_680 = arith.addf %add3A_676, %get3A_679 : vector<16xf32>
          %get3A_681 = arith.index_cast %squeeze3A_638 : i32 to index
          %get3A_682 = arith.constant 32 : index
          %get3A_683 = tpu.vector_load %arg10[%get3A_681, %get3A_682] {strides = array<i32>} : memref<769x64xf32, #tpu.memory_space<vmem>>, vector<16xf32>,
          %add3A_684 = arith.addf %add3A_616, %get3A_683 : vector<16xf32>
          %get3A_685 = arith.index_cast %squeeze3A_640 : i32 to index
          %get3A_686 = arith.constant 32 : index
          %get3A_687 = tpu.vector_load %arg10[%get3A_685, %get3A_686] {strides = array<i32>} : memref<769x64xf32, #tpu.memory_space<vmem>>, vector<16xf32>,
          %add3A_688 = arith.addf %add3A_684, %get3A_687 : vector<16xf32>
          %get3A_689 = arith.index_cast %squeeze3A_634 : i32 to index
          %get3A_690 = arith.constant 48 : index
          %get3A_691 = tpu.vector_load %arg10[%get3A_689, %get3A_690] {strides = array<i32>} : memref<769x64xf32, #tpu.memory_space<vmem>>, vector<16xf32>,
          %add3A_692 = arith.addf %add3A_624, %get3A_691 : vector<16xf32>
          %get3A_693 = arith.index_cast %squeeze3A_636 : i32 to index
          %get3A_694 = arith.constant 48 : index
          %get3A_695 = tpu.vector_load %arg10[%get3A_693, %get3A_694] {strides = array<i32>} : memref<769x64xf32, #tpu.memory_space<vmem>>, vector<16xf32>,
          %add3A_696 = arith.addf %add3A_692, %get3A_695 : vector<16xf32>
          %get3A_697 = arith.index_cast %squeeze3A_638 : i32 to index
          %get3A_698 = arith.constant 48 : index
          %get3A_699 = tpu.vector_load %arg10[%get3A_697, %get3A_698] {strides = array<i32>} : memref<769x64xf32, #tpu.memory_space<vmem>>, vector<16xf32>,
          %add3A_700 = arith.addf %add3A_632, %get3A_699 : vector<16xf32>
          %get3A_701 = arith.index_cast %squeeze3A_640 : i32 to index
          %get3A_702 = arith.constant 48 : index
          %get3A_703 = tpu.vector_load %arg10[%get3A_701, %get3A_702] {strides = array<i32>} : memref<769x64xf32, #tpu.memory_space<vmem>>, vector<16xf32>,
          %add3A_704 = arith.addf %add3A_700, %get3A_703 : vector<16xf32>
          %slice3A_705 = vector.extract_strided_slice %get3A_396 {offsets = [4], sizes = [1], strides = [1]} : vector<16xi32> to vector<1xi32>
          %squeeze3A_706 = vector.extract %slice3A_705[0] : i32 from vector<1xi32>
          %slice3A_707 = vector.extract_strided_slice %get3A_399 {offsets = [4], sizes = [1], strides = [1]} : vector<16xi32> to vector<1xi32>
          %squeeze3A_708 = vector.extract %slice3A_707[0] : i32 from vector<1xi32>
          %slice3A_709 = vector.extract_strided_slice %get3A_402 {offsets = [4], sizes = [1], strides = [1]} : vector<16xi32> to vector<1xi32>
          %squeeze3A_710 = vector.extract %slice3A_709[0] : i32 from vector<1xi32>
          %slice3A_711 = vector.extract_strided_slice %get3A_405 {offsets = [4], sizes = [1], strides = [1]} : vector<16xi32> to vector<1xi32>
          %squeeze3A_712 = vector.extract %slice3A_711[0] : i32 from vector<1xi32>
          %get3A_713 = arith.index_cast %squeeze3A_706 : i32 to index
          %get3A_714 = arith.constant 0 : index
          %get3A_715 = tpu.vector_load %arg10[%get3A_713, %get3A_714] {strides = array<i32>} : memref<769x64xf32, #tpu.memory_space<vmem>>, vector<16xf32>,
          %add3A_716 = arith.addf %add3A_648, %get3A_715 : vector<16xf32>
          %get3A_717 = arith.index_cast %squeeze3A_708 : i32 to index
          %get3A_718 = arith.constant 0 : index
          %get3A_719 = tpu.vector_load %arg10[%get3A_717, %get3A_718] {strides = array<i32>} : memref<769x64xf32, #tpu.memory_space<vmem>>, vector<16xf32>,
          %add3A_720 = arith.addf %add3A_716, %get3A_719 : vector<16xf32>
          %get3A_721 = arith.index_cast %squeeze3A_710 : i32 to index
          %get3A_722 = arith.constant 0 : index
          %get3A_723 = tpu.vector_load %arg10[%get3A_721, %get3A_722] {strides = array<i32>} : memref<769x64xf32, #tpu.memory_space<vmem>>, vector<16xf32>,
          %add3A_724 = arith.addf %add3A_656, %get3A_723 : vector<16xf32>
          %get3A_725 = arith.index_cast %squeeze3A_712 : i32 to index
          %get3A_726 = arith.constant 0 : index
          %get3A_727 = tpu.vector_load %arg10[%get3A_725, %get3A_726] {strides = array<i32>} : memref<769x64xf32, #tpu.memory_space<vmem>>, vector<16xf32>,
          %add3A_728 = arith.addf %add3A_724, %get3A_727 : vector<16xf32>
          %get3A_729 = arith.index_cast %squeeze3A_706 : i32 to index
          %get3A_730 = arith.constant 16 : index
          %get3A_731 = tpu.vector_load %arg10[%get3A_729, %get3A_730] {strides = array<i32>} : memref<769x64xf32, #tpu.memory_space<vmem>>, vector<16xf32>,
          %add3A_732 = arith.addf %add3A_664, %get3A_731 : vector<16xf32>
          %get3A_733 = arith.index_cast %squeeze3A_708 : i32 to index
          %get3A_734 = arith.constant 16 : index
          %get3A_735 = tpu.vector_load %arg10[%get3A_733, %get3A_734] {strides = array<i32>} : memref<769x64xf32, #tpu.memory_space<vmem>>, vector<16xf32>,
          %add3A_736 = arith.addf %add3A_732, %get3A_735 : vector<16xf32>
          %get3A_737 = arith.index_cast %squeeze3A_710 : i32 to index
          %get3A_738 = arith.constant 16 : index
          %get3A_739 = tpu.vector_load %arg10[%get3A_737, %get3A_738] {strides = array<i32>} : memref<769x64xf32, #tpu.memory_space<vmem>>, vector<16xf32>,
          %add3A_740 = arith.addf %add3A_672, %get3A_739 : vector<16xf32>
          %get3A_741 = arith.index_cast %squeeze3A_712 : i32 to index
          %get3A_742 = arith.constant 16 : index
          %get3A_743 = tpu.vector_load %arg10[%get3A_741, %get3A_742] {strides = array<i32>} : memref<769x64xf32, #tpu.memory_space<vmem>>, vector<16xf32>,
          %add3A_744 = arith.addf %add3A_740, %get3A_743 : vector<16xf32>
          %get3A_745 = arith.index_cast %squeeze3A_706 : i32 to index
          %get3A_746 = arith.constant 32 : index
          %get3A_747 = tpu.vector_load %arg10[%get3A_745, %get3A_746] {strides = array<i32>} : memref<769x64xf32, #tpu.memory_space<vmem>>, vector<16xf32>,
          %add3A_748 = arith.addf %add3A_680, %get3A_747 : vector<16xf32>
          %get3A_749 = arith.index_cast %squeeze3A_708 : i32 to index
          %get3A_750 = arith.constant 32 : index
          %get3A_751 = tpu.vector_load %arg10[%get3A_749, %get3A_750] {strides = array<i32>} : memref<769x64xf32, #tpu.memory_space<vmem>>, vector<16xf32>,
          %add3A_752 = arith.addf %add3A_748, %get3A_751 : vector<16xf32>
          %get3A_753 = arith.index_cast %squeeze3A_710 : i32 to index
          %get3A_754 = arith.constant 32 : index
          %get3A_755 = tpu.vector_load %arg10[%get3A_753, %get3A_754] {strides = array<i32>} : memref<769x64xf32, #tpu.memory_space<vmem>>, vector<16xf32>,
          %add3A_756 = arith.addf %add3A_688, %get3A_755 : vector<16xf32>
          %get3A_757 = arith.index_cast %squeeze3A_712 : i32 to index
          %get3A_758 = arith.constant 32 : index
          %get3A_759 = tpu.vector_load %arg10[%get3A_757, %get3A_758] {strides = array<i32>} : memref<769x64xf32, #tpu.memory_space<vmem>>, vector<16xf32>,
          %add3A_760 = arith.addf %add3A_756, %get3A_759 : vector<16xf32>
          %get3A_761 = arith.index_cast %squeeze3A_706 : i32 to index
          %get3A_762 = arith.constant 48 : index
          %get3A_763 = tpu.vector_load %arg10[%get3A_761, %get3A_762] {strides = array<i32>} : memref<769x64xf32, #tpu.memory_space<vmem>>, vector<16xf32>,
          %add3A_764 = arith.addf %add3A_696, %get3A_763 : vector<16xf32>
          %get3A_765 = arith.index_cast %squeeze3A_708 : i32 to index
          %get3A_766 = arith.constant 48 : index
          %get3A_767 = tpu.vector_load %arg10[%get3A_765, %get3A_766] {strides = array<i32>} : memref<769x64xf32, #tpu.memory_space<vmem>>, vector<16xf32>,
          %add3A_768 = arith.addf %add3A_764, %get3A_767 : vector<16xf32>
          %get3A_769 = arith.index_cast %squeeze3A_710 : i32 to index
          %get3A_770 = arith.constant 48 : index
          %get3A_771 = tpu.vector_load %arg10[%get3A_769, %get3A_770] {strides = array<i32>} : memref<769x64xf32, #tpu.memory_space<vmem>>, vector<16xf32>,
          %add3A_772 = arith.addf %add3A_704, %get3A_771 : vector<16xf32>
          %get3A_773 = arith.index_cast %squeeze3A_712 : i32 to index
          %get3A_774 = arith.constant 48 : index
          %get3A_775 = tpu.vector_load %arg10[%get3A_773, %get3A_774] {strides = array<i32>} : memref<769x64xf32, #tpu.memory_space<vmem>>, vector<16xf32>,
          %add3A_776 = arith.addf %add3A_772, %get3A_775 : vector<16xf32>
          %slice3A_777 = vector.extract_strided_slice %get3A_396 {offsets = [5], sizes = [1], strides = [1]} : vector<16xi32> to vector<1xi32>
          %squeeze3A_778 = vector.extract %slice3A_777[0] : i32 from vector<1xi32>
          %slice3A_779 = vector.extract_strided_slice %get3A_399 {offsets = [5], sizes = [1], strides = [1]} : vector<16xi32> to vector<1xi32>
          %squeeze3A_780 = vector.extract %slice3A_779[0] : i32 from vector<1xi32>
          %slice3A_781 = vector.extract_strided_slice %get3A_402 {offsets = [5], sizes = [1], strides = [1]} : vector<16xi32> to vector<1xi32>
          %squeeze3A_782 = vector.extract %slice3A_781[0] : i32 from vector<1xi32>
          %slice3A_783 = vector.extract_strided_slice %get3A_405 {offsets = [5], sizes = [1], strides = [1]} : vector<16xi32> to vector<1xi32>
          %squeeze3A_784 = vector.extract %slice3A_783[0] : i32 from vector<1xi32>
          %get3A_785 = arith.index_cast %squeeze3A_778 : i32 to index
          %get3A_786 = arith.constant 0 : index
          %get3A_787 = tpu.vector_load %arg10[%get3A_785, %get3A_786] {strides = array<i32>} : memref<769x64xf32, #tpu.memory_space<vmem>>, vector<16xf32>,
          %add3A_788 = arith.addf %add3A_720, %get3A_787 : vector<16xf32>
          %get3A_789 = arith.index_cast %squeeze3A_780 : i32 to index
          %get3A_790 = arith.constant 0 : index
          %get3A_791 = tpu.vector_load %arg10[%get3A_789, %get3A_790] {strides = array<i32>} : memref<769x64xf32, #tpu.memory_space<vmem>>, vector<16xf32>,
          %add3A_792 = arith.addf %add3A_788, %get3A_791 : vector<16xf32>
          %get3A_793 = arith.index_cast %squeeze3A_782 : i32 to index
          %get3A_794 = arith.constant 0 : index
          %get3A_795 = tpu.vector_load %arg10[%get3A_793, %get3A_794] {strides = array<i32>} : memref<769x64xf32, #tpu.memory_space<vmem>>, vector<16xf32>,
          %add3A_796 = arith.addf %add3A_728, %get3A_795 : vector<16xf32>
          %get3A_797 = arith.index_cast %squeeze3A_784 : i32 to index
          %get3A_798 = arith.constant 0 : index
          %get3A_799 = tpu.vector_load %arg10[%get3A_797, %get3A_798] {strides = array<i32>} : memref<769x64xf32, #tpu.memory_space<vmem>>, vector<16xf32>,
          %add3A_800 = arith.addf %add3A_796, %get3A_799 : vector<16xf32>
          %get3A_801 = arith.index_cast %squeeze3A_778 : i32 to index
          %get3A_802 = arith.constant 16 : index
          %get3A_803 = tpu.vector_load %arg10[%get3A_801, %get3A_802] {strides = array<i32>} : memref<769x64xf32, #tpu.memory_space<vmem>>, vector<16xf32>,
          %add3A_804 = arith.addf %add3A_736, %get3A_803 : vector<16xf32>
          %get3A_805 = arith.index_cast %squeeze3A_780 : i32 to index
          %get3A_806 = arith.constant 16 : index
          %get3A_807 = tpu.vector_load %arg10[%get3A_805, %get3A_806] {strides = array<i32>} : memref<769x64xf32, #tpu.memory_space<vmem>>, vector<16xf32>,
          %add3A_808 = arith.addf %add3A_804, %get3A_807 : vector<16xf32>
          %get3A_809 = arith.index_cast %squeeze3A_782 : i32 to index
          %get3A_810 = arith.constant 16 : index
          %get3A_811 = tpu.vector_load %arg10[%get3A_809, %get3A_810] {strides = array<i32>} : memref<769x64xf32, #tpu.memory_space<vmem>>, vector<16xf32>,
          %add3A_812 = arith.addf %add3A_744, %get3A_811 : vector<16xf32>
          %get3A_813 = arith.index_cast %squeeze3A_784 : i32 to index
          %get3A_814 = arith.constant 16 : index
          %get3A_815 = tpu.vector_load %arg10[%get3A_813, %get3A_814] {strides = array<i32>} : memref<769x64xf32, #tpu.memory_space<vmem>>, vector<16xf32>,
          %add3A_816 = arith.addf %add3A_812, %get3A_815 : vector<16xf32>
          %get3A_817 = arith.index_cast %squeeze3A_778 : i32 to index
          %get3A_818 = arith.constant 32 : index
          %get3A_819 = tpu.vector_load %arg10[%get3A_817, %get3A_818] {strides = array<i32>} : memref<769x64xf32, #tpu.memory_space<vmem>>, vector<16xf32>,
          %add3A_820 = arith.addf %add3A_752, %get3A_819 : vector<16xf32>
          %get3A_821 = arith.index_cast %squeeze3A_780 : i32 to index
          %get3A_822 = arith.constant 32 : index
          %get3A_823 = tpu.vector_load %arg10[%get3A_821, %get3A_822] {strides = array<i32>} : memref<769x64xf32, #tpu.memory_space<vmem>>, vector<16xf32>,
          %add3A_824 = arith.addf %add3A_820, %get3A_823 : vector<16xf32>
          %get3A_825 = arith.index_cast %squeeze3A_782 : i32 to index
          %get3A_826 = arith.constant 32 : index
          %get3A_827 = tpu.vector_load %arg10[%get3A_825, %get3A_826] {strides = array<i32>} : memref<769x64xf32, #tpu.memory_space<vmem>>, vector<16xf32>,
          %add3A_828 = arith.addf %add3A_760, %get3A_827 : vector<16xf32>
          %get3A_829 = arith.index_cast %squeeze3A_784 : i32 to index
          %get3A_830 = arith.constant 32 : index
          %get3A_831 = tpu.vector_load %arg10[%get3A_829, %get3A_830] {strides = array<i32>} : memref<769x64xf32, #tpu.memory_space<vmem>>, vector<16xf32>,
          %add3A_832 = arith.addf %add3A_828, %get3A_831 : vector<16xf32>
          %get3A_833 = arith.index_cast %squeeze3A_778 : i32 to index
          %get3A_834 = arith.constant 48 : index
          %get3A_835 = tpu.vector_load %arg10[%get3A_833, %get3A_834] {strides = array<i32>} : memref<769x64xf32, #tpu.memory_space<vmem>>, vector<16xf32>,
          %add3A_836 = arith.addf %add3A_768, %get3A_835 : vector<16xf32>
          %get3A_837 = arith.index_cast %squeeze3A_780 : i32 to index
          %get3A_838 = arith.constant 48 : index
          %get3A_839 = tpu.vector_load %arg10[%get3A_837, %get3A_838] {strides = array<i32>} : memref<769x64xf32, #tpu.memory_space<vmem>>, vector<16xf32>,
          %add3A_840 = arith.addf %add3A_836, %get3A_839 : vector<16xf32>
          %get3A_841 = arith.index_cast %squeeze3A_782 : i32 to index
          %get3A_842 = arith.constant 48 : index
          %get3A_843 = tpu.vector_load %arg10[%get3A_841, %get3A_842] {strides = array<i32>} : memref<769x64xf32, #tpu.memory_space<vmem>>, vector<16xf32>,
          %add3A_844 = arith.addf %add3A_776, %get3A_843 : vector<16xf32>
          %get3A_845 = arith.index_cast %squeeze3A_784 : i32 to index
          %get3A_846 = arith.constant 48 : index
          %get3A_847 = tpu.vector_load %arg10[%get3A_845, %get3A_846] {strides = array<i32>} : memref<769x64xf32, #tpu.memory_space<vmem>>, vector<16xf32>,
          %add3A_848 = arith.addf %add3A_844, %get3A_847 : vector<16xf32>
          %slice3A_849 = vector.extract_strided_slice %get3A_396 {offsets = [6], sizes = [1], strides = [1]} : vector<16xi32> to vector<1xi32>
          %squeeze3A_850 = vector.extract %slice3A_849[0] : i32 from vector<1xi32>
          %slice3A_851 = vector.extract_strided_slice %get3A_399 {offsets = [6], sizes = [1], strides = [1]} : vector<16xi32> to vector<1xi32>
          %squeeze3A_852 = vector.extract %slice3A_851[0] : i32 from vector<1xi32>
          %slice3A_853 = vector.extract_strided_slice %get3A_402 {offsets = [6], sizes = [1], strides = [1]} : vector<16xi32> to vector<1xi32>
          %squeeze3A_854 = vector.extract %slice3A_853[0] : i32 from vector<1xi32>
          %slice3A_855 = vector.extract_strided_slice %get3A_405 {offsets = [6], sizes = [1], strides = [1]} : vector<16xi32> to vector<1xi32>
          %squeeze3A_856 = vector.extract %slice3A_855[0] : i32 from vector<1xi32>
          %get3A_857 = arith.index_cast %squeeze3A_850 : i32 to index
          %get3A_858 = arith.constant 0 : index
          %get3A_859 = tpu.vector_load %arg10[%get3A_857, %get3A_858] {strides = array<i32>} : memref<769x64xf32, #tpu.memory_space<vmem>>, vector<16xf32>,
          %add3A_860 = arith.addf %add3A_792, %get3A_859 : vector<16xf32>
          %get3A_861 = arith.index_cast %squeeze3A_852 : i32 to index
          %get3A_862 = arith.constant 0 : index
          %get3A_863 = tpu.vector_load %arg10[%get3A_861, %get3A_862] {strides = array<i32>} : memref<769x64xf32, #tpu.memory_space<vmem>>, vector<16xf32>,
          %add3A_864 = arith.addf %add3A_860, %get3A_863 : vector<16xf32>
          %get3A_865 = arith.index_cast %squeeze3A_854 : i32 to index
          %get3A_866 = arith.constant 0 : index
          %get3A_867 = tpu.vector_load %arg10[%get3A_865, %get3A_866] {strides = array<i32>} : memref<769x64xf32, #tpu.memory_space<vmem>>, vector<16xf32>,
          %add3A_868 = arith.addf %add3A_800, %get3A_867 : vector<16xf32>
          %get3A_869 = arith.index_cast %squeeze3A_856 : i32 to index
          %get3A_870 = arith.constant 0 : index
          %get3A_871 = tpu.vector_load %arg10[%get3A_869, %get3A_870] {strides = array<i32>} : memref<769x64xf32, #tpu.memory_space<vmem>>, vector<16xf32>,
          %add3A_872 = arith.addf %add3A_868, %get3A_871 : vector<16xf32>
          %get3A_873 = arith.index_cast %squeeze3A_850 : i32 to index
          %get3A_874 = arith.constant 16 : index
          %get3A_875 = tpu.vector_load %arg10[%get3A_873, %get3A_874] {strides = array<i32>} : memref<769x64xf32, #tpu.memory_space<vmem>>, vector<16xf32>,
          %add3A_876 = arith.addf %add3A_808, %get3A_875 : vector<16xf32>
          %get3A_877 = arith.index_cast %squeeze3A_852 : i32 to index
          %get3A_878 = arith.constant 16 : index
          %get3A_879 = tpu.vector_load %arg10[%get3A_877, %get3A_878] {strides = array<i32>} : memref<769x64xf32, #tpu.memory_space<vmem>>, vector<16xf32>,
          %add3A_880 = arith.addf %add3A_876, %get3A_879 : vector<16xf32>
          %get3A_881 = arith.index_cast %squeeze3A_854 : i32 to index
          %get3A_882 = arith.constant 16 : index
          %get3A_883 = tpu.vector_load %arg10[%get3A_881, %get3A_882] {strides = array<i32>} : memref<769x64xf32, #tpu.memory_space<vmem>>, vector<16xf32>,
          %add3A_884 = arith.addf %add3A_816, %get3A_883 : vector<16xf32>
          %get3A_885 = arith.index_cast %squeeze3A_856 : i32 to index
          %get3A_886 = arith.constant 16 : index
          %get3A_887 = tpu.vector_load %arg10[%get3A_885, %get3A_886] {strides = array<i32>} : memref<769x64xf32, #tpu.memory_space<vmem>>, vector<16xf32>,
          %add3A_888 = arith.addf %add3A_884, %get3A_887 : vector<16xf32>
          %get3A_889 = arith.index_cast %squeeze3A_850 : i32 to index
          %get3A_890 = arith.constant 32 : index
          %get3A_891 = tpu.vector_load %arg10[%get3A_889, %get3A_890] {strides = array<i32>} : memref<769x64xf32, #tpu.memory_space<vmem>>, vector<16xf32>,
          %add3A_892 = arith.addf %add3A_824, %get3A_891 : vector<16xf32>
          %get3A_893 = arith.index_cast %squeeze3A_852 : i32 to index
          %get3A_894 = arith.constant 32 : index
          %get3A_895 = tpu.vector_load %arg10[%get3A_893, %get3A_894] {strides = array<i32>} : memref<769x64xf32, #tpu.memory_space<vmem>>, vector<16xf32>,
          %add3A_896 = arith.addf %add3A_892, %get3A_895 : vector<16xf32>
          %get3A_897 = arith.index_cast %squeeze3A_854 : i32 to index
          %get3A_898 = arith.constant 32 : index
          %get3A_899 = tpu.vector_load %arg10[%get3A_897, %get3A_898] {strides = array<i32>} : memref<769x64xf32, #tpu.memory_space<vmem>>, vector<16xf32>,
          %add3A_900 = arith.addf %add3A_832, %get3A_899 : vector<16xf32>
          %get3A_901 = arith.index_cast %squeeze3A_856 : i32 to index
          %get3A_902 = arith.constant 32 : index
          %get3A_903 = tpu.vector_load %arg10[%get3A_901, %get3A_902] {strides = array<i32>} : memref<769x64xf32, #tpu.memory_space<vmem>>, vector<16xf32>,
          %add3A_904 = arith.addf %add3A_900, %get3A_903 : vector<16xf32>
          %get3A_905 = arith.index_cast %squeeze3A_850 : i32 to index
          %get3A_906 = arith.constant 48 : index
          %get3A_907 = tpu.vector_load %arg10[%get3A_905, %get3A_906] {strides = array<i32>} : memref<769x64xf32, #tpu.memory_space<vmem>>, vector<16xf32>,
          %add3A_908 = arith.addf %add3A_840, %get3A_907 : vector<16xf32>
          %get3A_909 = arith.index_cast %squeeze3A_852 : i32 to index
          %get3A_910 = arith.constant 48 : index
          %get3A_911 = tpu.vector_load %arg10[%get3A_909, %get3A_910] {strides = array<i32>} : memref<769x64xf32, #tpu.memory_space<vmem>>, vector<16xf32>,
          %add3A_912 = arith.addf %add3A_908, %get3A_911 : vector<16xf32>
          %get3A_913 = arith.index_cast %squeeze3A_854 : i32 to index
          %get3A_914 = arith.constant 48 : index
          %get3A_915 = tpu.vector_load %arg10[%get3A_913, %get3A_914] {strides = array<i32>} : memref<769x64xf32, #tpu.memory_space<vmem>>, vector<16xf32>,
          %add3A_916 = arith.addf %add3A_848, %get3A_915 : vector<16xf32>
          %get3A_917 = arith.index_cast %squeeze3A_856 : i32 to index
          %get3A_918 = arith.constant 48 : index
          %get3A_919 = tpu.vector_load %arg10[%get3A_917, %get3A_918] {strides = array<i32>} : memref<769x64xf32, #tpu.memory_space<vmem>>, vector<16xf32>,
          %add3A_920 = arith.addf %add3A_916, %get3A_919 : vector<16xf32>
          %slice3A_921 = vector.extract_strided_slice %get3A_396 {offsets = [7], sizes = [1], strides = [1]} : vector<16xi32> to vector<1xi32>
          %squeeze3A_922 = vector.extract %slice3A_921[0] : i32 from vector<1xi32>
          %slice3A_923 = vector.extract_strided_slice %get3A_399 {offsets = [7], sizes = [1], strides = [1]} : vector<16xi32> to vector<1xi32>
          %squeeze3A_924 = vector.extract %slice3A_923[0] : i32 from vector<1xi32>
          %slice3A_925 = vector.extract_strided_slice %get3A_402 {offsets = [7], sizes = [1], strides = [1]} : vector<16xi32> to vector<1xi32>
          %squeeze3A_926 = vector.extract %slice3A_925[0] : i32 from vector<1xi32>
          %slice3A_927 = vector.extract_strided_slice %get3A_405 {offsets = [7], sizes = [1], strides = [1]} : vector<16xi32> to vector<1xi32>
          %squeeze3A_928 = vector.extract %slice3A_927[0] : i32 from vector<1xi32>
          %get3A_929 = arith.index_cast %squeeze3A_922 : i32 to index
          %get3A_930 = arith.constant 0 : index
          %get3A_931 = tpu.vector_load %arg10[%get3A_929, %get3A_930] {strides = array<i32>} : memref<769x64xf32, #tpu.memory_space<vmem>>, vector<16xf32>,
          %add3A_932 = arith.addf %add3A_864, %get3A_931 : vector<16xf32>
          %get3A_933 = arith.index_cast %squeeze3A_924 : i32 to index
          %get3A_934 = arith.constant 0 : index
          %get3A_935 = tpu.vector_load %arg10[%get3A_933, %get3A_934] {strides = array<i32>} : memref<769x64xf32, #tpu.memory_space<vmem>>, vector<16xf32>,
          %add3A_936 = arith.addf %add3A_932, %get3A_935 : vector<16xf32>
          %get3A_937 = arith.index_cast %squeeze3A_926 : i32 to index
          %get3A_938 = arith.constant 0 : index
          %get3A_939 = tpu.vector_load %arg10[%get3A_937, %get3A_938] {strides = array<i32>} : memref<769x64xf32, #tpu.memory_space<vmem>>, vector<16xf32>,
          %add3A_940 = arith.addf %add3A_872, %get3A_939 : vector<16xf32>
          %get3A_941 = arith.index_cast %squeeze3A_928 : i32 to index
          %get3A_942 = arith.constant 0 : index
          %get3A_943 = tpu.vector_load %arg10[%get3A_941, %get3A_942] {strides = array<i32>} : memref<769x64xf32, #tpu.memory_space<vmem>>, vector<16xf32>,
          %add3A_944 = arith.addf %add3A_940, %get3A_943 : vector<16xf32>
          %get3A_945 = arith.index_cast %squeeze3A_922 : i32 to index
          %get3A_946 = arith.constant 16 : index
          %get3A_947 = tpu.vector_load %arg10[%get3A_945, %get3A_946] {strides = array<i32>} : memref<769x64xf32, #tpu.memory_space<vmem>>, vector<16xf32>,
          %add3A_948 = arith.addf %add3A_880, %get3A_947 : vector<16xf32>
          %get3A_949 = arith.index_cast %squeeze3A_924 : i32 to index
          %get3A_950 = arith.constant 16 : index
          %get3A_951 = tpu.vector_load %arg10[%get3A_949, %get3A_950] {strides = array<i32>} : memref<769x64xf32, #tpu.memory_space<vmem>>, vector<16xf32>,
          %add3A_952 = arith.addf %add3A_948, %get3A_951 : vector<16xf32>
          %get3A_953 = arith.index_cast %squeeze3A_926 : i32 to index
          %get3A_954 = arith.constant 16 : index
          %get3A_955 = tpu.vector_load %arg10[%get3A_953, %get3A_954] {strides = array<i32>} : memref<769x64xf32, #tpu.memory_space<vmem>>, vector<16xf32>,
          %add3A_956 = arith.addf %add3A_888, %get3A_955 : vector<16xf32>
          %get3A_957 = arith.index_cast %squeeze3A_928 : i32 to index
          %get3A_958 = arith.constant 16 : index
          %get3A_959 = tpu.vector_load %arg10[%get3A_957, %get3A_958] {strides = array<i32>} : memref<769x64xf32, #tpu.memory_space<vmem>>, vector<16xf32>,
          %add3A_960 = arith.addf %add3A_956, %get3A_959 : vector<16xf32>
          %get3A_961 = arith.index_cast %squeeze3A_922 : i32 to index
          %get3A_962 = arith.constant 32 : index
          %get3A_963 = tpu.vector_load %arg10[%get3A_961, %get3A_962] {strides = array<i32>} : memref<769x64xf32, #tpu.memory_space<vmem>>, vector<16xf32>,
          %add3A_964 = arith.addf %add3A_896, %get3A_963 : vector<16xf32>
          %get3A_965 = arith.index_cast %squeeze3A_924 : i32 to index
          %get3A_966 = arith.constant 32 : index
          %get3A_967 = tpu.vector_load %arg10[%get3A_965, %get3A_966] {strides = array<i32>} : memref<769x64xf32, #tpu.memory_space<vmem>>, vector<16xf32>,
          %add3A_968 = arith.addf %add3A_964, %get3A_967 : vector<16xf32>
          %get3A_969 = arith.index_cast %squeeze3A_926 : i32 to index
          %get3A_970 = arith.constant 32 : index
          %get3A_971 = tpu.vector_load %arg10[%get3A_969, %get3A_970] {strides = array<i32>} : memref<769x64xf32, #tpu.memory_space<vmem>>, vector<16xf32>,
          %add3A_972 = arith.addf %add3A_904, %get3A_971 : vector<16xf32>
          %get3A_973 = arith.index_cast %squeeze3A_928 : i32 to index
          %get3A_974 = arith.constant 32 : index
          %get3A_975 = tpu.vector_load %arg10[%get3A_973, %get3A_974] {strides = array<i32>} : memref<769x64xf32, #tpu.memory_space<vmem>>, vector<16xf32>,
          %add3A_976 = arith.addf %add3A_972, %get3A_975 : vector<16xf32>
          %get3A_977 = arith.index_cast %squeeze3A_922 : i32 to index
          %get3A_978 = arith.constant 48 : index
          %get3A_979 = tpu.vector_load %arg10[%get3A_977, %get3A_978] {strides = array<i32>} : memref<769x64xf32, #tpu.memory_space<vmem>>, vector<16xf32>,
          %add3A_980 = arith.addf %add3A_912, %get3A_979 : vector<16xf32>
          %get3A_981 = arith.index_cast %squeeze3A_924 : i32 to index
          %get3A_982 = arith.constant 48 : index
          %get3A_983 = tpu.vector_load %arg10[%get3A_981, %get3A_982] {strides = array<i32>} : memref<769x64xf32, #tpu.memory_space<vmem>>, vector<16xf32>,
          %add3A_984 = arith.addf %add3A_980, %get3A_983 : vector<16xf32>
          %get3A_985 = arith.index_cast %squeeze3A_926 : i32 to index
          %get3A_986 = arith.constant 48 : index
          %get3A_987 = tpu.vector_load %arg10[%get3A_985, %get3A_986] {strides = array<i32>} : memref<769x64xf32, #tpu.memory_space<vmem>>, vector<16xf32>,
          %add3A_988 = arith.addf %add3A_920, %get3A_987 : vector<16xf32>
          %get3A_989 = arith.index_cast %squeeze3A_928 : i32 to index
          %get3A_990 = arith.constant 48 : index
          %get3A_991 = tpu.vector_load %arg10[%get3A_989, %get3A_990] {strides = array<i32>} : memref<769x64xf32, #tpu.memory_space<vmem>>, vector<16xf32>,
          %add3A_992 = arith.addf %add3A_988, %get3A_991 : vector<16xf32>
          %slice3A_993 = vector.extract_strided_slice %get3A_396 {offsets = [8], sizes = [1], strides = [1]} : vector<16xi32> to vector<1xi32>
          %squeeze3A_994 = vector.extract %slice3A_993[0] : i32 from vector<1xi32>
          %slice3A_995 = vector.extract_strided_slice %get3A_399 {offsets = [8], sizes = [1], strides = [1]} : vector<16xi32> to vector<1xi32>
          %squeeze3A_996 = vector.extract %slice3A_995[0] : i32 from vector<1xi32>
          %slice3A_997 = vector.extract_strided_slice %get3A_402 {offsets = [8], sizes = [1], strides = [1]} : vector<16xi32> to vector<1xi32>
          %squeeze3A_998 = vector.extract %slice3A_997[0] : i32 from vector<1xi32>
          %slice3A_999 = vector.extract_strided_slice %get3A_405 {offsets = [8], sizes = [1], strides = [1]} : vector<16xi32> to vector<1xi32>
          %squeeze3A_1000 = vector.extract %slice3A_999[0] : i32 from vector<1xi32>
          %get3A_1001 = arith.index_cast %squeeze3A_994 : i32 to index
          %get3A_1002 = arith.constant 0 : index
          %get3A_1003 = tpu.vector_load %arg10[%get3A_1001, %get3A_1002] {strides = array<i32>} : memref<769x64xf32, #tpu.memory_space<vmem>>, vector<16xf32>,
          %add3A_1004 = arith.addf %add3A_936, %get3A_1003 : vector<16xf32>
          %get3A_1005 = arith.index_cast %squeeze3A_996 : i32 to index
          %get3A_1006 = arith.constant 0 : index
          %get3A_1007 = tpu.vector_load %arg10[%get3A_1005, %get3A_1006] {strides = array<i32>} : memref<769x64xf32, #tpu.memory_space<vmem>>, vector<16xf32>,
          %add3A_1008 = arith.addf %add3A_1004, %get3A_1007 : vector<16xf32>
          %get3A_1009 = arith.index_cast %squeeze3A_998 : i32 to index
          %get3A_1010 = arith.constant 0 : index
          %get3A_1011 = tpu.vector_load %arg10[%get3A_1009, %get3A_1010] {strides = array<i32>} : memref<769x64xf32, #tpu.memory_space<vmem>>, vector<16xf32>,
          %add3A_1012 = arith.addf %add3A_944, %get3A_1011 : vector<16xf32>
          %get3A_1013 = arith.index_cast %squeeze3A_1000 : i32 to index
          %get3A_1014 = arith.constant 0 : index
          %get3A_1015 = tpu.vector_load %arg10[%get3A_1013, %get3A_1014] {strides = array<i32>} : memref<769x64xf32, #tpu.memory_space<vmem>>, vector<16xf32>,
          %add3A_1016 = arith.addf %add3A_1012, %get3A_1015 : vector<16xf32>
          %get3A_1017 = arith.index_cast %squeeze3A_994 : i32 to index
          %get3A_1018 = arith.constant 16 : index
          %get3A_1019 = tpu.vector_load %arg10[%get3A_1017, %get3A_1018] {strides = array<i32>} : memref<769x64xf32, #tpu.memory_space<vmem>>, vector<16xf32>,
          %add3A_1020 = arith.addf %add3A_952, %get3A_1019 : vector<16xf32>
          %get3A_1021 = arith.index_cast %squeeze3A_996 : i32 to index
          %get3A_1022 = arith.constant 16 : index
          %get3A_1023 = tpu.vector_load %arg10[%get3A_1021, %get3A_1022] {strides = array<i32>} : memref<769x64xf32, #tpu.memory_space<vmem>>, vector<16xf32>,
          %add3A_1024 = arith.addf %add3A_1020, %get3A_1023 : vector<16xf32>
          %get3A_1025 = arith.index_cast %squeeze3A_998 : i32 to index
          %get3A_1026 = arith.constant 16 : index
          %get3A_1027 = tpu.vector_load %arg10[%get3A_1025, %get3A_1026] {strides = array<i32>} : memref<769x64xf32, #tpu.memory_space<vmem>>, vector<16xf32>,
          %add3A_1028 = arith.addf %add3A_960, %get3A_1027 : vector<16xf32>
          %get3A_1029 = arith.index_cast %squeeze3A_1000 : i32 to index
          %get3A_1030 = arith.constant 16 : index
          %get3A_1031 = tpu.vector_load %arg10[%get3A_1029, %get3A_1030] {strides = array<i32>} : memref<769x64xf32, #tpu.memory_space<vmem>>, vector<16xf32>,
          %add3A_1032 = arith.addf %add3A_1028, %get3A_1031 : vector<16xf32>
          %get3A_1033 = arith.index_cast %squeeze3A_994 : i32 to index
          %get3A_1034 = arith.constant 32 : index
          %get3A_1035 = tpu.vector_load %arg10[%get3A_1033, %get3A_1034] {strides = array<i32>} : memref<769x64xf32, #tpu.memory_space<vmem>>, vector<16xf32>,
          %add3A_1036 = arith.addf %add3A_968, %get3A_1035 : vector<16xf32>
          %get3A_1037 = arith.index_cast %squeeze3A_996 : i32 to index
          %get3A_1038 = arith.constant 32 : index
          %get3A_1039 = tpu.vector_load %arg10[%get3A_1037, %get3A_1038] {strides = array<i32>} : memref<769x64xf32, #tpu.memory_space<vmem>>, vector<16xf32>,
          %add3A_1040 = arith.addf %add3A_1036, %get3A_1039 : vector<16xf32>
          %get3A_1041 = arith.index_cast %squeeze3A_998 : i32 to index
          %get3A_1042 = arith.constant 32 : index
          %get3A_1043 = tpu.vector_load %arg10[%get3A_1041, %get3A_1042] {strides = array<i32>} : memref<769x64xf32, #tpu.memory_space<vmem>>, vector<16xf32>,
          %add3A_1044 = arith.addf %add3A_976, %get3A_1043 : vector<16xf32>
          %get3A_1045 = arith.index_cast %squeeze3A_1000 : i32 to index
          %get3A_1046 = arith.constant 32 : index
          %get3A_1047 = tpu.vector_load %arg10[%get3A_1045, %get3A_1046] {strides = array<i32>} : memref<769x64xf32, #tpu.memory_space<vmem>>, vector<16xf32>,
          %add3A_1048 = arith.addf %add3A_1044, %get3A_1047 : vector<16xf32>
          %get3A_1049 = arith.index_cast %squeeze3A_994 : i32 to index
          %get3A_1050 = arith.constant 48 : index
          %get3A_1051 = tpu.vector_load %arg10[%get3A_1049, %get3A_1050] {strides = array<i32>} : memref<769x64xf32, #tpu.memory_space<vmem>>, vector<16xf32>,
          %add3A_1052 = arith.addf %add3A_984, %get3A_1051 : vector<16xf32>
          %get3A_1053 = arith.index_cast %squeeze3A_996 : i32 to index
          %get3A_1054 = arith.constant 48 : index
          %get3A_1055 = tpu.vector_load %arg10[%get3A_1053, %get3A_1054] {strides = array<i32>} : memref<769x64xf32, #tpu.memory_space<vmem>>, vector<16xf32>,
          %add3A_1056 = arith.addf %add3A_1052, %get3A_1055 : vector<16xf32>
          %get3A_1057 = arith.index_cast %squeeze3A_998 : i32 to index
          %get3A_1058 = arith.constant 48 : index
          %get3A_1059 = tpu.vector_load %arg10[%get3A_1057, %get3A_1058] {strides = array<i32>} : memref<769x64xf32, #tpu.memory_space<vmem>>, vector<16xf32>,
          %add3A_1060 = arith.addf %add3A_992, %get3A_1059 : vector<16xf32>
          %get3A_1061 = arith.index_cast %squeeze3A_1000 : i32 to index
          %get3A_1062 = arith.constant 48 : index
          %get3A_1063 = tpu.vector_load %arg10[%get3A_1061, %get3A_1062] {strides = array<i32>} : memref<769x64xf32, #tpu.memory_space<vmem>>, vector<16xf32>,
          %add3A_1064 = arith.addf %add3A_1060, %get3A_1063 : vector<16xf32>
          %slice3A_1065 = vector.extract_strided_slice %get3A_396 {offsets = [9], sizes = [1], strides = [1]} : vector<16xi32> to vector<1xi32>
          %squeeze3A_1066 = vector.extract %slice3A_1065[0] : i32 from vector<1xi32>
          %slice3A_1067 = vector.extract_strided_slice %get3A_399 {offsets = [9], sizes = [1], strides = [1]} : vector<16xi32> to vector<1xi32>
          %squeeze3A_1068 = vector.extract %slice3A_1067[0] : i32 from vector<1xi32>
          %slice3A_1069 = vector.extract_strided_slice %get3A_402 {offsets = [9], sizes = [1], strides = [1]} : vector<16xi32> to vector<1xi32>
          %squeeze3A_1070 = vector.extract %slice3A_1069[0] : i32 from vector<1xi32>
          %slice3A_1071 = vector.extract_strided_slice %get3A_405 {offsets = [9], sizes = [1], strides = [1]} : vector<16xi32> to vector<1xi32>
          %squeeze3A_1072 = vector.extract %slice3A_1071[0] : i32 from vector<1xi32>
          %get3A_1073 = arith.index_cast %squeeze3A_1066 : i32 to index
          %get3A_1074 = arith.constant 0 : index
          %get3A_1075 = tpu.vector_load %arg10[%get3A_1073, %get3A_1074] {strides = array<i32>} : memref<769x64xf32, #tpu.memory_space<vmem>>, vector<16xf32>,
          %add3A_1076 = arith.addf %add3A_1008, %get3A_1075 : vector<16xf32>
          %get3A_1077 = arith.index_cast %squeeze3A_1068 : i32 to index
          %get3A_1078 = arith.constant 0 : index
          %get3A_1079 = tpu.vector_load %arg10[%get3A_1077, %get3A_1078] {strides = array<i32>} : memref<769x64xf32, #tpu.memory_space<vmem>>, vector<16xf32>,
          %add3A_1080 = arith.addf %add3A_1076, %get3A_1079 : vector<16xf32>
          %get3A_1081 = arith.index_cast %squeeze3A_1070 : i32 to index
          %get3A_1082 = arith.constant 0 : index
          %get3A_1083 = tpu.vector_load %arg10[%get3A_1081, %get3A_1082] {strides = array<i32>} : memref<769x64xf32, #tpu.memory_space<vmem>>, vector<16xf32>,
          %add3A_1084 = arith.addf %add3A_1016, %get3A_1083 : vector<16xf32>
          %get3A_1085 = arith.index_cast %squeeze3A_1072 : i32 to index
          %get3A_1086 = arith.constant 0 : index
          %get3A_1087 = tpu.vector_load %arg10[%get3A_1085, %get3A_1086] {strides = array<i32>} : memref<769x64xf32, #tpu.memory_space<vmem>>, vector<16xf32>,
          %add3A_1088 = arith.addf %add3A_1084, %get3A_1087 : vector<16xf32>
          %get3A_1089 = arith.index_cast %squeeze3A_1066 : i32 to index
          %get3A_1090 = arith.constant 16 : index
          %get3A_1091 = tpu.vector_load %arg10[%get3A_1089, %get3A_1090] {strides = array<i32>} : memref<769x64xf32, #tpu.memory_space<vmem>>, vector<16xf32>,
          %add3A_1092 = arith.addf %add3A_1024, %get3A_1091 : vector<16xf32>
          %get3A_1093 = arith.index_cast %squeeze3A_1068 : i32 to index
          %get3A_1094 = arith.constant 16 : index
          %get3A_1095 = tpu.vector_load %arg10[%get3A_1093, %get3A_1094] {strides = array<i32>} : memref<769x64xf32, #tpu.memory_space<vmem>>, vector<16xf32>,
          %add3A_1096 = arith.addf %add3A_1092, %get3A_1095 : vector<16xf32>
          %get3A_1097 = arith.index_cast %squeeze3A_1070 : i32 to index
          %get3A_1098 = arith.constant 16 : index
          %get3A_1099 = tpu.vector_load %arg10[%get3A_1097, %get3A_1098] {strides = array<i32>} : memref<769x64xf32, #tpu.memory_space<vmem>>, vector<16xf32>,
          %add3A_1100 = arith.addf %add3A_1032, %get3A_1099 : vector<16xf32>
          %get3A_1101 = arith.index_cast %squeeze3A_1072 : i32 to index
          %get3A_1102 = arith.constant 16 : index
          %get3A_1103 = tpu.vector_load %arg10[%get3A_1101, %get3A_1102] {strides = array<i32>} : memref<769x64xf32, #tpu.memory_space<vmem>>, vector<16xf32>,
          %add3A_1104 = arith.addf %add3A_1100, %get3A_1103 : vector<16xf32>
          %get3A_1105 = arith.index_cast %squeeze3A_1066 : i32 to index
          %get3A_1106 = arith.constant 32 : index
          %get3A_1107 = tpu.vector_load %arg10[%get3A_1105, %get3A_1106] {strides = array<i32>} : memref<769x64xf32, #tpu.memory_space<vmem>>, vector<16xf32>,
          %add3A_1108 = arith.addf %add3A_1040, %get3A_1107 : vector<16xf32>
          %get3A_1109 = arith.index_cast %squeeze3A_1068 : i32 to index
          %get3A_1110 = arith.constant 32 : index
          %get3A_1111 = tpu.vector_load %arg10[%get3A_1109, %get3A_1110] {strides = array<i32>} : memref<769x64xf32, #tpu.memory_space<vmem>>, vector<16xf32>,
          %add3A_1112 = arith.addf %add3A_1108, %get3A_1111 : vector<16xf32>
          %get3A_1113 = arith.index_cast %squeeze3A_1070 : i32 to index
          %get3A_1114 = arith.constant 32 : index
          %get3A_1115 = tpu.vector_load %arg10[%get3A_1113, %get3A_1114] {strides = array<i32>} : memref<769x64xf32, #tpu.memory_space<vmem>>, vector<16xf32>,
          %add3A_1116 = arith.addf %add3A_1048, %get3A_1115 : vector<16xf32>
          %get3A_1117 = arith.index_cast %squeeze3A_1072 : i32 to index
          %get3A_1118 = arith.constant 32 : index
          %get3A_1119 = tpu.vector_load %arg10[%get3A_1117, %get3A_1118] {strides = array<i32>} : memref<769x64xf32, #tpu.memory_space<vmem>>, vector<16xf32>,
          %add3A_1120 = arith.addf %add3A_1116, %get3A_1119 : vector<16xf32>
          %get3A_1121 = arith.index_cast %squeeze3A_1066 : i32 to index
          %get3A_1122 = arith.constant 48 : index
          %get3A_1123 = tpu.vector_load %arg10[%get3A_1121, %get3A_1122] {strides = array<i32>} : memref<769x64xf32, #tpu.memory_space<vmem>>, vector<16xf32>,
          %add3A_1124 = arith.addf %add3A_1056, %get3A_1123 : vector<16xf32>
          %get3A_1125 = arith.index_cast %squeeze3A_1068 : i32 to index
          %get3A_1126 = arith.constant 48 : index
          %get3A_1127 = tpu.vector_load %arg10[%get3A_1125, %get3A_1126] {strides = array<i32>} : memref<769x64xf32, #tpu.memory_space<vmem>>, vector<16xf32>,
          %add3A_1128 = arith.addf %add3A_1124, %get3A_1127 : vector<16xf32>
          %get3A_1129 = arith.index_cast %squeeze3A_1070 : i32 to index
          %get3A_1130 = arith.constant 48 : index
          %get3A_1131 = tpu.vector_load %arg10[%get3A_1129, %get3A_1130] {strides = array<i32>} : memref<769x64xf32, #tpu.memory_space<vmem>>, vector<16xf32>,
          %add3A_1132 = arith.addf %add3A_1064, %get3A_1131 : vector<16xf32>
          %get3A_1133 = arith.index_cast %squeeze3A_1072 : i32 to index
          %get3A_1134 = arith.constant 48 : index
          %get3A_1135 = tpu.vector_load %arg10[%get3A_1133, %get3A_1134] {strides = array<i32>} : memref<769x64xf32, #tpu.memory_space<vmem>>, vector<16xf32>,
          %add3A_1136 = arith.addf %add3A_1132, %get3A_1135 : vector<16xf32>
          %slice3A_1137 = vector.extract_strided_slice %get3A_396 {offsets = [10], sizes = [1], strides = [1]} : vector<16xi32> to vector<1xi32>
          %squeeze3A_1138 = vector.extract %slice3A_1137[0] : i32 from vector<1xi32>
          %slice3A_1139 = vector.extract_strided_slice %get3A_399 {offsets = [10], sizes = [1], strides = [1]} : vector<16xi32> to vector<1xi32>
          %squeeze3A_1140 = vector.extract %slice3A_1139[0] : i32 from vector<1xi32>
          %slice3A_1141 = vector.extract_strided_slice %get3A_402 {offsets = [10], sizes = [1], strides = [1]} : vector<16xi32> to vector<1xi32>
          %squeeze3A_1142 = vector.extract %slice3A_1141[0] : i32 from vector<1xi32>
          %slice3A_1143 = vector.extract_strided_slice %get3A_405 {offsets = [10], sizes = [1], strides = [1]} : vector<16xi32> to vector<1xi32>
          %squeeze3A_1144 = vector.extract %slice3A_1143[0] : i32 from vector<1xi32>
          %get3A_1145 = arith.index_cast %squeeze3A_1138 : i32 to index
          %get3A_1146 = arith.constant 0 : index
          %get3A_1147 = tpu.vector_load %arg10[%get3A_1145, %get3A_1146] {strides = array<i32>} : memref<769x64xf32, #tpu.memory_space<vmem>>, vector<16xf32>,
          %add3A_1148 = arith.addf %add3A_1080, %get3A_1147 : vector<16xf32>
          %get3A_1149 = arith.index_cast %squeeze3A_1140 : i32 to index
          %get3A_1150 = arith.constant 0 : index
          %get3A_1151 = tpu.vector_load %arg10[%get3A_1149, %get3A_1150] {strides = array<i32>} : memref<769x64xf32, #tpu.memory_space<vmem>>, vector<16xf32>,
          %add3A_1152 = arith.addf %add3A_1148, %get3A_1151 : vector<16xf32>
          %get3A_1153 = arith.index_cast %squeeze3A_1142 : i32 to index
          %get3A_1154 = arith.constant 0 : index
          %get3A_1155 = tpu.vector_load %arg10[%get3A_1153, %get3A_1154] {strides = array<i32>} : memref<769x64xf32, #tpu.memory_space<vmem>>, vector<16xf32>,
          %add3A_1156 = arith.addf %add3A_1088, %get3A_1155 : vector<16xf32>
          %get3A_1157 = arith.index_cast %squeeze3A_1144 : i32 to index
          %get3A_1158 = arith.constant 0 : index
          %get3A_1159 = tpu.vector_load %arg10[%get3A_1157, %get3A_1158] {strides = array<i32>} : memref<769x64xf32, #tpu.memory_space<vmem>>, vector<16xf32>,
          %add3A_1160 = arith.addf %add3A_1156, %get3A_1159 : vector<16xf32>
          %get3A_1161 = arith.index_cast %squeeze3A_1138 : i32 to index
          %get3A_1162 = arith.constant 16 : index
          %get3A_1163 = tpu.vector_load %arg10[%get3A_1161, %get3A_1162] {strides = array<i32>} : memref<769x64xf32, #tpu.memory_space<vmem>>, vector<16xf32>,
          %add3A_1164 = arith.addf %add3A_1096, %get3A_1163 : vector<16xf32>
          %get3A_1165 = arith.index_cast %squeeze3A_1140 : i32 to index
          %get3A_1166 = arith.constant 16 : index
          %get3A_1167 = tpu.vector_load %arg10[%get3A_1165, %get3A_1166] {strides = array<i32>} : memref<769x64xf32, #tpu.memory_space<vmem>>, vector<16xf32>,
          %add3A_1168 = arith.addf %add3A_1164, %get3A_1167 : vector<16xf32>
          %get3A_1169 = arith.index_cast %squeeze3A_1142 : i32 to index
          %get3A_1170 = arith.constant 16 : index
          %get3A_1171 = tpu.vector_load %arg10[%get3A_1169, %get3A_1170] {strides = array<i32>} : memref<769x64xf32, #tpu.memory_space<vmem>>, vector<16xf32>,
          %add3A_1172 = arith.addf %add3A_1104, %get3A_1171 : vector<16xf32>
          %get3A_1173 = arith.index_cast %squeeze3A_1144 : i32 to index
          %get3A_1174 = arith.constant 16 : index
          %get3A_1175 = tpu.vector_load %arg10[%get3A_1173, %get3A_1174] {strides = array<i32>} : memref<769x64xf32, #tpu.memory_space<vmem>>, vector<16xf32>,
          %add3A_1176 = arith.addf %add3A_1172, %get3A_1175 : vector<16xf32>
          %get3A_1177 = arith.index_cast %squeeze3A_1138 : i32 to index
          %get3A_1178 = arith.constant 32 : index
          %get3A_1179 = tpu.vector_load %arg10[%get3A_1177, %get3A_1178] {strides = array<i32>} : memref<769x64xf32, #tpu.memory_space<vmem>>, vector<16xf32>,
          %add3A_1180 = arith.addf %add3A_1112, %get3A_1179 : vector<16xf32>
          %get3A_1181 = arith.index_cast %squeeze3A_1140 : i32 to index
          %get3A_1182 = arith.constant 32 : index
          %get3A_1183 = tpu.vector_load %arg10[%get3A_1181, %get3A_1182] {strides = array<i32>} : memref<769x64xf32, #tpu.memory_space<vmem>>, vector<16xf32>,
          %add3A_1184 = arith.addf %add3A_1180, %get3A_1183 : vector<16xf32>
          %get3A_1185 = arith.index_cast %squeeze3A_1142 : i32 to index
          %get3A_1186 = arith.constant 32 : index
          %get3A_1187 = tpu.vector_load %arg10[%get3A_1185, %get3A_1186] {strides = array<i32>} : memref<769x64xf32, #tpu.memory_space<vmem>>, vector<16xf32>,
          %add3A_1188 = arith.addf %add3A_1120, %get3A_1187 : vector<16xf32>
          %get3A_1189 = arith.index_cast %squeeze3A_1144 : i32 to index
          %get3A_1190 = arith.constant 32 : index
          %get3A_1191 = tpu.vector_load %arg10[%get3A_1189, %get3A_1190] {strides = array<i32>} : memref<769x64xf32, #tpu.memory_space<vmem>>, vector<16xf32>,
          %add3A_1192 = arith.addf %add3A_1188, %get3A_1191 : vector<16xf32>
          %get3A_1193 = arith.index_cast %squeeze3A_1138 : i32 to index
          %get3A_1194 = arith.constant 48 : index
          %get3A_1195 = tpu.vector_load %arg10[%get3A_1193, %get3A_1194] {strides = array<i32>} : memref<769x64xf32, #tpu.memory_space<vmem>>, vector<16xf32>,
          %add3A_1196 = arith.addf %add3A_1128, %get3A_1195 : vector<16xf32>
          %get3A_1197 = arith.index_cast %squeeze3A_1140 : i32 to index
          %get3A_1198 = arith.constant 48 : index
          %get3A_1199 = tpu.vector_load %arg10[%get3A_1197, %get3A_1198] {strides = array<i32>} : memref<769x64xf32, #tpu.memory_space<vmem>>, vector<16xf32>,
          %add3A_1200 = arith.addf %add3A_1196, %get3A_1199 : vector<16xf32>
          %get3A_1201 = arith.index_cast %squeeze3A_1142 : i32 to index
          %get3A_1202 = arith.constant 48 : index
          %get3A_1203 = tpu.vector_load %arg10[%get3A_1201, %get3A_1202] {strides = array<i32>} : memref<769x64xf32, #tpu.memory_space<vmem>>, vector<16xf32>,
          %add3A_1204 = arith.addf %add3A_1136, %get3A_1203 : vector<16xf32>
          %get3A_1205 = arith.index_cast %squeeze3A_1144 : i32 to index
          %get3A_1206 = arith.constant 48 : index
          %get3A_1207 = tpu.vector_load %arg10[%get3A_1205, %get3A_1206] {strides = array<i32>} : memref<769x64xf32, #tpu.memory_space<vmem>>, vector<16xf32>,
          %add3A_1208 = arith.addf %add3A_1204, %get3A_1207 : vector<16xf32>
          %slice3A_1209 = vector.extract_strided_slice %get3A_396 {offsets = [11], sizes = [1], strides = [1]} : vector<16xi32> to vector<1xi32>
          %squeeze3A_1210 = vector.extract %slice3A_1209[0] : i32 from vector<1xi32>
          %slice3A_1211 = vector.extract_strided_slice %get3A_399 {offsets = [11], sizes = [1], strides = [1]} : vector<16xi32> to vector<1xi32>
          %squeeze3A_1212 = vector.extract %slice3A_1211[0] : i32 from vector<1xi32>
          %slice3A_1213 = vector.extract_strided_slice %get3A_402 {offsets = [11], sizes = [1], strides = [1]} : vector<16xi32> to vector<1xi32>
          %squeeze3A_1214 = vector.extract %slice3A_1213[0] : i32 from vector<1xi32>
          %slice3A_1215 = vector.extract_strided_slice %get3A_405 {offsets = [11], sizes = [1], strides = [1]} : vector<16xi32> to vector<1xi32>
          %squeeze3A_1216 = vector.extract %slice3A_1215[0] : i32 from vector<1xi32>
          %get3A_1217 = arith.index_cast %squeeze3A_1210 : i32 to index
          %get3A_1218 = arith.constant 0 : index
          %get3A_1219 = tpu.vector_load %arg10[%get3A_1217, %get3A_1218] {strides = array<i32>} : memref<769x64xf32, #tpu.memory_space<vmem>>, vector<16xf32>,
          %add3A_1220 = arith.addf %add3A_1152, %get3A_1219 : vector<16xf32>
          %get3A_1221 = arith.index_cast %squeeze3A_1212 : i32 to index
          %get3A_1222 = arith.constant 0 : index
          %get3A_1223 = tpu.vector_load %arg10[%get3A_1221, %get3A_1222] {strides = array<i32>} : memref<769x64xf32, #tpu.memory_space<vmem>>, vector<16xf32>,
          %add3A_1224 = arith.addf %add3A_1220, %get3A_1223 : vector<16xf32>
          %get3A_1225 = arith.index_cast %squeeze3A_1214 : i32 to index
          %get3A_1226 = arith.constant 0 : index
          %get3A_1227 = tpu.vector_load %arg10[%get3A_1225, %get3A_1226] {strides = array<i32>} : memref<769x64xf32, #tpu.memory_space<vmem>>, vector<16xf32>,
          %add3A_1228 = arith.addf %add3A_1160, %get3A_1227 : vector<16xf32>
          %get3A_1229 = arith.index_cast %squeeze3A_1216 : i32 to index
          %get3A_1230 = arith.constant 0 : index
          %get3A_1231 = tpu.vector_load %arg10[%get3A_1229, %get3A_1230] {strides = array<i32>} : memref<769x64xf32, #tpu.memory_space<vmem>>, vector<16xf32>,
          %add3A_1232 = arith.addf %add3A_1228, %get3A_1231 : vector<16xf32>
          %get3A_1233 = arith.index_cast %squeeze3A_1210 : i32 to index
          %get3A_1234 = arith.constant 16 : index
          %get3A_1235 = tpu.vector_load %arg10[%get3A_1233, %get3A_1234] {strides = array<i32>} : memref<769x64xf32, #tpu.memory_space<vmem>>, vector<16xf32>,
          %add3A_1236 = arith.addf %add3A_1168, %get3A_1235 : vector<16xf32>
          %get3A_1237 = arith.index_cast %squeeze3A_1212 : i32 to index
          %get3A_1238 = arith.constant 16 : index
          %get3A_1239 = tpu.vector_load %arg10[%get3A_1237, %get3A_1238] {strides = array<i32>} : memref<769x64xf32, #tpu.memory_space<vmem>>, vector<16xf32>,
          %add3A_1240 = arith.addf %add3A_1236, %get3A_1239 : vector<16xf32>
          %get3A_1241 = arith.index_cast %squeeze3A_1214 : i32 to index
          %get3A_1242 = arith.constant 16 : index
          %get3A_1243 = tpu.vector_load %arg10[%get3A_1241, %get3A_1242] {strides = array<i32>} : memref<769x64xf32, #tpu.memory_space<vmem>>, vector<16xf32>,
          %add3A_1244 = arith.addf %add3A_1176, %get3A_1243 : vector<16xf32>
          %get3A_1245 = arith.index_cast %squeeze3A_1216 : i32 to index
          %get3A_1246 = arith.constant 16 : index
          %get3A_1247 = tpu.vector_load %arg10[%get3A_1245, %get3A_1246] {strides = array<i32>} : memref<769x64xf32, #tpu.memory_space<vmem>>, vector<16xf32>,
          %add3A_1248 = arith.addf %add3A_1244, %get3A_1247 : vector<16xf32>
          %get3A_1249 = arith.index_cast %squeeze3A_1210 : i32 to index
          %get3A_1250 = arith.constant 32 : index
          %get3A_1251 = tpu.vector_load %arg10[%get3A_1249, %get3A_1250] {strides = array<i32>} : memref<769x64xf32, #tpu.memory_space<vmem>>, vector<16xf32>,
          %add3A_1252 = arith.addf %add3A_1184, %get3A_1251 : vector<16xf32>
          %get3A_1253 = arith.index_cast %squeeze3A_1212 : i32 to index
          %get3A_1254 = arith.constant 32 : index
          %get3A_1255 = tpu.vector_load %arg10[%get3A_1253, %get3A_1254] {strides = array<i32>} : memref<769x64xf32, #tpu.memory_space<vmem>>, vector<16xf32>,
          %add3A_1256 = arith.addf %add3A_1252, %get3A_1255 : vector<16xf32>
          %get3A_1257 = arith.index_cast %squeeze3A_1214 : i32 to index
          %get3A_1258 = arith.constant 32 : index
          %get3A_1259 = tpu.vector_load %arg10[%get3A_1257, %get3A_1258] {strides = array<i32>} : memref<769x64xf32, #tpu.memory_space<vmem>>, vector<16xf32>,
          %add3A_1260 = arith.addf %add3A_1192, %get3A_1259 : vector<16xf32>
          %get3A_1261 = arith.index_cast %squeeze3A_1216 : i32 to index
          %get3A_1262 = arith.constant 32 : index
          %get3A_1263 = tpu.vector_load %arg10[%get3A_1261, %get3A_1262] {strides = array<i32>} : memref<769x64xf32, #tpu.memory_space<vmem>>, vector<16xf32>,
          %add3A_1264 = arith.addf %add3A_1260, %get3A_1263 : vector<16xf32>
          %get3A_1265 = arith.index_cast %squeeze3A_1210 : i32 to index
          %get3A_1266 = arith.constant 48 : index
          %get3A_1267 = tpu.vector_load %arg10[%get3A_1265, %get3A_1266] {strides = array<i32>} : memref<769x64xf32, #tpu.memory_space<vmem>>, vector<16xf32>,
          %add3A_1268 = arith.addf %add3A_1200, %get3A_1267 : vector<16xf32>
          %get3A_1269 = arith.index_cast %squeeze3A_1212 : i32 to index
          %get3A_1270 = arith.constant 48 : index
          %get3A_1271 = tpu.vector_load %arg10[%get3A_1269, %get3A_1270] {strides = array<i32>} : memref<769x64xf32, #tpu.memory_space<vmem>>, vector<16xf32>,
          %add3A_1272 = arith.addf %add3A_1268, %get3A_1271 : vector<16xf32>
          %get3A_1273 = arith.index_cast %squeeze3A_1214 : i32 to index
          %get3A_1274 = arith.constant 48 : index
          %get3A_1275 = tpu.vector_load %arg10[%get3A_1273, %get3A_1274] {strides = array<i32>} : memref<769x64xf32, #tpu.memory_space<vmem>>, vector<16xf32>,
          %add3A_1276 = arith.addf %add3A_1208, %get3A_1275 : vector<16xf32>
          %get3A_1277 = arith.index_cast %squeeze3A_1216 : i32 to index
          %get3A_1278 = arith.constant 48 : index
          %get3A_1279 = tpu.vector_load %arg10[%get3A_1277, %get3A_1278] {strides = array<i32>} : memref<769x64xf32, #tpu.memory_space<vmem>>, vector<16xf32>,
          %add3A_1280 = arith.addf %add3A_1276, %get3A_1279 : vector<16xf32>
          %slice3A_1281 = vector.extract_strided_slice %get3A_396 {offsets = [12], sizes = [1], strides = [1]} : vector<16xi32> to vector<1xi32>
          %squeeze3A_1282 = vector.extract %slice3A_1281[0] : i32 from vector<1xi32>
          %slice3A_1283 = vector.extract_strided_slice %get3A_399 {offsets = [12], sizes = [1], strides = [1]} : vector<16xi32> to vector<1xi32>
          %squeeze3A_1284 = vector.extract %slice3A_1283[0] : i32 from vector<1xi32>
          %slice3A_1285 = vector.extract_strided_slice %get3A_402 {offsets = [12], sizes = [1], strides = [1]} : vector<16xi32> to vector<1xi32>
          %squeeze3A_1286 = vector.extract %slice3A_1285[0] : i32 from vector<1xi32>
          %slice3A_1287 = vector.extract_strided_slice %get3A_405 {offsets = [12], sizes = [1], strides = [1]} : vector<16xi32> to vector<1xi32>
          %squeeze3A_1288 = vector.extract %slice3A_1287[0] : i32 from vector<1xi32>
          %get3A_1289 = arith.index_cast %squeeze3A_1282 : i32 to index
          %get3A_1290 = arith.constant 0 : index
          %get3A_1291 = tpu.vector_load %arg10[%get3A_1289, %get3A_1290] {strides = array<i32>} : memref<769x64xf32, #tpu.memory_space<vmem>>, vector<16xf32>,
          %add3A_1292 = arith.addf %add3A_1224, %get3A_1291 : vector<16xf32>
          %get3A_1293 = arith.index_cast %squeeze3A_1284 : i32 to index
          %get3A_1294 = arith.constant 0 : index
          %get3A_1295 = tpu.vector_load %arg10[%get3A_1293, %get3A_1294] {strides = array<i32>} : memref<769x64xf32, #tpu.memory_space<vmem>>, vector<16xf32>,
          %add3A_1296 = arith.addf %add3A_1292, %get3A_1295 : vector<16xf32>
          %get3A_1297 = arith.index_cast %squeeze3A_1286 : i32 to index
          %get3A_1298 = arith.constant 0 : index
          %get3A_1299 = tpu.vector_load %arg10[%get3A_1297, %get3A_1298] {strides = array<i32>} : memref<769x64xf32, #tpu.memory_space<vmem>>, vector<16xf32>,
          %add3A_1300 = arith.addf %add3A_1232, %get3A_1299 : vector<16xf32>
          %get3A_1301 = arith.index_cast %squeeze3A_1288 : i32 to index
          %get3A_1302 = arith.constant 0 : index
          %get3A_1303 = tpu.vector_load %arg10[%get3A_1301, %get3A_1302] {strides = array<i32>} : memref<769x64xf32, #tpu.memory_space<vmem>>, vector<16xf32>,
          %add3A_1304 = arith.addf %add3A_1300, %get3A_1303 : vector<16xf32>
          %get3A_1305 = arith.index_cast %squeeze3A_1282 : i32 to index
          %get3A_1306 = arith.constant 16 : index
          %get3A_1307 = tpu.vector_load %arg10[%get3A_1305, %get3A_1306] {strides = array<i32>} : memref<769x64xf32, #tpu.memory_space<vmem>>, vector<16xf32>,
          %add3A_1308 = arith.addf %add3A_1240, %get3A_1307 : vector<16xf32>
          %get3A_1309 = arith.index_cast %squeeze3A_1284 : i32 to index
          %get3A_1310 = arith.constant 16 : index
          %get3A_1311 = tpu.vector_load %arg10[%get3A_1309, %get3A_1310] {strides = array<i32>} : memref<769x64xf32, #tpu.memory_space<vmem>>, vector<16xf32>,
          %add3A_1312 = arith.addf %add3A_1308, %get3A_1311 : vector<16xf32>
          %get3A_1313 = arith.index_cast %squeeze3A_1286 : i32 to index
          %get3A_1314 = arith.constant 16 : index
          %get3A_1315 = tpu.vector_load %arg10[%get3A_1313, %get3A_1314] {strides = array<i32>} : memref<769x64xf32, #tpu.memory_space<vmem>>, vector<16xf32>,
          %add3A_1316 = arith.addf %add3A_1248, %get3A_1315 : vector<16xf32>
          %get3A_1317 = arith.index_cast %squeeze3A_1288 : i32 to index
          %get3A_1318 = arith.constant 16 : index
          %get3A_1319 = tpu.vector_load %arg10[%get3A_1317, %get3A_1318] {strides = array<i32>} : memref<769x64xf32, #tpu.memory_space<vmem>>, vector<16xf32>,
          %add3A_1320 = arith.addf %add3A_1316, %get3A_1319 : vector<16xf32>
          %get3A_1321 = arith.index_cast %squeeze3A_1282 : i32 to index
          %get3A_1322 = arith.constant 32 : index
          %get3A_1323 = tpu.vector_load %arg10[%get3A_1321, %get3A_1322] {strides = array<i32>} : memref<769x64xf32, #tpu.memory_space<vmem>>, vector<16xf32>,
          %add3A_1324 = arith.addf %add3A_1256, %get3A_1323 : vector<16xf32>
          %get3A_1325 = arith.index_cast %squeeze3A_1284 : i32 to index
          %get3A_1326 = arith.constant 32 : index
          %get3A_1327 = tpu.vector_load %arg10[%get3A_1325, %get3A_1326] {strides = array<i32>} : memref<769x64xf32, #tpu.memory_space<vmem>>, vector<16xf32>,
          %add3A_1328 = arith.addf %add3A_1324, %get3A_1327 : vector<16xf32>
          %get3A_1329 = arith.index_cast %squeeze3A_1286 : i32 to index
          %get3A_1330 = arith.constant 32 : index
          %get3A_1331 = tpu.vector_load %arg10[%get3A_1329, %get3A_1330] {strides = array<i32>} : memref<769x64xf32, #tpu.memory_space<vmem>>, vector<16xf32>,
          %add3A_1332 = arith.addf %add3A_1264, %get3A_1331 : vector<16xf32>
          %get3A_1333 = arith.index_cast %squeeze3A_1288 : i32 to index
          %get3A_1334 = arith.constant 32 : index
          %get3A_1335 = tpu.vector_load %arg10[%get3A_1333, %get3A_1334] {strides = array<i32>} : memref<769x64xf32, #tpu.memory_space<vmem>>, vector<16xf32>,
          %add3A_1336 = arith.addf %add3A_1332, %get3A_1335 : vector<16xf32>
          %get3A_1337 = arith.index_cast %squeeze3A_1282 : i32 to index
          %get3A_1338 = arith.constant 48 : index
          %get3A_1339 = tpu.vector_load %arg10[%get3A_1337, %get3A_1338] {strides = array<i32>} : memref<769x64xf32, #tpu.memory_space<vmem>>, vector<16xf32>,
          %add3A_1340 = arith.addf %add3A_1272, %get3A_1339 : vector<16xf32>
          %get3A_1341 = arith.index_cast %squeeze3A_1284 : i32 to index
          %get3A_1342 = arith.constant 48 : index
          %get3A_1343 = tpu.vector_load %arg10[%get3A_1341, %get3A_1342] {strides = array<i32>} : memref<769x64xf32, #tpu.memory_space<vmem>>, vector<16xf32>,
          %add3A_1344 = arith.addf %add3A_1340, %get3A_1343 : vector<16xf32>
          %get3A_1345 = arith.index_cast %squeeze3A_1286 : i32 to index
          %get3A_1346 = arith.constant 48 : index
          %get3A_1347 = tpu.vector_load %arg10[%get3A_1345, %get3A_1346] {strides = array<i32>} : memref<769x64xf32, #tpu.memory_space<vmem>>, vector<16xf32>,
          %add3A_1348 = arith.addf %add3A_1280, %get3A_1347 : vector<16xf32>
          %get3A_1349 = arith.index_cast %squeeze3A_1288 : i32 to index
          %get3A_1350 = arith.constant 48 : index
          %get3A_1351 = tpu.vector_load %arg10[%get3A_1349, %get3A_1350] {strides = array<i32>} : memref<769x64xf32, #tpu.memory_space<vmem>>, vector<16xf32>,
          %add3A_1352 = arith.addf %add3A_1348, %get3A_1351 : vector<16xf32>
          %slice3A_1353 = vector.extract_strided_slice %get3A_396 {offsets = [13], sizes = [1], strides = [1]} : vector<16xi32> to vector<1xi32>
          %squeeze3A_1354 = vector.extract %slice3A_1353[0] : i32 from vector<1xi32>
          %slice3A_1355 = vector.extract_strided_slice %get3A_399 {offsets = [13], sizes = [1], strides = [1]} : vector<16xi32> to vector<1xi32>
          %squeeze3A_1356 = vector.extract %slice3A_1355[0] : i32 from vector<1xi32>
          %slice3A_1357 = vector.extract_strided_slice %get3A_402 {offsets = [13], sizes = [1], strides = [1]} : vector<16xi32> to vector<1xi32>
          %squeeze3A_1358 = vector.extract %slice3A_1357[0] : i32 from vector<1xi32>
          %slice3A_1359 = vector.extract_strided_slice %get3A_405 {offsets = [13], sizes = [1], strides = [1]} : vector<16xi32> to vector<1xi32>
          %squeeze3A_1360 = vector.extract %slice3A_1359[0] : i32 from vector<1xi32>
          %get3A_1361 = arith.index_cast %squeeze3A_1354 : i32 to index
          %get3A_1362 = arith.constant 0 : index
          %get3A_1363 = tpu.vector_load %arg10[%get3A_1361, %get3A_1362] {strides = array<i32>} : memref<769x64xf32, #tpu.memory_space<vmem>>, vector<16xf32>,
          %add3A_1364 = arith.addf %add3A_1296, %get3A_1363 : vector<16xf32>
          %get3A_1365 = arith.index_cast %squeeze3A_1356 : i32 to index
          %get3A_1366 = arith.constant 0 : index
          %get3A_1367 = tpu.vector_load %arg10[%get3A_1365, %get3A_1366] {strides = array<i32>} : memref<769x64xf32, #tpu.memory_space<vmem>>, vector<16xf32>,
          %add3A_1368 = arith.addf %add3A_1364, %get3A_1367 : vector<16xf32>
          %get3A_1369 = arith.index_cast %squeeze3A_1358 : i32 to index
          %get3A_1370 = arith.constant 0 : index
          %get3A_1371 = tpu.vector_load %arg10[%get3A_1369, %get3A_1370] {strides = array<i32>} : memref<769x64xf32, #tpu.memory_space<vmem>>, vector<16xf32>,
          %add3A_1372 = arith.addf %add3A_1304, %get3A_1371 : vector<16xf32>
          %get3A_1373 = arith.index_cast %squeeze3A_1360 : i32 to index
          %get3A_1374 = arith.constant 0 : index
          %get3A_1375 = tpu.vector_load %arg10[%get3A_1373, %get3A_1374] {strides = array<i32>} : memref<769x64xf32, #tpu.memory_space<vmem>>, vector<16xf32>,
          %add3A_1376 = arith.addf %add3A_1372, %get3A_1375 : vector<16xf32>
          %get3A_1377 = arith.index_cast %squeeze3A_1354 : i32 to index
          %get3A_1378 = arith.constant 16 : index
          %get3A_1379 = tpu.vector_load %arg10[%get3A_1377, %get3A_1378] {strides = array<i32>} : memref<769x64xf32, #tpu.memory_space<vmem>>, vector<16xf32>,
          %add3A_1380 = arith.addf %add3A_1312, %get3A_1379 : vector<16xf32>
          %get3A_1381 = arith.index_cast %squeeze3A_1356 : i32 to index
          %get3A_1382 = arith.constant 16 : index
          %get3A_1383 = tpu.vector_load %arg10[%get3A_1381, %get3A_1382] {strides = array<i32>} : memref<769x64xf32, #tpu.memory_space<vmem>>, vector<16xf32>,
          %add3A_1384 = arith.addf %add3A_1380, %get3A_1383 : vector<16xf32>
          %get3A_1385 = arith.index_cast %squeeze3A_1358 : i32 to index
          %get3A_1386 = arith.constant 16 : index
          %get3A_1387 = tpu.vector_load %arg10[%get3A_1385, %get3A_1386] {strides = array<i32>} : memref<769x64xf32, #tpu.memory_space<vmem>>, vector<16xf32>,
          %add3A_1388 = arith.addf %add3A_1320, %get3A_1387 : vector<16xf32>
          %get3A_1389 = arith.index_cast %squeeze3A_1360 : i32 to index
          %get3A_1390 = arith.constant 16 : index
          %get3A_1391 = tpu.vector_load %arg10[%get3A_1389, %get3A_1390] {strides = array<i32>} : memref<769x64xf32, #tpu.memory_space<vmem>>, vector<16xf32>,
          %add3A_1392 = arith.addf %add3A_1388, %get3A_1391 : vector<16xf32>
          %get3A_1393 = arith.index_cast %squeeze3A_1354 : i32 to index
          %get3A_1394 = arith.constant 32 : index
          %get3A_1395 = tpu.vector_load %arg10[%get3A_1393, %get3A_1394] {strides = array<i32>} : memref<769x64xf32, #tpu.memory_space<vmem>>, vector<16xf32>,
          %add3A_1396 = arith.addf %add3A_1328, %get3A_1395 : vector<16xf32>
          %get3A_1397 = arith.index_cast %squeeze3A_1356 : i32 to index
          %get3A_1398 = arith.constant 32 : index
          %get3A_1399 = tpu.vector_load %arg10[%get3A_1397, %get3A_1398] {strides = array<i32>} : memref<769x64xf32, #tpu.memory_space<vmem>>, vector<16xf32>,
          %add3A_1400 = arith.addf %add3A_1396, %get3A_1399 : vector<16xf32>
          %get3A_1401 = arith.index_cast %squeeze3A_1358 : i32 to index
          %get3A_1402 = arith.constant 32 : index
          %get3A_1403 = tpu.vector_load %arg10[%get3A_1401, %get3A_1402] {strides = array<i32>} : memref<769x64xf32, #tpu.memory_space<vmem>>, vector<16xf32>,
          %add3A_1404 = arith.addf %add3A_1336, %get3A_1403 : vector<16xf32>
          %get3A_1405 = arith.index_cast %squeeze3A_1360 : i32 to index
          %get3A_1406 = arith.constant 32 : index
          %get3A_1407 = tpu.vector_load %arg10[%get3A_1405, %get3A_1406] {strides = array<i32>} : memref<769x64xf32, #tpu.memory_space<vmem>>, vector<16xf32>,
          %add3A_1408 = arith.addf %add3A_1404, %get3A_1407 : vector<16xf32>
          %get3A_1409 = arith.index_cast %squeeze3A_1354 : i32 to index
          %get3A_1410 = arith.constant 48 : index
          %get3A_1411 = tpu.vector_load %arg10[%get3A_1409, %get3A_1410] {strides = array<i32>} : memref<769x64xf32, #tpu.memory_space<vmem>>, vector<16xf32>,
          %add3A_1412 = arith.addf %add3A_1344, %get3A_1411 : vector<16xf32>
          %get3A_1413 = arith.index_cast %squeeze3A_1356 : i32 to index
          %get3A_1414 = arith.constant 48 : index
          %get3A_1415 = tpu.vector_load %arg10[%get3A_1413, %get3A_1414] {strides = array<i32>} : memref<769x64xf32, #tpu.memory_space<vmem>>, vector<16xf32>,
          %add3A_1416 = arith.addf %add3A_1412, %get3A_1415 : vector<16xf32>
          %get3A_1417 = arith.index_cast %squeeze3A_1358 : i32 to index
          %get3A_1418 = arith.constant 48 : index
          %get3A_1419 = tpu.vector_load %arg10[%get3A_1417, %get3A_1418] {strides = array<i32>} : memref<769x64xf32, #tpu.memory_space<vmem>>, vector<16xf32>,
          %add3A_1420 = arith.addf %add3A_1352, %get3A_1419 : vector<16xf32>
          %get3A_1421 = arith.index_cast %squeeze3A_1360 : i32 to index
          %get3A_1422 = arith.constant 48 : index
          %get3A_1423 = tpu.vector_load %arg10[%get3A_1421, %get3A_1422] {strides = array<i32>} : memref<769x64xf32, #tpu.memory_space<vmem>>, vector<16xf32>,
          %add3A_1424 = arith.addf %add3A_1420, %get3A_1423 : vector<16xf32>
          %slice3A_1425 = vector.extract_strided_slice %get3A_396 {offsets = [14], sizes = [1], strides = [1]} : vector<16xi32> to vector<1xi32>
          %squeeze3A_1426 = vector.extract %slice3A_1425[0] : i32 from vector<1xi32>
          %slice3A_1427 = vector.extract_strided_slice %get3A_399 {offsets = [14], sizes = [1], strides = [1]} : vector<16xi32> to vector<1xi32>
          %squeeze3A_1428 = vector.extract %slice3A_1427[0] : i32 from vector<1xi32>
          %slice3A_1429 = vector.extract_strided_slice %get3A_402 {offsets = [14], sizes = [1], strides = [1]} : vector<16xi32> to vector<1xi32>
          %squeeze3A_1430 = vector.extract %slice3A_1429[0] : i32 from vector<1xi32>
          %slice3A_1431 = vector.extract_strided_slice %get3A_405 {offsets = [14], sizes = [1], strides = [1]} : vector<16xi32> to vector<1xi32>
          %squeeze3A_1432 = vector.extract %slice3A_1431[0] : i32 from vector<1xi32>
          %get3A_1433 = arith.index_cast %squeeze3A_1426 : i32 to index
          %get3A_1434 = arith.constant 0 : index
          %get3A_1435 = tpu.vector_load %arg10[%get3A_1433, %get3A_1434] {strides = array<i32>} : memref<769x64xf32, #tpu.memory_space<vmem>>, vector<16xf32>,
          %add3A_1436 = arith.addf %add3A_1368, %get3A_1435 : vector<16xf32>
          %get3A_1437 = arith.index_cast %squeeze3A_1428 : i32 to index
          %get3A_1438 = arith.constant 0 : index
          %get3A_1439 = tpu.vector_load %arg10[%get3A_1437, %get3A_1438] {strides = array<i32>} : memref<769x64xf32, #tpu.memory_space<vmem>>, vector<16xf32>,
          %add3A_1440 = arith.addf %add3A_1436, %get3A_1439 : vector<16xf32>
          %get3A_1441 = arith.index_cast %squeeze3A_1430 : i32 to index
          %get3A_1442 = arith.constant 0 : index
          %get3A_1443 = tpu.vector_load %arg10[%get3A_1441, %get3A_1442] {strides = array<i32>} : memref<769x64xf32, #tpu.memory_space<vmem>>, vector<16xf32>,
          %add3A_1444 = arith.addf %add3A_1376, %get3A_1443 : vector<16xf32>
          %get3A_1445 = arith.index_cast %squeeze3A_1432 : i32 to index
          %get3A_1446 = arith.constant 0 : index
          %get3A_1447 = tpu.vector_load %arg10[%get3A_1445, %get3A_1446] {strides = array<i32>} : memref<769x64xf32, #tpu.memory_space<vmem>>, vector<16xf32>,
          %add3A_1448 = arith.addf %add3A_1444, %get3A_1447 : vector<16xf32>
          %get3A_1449 = arith.index_cast %squeeze3A_1426 : i32 to index
          %get3A_1450 = arith.constant 16 : index
          %get3A_1451 = tpu.vector_load %arg10[%get3A_1449, %get3A_1450] {strides = array<i32>} : memref<769x64xf32, #tpu.memory_space<vmem>>, vector<16xf32>,
          %add3A_1452 = arith.addf %add3A_1384, %get3A_1451 : vector<16xf32>
          %get3A_1453 = arith.index_cast %squeeze3A_1428 : i32 to index
          %get3A_1454 = arith.constant 16 : index
          %get3A_1455 = tpu.vector_load %arg10[%get3A_1453, %get3A_1454] {strides = array<i32>} : memref<769x64xf32, #tpu.memory_space<vmem>>, vector<16xf32>,
          %add3A_1456 = arith.addf %add3A_1452, %get3A_1455 : vector<16xf32>
          %get3A_1457 = arith.index_cast %squeeze3A_1430 : i32 to index
          %get3A_1458 = arith.constant 16 : index
          %get3A_1459 = tpu.vector_load %arg10[%get3A_1457, %get3A_1458] {strides = array<i32>} : memref<769x64xf32, #tpu.memory_space<vmem>>, vector<16xf32>,
          %add3A_1460 = arith.addf %add3A_1392, %get3A_1459 : vector<16xf32>
          %get3A_1461 = arith.index_cast %squeeze3A_1432 : i32 to index
          %get3A_1462 = arith.constant 16 : index
          %get3A_1463 = tpu.vector_load %arg10[%get3A_1461, %get3A_1462] {strides = array<i32>} : memref<769x64xf32, #tpu.memory_space<vmem>>, vector<16xf32>,
          %add3A_1464 = arith.addf %add3A_1460, %get3A_1463 : vector<16xf32>
          %get3A_1465 = arith.index_cast %squeeze3A_1426 : i32 to index
          %get3A_1466 = arith.constant 32 : index
          %get3A_1467 = tpu.vector_load %arg10[%get3A_1465, %get3A_1466] {strides = array<i32>} : memref<769x64xf32, #tpu.memory_space<vmem>>, vector<16xf32>,
          %add3A_1468 = arith.addf %add3A_1400, %get3A_1467 : vector<16xf32>
          %get3A_1469 = arith.index_cast %squeeze3A_1428 : i32 to index
          %get3A_1470 = arith.constant 32 : index
          %get3A_1471 = tpu.vector_load %arg10[%get3A_1469, %get3A_1470] {strides = array<i32>} : memref<769x64xf32, #tpu.memory_space<vmem>>, vector<16xf32>,
          %add3A_1472 = arith.addf %add3A_1468, %get3A_1471 : vector<16xf32>
          %get3A_1473 = arith.index_cast %squeeze3A_1430 : i32 to index
          %get3A_1474 = arith.constant 32 : index
          %get3A_1475 = tpu.vector_load %arg10[%get3A_1473, %get3A_1474] {strides = array<i32>} : memref<769x64xf32, #tpu.memory_space<vmem>>, vector<16xf32>,
          %add3A_1476 = arith.addf %add3A_1408, %get3A_1475 : vector<16xf32>
          %get3A_1477 = arith.index_cast %squeeze3A_1432 : i32 to index
          %get3A_1478 = arith.constant 32 : index
          %get3A_1479 = tpu.vector_load %arg10[%get3A_1477, %get3A_1478] {strides = array<i32>} : memref<769x64xf32, #tpu.memory_space<vmem>>, vector<16xf32>,
          %add3A_1480 = arith.addf %add3A_1476, %get3A_1479 : vector<16xf32>
          %get3A_1481 = arith.index_cast %squeeze3A_1426 : i32 to index
          %get3A_1482 = arith.constant 48 : index
          %get3A_1483 = tpu.vector_load %arg10[%get3A_1481, %get3A_1482] {strides = array<i32>} : memref<769x64xf32, #tpu.memory_space<vmem>>, vector<16xf32>,
          %add3A_1484 = arith.addf %add3A_1416, %get3A_1483 : vector<16xf32>
          %get3A_1485 = arith.index_cast %squeeze3A_1428 : i32 to index
          %get3A_1486 = arith.constant 48 : index
          %get3A_1487 = tpu.vector_load %arg10[%get3A_1485, %get3A_1486] {strides = array<i32>} : memref<769x64xf32, #tpu.memory_space<vmem>>, vector<16xf32>,
          %add3A_1488 = arith.addf %add3A_1484, %get3A_1487 : vector<16xf32>
          %get3A_1489 = arith.index_cast %squeeze3A_1430 : i32 to index
          %get3A_1490 = arith.constant 48 : index
          %get3A_1491 = tpu.vector_load %arg10[%get3A_1489, %get3A_1490] {strides = array<i32>} : memref<769x64xf32, #tpu.memory_space<vmem>>, vector<16xf32>,
          %add3A_1492 = arith.addf %add3A_1424, %get3A_1491 : vector<16xf32>
          %get3A_1493 = arith.index_cast %squeeze3A_1432 : i32 to index
          %get3A_1494 = arith.constant 48 : index
          %get3A_1495 = tpu.vector_load %arg10[%get3A_1493, %get3A_1494] {strides = array<i32>} : memref<769x64xf32, #tpu.memory_space<vmem>>, vector<16xf32>,
          %add3A_1496 = arith.addf %add3A_1492, %get3A_1495 : vector<16xf32>
          %slice3A_1497 = vector.extract_strided_slice %get3A_396 {offsets = [15], sizes = [1], strides = [1]} : vector<16xi32> to vector<1xi32>
          %squeeze3A_1498 = vector.extract %slice3A_1497[0] : i32 from vector<1xi32>
          %slice3A_1499 = vector.extract_strided_slice %get3A_399 {offsets = [15], sizes = [1], strides = [1]} : vector<16xi32> to vector<1xi32>
          %squeeze3A_1500 = vector.extract %slice3A_1499[0] : i32 from vector<1xi32>
          %slice3A_1501 = vector.extract_strided_slice %get3A_402 {offsets = [15], sizes = [1], strides = [1]} : vector<16xi32> to vector<1xi32>
          %squeeze3A_1502 = vector.extract %slice3A_1501[0] : i32 from vector<1xi32>
          %slice3A_1503 = vector.extract_strided_slice %get3A_405 {offsets = [15], sizes = [1], strides = [1]} : vector<16xi32> to vector<1xi32>
          %squeeze3A_1504 = vector.extract %slice3A_1503[0] : i32 from vector<1xi32>
          %get3A_1505 = arith.index_cast %squeeze3A_1498 : i32 to index
          %get3A_1506 = arith.constant 0 : index
          %get3A_1507 = tpu.vector_load %arg10[%get3A_1505, %get3A_1506] {strides = array<i32>} : memref<769x64xf32, #tpu.memory_space<vmem>>, vector<16xf32>,
          %add3A_1508 = arith.addf %add3A_1440, %get3A_1507 : vector<16xf32>
          %get3A_1509 = arith.index_cast %squeeze3A_1500 : i32 to index
          %get3A_1510 = arith.constant 0 : index
          %get3A_1511 = tpu.vector_load %arg10[%get3A_1509, %get3A_1510] {strides = array<i32>} : memref<769x64xf32, #tpu.memory_space<vmem>>, vector<16xf32>,
          %add3A_1512 = arith.addf %add3A_1508, %get3A_1511 : vector<16xf32>
          %get3A_1513 = arith.index_cast %squeeze3A_1502 : i32 to index
          %get3A_1514 = arith.constant 0 : index
          %get3A_1515 = tpu.vector_load %arg10[%get3A_1513, %get3A_1514] {strides = array<i32>} : memref<769x64xf32, #tpu.memory_space<vmem>>, vector<16xf32>,
          %add3A_1516 = arith.addf %add3A_1448, %get3A_1515 : vector<16xf32>
          %get3A_1517 = arith.index_cast %squeeze3A_1504 : i32 to index
          %get3A_1518 = arith.constant 0 : index
          %get3A_1519 = tpu.vector_load %arg10[%get3A_1517, %get3A_1518] {strides = array<i32>} : memref<769x64xf32, #tpu.memory_space<vmem>>, vector<16xf32>,
          %add3A_1520 = arith.addf %add3A_1516, %get3A_1519 : vector<16xf32>
          %get3A_1521 = arith.index_cast %squeeze3A_1498 : i32 to index
          %get3A_1522 = arith.constant 16 : index
          %get3A_1523 = tpu.vector_load %arg10[%get3A_1521, %get3A_1522] {strides = array<i32>} : memref<769x64xf32, #tpu.memory_space<vmem>>, vector<16xf32>,
          %add3A_1524 = arith.addf %add3A_1456, %get3A_1523 : vector<16xf32>
          %get3A_1525 = arith.index_cast %squeeze3A_1500 : i32 to index
          %get3A_1526 = arith.constant 16 : index
          %get3A_1527 = tpu.vector_load %arg10[%get3A_1525, %get3A_1526] {strides = array<i32>} : memref<769x64xf32, #tpu.memory_space<vmem>>, vector<16xf32>,
          %add3A_1528 = arith.addf %add3A_1524, %get3A_1527 : vector<16xf32>
          %get3A_1529 = arith.index_cast %squeeze3A_1502 : i32 to index
          %get3A_1530 = arith.constant 16 : index
          %get3A_1531 = tpu.vector_load %arg10[%get3A_1529, %get3A_1530] {strides = array<i32>} : memref<769x64xf32, #tpu.memory_space<vmem>>, vector<16xf32>,
          %add3A_1532 = arith.addf %add3A_1464, %get3A_1531 : vector<16xf32>
          %get3A_1533 = arith.index_cast %squeeze3A_1504 : i32 to index
          %get3A_1534 = arith.constant 16 : index
          %get3A_1535 = tpu.vector_load %arg10[%get3A_1533, %get3A_1534] {strides = array<i32>} : memref<769x64xf32, #tpu.memory_space<vmem>>, vector<16xf32>,
          %add3A_1536 = arith.addf %add3A_1532, %get3A_1535 : vector<16xf32>
          %get3A_1537 = arith.index_cast %squeeze3A_1498 : i32 to index
          %get3A_1538 = arith.constant 32 : index
          %get3A_1539 = tpu.vector_load %arg10[%get3A_1537, %get3A_1538] {strides = array<i32>} : memref<769x64xf32, #tpu.memory_space<vmem>>, vector<16xf32>,
          %add3A_1540 = arith.addf %add3A_1472, %get3A_1539 : vector<16xf32>
          %get3A_1541 = arith.index_cast %squeeze3A_1500 : i32 to index
          %get3A_1542 = arith.constant 32 : index
          %get3A_1543 = tpu.vector_load %arg10[%get3A_1541, %get3A_1542] {strides = array<i32>} : memref<769x64xf32, #tpu.memory_space<vmem>>, vector<16xf32>,
          %add3A_1544 = arith.addf %add3A_1540, %get3A_1543 : vector<16xf32>
          %get3A_1545 = arith.index_cast %squeeze3A_1502 : i32 to index
          %get3A_1546 = arith.constant 32 : index
          %get3A_1547 = tpu.vector_load %arg10[%get3A_1545, %get3A_1546] {strides = array<i32>} : memref<769x64xf32, #tpu.memory_space<vmem>>, vector<16xf32>,
          %add3A_1548 = arith.addf %add3A_1480, %get3A_1547 : vector<16xf32>
          %get3A_1549 = arith.index_cast %squeeze3A_1504 : i32 to index
          %get3A_1550 = arith.constant 32 : index
          %get3A_1551 = tpu.vector_load %arg10[%get3A_1549, %get3A_1550] {strides = array<i32>} : memref<769x64xf32, #tpu.memory_space<vmem>>, vector<16xf32>,
          %add3A_1552 = arith.addf %add3A_1548, %get3A_1551 : vector<16xf32>
          %get3A_1553 = arith.index_cast %squeeze3A_1498 : i32 to index
          %get3A_1554 = arith.constant 48 : index
          %get3A_1555 = tpu.vector_load %arg10[%get3A_1553, %get3A_1554] {strides = array<i32>} : memref<769x64xf32, #tpu.memory_space<vmem>>, vector<16xf32>,
          %add3A_1556 = arith.addf %add3A_1488, %get3A_1555 : vector<16xf32>
          %get3A_1557 = arith.index_cast %squeeze3A_1500 : i32 to index
          %get3A_1558 = arith.constant 48 : index
          %get3A_1559 = tpu.vector_load %arg10[%get3A_1557, %get3A_1558] {strides = array<i32>} : memref<769x64xf32, #tpu.memory_space<vmem>>, vector<16xf32>,
          %add3A_1560 = arith.addf %add3A_1556, %get3A_1559 : vector<16xf32>
          %get3A_1561 = arith.index_cast %squeeze3A_1502 : i32 to index
          %get3A_1562 = arith.constant 48 : index
          %get3A_1563 = tpu.vector_load %arg10[%get3A_1561, %get3A_1562] {strides = array<i32>} : memref<769x64xf32, #tpu.memory_space<vmem>>, vector<16xf32>,
          %add3A_1564 = arith.addf %add3A_1496, %get3A_1563 : vector<16xf32>
          %get3A_1565 = arith.index_cast %squeeze3A_1504 : i32 to index
          %get3A_1566 = arith.constant 48 : index
          %get3A_1567 = tpu.vector_load %arg10[%get3A_1565, %get3A_1566] {strides = array<i32>} : memref<769x64xf32, #tpu.memory_space<vmem>>, vector<16xf32>,
          %add3A_1568 = arith.addf %add3A_1564, %get3A_1567 : vector<16xf32>
          %add3A_1569 = arith.addf %add3A_1512, %get3A_25 : vector<16xf32>
          %jit3A_1570 = arith.constant 0.000000e+00 : f32
          %jit3A_1571 = arith.constant 1.000000e+00 : f32
          %max3A_1572 = vector.broadcast %jit3A_1570 : f32 to vector<16xf32>
          %max3A_1573 = arith.maximumf %max3A_1572, %add3A_1569 : vector<16xf32>
          %min3A = vector.broadcast %jit3A_1571 : f32 to vector<16xf32>
          %min3A_1574 = arith.minimumf %min3A, %max3A_1573 : vector<16xf32>
          %add3A_1575 = arith.addf %add3A_1520, %get3A_25 : vector<16xf32>
          %jit3A_1576 = arith.constant 0.000000e+00 : f32
          %jit3A_1577 = arith.constant 1.000000e+00 : f32
          %max3A_1578 = vector.broadcast %jit3A_1576 : f32 to vector<16xf32>
          %max3A_1579 = arith.maximumf %max3A_1578, %add3A_1575 : vector<16xf32>
          %min3A_1580 = vector.broadcast %jit3A_1577 : f32 to vector<16xf32>
          %min3A_1581 = arith.minimumf %min3A_1580, %max3A_1579 : vector<16xf32>
          %mul3A_1582 = arith.mulf %min3A_1574, %min3A_1574 : vector<16xf32>
          %get3A_1583 = arith.index_cast %squeeze3A : i32 to index
          %get3A_1584 = arith.constant 0 : index
          %get3A_1585 = tpu.vector_load %arg13[%get3A_1583, %get3A_1584] {strides = array<i32>} : memref<8x64xf32, #tpu.memory_space<vmem>>, vector<16xf32>,
          %mul3A_1586 = arith.mulf %mul3A_1582, %get3A_1585 : vector<16xf32>
          %add3A_1587 = arith.addf %broadcast_in_dim3A_22, %mul3A_1586 : vector<16xf32>
          %mul3A_1588 = arith.mulf %min3A_1581, %min3A_1581 : vector<16xf32>
          %get3A_1589 = arith.index_cast %squeeze3A : i32 to index
          %get3A_1590 = arith.constant 0 : index
          %get3A_1591 = tpu.vector_load %arg14[%get3A_1589, %get3A_1590] {strides = array<i32>} : memref<8x64xf32, #tpu.memory_space<vmem>>, vector<16xf32>,
          %mul3A_1592 = arith.mulf %mul3A_1588, %get3A_1591 : vector<16xf32>
          %add3A_1593 = arith.addf %add3A_1587, %mul3A_1592 : vector<16xf32>
          %add3A_1594 = arith.addf %add3A_1528, %get3A_27 : vector<16xf32>
          %jit3A_1595 = arith.constant 0.000000e+00 : f32
          %jit3A_1596 = arith.constant 1.000000e+00 : f32
          %max3A_1597 = vector.broadcast %jit3A_1595 : f32 to vector<16xf32>
          %max3A_1598 = arith.maximumf %max3A_1597, %add3A_1594 : vector<16xf32>
          %min3A_1599 = vector.broadcast %jit3A_1596 : f32 to vector<16xf32>
          %min3A_1600 = arith.minimumf %min3A_1599, %max3A_1598 : vector<16xf32>
          %add3A_1601 = arith.addf %add3A_1536, %get3A_27 : vector<16xf32>
          %jit3A_1602 = arith.constant 0.000000e+00 : f32
          %jit3A_1603 = arith.constant 1.000000e+00 : f32
          %max3A_1604 = vector.broadcast %jit3A_1602 : f32 to vector<16xf32>
          %max3A_1605 = arith.maximumf %max3A_1604, %add3A_1601 : vector<16xf32>
          %min3A_1606 = vector.broadcast %jit3A_1603 : f32 to vector<16xf32>
          %min3A_1607 = arith.minimumf %min3A_1606, %max3A_1605 : vector<16xf32>
          %mul3A_1608 = arith.mulf %min3A_1600, %min3A_1600 : vector<16xf32>
          %get3A_1609 = arith.index_cast %squeeze3A : i32 to index
          %get3A_1610 = arith.constant 16 : index
          %get3A_1611 = tpu.vector_load %arg13[%get3A_1609, %get3A_1610] {strides = array<i32>} : memref<8x64xf32, #tpu.memory_space<vmem>>, vector<16xf32>,
          %mul3A_1612 = arith.mulf %mul3A_1608, %get3A_1611 : vector<16xf32>
          %add3A_1613 = arith.addf %add3A_1593, %mul3A_1612 : vector<16xf32>
          %mul3A_1614 = arith.mulf %min3A_1607, %min3A_1607 : vector<16xf32>
          %get3A_1615 = arith.index_cast %squeeze3A : i32 to index
          %get3A_1616 = arith.constant 16 : index
          %get3A_1617 = tpu.vector_load %arg14[%get3A_1615, %get3A_1616] {strides = array<i32>} : memref<8x64xf32, #tpu.memory_space<vmem>>, vector<16xf32>,
          %mul3A_1618 = arith.mulf %mul3A_1614, %get3A_1617 : vector<16xf32>
          %add3A_1619 = arith.addf %add3A_1613, %mul3A_1618 : vector<16xf32>
          %add3A_1620 = arith.addf %add3A_1544, %get3A_29 : vector<16xf32>
          %jit3A_1621 = arith.constant 0.000000e+00 : f32
          %jit3A_1622 = arith.constant 1.000000e+00 : f32
          %max3A_1623 = vector.broadcast %jit3A_1621 : f32 to vector<16xf32>
          %max3A_1624 = arith.maximumf %max3A_1623, %add3A_1620 : vector<16xf32>
          %min3A_1625 = vector.broadcast %jit3A_1622 : f32 to vector<16xf32>
          %min3A_1626 = arith.minimumf %min3A_1625, %max3A_1624 : vector<16xf32>
          %add3A_1627 = arith.addf %add3A_1552, %get3A_29 : vector<16xf32>
          %jit3A_1628 = arith.constant 0.000000e+00 : f32
          %jit3A_1629 = arith.constant 1.000000e+00 : f32
          %max3A_1630 = vector.broadcast %jit3A_1628 : f32 to vector<16xf32>
          %max3A_1631 = arith.maximumf %max3A_1630, %add3A_1627 : vector<16xf32>
          %min3A_1632 = vector.broadcast %jit3A_1629 : f32 to vector<16xf32>
          %min3A_1633 = arith.minimumf %min3A_1632, %max3A_1631 : vector<16xf32>
          %mul3A_1634 = arith.mulf %min3A_1626, %min3A_1626 : vector<16xf32>
          %get3A_1635 = arith.index_cast %squeeze3A : i32 to index
          %get3A_1636 = arith.constant 32 : index
          %get3A_1637 = tpu.vector_load %arg13[%get3A_1635, %get3A_1636] {strides = array<i32>} : memref<8x64xf32, #tpu.memory_space<vmem>>, vector<16xf32>,
          %mul3A_1638 = arith.mulf %mul3A_1634, %get3A_1637 : vector<16xf32>
          %add3A_1639 = arith.addf %add3A_1619, %mul3A_1638 : vector<16xf32>
          %mul3A_1640 = arith.mulf %min3A_1633, %min3A_1633 : vector<16xf32>
          %get3A_1641 = arith.index_cast %squeeze3A : i32 to index
          %get3A_1642 = arith.constant 32 : index
          %get3A_1643 = tpu.vector_load %arg14[%get3A_1641, %get3A_1642] {strides = array<i32>} : memref<8x64xf32, #tpu.memory_space<vmem>>, vector<16xf32>,
          %mul3A_1644 = arith.mulf %mul3A_1640, %get3A_1643 : vector<16xf32>
          %add3A_1645 = arith.addf %add3A_1639, %mul3A_1644 : vector<16xf32>
          %add3A_1646 = arith.addf %add3A_1560, %get3A_31 : vector<16xf32>
          %jit3A_1647 = arith.constant 0.000000e+00 : f32
          %jit3A_1648 = arith.constant 1.000000e+00 : f32
          %max3A_1649 = vector.broadcast %jit3A_1647 : f32 to vector<16xf32>
          %max3A_1650 = arith.maximumf %max3A_1649, %add3A_1646 : vector<16xf32>
          %min3A_1651 = vector.broadcast %jit3A_1648 : f32 to vector<16xf32>
          %min3A_1652 = arith.minimumf %min3A_1651, %max3A_1650 : vector<16xf32>
          %add3A_1653 = arith.addf %add3A_1568, %get3A_31 : vector<16xf32>
          %jit3A_1654 = arith.constant 0.000000e+00 : f32
          %jit3A_1655 = arith.constant 1.000000e+00 : f32
          %max3A_1656 = vector.broadcast %jit3A_1654 : f32 to vector<16xf32>
          %max3A_1657 = arith.maximumf %max3A_1656, %add3A_1653 : vector<16xf32>
          %min3A_1658 = vector.broadcast %jit3A_1655 : f32 to vector<16xf32>
          %min3A_1659 = arith.minimumf %min3A_1658, %max3A_1657 : vector<16xf32>
          %mul3A_1660 = arith.mulf %min3A_1652, %min3A_1652 : vector<16xf32>
          %get3A_1661 = arith.index_cast %squeeze3A : i32 to index
          %get3A_1662 = arith.constant 48 : index
          %get3A_1663 = tpu.vector_load %arg13[%get3A_1661, %get3A_1662] {strides = array<i32>} : memref<8x64xf32, #tpu.memory_space<vmem>>, vector<16xf32>,
          %mul3A_1664 = arith.mulf %mul3A_1660, %get3A_1663 : vector<16xf32>
          %add3A_1665 = arith.addf %add3A_1645, %mul3A_1664 : vector<16xf32>
          %mul3A_1666 = arith.mulf %min3A_1659, %min3A_1659 : vector<16xf32>
          %get3A_1667 = arith.index_cast %squeeze3A : i32 to index
          %get3A_1668 = arith.constant 48 : index
          %get3A_1669 = tpu.vector_load %arg14[%get3A_1667, %get3A_1668] {strides = array<i32>} : memref<8x64xf32, #tpu.memory_space<vmem>>, vector<16xf32>,
          %mul3A_1670 = arith.mulf %mul3A_1666, %get3A_1669 : vector<16xf32>
          %add3A_1671 = arith.addf %add3A_1665, %mul3A_1670 : vector<16xf32>
          %eq3A_1672 = arith.cmpi eq, %iota3A, %max3A : vector<16xi32>
          %select_n3A_1673 = arith.select %eq3A_1672, %get3A_23, %broadcast_in_dim3A_22 : vector<16xi1>, vector<16xf32>
          %reduce_sum3A = arith.constant true
          %reduce_sum3A_1674 = vector.broadcast %reduce_sum3A : i1 to vector<16xi1>
          %reduce_sum3A_1675 = tpu.scan <sum>, %select_n3A_1673 masked %reduce_sum3A_1674 : vector<16xf32>, vector<16xi1> -> vector<16xf32>
          %reduce_sum3A_1676 = vector.extract %reduce_sum3A_1675[15] : f32 from vector<16xf32>
          %reduce_sum3A_1677 = arith.constant true
          %reduce_sum3A_1678 = vector.broadcast %reduce_sum3A_1677 : i1 to vector<16xi1>
          %reduce_sum3A_1679 = tpu.scan <sum>, %add3A_1671 masked %reduce_sum3A_1678 : vector<16xf32>, vector<16xi1> -> vector<16xf32>
          %reduce_sum3A_1680 = vector.extract %reduce_sum3A_1679[15] : f32 from vector<16xf32>
          %mul3A_1681 = arith.mulf %select_n3A, %reduce_sum3A_1676 : f32
          %add3A_1682 = arith.addf %reduce_sum3A_1680, %mul3A_1681 : f32
          %eq3A_1683 = vector.broadcast %scan3A_389 : i32 to vector<16xi32>
          %eq3A_1684 = arith.cmpi eq, %iota3A, %eq3A_1683 : vector<16xi32>
          %broadcast_in_dim3A_1685 = vector.broadcast %add3A_1682 : f32 to vector<16xf32>
          %select_n3A_1686 = arith.select %eq3A_1684, %broadcast_in_dim3A_1685, %scan3A_390 : vector<16xi1>, vector<16xf32>
          scf.yield %select_n3A_1686 : vector<16xf32>
        }
        %scan3A_381 = arith.constant 16 : i32
        %mul3A_382 = arith.constant 512 : i32
        %mul3A_383 = arith.muli %scan3A_365, %mul3A_382 : i32
        %mul3A_384 = arith.constant 16 : i32
        %mul3A_385 = arith.muli %scan3A_375, %mul3A_384 : i32
        %add3A_386 = arith.addi %mul3A_383, %mul3A_385 : i32
        %swap3A_387 = arith.index_cast %add3A_386 : i32 to index
        %swap3A_388 = tpu.vector_load %arg17[%swap3A_387] {strides = array<i32>} : memref<1024xf32, #tpu.memory_space<vmem>>, vector<16xf32>,
        tpu.vector_store %arg17[%swap3A_387], %scan3A_380 {strides = array<i32>} : memref<1024xf32, #tpu.memory_space<vmem>>, vector<16xf32>,
      }
      %scan3A_374 = arith.constant 32 : i32
    }
    %scan3A_36 = arith.constant 2 : i32
    "tpu.region"() ({
      %run_scoped3A = tpu.sem_alloc : memref<!tpu.dma_semaphore, #tpu.memory_space<semaphore_mem>>
      %dma_start3A = arith.constant 0 : i32
      %dma_start3A_365 = tpu.memref_slice %arg20[%arg1, %dma_start3A] : memref<16x1024xf32, #tpu.memory_space<vmem_shared>> -> memref<1x1024xf32, #tpu.memory_space<vmem_shared>>
      %dma_start3A_366 = tpu.memref_squeeze %dma_start3A_365 : memref<1x1024xf32, #tpu.memory_space<vmem_shared>> -> memref<1024xf32, #tpu.memory_space<vmem_shared>>
      %dma_start3A_367 = arith.constant 0 : i32
      %dma_start3A_368 = tpu.memref_slice %arg20[%arg1, %dma_start3A_367] : memref<16x1024xf32, #tpu.memory_space<vmem_shared>> -> memref<1x1024xf32, #tpu.memory_space<vmem_shared>>
      %dma_start3A_369 = tpu.memref_squeeze %dma_start3A_368 : memref<1x1024xf32, #tpu.memory_space<vmem_shared>> -> memref<1024xf32, #tpu.memory_space<vmem_shared>>
      tpu.enqueue_dma source(%arg17 : memref<1024xf32, #tpu.memory_space<vmem>>) target(%dma_start3A_369 : memref<1024xf32, #tpu.memory_space<vmem_shared>>) target_semaphore(%run_scoped3A : memref<!tpu.dma_semaphore, #tpu.memory_space<semaphore_mem>>)
      %dma_wait3A = arith.constant 0 : i32
      %dma_wait3A_370 = tpu.memref_slice %arg20[%arg1, %dma_wait3A] : memref<16x1024xf32, #tpu.memory_space<vmem_shared>> -> memref<1x1024xf32, #tpu.memory_space<vmem_shared>>
      %dma_wait3A_371 = tpu.memref_squeeze %dma_wait3A_370 : memref<1x1024xf32, #tpu.memory_space<vmem_shared>> -> memref<1024xf32, #tpu.memory_space<vmem_shared>>
      %dma_wait3A_372 = arith.constant 0 : i32
      %dma_wait3A_373 = tpu.memref_slice %arg20[%arg1, %dma_wait3A_372] : memref<16x1024xf32, #tpu.memory_space<vmem_shared>> -> memref<1x1024xf32, #tpu.memory_space<vmem_shared>>
      %dma_wait3A_374 = tpu.memref_squeeze %dma_wait3A_373 : memref<1x1024xf32, #tpu.memory_space<vmem_shared>> -> memref<1024xf32, #tpu.memory_space<vmem_shared>>
      tpu.wait_dma2 semaphore(%run_scoped3A : memref<!tpu.dma_semaphore, #tpu.memory_space<semaphore_mem>>) src(%arg17 : memref<1024xf32, #tpu.memory_space<vmem>>) dst(%dma_wait3A_374 : memref<1024xf32, #tpu.memory_space<vmem_shared>>)
      tpu.yield
    }) : () -> ()
    %barrier3A = arith.constant 0 : index
    tpu.barrier barrier_id(%barrier3A)
    %mul3A_37 = arith.constant 64 : i32
    %mul3A_38 = arith.muli %arg1, %mul3A_37 : i32
    "tpu.region"() ({
      %run_scoped3A = tpu.sem_alloc : memref<!tpu.dma_semaphore, #tpu.memory_space<semaphore_mem>>
      %dma_start3A = arith.constant 0 : i32
      %dma_start3A_365 = tpu.memref_slice %arg20[%dma_start3A, %mul3A_38] : memref<16x1024xf32, #tpu.memory_space<vmem_shared>> -> memref<16x64xf32, #tpu.memory_space<vmem_shared>>
      %dma_start3A_366 = arith.constant 0 : i32
      %dma_start3A_367 = tpu.memref_slice %arg20[%dma_start3A_366, %mul3A_38] : memref<16x1024xf32, #tpu.memory_space<vmem_shared>> -> memref<16x64xf32, #tpu.memory_space<vmem_shared>>
      tpu.enqueue_dma source(%dma_start3A_367 : memref<16x64xf32, #tpu.memory_space<vmem_shared>>) target(%arg18 : memref<16x64xf32, #tpu.memory_space<vmem>>) target_semaphore(%run_scoped3A : memref<!tpu.dma_semaphore, #tpu.memory_space<semaphore_mem>>)
      %dma_wait3A = arith.constant 0 : i32
      %dma_wait3A_368 = tpu.memref_slice %arg20[%dma_wait3A, %mul3A_38] : memref<16x1024xf32, #tpu.memory_space<vmem_shared>> -> memref<16x64xf32, #tpu.memory_space<vmem_shared>>
      %dma_wait3A_369 = arith.constant 0 : i32
      %dma_wait3A_370 = tpu.memref_slice %arg20[%dma_wait3A_369, %mul3A_38] : memref<16x1024xf32, #tpu.memory_space<vmem_shared>> -> memref<16x64xf32, #tpu.memory_space<vmem_shared>>
      tpu.wait_dma2 semaphore(%run_scoped3A : memref<!tpu.dma_semaphore, #tpu.memory_space<semaphore_mem>>) src(%dma_wait3A_370 : memref<16x64xf32, #tpu.memory_space<vmem_shared>>) dst(%arg18 : memref<16x64xf32, #tpu.memory_space<vmem>>)
      tpu.yield
    }) : () -> ()
    %get3A_39 = arith.constant 0 : i32
    %get3A_40 = arith.index_cast %get3A_39 : i32 to index
    %get3A_41 = arith.constant 0 : index
    %get3A_42 = tpu.vector_load %arg18[%get3A_40, %get3A_41] {strides = array<i32>} : memref<16x64xf32, #tpu.memory_space<vmem>>, vector<16xf32>,
    %get3A_43 = arith.constant 1 : i32
    %get3A_44 = arith.index_cast %get3A_43 : i32 to index
    %get3A_45 = arith.constant 0 : index
    %get3A_46 = tpu.vector_load %arg18[%get3A_44, %get3A_45] {strides = array<i32>} : memref<16x64xf32, #tpu.memory_space<vmem>>, vector<16xf32>,
    %add3A = arith.addf %get3A_42, %get3A_46 : vector<16xf32>
    %get3A_47 = arith.constant 2 : i32
    %get3A_48 = arith.index_cast %get3A_47 : i32 to index
    %get3A_49 = arith.constant 0 : index
    %get3A_50 = tpu.vector_load %arg18[%get3A_48, %get3A_49] {strides = array<i32>} : memref<16x64xf32, #tpu.memory_space<vmem>>, vector<16xf32>,
    %add3A_51 = arith.addf %add3A, %get3A_50 : vector<16xf32>
    %get3A_52 = arith.constant 3 : i32
    %get3A_53 = arith.index_cast %get3A_52 : i32 to index
    %get3A_54 = arith.constant 0 : index
    %get3A_55 = tpu.vector_load %arg18[%get3A_53, %get3A_54] {strides = array<i32>} : memref<16x64xf32, #tpu.memory_space<vmem>>, vector<16xf32>,
    %add3A_56 = arith.addf %add3A_51, %get3A_55 : vector<16xf32>
    %get3A_57 = arith.constant 4 : i32
    %get3A_58 = arith.index_cast %get3A_57 : i32 to index
    %get3A_59 = arith.constant 0 : index
    %get3A_60 = tpu.vector_load %arg18[%get3A_58, %get3A_59] {strides = array<i32>} : memref<16x64xf32, #tpu.memory_space<vmem>>, vector<16xf32>,
    %add3A_61 = arith.addf %add3A_56, %get3A_60 : vector<16xf32>
    %get3A_62 = arith.constant 5 : i32
    %get3A_63 = arith.index_cast %get3A_62 : i32 to index
    %get3A_64 = arith.constant 0 : index
    %get3A_65 = tpu.vector_load %arg18[%get3A_63, %get3A_64] {strides = array<i32>} : memref<16x64xf32, #tpu.memory_space<vmem>>, vector<16xf32>,
    %add3A_66 = arith.addf %add3A_61, %get3A_65 : vector<16xf32>
    %get3A_67 = arith.constant 6 : i32
    %get3A_68 = arith.index_cast %get3A_67 : i32 to index
    %get3A_69 = arith.constant 0 : index
    %get3A_70 = tpu.vector_load %arg18[%get3A_68, %get3A_69] {strides = array<i32>} : memref<16x64xf32, #tpu.memory_space<vmem>>, vector<16xf32>,
    %add3A_71 = arith.addf %add3A_66, %get3A_70 : vector<16xf32>
    %get3A_72 = arith.constant 7 : i32
    %get3A_73 = arith.index_cast %get3A_72 : i32 to index
    %get3A_74 = arith.constant 0 : index
    %get3A_75 = tpu.vector_load %arg18[%get3A_73, %get3A_74] {strides = array<i32>} : memref<16x64xf32, #tpu.memory_space<vmem>>, vector<16xf32>,
    %add3A_76 = arith.addf %add3A_71, %get3A_75 : vector<16xf32>
    %get3A_77 = arith.constant 8 : i32
    %get3A_78 = arith.index_cast %get3A_77 : i32 to index
    %get3A_79 = arith.constant 0 : index
    %get3A_80 = tpu.vector_load %arg18[%get3A_78, %get3A_79] {strides = array<i32>} : memref<16x64xf32, #tpu.memory_space<vmem>>, vector<16xf32>,
    %add3A_81 = arith.addf %add3A_76, %get3A_80 : vector<16xf32>
    %get3A_82 = arith.constant 9 : i32
    %get3A_83 = arith.index_cast %get3A_82 : i32 to index
    %get3A_84 = arith.constant 0 : index
    %get3A_85 = tpu.vector_load %arg18[%get3A_83, %get3A_84] {strides = array<i32>} : memref<16x64xf32, #tpu.memory_space<vmem>>, vector<16xf32>,
    %add3A_86 = arith.addf %add3A_81, %get3A_85 : vector<16xf32>
    %get3A_87 = arith.constant 10 : i32
    %get3A_88 = arith.index_cast %get3A_87 : i32 to index
    %get3A_89 = arith.constant 0 : index
    %get3A_90 = tpu.vector_load %arg18[%get3A_88, %get3A_89] {strides = array<i32>} : memref<16x64xf32, #tpu.memory_space<vmem>>, vector<16xf32>,
    %add3A_91 = arith.addf %add3A_86, %get3A_90 : vector<16xf32>
    %get3A_92 = arith.constant 11 : i32
    %get3A_93 = arith.index_cast %get3A_92 : i32 to index
    %get3A_94 = arith.constant 0 : index
    %get3A_95 = tpu.vector_load %arg18[%get3A_93, %get3A_94] {strides = array<i32>} : memref<16x64xf32, #tpu.memory_space<vmem>>, vector<16xf32>,
    %add3A_96 = arith.addf %add3A_91, %get3A_95 : vector<16xf32>
    %get3A_97 = arith.constant 12 : i32
    %get3A_98 = arith.index_cast %get3A_97 : i32 to index
    %get3A_99 = arith.constant 0 : index
    %get3A_100 = tpu.vector_load %arg18[%get3A_98, %get3A_99] {strides = array<i32>} : memref<16x64xf32, #tpu.memory_space<vmem>>, vector<16xf32>,
    %add3A_101 = arith.addf %add3A_96, %get3A_100 : vector<16xf32>
    %get3A_102 = arith.constant 13 : i32
    %get3A_103 = arith.index_cast %get3A_102 : i32 to index
    %get3A_104 = arith.constant 0 : index
    %get3A_105 = tpu.vector_load %arg18[%get3A_103, %get3A_104] {strides = array<i32>} : memref<16x64xf32, #tpu.memory_space<vmem>>, vector<16xf32>,
    %add3A_106 = arith.addf %add3A_101, %get3A_105 : vector<16xf32>
    %get3A_107 = arith.constant 14 : i32
    %get3A_108 = arith.index_cast %get3A_107 : i32 to index
    %get3A_109 = arith.constant 0 : index
    %get3A_110 = tpu.vector_load %arg18[%get3A_108, %get3A_109] {strides = array<i32>} : memref<16x64xf32, #tpu.memory_space<vmem>>, vector<16xf32>,
    %add3A_111 = arith.addf %add3A_106, %get3A_110 : vector<16xf32>
    %get3A_112 = arith.constant 15 : i32
    %get3A_113 = arith.index_cast %get3A_112 : i32 to index
    %get3A_114 = arith.constant 0 : index
    %get3A_115 = tpu.vector_load %arg18[%get3A_113, %get3A_114] {strides = array<i32>} : memref<16x64xf32, #tpu.memory_space<vmem>>, vector<16xf32>,
    %add3A_116 = arith.addf %add3A_111, %get3A_115 : vector<16xf32>
    %swap3A_117 = arith.constant 0 : index
    %swap3A_118 = tpu.vector_load %arg19[%swap3A_117] {strides = array<i32>} : memref<64xf32, #tpu.memory_space<vmem>>, vector<16xf32>,
    tpu.vector_store %arg19[%swap3A_117], %add3A_116 {strides = array<i32>} : memref<64xf32, #tpu.memory_space<vmem>>, vector<16xf32>,
    %get3A_119 = arith.constant 0 : i32
    %get3A_120 = arith.index_cast %get3A_119 : i32 to index
    %get3A_121 = arith.constant 16 : index
    %get3A_122 = tpu.vector_load %arg18[%get3A_120, %get3A_121] {strides = array<i32>} : memref<16x64xf32, #tpu.memory_space<vmem>>, vector<16xf32>,
    %get3A_123 = arith.constant 1 : i32
    %get3A_124 = arith.index_cast %get3A_123 : i32 to index
    %get3A_125 = arith.constant 16 : index
    %get3A_126 = tpu.vector_load %arg18[%get3A_124, %get3A_125] {strides = array<i32>} : memref<16x64xf32, #tpu.memory_space<vmem>>, vector<16xf32>,
    %add3A_127 = arith.addf %get3A_122, %get3A_126 : vector<16xf32>
    %get3A_128 = arith.constant 2 : i32
    %get3A_129 = arith.index_cast %get3A_128 : i32 to index
    %get3A_130 = arith.constant 16 : index
    %get3A_131 = tpu.vector_load %arg18[%get3A_129, %get3A_130] {strides = array<i32>} : memref<16x64xf32, #tpu.memory_space<vmem>>, vector<16xf32>,
    %add3A_132 = arith.addf %add3A_127, %get3A_131 : vector<16xf32>
    %get3A_133 = arith.constant 3 : i32
    %get3A_134 = arith.index_cast %get3A_133 : i32 to index
    %get3A_135 = arith.constant 16 : index
    %get3A_136 = tpu.vector_load %arg18[%get3A_134, %get3A_135] {strides = array<i32>} : memref<16x64xf32, #tpu.memory_space<vmem>>, vector<16xf32>,
    %add3A_137 = arith.addf %add3A_132, %get3A_136 : vector<16xf32>
    %get3A_138 = arith.constant 4 : i32
    %get3A_139 = arith.index_cast %get3A_138 : i32 to index
    %get3A_140 = arith.constant 16 : index
    %get3A_141 = tpu.vector_load %arg18[%get3A_139, %get3A_140] {strides = array<i32>} : memref<16x64xf32, #tpu.memory_space<vmem>>, vector<16xf32>,
    %add3A_142 = arith.addf %add3A_137, %get3A_141 : vector<16xf32>
    %get3A_143 = arith.constant 5 : i32
    %get3A_144 = arith.index_cast %get3A_143 : i32 to index
    %get3A_145 = arith.constant 16 : index
    %get3A_146 = tpu.vector_load %arg18[%get3A_144, %get3A_145] {strides = array<i32>} : memref<16x64xf32, #tpu.memory_space<vmem>>, vector<16xf32>,
    %add3A_147 = arith.addf %add3A_142, %get3A_146 : vector<16xf32>
    %get3A_148 = arith.constant 6 : i32
    %get3A_149 = arith.index_cast %get3A_148 : i32 to index
    %get3A_150 = arith.constant 16 : index
    %get3A_151 = tpu.vector_load %arg18[%get3A_149, %get3A_150] {strides = array<i32>} : memref<16x64xf32, #tpu.memory_space<vmem>>, vector<16xf32>,
    %add3A_152 = arith.addf %add3A_147, %get3A_151 : vector<16xf32>
    %get3A_153 = arith.constant 7 : i32
    %get3A_154 = arith.index_cast %get3A_153 : i32 to index
    %get3A_155 = arith.constant 16 : index
    %get3A_156 = tpu.vector_load %arg18[%get3A_154, %get3A_155] {strides = array<i32>} : memref<16x64xf32, #tpu.memory_space<vmem>>, vector<16xf32>,
    %add3A_157 = arith.addf %add3A_152, %get3A_156 : vector<16xf32>
    %get3A_158 = arith.constant 8 : i32
    %get3A_159 = arith.index_cast %get3A_158 : i32 to index
    %get3A_160 = arith.constant 16 : index
    %get3A_161 = tpu.vector_load %arg18[%get3A_159, %get3A_160] {strides = array<i32>} : memref<16x64xf32, #tpu.memory_space<vmem>>, vector<16xf32>,
    %add3A_162 = arith.addf %add3A_157, %get3A_161 : vector<16xf32>
    %get3A_163 = arith.constant 9 : i32
    %get3A_164 = arith.index_cast %get3A_163 : i32 to index
    %get3A_165 = arith.constant 16 : index
    %get3A_166 = tpu.vector_load %arg18[%get3A_164, %get3A_165] {strides = array<i32>} : memref<16x64xf32, #tpu.memory_space<vmem>>, vector<16xf32>,
    %add3A_167 = arith.addf %add3A_162, %get3A_166 : vector<16xf32>
    %get3A_168 = arith.constant 10 : i32
    %get3A_169 = arith.index_cast %get3A_168 : i32 to index
    %get3A_170 = arith.constant 16 : index
    %get3A_171 = tpu.vector_load %arg18[%get3A_169, %get3A_170] {strides = array<i32>} : memref<16x64xf32, #tpu.memory_space<vmem>>, vector<16xf32>,
    %add3A_172 = arith.addf %add3A_167, %get3A_171 : vector<16xf32>
    %get3A_173 = arith.constant 11 : i32
    %get3A_174 = arith.index_cast %get3A_173 : i32 to index
    %get3A_175 = arith.constant 16 : index
    %get3A_176 = tpu.vector_load %arg18[%get3A_174, %get3A_175] {strides = array<i32>} : memref<16x64xf32, #tpu.memory_space<vmem>>, vector<16xf32>,
    %add3A_177 = arith.addf %add3A_172, %get3A_176 : vector<16xf32>
    %get3A_178 = arith.constant 12 : i32
    %get3A_179 = arith.index_cast %get3A_178 : i32 to index
    %get3A_180 = arith.constant 16 : index
    %get3A_181 = tpu.vector_load %arg18[%get3A_179, %get3A_180] {strides = array<i32>} : memref<16x64xf32, #tpu.memory_space<vmem>>, vector<16xf32>,
    %add3A_182 = arith.addf %add3A_177, %get3A_181 : vector<16xf32>
    %get3A_183 = arith.constant 13 : i32
    %get3A_184 = arith.index_cast %get3A_183 : i32 to index
    %get3A_185 = arith.constant 16 : index
    %get3A_186 = tpu.vector_load %arg18[%get3A_184, %get3A_185] {strides = array<i32>} : memref<16x64xf32, #tpu.memory_space<vmem>>, vector<16xf32>,
    %add3A_187 = arith.addf %add3A_182, %get3A_186 : vector<16xf32>
    %get3A_188 = arith.constant 14 : i32
    %get3A_189 = arith.index_cast %get3A_188 : i32 to index
    %get3A_190 = arith.constant 16 : index
    %get3A_191 = tpu.vector_load %arg18[%get3A_189, %get3A_190] {strides = array<i32>} : memref<16x64xf32, #tpu.memory_space<vmem>>, vector<16xf32>,
    %add3A_192 = arith.addf %add3A_187, %get3A_191 : vector<16xf32>
    %get3A_193 = arith.constant 15 : i32
    %get3A_194 = arith.index_cast %get3A_193 : i32 to index
    %get3A_195 = arith.constant 16 : index
    %get3A_196 = tpu.vector_load %arg18[%get3A_194, %get3A_195] {strides = array<i32>} : memref<16x64xf32, #tpu.memory_space<vmem>>, vector<16xf32>,
    %add3A_197 = arith.addf %add3A_192, %get3A_196 : vector<16xf32>
    %swap3A_198 = arith.constant 16 : index
    %swap3A_199 = tpu.vector_load %arg19[%swap3A_198] {strides = array<i32>} : memref<64xf32, #tpu.memory_space<vmem>>, vector<16xf32>,
    tpu.vector_store %arg19[%swap3A_198], %add3A_197 {strides = array<i32>} : memref<64xf32, #tpu.memory_space<vmem>>, vector<16xf32>,
    %get3A_200 = arith.constant 0 : i32
    %get3A_201 = arith.index_cast %get3A_200 : i32 to index
    %get3A_202 = arith.constant 32 : index
    %get3A_203 = tpu.vector_load %arg18[%get3A_201, %get3A_202] {strides = array<i32>} : memref<16x64xf32, #tpu.memory_space<vmem>>, vector<16xf32>,
    %get3A_204 = arith.constant 1 : i32
    %get3A_205 = arith.index_cast %get3A_204 : i32 to index
    %get3A_206 = arith.constant 32 : index
    %get3A_207 = tpu.vector_load %arg18[%get3A_205, %get3A_206] {strides = array<i32>} : memref<16x64xf32, #tpu.memory_space<vmem>>, vector<16xf32>,
    %add3A_208 = arith.addf %get3A_203, %get3A_207 : vector<16xf32>
    %get3A_209 = arith.constant 2 : i32
    %get3A_210 = arith.index_cast %get3A_209 : i32 to index
    %get3A_211 = arith.constant 32 : index
    %get3A_212 = tpu.vector_load %arg18[%get3A_210, %get3A_211] {strides = array<i32>} : memref<16x64xf32, #tpu.memory_space<vmem>>, vector<16xf32>,
    %add3A_213 = arith.addf %add3A_208, %get3A_212 : vector<16xf32>
    %get3A_214 = arith.constant 3 : i32
    %get3A_215 = arith.index_cast %get3A_214 : i32 to index
    %get3A_216 = arith.constant 32 : index
    %get3A_217 = tpu.vector_load %arg18[%get3A_215, %get3A_216] {strides = array<i32>} : memref<16x64xf32, #tpu.memory_space<vmem>>, vector<16xf32>,
    %add3A_218 = arith.addf %add3A_213, %get3A_217 : vector<16xf32>
    %get3A_219 = arith.constant 4 : i32
    %get3A_220 = arith.index_cast %get3A_219 : i32 to index
    %get3A_221 = arith.constant 32 : index
    %get3A_222 = tpu.vector_load %arg18[%get3A_220, %get3A_221] {strides = array<i32>} : memref<16x64xf32, #tpu.memory_space<vmem>>, vector<16xf32>,
    %add3A_223 = arith.addf %add3A_218, %get3A_222 : vector<16xf32>
    %get3A_224 = arith.constant 5 : i32
    %get3A_225 = arith.index_cast %get3A_224 : i32 to index
    %get3A_226 = arith.constant 32 : index
    %get3A_227 = tpu.vector_load %arg18[%get3A_225, %get3A_226] {strides = array<i32>} : memref<16x64xf32, #tpu.memory_space<vmem>>, vector<16xf32>,
    %add3A_228 = arith.addf %add3A_223, %get3A_227 : vector<16xf32>
    %get3A_229 = arith.constant 6 : i32
    %get3A_230 = arith.index_cast %get3A_229 : i32 to index
    %get3A_231 = arith.constant 32 : index
    %get3A_232 = tpu.vector_load %arg18[%get3A_230, %get3A_231] {strides = array<i32>} : memref<16x64xf32, #tpu.memory_space<vmem>>, vector<16xf32>,
    %add3A_233 = arith.addf %add3A_228, %get3A_232 : vector<16xf32>
    %get3A_234 = arith.constant 7 : i32
    %get3A_235 = arith.index_cast %get3A_234 : i32 to index
    %get3A_236 = arith.constant 32 : index
    %get3A_237 = tpu.vector_load %arg18[%get3A_235, %get3A_236] {strides = array<i32>} : memref<16x64xf32, #tpu.memory_space<vmem>>, vector<16xf32>,
    %add3A_238 = arith.addf %add3A_233, %get3A_237 : vector<16xf32>
    %get3A_239 = arith.constant 8 : i32
    %get3A_240 = arith.index_cast %get3A_239 : i32 to index
    %get3A_241 = arith.constant 32 : index
    %get3A_242 = tpu.vector_load %arg18[%get3A_240, %get3A_241] {strides = array<i32>} : memref<16x64xf32, #tpu.memory_space<vmem>>, vector<16xf32>,
    %add3A_243 = arith.addf %add3A_238, %get3A_242 : vector<16xf32>
    %get3A_244 = arith.constant 9 : i32
    %get3A_245 = arith.index_cast %get3A_244 : i32 to index
    %get3A_246 = arith.constant 32 : index
    %get3A_247 = tpu.vector_load %arg18[%get3A_245, %get3A_246] {strides = array<i32>} : memref<16x64xf32, #tpu.memory_space<vmem>>, vector<16xf32>,
    %add3A_248 = arith.addf %add3A_243, %get3A_247 : vector<16xf32>
    %get3A_249 = arith.constant 10 : i32
    %get3A_250 = arith.index_cast %get3A_249 : i32 to index
    %get3A_251 = arith.constant 32 : index
    %get3A_252 = tpu.vector_load %arg18[%get3A_250, %get3A_251] {strides = array<i32>} : memref<16x64xf32, #tpu.memory_space<vmem>>, vector<16xf32>,
    %add3A_253 = arith.addf %add3A_248, %get3A_252 : vector<16xf32>
    %get3A_254 = arith.constant 11 : i32
    %get3A_255 = arith.index_cast %get3A_254 : i32 to index
    %get3A_256 = arith.constant 32 : index
    %get3A_257 = tpu.vector_load %arg18[%get3A_255, %get3A_256] {strides = array<i32>} : memref<16x64xf32, #tpu.memory_space<vmem>>, vector<16xf32>,
    %add3A_258 = arith.addf %add3A_253, %get3A_257 : vector<16xf32>
    %get3A_259 = arith.constant 12 : i32
    %get3A_260 = arith.index_cast %get3A_259 : i32 to index
    %get3A_261 = arith.constant 32 : index
    %get3A_262 = tpu.vector_load %arg18[%get3A_260, %get3A_261] {strides = array<i32>} : memref<16x64xf32, #tpu.memory_space<vmem>>, vector<16xf32>,
    %add3A_263 = arith.addf %add3A_258, %get3A_262 : vector<16xf32>
    %get3A_264 = arith.constant 13 : i32
    %get3A_265 = arith.index_cast %get3A_264 : i32 to index
    %get3A_266 = arith.constant 32 : index
    %get3A_267 = tpu.vector_load %arg18[%get3A_265, %get3A_266] {strides = array<i32>} : memref<16x64xf32, #tpu.memory_space<vmem>>, vector<16xf32>,
    %add3A_268 = arith.addf %add3A_263, %get3A_267 : vector<16xf32>
    %get3A_269 = arith.constant 14 : i32
    %get3A_270 = arith.index_cast %get3A_269 : i32 to index
    %get3A_271 = arith.constant 32 : index
    %get3A_272 = tpu.vector_load %arg18[%get3A_270, %get3A_271] {strides = array<i32>} : memref<16x64xf32, #tpu.memory_space<vmem>>, vector<16xf32>,
    %add3A_273 = arith.addf %add3A_268, %get3A_272 : vector<16xf32>
    %get3A_274 = arith.constant 15 : i32
    %get3A_275 = arith.index_cast %get3A_274 : i32 to index
    %get3A_276 = arith.constant 32 : index
    %get3A_277 = tpu.vector_load %arg18[%get3A_275, %get3A_276] {strides = array<i32>} : memref<16x64xf32, #tpu.memory_space<vmem>>, vector<16xf32>,
    %add3A_278 = arith.addf %add3A_273, %get3A_277 : vector<16xf32>
    %swap3A_279 = arith.constant 32 : index
    %swap3A_280 = tpu.vector_load %arg19[%swap3A_279] {strides = array<i32>} : memref<64xf32, #tpu.memory_space<vmem>>, vector<16xf32>,
    tpu.vector_store %arg19[%swap3A_279], %add3A_278 {strides = array<i32>} : memref<64xf32, #tpu.memory_space<vmem>>, vector<16xf32>,
    %get3A_281 = arith.constant 0 : i32
    %get3A_282 = arith.index_cast %get3A_281 : i32 to index
    %get3A_283 = arith.constant 48 : index
    %get3A_284 = tpu.vector_load %arg18[%get3A_282, %get3A_283] {strides = array<i32>} : memref<16x64xf32, #tpu.memory_space<vmem>>, vector<16xf32>,
    %get3A_285 = arith.constant 1 : i32
    %get3A_286 = arith.index_cast %get3A_285 : i32 to index
    %get3A_287 = arith.constant 48 : index
    %get3A_288 = tpu.vector_load %arg18[%get3A_286, %get3A_287] {strides = array<i32>} : memref<16x64xf32, #tpu.memory_space<vmem>>, vector<16xf32>,
    %add3A_289 = arith.addf %get3A_284, %get3A_288 : vector<16xf32>
    %get3A_290 = arith.constant 2 : i32
    %get3A_291 = arith.index_cast %get3A_290 : i32 to index
    %get3A_292 = arith.constant 48 : index
    %get3A_293 = tpu.vector_load %arg18[%get3A_291, %get3A_292] {strides = array<i32>} : memref<16x64xf32, #tpu.memory_space<vmem>>, vector<16xf32>,
    %add3A_294 = arith.addf %add3A_289, %get3A_293 : vector<16xf32>
    %get3A_295 = arith.constant 3 : i32
    %get3A_296 = arith.index_cast %get3A_295 : i32 to index
    %get3A_297 = arith.constant 48 : index
    %get3A_298 = tpu.vector_load %arg18[%get3A_296, %get3A_297] {strides = array<i32>} : memref<16x64xf32, #tpu.memory_space<vmem>>, vector<16xf32>,
    %add3A_299 = arith.addf %add3A_294, %get3A_298 : vector<16xf32>
    %get3A_300 = arith.constant 4 : i32
    %get3A_301 = arith.index_cast %get3A_300 : i32 to index
    %get3A_302 = arith.constant 48 : index
    %get3A_303 = tpu.vector_load %arg18[%get3A_301, %get3A_302] {strides = array<i32>} : memref<16x64xf32, #tpu.memory_space<vmem>>, vector<16xf32>,
    %add3A_304 = arith.addf %add3A_299, %get3A_303 : vector<16xf32>
    %get3A_305 = arith.constant 5 : i32
    %get3A_306 = arith.index_cast %get3A_305 : i32 to index
    %get3A_307 = arith.constant 48 : index
    %get3A_308 = tpu.vector_load %arg18[%get3A_306, %get3A_307] {strides = array<i32>} : memref<16x64xf32, #tpu.memory_space<vmem>>, vector<16xf32>,
    %add3A_309 = arith.addf %add3A_304, %get3A_308 : vector<16xf32>
    %get3A_310 = arith.constant 6 : i32
    %get3A_311 = arith.index_cast %get3A_310 : i32 to index
    %get3A_312 = arith.constant 48 : index
    %get3A_313 = tpu.vector_load %arg18[%get3A_311, %get3A_312] {strides = array<i32>} : memref<16x64xf32, #tpu.memory_space<vmem>>, vector<16xf32>,
    %add3A_314 = arith.addf %add3A_309, %get3A_313 : vector<16xf32>
    %get3A_315 = arith.constant 7 : i32
    %get3A_316 = arith.index_cast %get3A_315 : i32 to index
    %get3A_317 = arith.constant 48 : index
    %get3A_318 = tpu.vector_load %arg18[%get3A_316, %get3A_317] {strides = array<i32>} : memref<16x64xf32, #tpu.memory_space<vmem>>, vector<16xf32>,
    %add3A_319 = arith.addf %add3A_314, %get3A_318 : vector<16xf32>
    %get3A_320 = arith.constant 8 : i32
    %get3A_321 = arith.index_cast %get3A_320 : i32 to index
    %get3A_322 = arith.constant 48 : index
    %get3A_323 = tpu.vector_load %arg18[%get3A_321, %get3A_322] {strides = array<i32>} : memref<16x64xf32, #tpu.memory_space<vmem>>, vector<16xf32>,
    %add3A_324 = arith.addf %add3A_319, %get3A_323 : vector<16xf32>
    %get3A_325 = arith.constant 9 : i32
    %get3A_326 = arith.index_cast %get3A_325 : i32 to index
    %get3A_327 = arith.constant 48 : index
    %get3A_328 = tpu.vector_load %arg18[%get3A_326, %get3A_327] {strides = array<i32>} : memref<16x64xf32, #tpu.memory_space<vmem>>, vector<16xf32>,
    %add3A_329 = arith.addf %add3A_324, %get3A_328 : vector<16xf32>
    %get3A_330 = arith.constant 10 : i32
    %get3A_331 = arith.index_cast %get3A_330 : i32 to index
    %get3A_332 = arith.constant 48 : index
    %get3A_333 = tpu.vector_load %arg18[%get3A_331, %get3A_332] {strides = array<i32>} : memref<16x64xf32, #tpu.memory_space<vmem>>, vector<16xf32>,
    %add3A_334 = arith.addf %add3A_329, %get3A_333 : vector<16xf32>
    %get3A_335 = arith.constant 11 : i32
    %get3A_336 = arith.index_cast %get3A_335 : i32 to index
    %get3A_337 = arith.constant 48 : index
    %get3A_338 = tpu.vector_load %arg18[%get3A_336, %get3A_337] {strides = array<i32>} : memref<16x64xf32, #tpu.memory_space<vmem>>, vector<16xf32>,
    %add3A_339 = arith.addf %add3A_334, %get3A_338 : vector<16xf32>
    %get3A_340 = arith.constant 12 : i32
    %get3A_341 = arith.index_cast %get3A_340 : i32 to index
    %get3A_342 = arith.constant 48 : index
    %get3A_343 = tpu.vector_load %arg18[%get3A_341, %get3A_342] {strides = array<i32>} : memref<16x64xf32, #tpu.memory_space<vmem>>, vector<16xf32>,
    %add3A_344 = arith.addf %add3A_339, %get3A_343 : vector<16xf32>
    %get3A_345 = arith.constant 13 : i32
    %get3A_346 = arith.index_cast %get3A_345 : i32 to index
    %get3A_347 = arith.constant 48 : index
    %get3A_348 = tpu.vector_load %arg18[%get3A_346, %get3A_347] {strides = array<i32>} : memref<16x64xf32, #tpu.memory_space<vmem>>, vector<16xf32>,
    %add3A_349 = arith.addf %add3A_344, %get3A_348 : vector<16xf32>
    %get3A_350 = arith.constant 14 : i32
    %get3A_351 = arith.index_cast %get3A_350 : i32 to index
    %get3A_352 = arith.constant 48 : index
    %get3A_353 = tpu.vector_load %arg18[%get3A_351, %get3A_352] {strides = array<i32>} : memref<16x64xf32, #tpu.memory_space<vmem>>, vector<16xf32>,
    %add3A_354 = arith.addf %add3A_349, %get3A_353 : vector<16xf32>
    %get3A_355 = arith.constant 15 : i32
    %get3A_356 = arith.index_cast %get3A_355 : i32 to index
    %get3A_357 = arith.constant 48 : index
    %get3A_358 = tpu.vector_load %arg18[%get3A_356, %get3A_357] {strides = array<i32>} : memref<16x64xf32, #tpu.memory_space<vmem>>, vector<16xf32>,
    %add3A_359 = arith.addf %add3A_354, %get3A_358 : vector<16xf32>
    %swap3A_360 = arith.constant 48 : index
    %swap3A_361 = tpu.vector_load %arg19[%swap3A_360] {strides = array<i32>} : memref<64xf32, #tpu.memory_space<vmem>>, vector<16xf32>,
    tpu.vector_store %arg19[%swap3A_360], %add3A_359 {strides = array<i32>} : memref<64xf32, #tpu.memory_space<vmem>>, vector<16xf32>,
    %mul3A_362 = arith.constant 64 : i32
    %mul3A_363 = arith.muli %arg1, %mul3A_362 : i32
    %add3A_364 = arith.addi %mul3A_0, %mul3A_363 : i32
    "tpu.region"() ({
      %run_scoped3A = tpu.sem_alloc : memref<!tpu.dma_semaphore, #tpu.memory_space<semaphore_mem>>
      %dma_start3A = tpu.memref_slice %arg9[%add3A_364] : memref<2048xf32, #tpu.memory_space<hbm>> -> memref<64xf32, #tpu.memory_space<hbm>>
      %dma_start3A_365 = tpu.memref_slice %arg9[%add3A_364] : memref<2048xf32, #tpu.memory_space<hbm>> -> memref<64xf32, #tpu.memory_space<hbm>>
      tpu.enqueue_dma source(%arg19 : memref<64xf32, #tpu.memory_space<vmem>>) target(%dma_start3A_365 : memref<64xf32, #tpu.memory_space<hbm>>) target_semaphore(%run_scoped3A : memref<!tpu.dma_semaphore, #tpu.memory_space<semaphore_mem>>)
      %dma_wait3A = tpu.memref_slice %arg9[%add3A_364] : memref<2048xf32, #tpu.memory_space<hbm>> -> memref<64xf32, #tpu.memory_space<hbm>>
      %dma_wait3A_366 = tpu.memref_slice %arg9[%add3A_364] : memref<2048xf32, #tpu.memory_space<hbm>> -> memref<64xf32, #tpu.memory_space<hbm>>
      tpu.wait_dma2 semaphore(%run_scoped3A : memref<!tpu.dma_semaphore, #tpu.memory_space<semaphore_mem>>) src(%arg19 : memref<64xf32, #tpu.memory_space<vmem>>) dst(%dma_wait3A_366 : memref<64xf32, #tpu.memory_space<hbm>>)
      tpu.yield
    }) : () -> ()
    return
  }
}

module attributes {stable_mosaic.version = 14 : i64} {
  func.func @_tc_body(%arg0: i32, %arg1: memref<32x512xi16, #tpu.memory_space<vmem>>, %arg2: memref<32x512xi16, #tpu.memory_space<vmem>>, %arg3: memref<769x1024xbf16, #tpu.memory_space<vmem>>, %arg4: memref<769x1024xbf16, #tpu.memory_space<vmem>>, %arg5: memref<1x1024xf32, #tpu.memory_space<vmem>>, %arg6: memref<1024x8xf32, #tpu.memory_space<vmem>>, %arg7: memref<1024x8xf32, #tpu.memory_space<vmem>>, %arg8: memref<8xf32, #tpu.memory_space<smem>>, %arg9: memref<512xf32, #tpu.memory_space<vmem>>) attributes {dimension_semantics = [#tpu.dimension_semantics<arbitrary>], iteration_bounds = array<i64: 28>, scalar_prefetch = 0 : i64, scratch_operands = 0 : i64, tpu.core_type = #tpu.core_type<tc>, window_params = [{transform_indices = @transform_0, window_bounds = array<i64: 32, 512>}, {transform_indices = @transform_1, window_bounds = array<i64: 32, 512>}, {pipeline_mode = #tpu.pipeline_mode<synchronous>, transform_indices = @transform_2, window_bounds = array<i64: 769, 1024>}, {pipeline_mode = #tpu.pipeline_mode<synchronous>, transform_indices = @transform_3, window_bounds = array<i64: 769, 1024>}, {pipeline_mode = #tpu.pipeline_mode<synchronous>, transform_indices = @transform_4, window_bounds = array<i64: 1, 1024>}, {pipeline_mode = #tpu.pipeline_mode<synchronous>, transform_indices = @transform_5, window_bounds = array<i64: 1024, 8>}, {pipeline_mode = #tpu.pipeline_mode<synchronous>, transform_indices = @transform_6, window_bounds = array<i64: 1024, 8>}, {transform_indices = @transform_7, window_bounds = array<i64: 8>}, {transform_indices = @transform_8, window_bounds = array<i64: 512>}]} {
    %iota3A = tpu.iota {dimensions = array<i32: 1>} : vector<512x769xi32>
    %convert_element_type3A = arith.trunci %iota3A : vector<512x769xi32> to vector<512x769xi16>
    %broadcast_in_dim3A = arith.constant 1.000000e+00 : bf16
    %broadcast_in_dim3A_0 = vector.broadcast %broadcast_in_dim3A : bf16 to vector<512x769xbf16>
    %broadcast_in_dim3A_1 = arith.constant 0.000000e+00 : bf16
    %broadcast_in_dim3A_2 = vector.broadcast %broadcast_in_dim3A_1 : bf16 to vector<512x769xbf16>
    %broadcast_in_dim3A_3 = arith.constant 0 : i32
    %broadcast_in_dim3A_4 = vector.broadcast %broadcast_in_dim3A_3 : i32 to vector<512xi32>
    %get3A = arith.constant 0 : index
    %get3A_5 = arith.constant 0 : index
    %get3A_6 = vector.load %arg1[%get3A, %get3A_5] : memref<32x512xi16, #tpu.memory_space<vmem>>, vector<1x512xi16>
    %get3A_7 = vector.shape_cast %get3A_6 : vector<1x512xi16> to vector<512xi16>
    %broadcast_in_dim3A_8 = vector.shape_cast %get3A_7 : vector<512xi16> to vector<512x1xi16>
    %eq3A = vector.broadcast %broadcast_in_dim3A_8 : vector<512x1xi16> to vector<512x769xi16>
    %eq3A_9 = arith.cmpi eq, %eq3A, %convert_element_type3A : vector<512x769xi16>
    %select_n3A = arith.select %eq3A_9, %broadcast_in_dim3A_0, %broadcast_in_dim3A_2 : vector<512x769xi1>, vector<512x769xbf16>
    %add3A = arith.addf %broadcast_in_dim3A_2, %select_n3A : vector<512x769xbf16>
    %squeeze3A = vector.shape_cast %broadcast_in_dim3A_8 : vector<512x1xi16> to vector<512xi16>
    %eq3A_10 = arith.constant 768 : i16
    %eq3A_11 = vector.broadcast %eq3A_10 : i16 to vector<512xi16>
    %eq3A_12 = arith.cmpi eq, %squeeze3A, %eq3A_11 : vector<512xi16>
    %convert_element_type3A_13 = arith.extui %eq3A_12 : vector<512xi1> to vector<512xi32>
    %add3A_14 = arith.addi %broadcast_in_dim3A_4, %convert_element_type3A_13 : vector<512xi32>
    %get3A_15 = arith.constant 1 : index
    %get3A_16 = arith.constant 0 : index
    %get3A_17 = vector.load %arg1[%get3A_15, %get3A_16] : memref<32x512xi16, #tpu.memory_space<vmem>>, vector<1x512xi16>
    %get3A_18 = vector.shape_cast %get3A_17 : vector<1x512xi16> to vector<512xi16>
    %broadcast_in_dim3A_19 = vector.shape_cast %get3A_18 : vector<512xi16> to vector<512x1xi16>
    %eq3A_20 = vector.broadcast %broadcast_in_dim3A_19 : vector<512x1xi16> to vector<512x769xi16>
    %eq3A_21 = arith.cmpi eq, %eq3A_20, %convert_element_type3A : vector<512x769xi16>
    %select_n3A_22 = arith.select %eq3A_21, %broadcast_in_dim3A_0, %broadcast_in_dim3A_2 : vector<512x769xi1>, vector<512x769xbf16>
    %add3A_23 = arith.addf %add3A, %select_n3A_22 : vector<512x769xbf16>
    %squeeze3A_24 = vector.shape_cast %broadcast_in_dim3A_19 : vector<512x1xi16> to vector<512xi16>
    %eq3A_25 = arith.constant 768 : i16
    %eq3A_26 = vector.broadcast %eq3A_25 : i16 to vector<512xi16>
    %eq3A_27 = arith.cmpi eq, %squeeze3A_24, %eq3A_26 : vector<512xi16>
    %convert_element_type3A_28 = arith.extui %eq3A_27 : vector<512xi1> to vector<512xi32>
    %add3A_29 = arith.addi %add3A_14, %convert_element_type3A_28 : vector<512xi32>
    %get3A_30 = arith.constant 2 : index
    %get3A_31 = arith.constant 0 : index
    %get3A_32 = vector.load %arg1[%get3A_30, %get3A_31] : memref<32x512xi16, #tpu.memory_space<vmem>>, vector<1x512xi16>
    %get3A_33 = vector.shape_cast %get3A_32 : vector<1x512xi16> to vector<512xi16>
    %broadcast_in_dim3A_34 = vector.shape_cast %get3A_33 : vector<512xi16> to vector<512x1xi16>
    %eq3A_35 = vector.broadcast %broadcast_in_dim3A_34 : vector<512x1xi16> to vector<512x769xi16>
    %eq3A_36 = arith.cmpi eq, %eq3A_35, %convert_element_type3A : vector<512x769xi16>
    %select_n3A_37 = arith.select %eq3A_36, %broadcast_in_dim3A_0, %broadcast_in_dim3A_2 : vector<512x769xi1>, vector<512x769xbf16>
    %add3A_38 = arith.addf %add3A_23, %select_n3A_37 : vector<512x769xbf16>
    %squeeze3A_39 = vector.shape_cast %broadcast_in_dim3A_34 : vector<512x1xi16> to vector<512xi16>
    %eq3A_40 = arith.constant 768 : i16
    %eq3A_41 = vector.broadcast %eq3A_40 : i16 to vector<512xi16>
    %eq3A_42 = arith.cmpi eq, %squeeze3A_39, %eq3A_41 : vector<512xi16>
    %convert_element_type3A_43 = arith.extui %eq3A_42 : vector<512xi1> to vector<512xi32>
    %add3A_44 = arith.addi %add3A_29, %convert_element_type3A_43 : vector<512xi32>
    %get3A_45 = arith.constant 3 : index
    %get3A_46 = arith.constant 0 : index
    %get3A_47 = vector.load %arg1[%get3A_45, %get3A_46] : memref<32x512xi16, #tpu.memory_space<vmem>>, vector<1x512xi16>
    %get3A_48 = vector.shape_cast %get3A_47 : vector<1x512xi16> to vector<512xi16>
    %broadcast_in_dim3A_49 = vector.shape_cast %get3A_48 : vector<512xi16> to vector<512x1xi16>
    %eq3A_50 = vector.broadcast %broadcast_in_dim3A_49 : vector<512x1xi16> to vector<512x769xi16>
    %eq3A_51 = arith.cmpi eq, %eq3A_50, %convert_element_type3A : vector<512x769xi16>
    %select_n3A_52 = arith.select %eq3A_51, %broadcast_in_dim3A_0, %broadcast_in_dim3A_2 : vector<512x769xi1>, vector<512x769xbf16>
    %add3A_53 = arith.addf %add3A_38, %select_n3A_52 : vector<512x769xbf16>
    %squeeze3A_54 = vector.shape_cast %broadcast_in_dim3A_49 : vector<512x1xi16> to vector<512xi16>
    %eq3A_55 = arith.constant 768 : i16
    %eq3A_56 = vector.broadcast %eq3A_55 : i16 to vector<512xi16>
    %eq3A_57 = arith.cmpi eq, %squeeze3A_54, %eq3A_56 : vector<512xi16>
    %convert_element_type3A_58 = arith.extui %eq3A_57 : vector<512xi1> to vector<512xi32>
    %add3A_59 = arith.addi %add3A_44, %convert_element_type3A_58 : vector<512xi32>
    %get3A_60 = arith.constant 4 : index
    %get3A_61 = arith.constant 0 : index
    %get3A_62 = vector.load %arg1[%get3A_60, %get3A_61] : memref<32x512xi16, #tpu.memory_space<vmem>>, vector<1x512xi16>
    %get3A_63 = vector.shape_cast %get3A_62 : vector<1x512xi16> to vector<512xi16>
    %broadcast_in_dim3A_64 = vector.shape_cast %get3A_63 : vector<512xi16> to vector<512x1xi16>
    %eq3A_65 = vector.broadcast %broadcast_in_dim3A_64 : vector<512x1xi16> to vector<512x769xi16>
    %eq3A_66 = arith.cmpi eq, %eq3A_65, %convert_element_type3A : vector<512x769xi16>
    %select_n3A_67 = arith.select %eq3A_66, %broadcast_in_dim3A_0, %broadcast_in_dim3A_2 : vector<512x769xi1>, vector<512x769xbf16>
    %add3A_68 = arith.addf %add3A_53, %select_n3A_67 : vector<512x769xbf16>
    %squeeze3A_69 = vector.shape_cast %broadcast_in_dim3A_64 : vector<512x1xi16> to vector<512xi16>
    %eq3A_70 = arith.constant 768 : i16
    %eq3A_71 = vector.broadcast %eq3A_70 : i16 to vector<512xi16>
    %eq3A_72 = arith.cmpi eq, %squeeze3A_69, %eq3A_71 : vector<512xi16>
    %convert_element_type3A_73 = arith.extui %eq3A_72 : vector<512xi1> to vector<512xi32>
    %add3A_74 = arith.addi %add3A_59, %convert_element_type3A_73 : vector<512xi32>
    %get3A_75 = arith.constant 5 : index
    %get3A_76 = arith.constant 0 : index
    %get3A_77 = vector.load %arg1[%get3A_75, %get3A_76] : memref<32x512xi16, #tpu.memory_space<vmem>>, vector<1x512xi16>
    %get3A_78 = vector.shape_cast %get3A_77 : vector<1x512xi16> to vector<512xi16>
    %broadcast_in_dim3A_79 = vector.shape_cast %get3A_78 : vector<512xi16> to vector<512x1xi16>
    %eq3A_80 = vector.broadcast %broadcast_in_dim3A_79 : vector<512x1xi16> to vector<512x769xi16>
    %eq3A_81 = arith.cmpi eq, %eq3A_80, %convert_element_type3A : vector<512x769xi16>
    %select_n3A_82 = arith.select %eq3A_81, %broadcast_in_dim3A_0, %broadcast_in_dim3A_2 : vector<512x769xi1>, vector<512x769xbf16>
    %add3A_83 = arith.addf %add3A_68, %select_n3A_82 : vector<512x769xbf16>
    %squeeze3A_84 = vector.shape_cast %broadcast_in_dim3A_79 : vector<512x1xi16> to vector<512xi16>
    %eq3A_85 = arith.constant 768 : i16
    %eq3A_86 = vector.broadcast %eq3A_85 : i16 to vector<512xi16>
    %eq3A_87 = arith.cmpi eq, %squeeze3A_84, %eq3A_86 : vector<512xi16>
    %convert_element_type3A_88 = arith.extui %eq3A_87 : vector<512xi1> to vector<512xi32>
    %add3A_89 = arith.addi %add3A_74, %convert_element_type3A_88 : vector<512xi32>
    %get3A_90 = arith.constant 6 : index
    %get3A_91 = arith.constant 0 : index
    %get3A_92 = vector.load %arg1[%get3A_90, %get3A_91] : memref<32x512xi16, #tpu.memory_space<vmem>>, vector<1x512xi16>
    %get3A_93 = vector.shape_cast %get3A_92 : vector<1x512xi16> to vector<512xi16>
    %broadcast_in_dim3A_94 = vector.shape_cast %get3A_93 : vector<512xi16> to vector<512x1xi16>
    %eq3A_95 = vector.broadcast %broadcast_in_dim3A_94 : vector<512x1xi16> to vector<512x769xi16>
    %eq3A_96 = arith.cmpi eq, %eq3A_95, %convert_element_type3A : vector<512x769xi16>
    %select_n3A_97 = arith.select %eq3A_96, %broadcast_in_dim3A_0, %broadcast_in_dim3A_2 : vector<512x769xi1>, vector<512x769xbf16>
    %add3A_98 = arith.addf %add3A_83, %select_n3A_97 : vector<512x769xbf16>
    %squeeze3A_99 = vector.shape_cast %broadcast_in_dim3A_94 : vector<512x1xi16> to vector<512xi16>
    %eq3A_100 = arith.constant 768 : i16
    %eq3A_101 = vector.broadcast %eq3A_100 : i16 to vector<512xi16>
    %eq3A_102 = arith.cmpi eq, %squeeze3A_99, %eq3A_101 : vector<512xi16>
    %convert_element_type3A_103 = arith.extui %eq3A_102 : vector<512xi1> to vector<512xi32>
    %add3A_104 = arith.addi %add3A_89, %convert_element_type3A_103 : vector<512xi32>
    %get3A_105 = arith.constant 7 : index
    %get3A_106 = arith.constant 0 : index
    %get3A_107 = vector.load %arg1[%get3A_105, %get3A_106] : memref<32x512xi16, #tpu.memory_space<vmem>>, vector<1x512xi16>
    %get3A_108 = vector.shape_cast %get3A_107 : vector<1x512xi16> to vector<512xi16>
    %broadcast_in_dim3A_109 = vector.shape_cast %get3A_108 : vector<512xi16> to vector<512x1xi16>
    %eq3A_110 = vector.broadcast %broadcast_in_dim3A_109 : vector<512x1xi16> to vector<512x769xi16>
    %eq3A_111 = arith.cmpi eq, %eq3A_110, %convert_element_type3A : vector<512x769xi16>
    %select_n3A_112 = arith.select %eq3A_111, %broadcast_in_dim3A_0, %broadcast_in_dim3A_2 : vector<512x769xi1>, vector<512x769xbf16>
    %add3A_113 = arith.addf %add3A_98, %select_n3A_112 : vector<512x769xbf16>
    %squeeze3A_114 = vector.shape_cast %broadcast_in_dim3A_109 : vector<512x1xi16> to vector<512xi16>
    %eq3A_115 = arith.constant 768 : i16
    %eq3A_116 = vector.broadcast %eq3A_115 : i16 to vector<512xi16>
    %eq3A_117 = arith.cmpi eq, %squeeze3A_114, %eq3A_116 : vector<512xi16>
    %convert_element_type3A_118 = arith.extui %eq3A_117 : vector<512xi1> to vector<512xi32>
    %add3A_119 = arith.addi %add3A_104, %convert_element_type3A_118 : vector<512xi32>
    %get3A_120 = arith.constant 8 : index
    %get3A_121 = arith.constant 0 : index
    %get3A_122 = vector.load %arg1[%get3A_120, %get3A_121] : memref<32x512xi16, #tpu.memory_space<vmem>>, vector<1x512xi16>
    %get3A_123 = vector.shape_cast %get3A_122 : vector<1x512xi16> to vector<512xi16>
    %broadcast_in_dim3A_124 = vector.shape_cast %get3A_123 : vector<512xi16> to vector<512x1xi16>
    %eq3A_125 = vector.broadcast %broadcast_in_dim3A_124 : vector<512x1xi16> to vector<512x769xi16>
    %eq3A_126 = arith.cmpi eq, %eq3A_125, %convert_element_type3A : vector<512x769xi16>
    %select_n3A_127 = arith.select %eq3A_126, %broadcast_in_dim3A_0, %broadcast_in_dim3A_2 : vector<512x769xi1>, vector<512x769xbf16>
    %add3A_128 = arith.addf %add3A_113, %select_n3A_127 : vector<512x769xbf16>
    %squeeze3A_129 = vector.shape_cast %broadcast_in_dim3A_124 : vector<512x1xi16> to vector<512xi16>
    %eq3A_130 = arith.constant 768 : i16
    %eq3A_131 = vector.broadcast %eq3A_130 : i16 to vector<512xi16>
    %eq3A_132 = arith.cmpi eq, %squeeze3A_129, %eq3A_131 : vector<512xi16>
    %convert_element_type3A_133 = arith.extui %eq3A_132 : vector<512xi1> to vector<512xi32>
    %add3A_134 = arith.addi %add3A_119, %convert_element_type3A_133 : vector<512xi32>
    %get3A_135 = arith.constant 9 : index
    %get3A_136 = arith.constant 0 : index
    %get3A_137 = vector.load %arg1[%get3A_135, %get3A_136] : memref<32x512xi16, #tpu.memory_space<vmem>>, vector<1x512xi16>
    %get3A_138 = vector.shape_cast %get3A_137 : vector<1x512xi16> to vector<512xi16>
    %broadcast_in_dim3A_139 = vector.shape_cast %get3A_138 : vector<512xi16> to vector<512x1xi16>
    %eq3A_140 = vector.broadcast %broadcast_in_dim3A_139 : vector<512x1xi16> to vector<512x769xi16>
    %eq3A_141 = arith.cmpi eq, %eq3A_140, %convert_element_type3A : vector<512x769xi16>
    %select_n3A_142 = arith.select %eq3A_141, %broadcast_in_dim3A_0, %broadcast_in_dim3A_2 : vector<512x769xi1>, vector<512x769xbf16>
    %add3A_143 = arith.addf %add3A_128, %select_n3A_142 : vector<512x769xbf16>
    %squeeze3A_144 = vector.shape_cast %broadcast_in_dim3A_139 : vector<512x1xi16> to vector<512xi16>
    %eq3A_145 = arith.constant 768 : i16
    %eq3A_146 = vector.broadcast %eq3A_145 : i16 to vector<512xi16>
    %eq3A_147 = arith.cmpi eq, %squeeze3A_144, %eq3A_146 : vector<512xi16>
    %convert_element_type3A_148 = arith.extui %eq3A_147 : vector<512xi1> to vector<512xi32>
    %add3A_149 = arith.addi %add3A_134, %convert_element_type3A_148 : vector<512xi32>
    %get3A_150 = arith.constant 10 : index
    %get3A_151 = arith.constant 0 : index
    %get3A_152 = vector.load %arg1[%get3A_150, %get3A_151] : memref<32x512xi16, #tpu.memory_space<vmem>>, vector<1x512xi16>
    %get3A_153 = vector.shape_cast %get3A_152 : vector<1x512xi16> to vector<512xi16>
    %broadcast_in_dim3A_154 = vector.shape_cast %get3A_153 : vector<512xi16> to vector<512x1xi16>
    %eq3A_155 = vector.broadcast %broadcast_in_dim3A_154 : vector<512x1xi16> to vector<512x769xi16>
    %eq3A_156 = arith.cmpi eq, %eq3A_155, %convert_element_type3A : vector<512x769xi16>
    %select_n3A_157 = arith.select %eq3A_156, %broadcast_in_dim3A_0, %broadcast_in_dim3A_2 : vector<512x769xi1>, vector<512x769xbf16>
    %add3A_158 = arith.addf %add3A_143, %select_n3A_157 : vector<512x769xbf16>
    %squeeze3A_159 = vector.shape_cast %broadcast_in_dim3A_154 : vector<512x1xi16> to vector<512xi16>
    %eq3A_160 = arith.constant 768 : i16
    %eq3A_161 = vector.broadcast %eq3A_160 : i16 to vector<512xi16>
    %eq3A_162 = arith.cmpi eq, %squeeze3A_159, %eq3A_161 : vector<512xi16>
    %convert_element_type3A_163 = arith.extui %eq3A_162 : vector<512xi1> to vector<512xi32>
    %add3A_164 = arith.addi %add3A_149, %convert_element_type3A_163 : vector<512xi32>
    %get3A_165 = arith.constant 11 : index
    %get3A_166 = arith.constant 0 : index
    %get3A_167 = vector.load %arg1[%get3A_165, %get3A_166] : memref<32x512xi16, #tpu.memory_space<vmem>>, vector<1x512xi16>
    %get3A_168 = vector.shape_cast %get3A_167 : vector<1x512xi16> to vector<512xi16>
    %broadcast_in_dim3A_169 = vector.shape_cast %get3A_168 : vector<512xi16> to vector<512x1xi16>
    %eq3A_170 = vector.broadcast %broadcast_in_dim3A_169 : vector<512x1xi16> to vector<512x769xi16>
    %eq3A_171 = arith.cmpi eq, %eq3A_170, %convert_element_type3A : vector<512x769xi16>
    %select_n3A_172 = arith.select %eq3A_171, %broadcast_in_dim3A_0, %broadcast_in_dim3A_2 : vector<512x769xi1>, vector<512x769xbf16>
    %add3A_173 = arith.addf %add3A_158, %select_n3A_172 : vector<512x769xbf16>
    %squeeze3A_174 = vector.shape_cast %broadcast_in_dim3A_169 : vector<512x1xi16> to vector<512xi16>
    %eq3A_175 = arith.constant 768 : i16
    %eq3A_176 = vector.broadcast %eq3A_175 : i16 to vector<512xi16>
    %eq3A_177 = arith.cmpi eq, %squeeze3A_174, %eq3A_176 : vector<512xi16>
    %convert_element_type3A_178 = arith.extui %eq3A_177 : vector<512xi1> to vector<512xi32>
    %add3A_179 = arith.addi %add3A_164, %convert_element_type3A_178 : vector<512xi32>
    %get3A_180 = arith.constant 12 : index
    %get3A_181 = arith.constant 0 : index
    %get3A_182 = vector.load %arg1[%get3A_180, %get3A_181] : memref<32x512xi16, #tpu.memory_space<vmem>>, vector<1x512xi16>
    %get3A_183 = vector.shape_cast %get3A_182 : vector<1x512xi16> to vector<512xi16>
    %broadcast_in_dim3A_184 = vector.shape_cast %get3A_183 : vector<512xi16> to vector<512x1xi16>
    %eq3A_185 = vector.broadcast %broadcast_in_dim3A_184 : vector<512x1xi16> to vector<512x769xi16>
    %eq3A_186 = arith.cmpi eq, %eq3A_185, %convert_element_type3A : vector<512x769xi16>
    %select_n3A_187 = arith.select %eq3A_186, %broadcast_in_dim3A_0, %broadcast_in_dim3A_2 : vector<512x769xi1>, vector<512x769xbf16>
    %add3A_188 = arith.addf %add3A_173, %select_n3A_187 : vector<512x769xbf16>
    %squeeze3A_189 = vector.shape_cast %broadcast_in_dim3A_184 : vector<512x1xi16> to vector<512xi16>
    %eq3A_190 = arith.constant 768 : i16
    %eq3A_191 = vector.broadcast %eq3A_190 : i16 to vector<512xi16>
    %eq3A_192 = arith.cmpi eq, %squeeze3A_189, %eq3A_191 : vector<512xi16>
    %convert_element_type3A_193 = arith.extui %eq3A_192 : vector<512xi1> to vector<512xi32>
    %add3A_194 = arith.addi %add3A_179, %convert_element_type3A_193 : vector<512xi32>
    %get3A_195 = arith.constant 13 : index
    %get3A_196 = arith.constant 0 : index
    %get3A_197 = vector.load %arg1[%get3A_195, %get3A_196] : memref<32x512xi16, #tpu.memory_space<vmem>>, vector<1x512xi16>
    %get3A_198 = vector.shape_cast %get3A_197 : vector<1x512xi16> to vector<512xi16>
    %broadcast_in_dim3A_199 = vector.shape_cast %get3A_198 : vector<512xi16> to vector<512x1xi16>
    %eq3A_200 = vector.broadcast %broadcast_in_dim3A_199 : vector<512x1xi16> to vector<512x769xi16>
    %eq3A_201 = arith.cmpi eq, %eq3A_200, %convert_element_type3A : vector<512x769xi16>
    %select_n3A_202 = arith.select %eq3A_201, %broadcast_in_dim3A_0, %broadcast_in_dim3A_2 : vector<512x769xi1>, vector<512x769xbf16>
    %add3A_203 = arith.addf %add3A_188, %select_n3A_202 : vector<512x769xbf16>
    %squeeze3A_204 = vector.shape_cast %broadcast_in_dim3A_199 : vector<512x1xi16> to vector<512xi16>
    %eq3A_205 = arith.constant 768 : i16
    %eq3A_206 = vector.broadcast %eq3A_205 : i16 to vector<512xi16>
    %eq3A_207 = arith.cmpi eq, %squeeze3A_204, %eq3A_206 : vector<512xi16>
    %convert_element_type3A_208 = arith.extui %eq3A_207 : vector<512xi1> to vector<512xi32>
    %add3A_209 = arith.addi %add3A_194, %convert_element_type3A_208 : vector<512xi32>
    %get3A_210 = arith.constant 14 : index
    %get3A_211 = arith.constant 0 : index
    %get3A_212 = vector.load %arg1[%get3A_210, %get3A_211] : memref<32x512xi16, #tpu.memory_space<vmem>>, vector<1x512xi16>
    %get3A_213 = vector.shape_cast %get3A_212 : vector<1x512xi16> to vector<512xi16>
    %broadcast_in_dim3A_214 = vector.shape_cast %get3A_213 : vector<512xi16> to vector<512x1xi16>
    %eq3A_215 = vector.broadcast %broadcast_in_dim3A_214 : vector<512x1xi16> to vector<512x769xi16>
    %eq3A_216 = arith.cmpi eq, %eq3A_215, %convert_element_type3A : vector<512x769xi16>
    %select_n3A_217 = arith.select %eq3A_216, %broadcast_in_dim3A_0, %broadcast_in_dim3A_2 : vector<512x769xi1>, vector<512x769xbf16>
    %add3A_218 = arith.addf %add3A_203, %select_n3A_217 : vector<512x769xbf16>
    %squeeze3A_219 = vector.shape_cast %broadcast_in_dim3A_214 : vector<512x1xi16> to vector<512xi16>
    %eq3A_220 = arith.constant 768 : i16
    %eq3A_221 = vector.broadcast %eq3A_220 : i16 to vector<512xi16>
    %eq3A_222 = arith.cmpi eq, %squeeze3A_219, %eq3A_221 : vector<512xi16>
    %convert_element_type3A_223 = arith.extui %eq3A_222 : vector<512xi1> to vector<512xi32>
    %add3A_224 = arith.addi %add3A_209, %convert_element_type3A_223 : vector<512xi32>
    %get3A_225 = arith.constant 15 : index
    %get3A_226 = arith.constant 0 : index
    %get3A_227 = vector.load %arg1[%get3A_225, %get3A_226] : memref<32x512xi16, #tpu.memory_space<vmem>>, vector<1x512xi16>
    %get3A_228 = vector.shape_cast %get3A_227 : vector<1x512xi16> to vector<512xi16>
    %broadcast_in_dim3A_229 = vector.shape_cast %get3A_228 : vector<512xi16> to vector<512x1xi16>
    %eq3A_230 = vector.broadcast %broadcast_in_dim3A_229 : vector<512x1xi16> to vector<512x769xi16>
    %eq3A_231 = arith.cmpi eq, %eq3A_230, %convert_element_type3A : vector<512x769xi16>
    %select_n3A_232 = arith.select %eq3A_231, %broadcast_in_dim3A_0, %broadcast_in_dim3A_2 : vector<512x769xi1>, vector<512x769xbf16>
    %add3A_233 = arith.addf %add3A_218, %select_n3A_232 : vector<512x769xbf16>
    %squeeze3A_234 = vector.shape_cast %broadcast_in_dim3A_229 : vector<512x1xi16> to vector<512xi16>
    %eq3A_235 = arith.constant 768 : i16
    %eq3A_236 = vector.broadcast %eq3A_235 : i16 to vector<512xi16>
    %eq3A_237 = arith.cmpi eq, %squeeze3A_234, %eq3A_236 : vector<512xi16>
    %convert_element_type3A_238 = arith.extui %eq3A_237 : vector<512xi1> to vector<512xi32>
    %add3A_239 = arith.addi %add3A_224, %convert_element_type3A_238 : vector<512xi32>
    %get3A_240 = arith.constant 16 : index
    %get3A_241 = arith.constant 0 : index
    %get3A_242 = vector.load %arg1[%get3A_240, %get3A_241] : memref<32x512xi16, #tpu.memory_space<vmem>>, vector<1x512xi16>
    %get3A_243 = vector.shape_cast %get3A_242 : vector<1x512xi16> to vector<512xi16>
    %broadcast_in_dim3A_244 = vector.shape_cast %get3A_243 : vector<512xi16> to vector<512x1xi16>
    %eq3A_245 = vector.broadcast %broadcast_in_dim3A_244 : vector<512x1xi16> to vector<512x769xi16>
    %eq3A_246 = arith.cmpi eq, %eq3A_245, %convert_element_type3A : vector<512x769xi16>
    %select_n3A_247 = arith.select %eq3A_246, %broadcast_in_dim3A_0, %broadcast_in_dim3A_2 : vector<512x769xi1>, vector<512x769xbf16>
    %add3A_248 = arith.addf %add3A_233, %select_n3A_247 : vector<512x769xbf16>
    %squeeze3A_249 = vector.shape_cast %broadcast_in_dim3A_244 : vector<512x1xi16> to vector<512xi16>
    %eq3A_250 = arith.constant 768 : i16
    %eq3A_251 = vector.broadcast %eq3A_250 : i16 to vector<512xi16>
    %eq3A_252 = arith.cmpi eq, %squeeze3A_249, %eq3A_251 : vector<512xi16>
    %convert_element_type3A_253 = arith.extui %eq3A_252 : vector<512xi1> to vector<512xi32>
    %add3A_254 = arith.addi %add3A_239, %convert_element_type3A_253 : vector<512xi32>
    %get3A_255 = arith.constant 17 : index
    %get3A_256 = arith.constant 0 : index
    %get3A_257 = vector.load %arg1[%get3A_255, %get3A_256] : memref<32x512xi16, #tpu.memory_space<vmem>>, vector<1x512xi16>
    %get3A_258 = vector.shape_cast %get3A_257 : vector<1x512xi16> to vector<512xi16>
    %broadcast_in_dim3A_259 = vector.shape_cast %get3A_258 : vector<512xi16> to vector<512x1xi16>
    %eq3A_260 = vector.broadcast %broadcast_in_dim3A_259 : vector<512x1xi16> to vector<512x769xi16>
    %eq3A_261 = arith.cmpi eq, %eq3A_260, %convert_element_type3A : vector<512x769xi16>
    %select_n3A_262 = arith.select %eq3A_261, %broadcast_in_dim3A_0, %broadcast_in_dim3A_2 : vector<512x769xi1>, vector<512x769xbf16>
    %add3A_263 = arith.addf %add3A_248, %select_n3A_262 : vector<512x769xbf16>
    %squeeze3A_264 = vector.shape_cast %broadcast_in_dim3A_259 : vector<512x1xi16> to vector<512xi16>
    %eq3A_265 = arith.constant 768 : i16
    %eq3A_266 = vector.broadcast %eq3A_265 : i16 to vector<512xi16>
    %eq3A_267 = arith.cmpi eq, %squeeze3A_264, %eq3A_266 : vector<512xi16>
    %convert_element_type3A_268 = arith.extui %eq3A_267 : vector<512xi1> to vector<512xi32>
    %add3A_269 = arith.addi %add3A_254, %convert_element_type3A_268 : vector<512xi32>
    %get3A_270 = arith.constant 18 : index
    %get3A_271 = arith.constant 0 : index
    %get3A_272 = vector.load %arg1[%get3A_270, %get3A_271] : memref<32x512xi16, #tpu.memory_space<vmem>>, vector<1x512xi16>
    %get3A_273 = vector.shape_cast %get3A_272 : vector<1x512xi16> to vector<512xi16>
    %broadcast_in_dim3A_274 = vector.shape_cast %get3A_273 : vector<512xi16> to vector<512x1xi16>
    %eq3A_275 = vector.broadcast %broadcast_in_dim3A_274 : vector<512x1xi16> to vector<512x769xi16>
    %eq3A_276 = arith.cmpi eq, %eq3A_275, %convert_element_type3A : vector<512x769xi16>
    %select_n3A_277 = arith.select %eq3A_276, %broadcast_in_dim3A_0, %broadcast_in_dim3A_2 : vector<512x769xi1>, vector<512x769xbf16>
    %add3A_278 = arith.addf %add3A_263, %select_n3A_277 : vector<512x769xbf16>
    %squeeze3A_279 = vector.shape_cast %broadcast_in_dim3A_274 : vector<512x1xi16> to vector<512xi16>
    %eq3A_280 = arith.constant 768 : i16
    %eq3A_281 = vector.broadcast %eq3A_280 : i16 to vector<512xi16>
    %eq3A_282 = arith.cmpi eq, %squeeze3A_279, %eq3A_281 : vector<512xi16>
    %convert_element_type3A_283 = arith.extui %eq3A_282 : vector<512xi1> to vector<512xi32>
    %add3A_284 = arith.addi %add3A_269, %convert_element_type3A_283 : vector<512xi32>
    %get3A_285 = arith.constant 19 : index
    %get3A_286 = arith.constant 0 : index
    %get3A_287 = vector.load %arg1[%get3A_285, %get3A_286] : memref<32x512xi16, #tpu.memory_space<vmem>>, vector<1x512xi16>
    %get3A_288 = vector.shape_cast %get3A_287 : vector<1x512xi16> to vector<512xi16>
    %broadcast_in_dim3A_289 = vector.shape_cast %get3A_288 : vector<512xi16> to vector<512x1xi16>
    %eq3A_290 = vector.broadcast %broadcast_in_dim3A_289 : vector<512x1xi16> to vector<512x769xi16>
    %eq3A_291 = arith.cmpi eq, %eq3A_290, %convert_element_type3A : vector<512x769xi16>
    %select_n3A_292 = arith.select %eq3A_291, %broadcast_in_dim3A_0, %broadcast_in_dim3A_2 : vector<512x769xi1>, vector<512x769xbf16>
    %add3A_293 = arith.addf %add3A_278, %select_n3A_292 : vector<512x769xbf16>
    %squeeze3A_294 = vector.shape_cast %broadcast_in_dim3A_289 : vector<512x1xi16> to vector<512xi16>
    %eq3A_295 = arith.constant 768 : i16
    %eq3A_296 = vector.broadcast %eq3A_295 : i16 to vector<512xi16>
    %eq3A_297 = arith.cmpi eq, %squeeze3A_294, %eq3A_296 : vector<512xi16>
    %convert_element_type3A_298 = arith.extui %eq3A_297 : vector<512xi1> to vector<512xi32>
    %add3A_299 = arith.addi %add3A_284, %convert_element_type3A_298 : vector<512xi32>
    %get3A_300 = arith.constant 20 : index
    %get3A_301 = arith.constant 0 : index
    %get3A_302 = vector.load %arg1[%get3A_300, %get3A_301] : memref<32x512xi16, #tpu.memory_space<vmem>>, vector<1x512xi16>
    %get3A_303 = vector.shape_cast %get3A_302 : vector<1x512xi16> to vector<512xi16>
    %broadcast_in_dim3A_304 = vector.shape_cast %get3A_303 : vector<512xi16> to vector<512x1xi16>
    %eq3A_305 = vector.broadcast %broadcast_in_dim3A_304 : vector<512x1xi16> to vector<512x769xi16>
    %eq3A_306 = arith.cmpi eq, %eq3A_305, %convert_element_type3A : vector<512x769xi16>
    %select_n3A_307 = arith.select %eq3A_306, %broadcast_in_dim3A_0, %broadcast_in_dim3A_2 : vector<512x769xi1>, vector<512x769xbf16>
    %add3A_308 = arith.addf %add3A_293, %select_n3A_307 : vector<512x769xbf16>
    %squeeze3A_309 = vector.shape_cast %broadcast_in_dim3A_304 : vector<512x1xi16> to vector<512xi16>
    %eq3A_310 = arith.constant 768 : i16
    %eq3A_311 = vector.broadcast %eq3A_310 : i16 to vector<512xi16>
    %eq3A_312 = arith.cmpi eq, %squeeze3A_309, %eq3A_311 : vector<512xi16>
    %convert_element_type3A_313 = arith.extui %eq3A_312 : vector<512xi1> to vector<512xi32>
    %add3A_314 = arith.addi %add3A_299, %convert_element_type3A_313 : vector<512xi32>
    %get3A_315 = arith.constant 21 : index
    %get3A_316 = arith.constant 0 : index
    %get3A_317 = vector.load %arg1[%get3A_315, %get3A_316] : memref<32x512xi16, #tpu.memory_space<vmem>>, vector<1x512xi16>
    %get3A_318 = vector.shape_cast %get3A_317 : vector<1x512xi16> to vector<512xi16>
    %broadcast_in_dim3A_319 = vector.shape_cast %get3A_318 : vector<512xi16> to vector<512x1xi16>
    %eq3A_320 = vector.broadcast %broadcast_in_dim3A_319 : vector<512x1xi16> to vector<512x769xi16>
    %eq3A_321 = arith.cmpi eq, %eq3A_320, %convert_element_type3A : vector<512x769xi16>
    %select_n3A_322 = arith.select %eq3A_321, %broadcast_in_dim3A_0, %broadcast_in_dim3A_2 : vector<512x769xi1>, vector<512x769xbf16>
    %add3A_323 = arith.addf %add3A_308, %select_n3A_322 : vector<512x769xbf16>
    %squeeze3A_324 = vector.shape_cast %broadcast_in_dim3A_319 : vector<512x1xi16> to vector<512xi16>
    %eq3A_325 = arith.constant 768 : i16
    %eq3A_326 = vector.broadcast %eq3A_325 : i16 to vector<512xi16>
    %eq3A_327 = arith.cmpi eq, %squeeze3A_324, %eq3A_326 : vector<512xi16>
    %convert_element_type3A_328 = arith.extui %eq3A_327 : vector<512xi1> to vector<512xi32>
    %add3A_329 = arith.addi %add3A_314, %convert_element_type3A_328 : vector<512xi32>
    %get3A_330 = arith.constant 22 : index
    %get3A_331 = arith.constant 0 : index
    %get3A_332 = vector.load %arg1[%get3A_330, %get3A_331] : memref<32x512xi16, #tpu.memory_space<vmem>>, vector<1x512xi16>
    %get3A_333 = vector.shape_cast %get3A_332 : vector<1x512xi16> to vector<512xi16>
    %broadcast_in_dim3A_334 = vector.shape_cast %get3A_333 : vector<512xi16> to vector<512x1xi16>
    %eq3A_335 = vector.broadcast %broadcast_in_dim3A_334 : vector<512x1xi16> to vector<512x769xi16>
    %eq3A_336 = arith.cmpi eq, %eq3A_335, %convert_element_type3A : vector<512x769xi16>
    %select_n3A_337 = arith.select %eq3A_336, %broadcast_in_dim3A_0, %broadcast_in_dim3A_2 : vector<512x769xi1>, vector<512x769xbf16>
    %add3A_338 = arith.addf %add3A_323, %select_n3A_337 : vector<512x769xbf16>
    %squeeze3A_339 = vector.shape_cast %broadcast_in_dim3A_334 : vector<512x1xi16> to vector<512xi16>
    %eq3A_340 = arith.constant 768 : i16
    %eq3A_341 = vector.broadcast %eq3A_340 : i16 to vector<512xi16>
    %eq3A_342 = arith.cmpi eq, %squeeze3A_339, %eq3A_341 : vector<512xi16>
    %convert_element_type3A_343 = arith.extui %eq3A_342 : vector<512xi1> to vector<512xi32>
    %add3A_344 = arith.addi %add3A_329, %convert_element_type3A_343 : vector<512xi32>
    %get3A_345 = arith.constant 23 : index
    %get3A_346 = arith.constant 0 : index
    %get3A_347 = vector.load %arg1[%get3A_345, %get3A_346] : memref<32x512xi16, #tpu.memory_space<vmem>>, vector<1x512xi16>
    %get3A_348 = vector.shape_cast %get3A_347 : vector<1x512xi16> to vector<512xi16>
    %broadcast_in_dim3A_349 = vector.shape_cast %get3A_348 : vector<512xi16> to vector<512x1xi16>
    %eq3A_350 = vector.broadcast %broadcast_in_dim3A_349 : vector<512x1xi16> to vector<512x769xi16>
    %eq3A_351 = arith.cmpi eq, %eq3A_350, %convert_element_type3A : vector<512x769xi16>
    %select_n3A_352 = arith.select %eq3A_351, %broadcast_in_dim3A_0, %broadcast_in_dim3A_2 : vector<512x769xi1>, vector<512x769xbf16>
    %add3A_353 = arith.addf %add3A_338, %select_n3A_352 : vector<512x769xbf16>
    %squeeze3A_354 = vector.shape_cast %broadcast_in_dim3A_349 : vector<512x1xi16> to vector<512xi16>
    %eq3A_355 = arith.constant 768 : i16
    %eq3A_356 = vector.broadcast %eq3A_355 : i16 to vector<512xi16>
    %eq3A_357 = arith.cmpi eq, %squeeze3A_354, %eq3A_356 : vector<512xi16>
    %convert_element_type3A_358 = arith.extui %eq3A_357 : vector<512xi1> to vector<512xi32>
    %add3A_359 = arith.addi %add3A_344, %convert_element_type3A_358 : vector<512xi32>
    %get3A_360 = arith.constant 24 : index
    %get3A_361 = arith.constant 0 : index
    %get3A_362 = vector.load %arg1[%get3A_360, %get3A_361] : memref<32x512xi16, #tpu.memory_space<vmem>>, vector<1x512xi16>
    %get3A_363 = vector.shape_cast %get3A_362 : vector<1x512xi16> to vector<512xi16>
    %broadcast_in_dim3A_364 = vector.shape_cast %get3A_363 : vector<512xi16> to vector<512x1xi16>
    %eq3A_365 = vector.broadcast %broadcast_in_dim3A_364 : vector<512x1xi16> to vector<512x769xi16>
    %eq3A_366 = arith.cmpi eq, %eq3A_365, %convert_element_type3A : vector<512x769xi16>
    %select_n3A_367 = arith.select %eq3A_366, %broadcast_in_dim3A_0, %broadcast_in_dim3A_2 : vector<512x769xi1>, vector<512x769xbf16>
    %add3A_368 = arith.addf %add3A_353, %select_n3A_367 : vector<512x769xbf16>
    %squeeze3A_369 = vector.shape_cast %broadcast_in_dim3A_364 : vector<512x1xi16> to vector<512xi16>
    %eq3A_370 = arith.constant 768 : i16
    %eq3A_371 = vector.broadcast %eq3A_370 : i16 to vector<512xi16>
    %eq3A_372 = arith.cmpi eq, %squeeze3A_369, %eq3A_371 : vector<512xi16>
    %convert_element_type3A_373 = arith.extui %eq3A_372 : vector<512xi1> to vector<512xi32>
    %add3A_374 = arith.addi %add3A_359, %convert_element_type3A_373 : vector<512xi32>
    %get3A_375 = arith.constant 25 : index
    %get3A_376 = arith.constant 0 : index
    %get3A_377 = vector.load %arg1[%get3A_375, %get3A_376] : memref<32x512xi16, #tpu.memory_space<vmem>>, vector<1x512xi16>
    %get3A_378 = vector.shape_cast %get3A_377 : vector<1x512xi16> to vector<512xi16>
    %broadcast_in_dim3A_379 = vector.shape_cast %get3A_378 : vector<512xi16> to vector<512x1xi16>
    %eq3A_380 = vector.broadcast %broadcast_in_dim3A_379 : vector<512x1xi16> to vector<512x769xi16>
    %eq3A_381 = arith.cmpi eq, %eq3A_380, %convert_element_type3A : vector<512x769xi16>
    %select_n3A_382 = arith.select %eq3A_381, %broadcast_in_dim3A_0, %broadcast_in_dim3A_2 : vector<512x769xi1>, vector<512x769xbf16>
    %add3A_383 = arith.addf %add3A_368, %select_n3A_382 : vector<512x769xbf16>
    %squeeze3A_384 = vector.shape_cast %broadcast_in_dim3A_379 : vector<512x1xi16> to vector<512xi16>
    %eq3A_385 = arith.constant 768 : i16
    %eq3A_386 = vector.broadcast %eq3A_385 : i16 to vector<512xi16>
    %eq3A_387 = arith.cmpi eq, %squeeze3A_384, %eq3A_386 : vector<512xi16>
    %convert_element_type3A_388 = arith.extui %eq3A_387 : vector<512xi1> to vector<512xi32>
    %add3A_389 = arith.addi %add3A_374, %convert_element_type3A_388 : vector<512xi32>
    %get3A_390 = arith.constant 26 : index
    %get3A_391 = arith.constant 0 : index
    %get3A_392 = vector.load %arg1[%get3A_390, %get3A_391] : memref<32x512xi16, #tpu.memory_space<vmem>>, vector<1x512xi16>
    %get3A_393 = vector.shape_cast %get3A_392 : vector<1x512xi16> to vector<512xi16>
    %broadcast_in_dim3A_394 = vector.shape_cast %get3A_393 : vector<512xi16> to vector<512x1xi16>
    %eq3A_395 = vector.broadcast %broadcast_in_dim3A_394 : vector<512x1xi16> to vector<512x769xi16>
    %eq3A_396 = arith.cmpi eq, %eq3A_395, %convert_element_type3A : vector<512x769xi16>
    %select_n3A_397 = arith.select %eq3A_396, %broadcast_in_dim3A_0, %broadcast_in_dim3A_2 : vector<512x769xi1>, vector<512x769xbf16>
    %add3A_398 = arith.addf %add3A_383, %select_n3A_397 : vector<512x769xbf16>
    %squeeze3A_399 = vector.shape_cast %broadcast_in_dim3A_394 : vector<512x1xi16> to vector<512xi16>
    %eq3A_400 = arith.constant 768 : i16
    %eq3A_401 = vector.broadcast %eq3A_400 : i16 to vector<512xi16>
    %eq3A_402 = arith.cmpi eq, %squeeze3A_399, %eq3A_401 : vector<512xi16>
    %convert_element_type3A_403 = arith.extui %eq3A_402 : vector<512xi1> to vector<512xi32>
    %add3A_404 = arith.addi %add3A_389, %convert_element_type3A_403 : vector<512xi32>
    %get3A_405 = arith.constant 27 : index
    %get3A_406 = arith.constant 0 : index
    %get3A_407 = vector.load %arg1[%get3A_405, %get3A_406] : memref<32x512xi16, #tpu.memory_space<vmem>>, vector<1x512xi16>
    %get3A_408 = vector.shape_cast %get3A_407 : vector<1x512xi16> to vector<512xi16>
    %broadcast_in_dim3A_409 = vector.shape_cast %get3A_408 : vector<512xi16> to vector<512x1xi16>
    %eq3A_410 = vector.broadcast %broadcast_in_dim3A_409 : vector<512x1xi16> to vector<512x769xi16>
    %eq3A_411 = arith.cmpi eq, %eq3A_410, %convert_element_type3A : vector<512x769xi16>
    %select_n3A_412 = arith.select %eq3A_411, %broadcast_in_dim3A_0, %broadcast_in_dim3A_2 : vector<512x769xi1>, vector<512x769xbf16>
    %add3A_413 = arith.addf %add3A_398, %select_n3A_412 : vector<512x769xbf16>
    %squeeze3A_414 = vector.shape_cast %broadcast_in_dim3A_409 : vector<512x1xi16> to vector<512xi16>
    %eq3A_415 = arith.constant 768 : i16
    %eq3A_416 = vector.broadcast %eq3A_415 : i16 to vector<512xi16>
    %eq3A_417 = arith.cmpi eq, %squeeze3A_414, %eq3A_416 : vector<512xi16>
    %convert_element_type3A_418 = arith.extui %eq3A_417 : vector<512xi1> to vector<512xi32>
    %add3A_419 = arith.addi %add3A_404, %convert_element_type3A_418 : vector<512xi32>
    %get3A_420 = arith.constant 28 : index
    %get3A_421 = arith.constant 0 : index
    %get3A_422 = vector.load %arg1[%get3A_420, %get3A_421] : memref<32x512xi16, #tpu.memory_space<vmem>>, vector<1x512xi16>
    %get3A_423 = vector.shape_cast %get3A_422 : vector<1x512xi16> to vector<512xi16>
    %broadcast_in_dim3A_424 = vector.shape_cast %get3A_423 : vector<512xi16> to vector<512x1xi16>
    %eq3A_425 = vector.broadcast %broadcast_in_dim3A_424 : vector<512x1xi16> to vector<512x769xi16>
    %eq3A_426 = arith.cmpi eq, %eq3A_425, %convert_element_type3A : vector<512x769xi16>
    %select_n3A_427 = arith.select %eq3A_426, %broadcast_in_dim3A_0, %broadcast_in_dim3A_2 : vector<512x769xi1>, vector<512x769xbf16>
    %add3A_428 = arith.addf %add3A_413, %select_n3A_427 : vector<512x769xbf16>
    %squeeze3A_429 = vector.shape_cast %broadcast_in_dim3A_424 : vector<512x1xi16> to vector<512xi16>
    %eq3A_430 = arith.constant 768 : i16
    %eq3A_431 = vector.broadcast %eq3A_430 : i16 to vector<512xi16>
    %eq3A_432 = arith.cmpi eq, %squeeze3A_429, %eq3A_431 : vector<512xi16>
    %convert_element_type3A_433 = arith.extui %eq3A_432 : vector<512xi1> to vector<512xi32>
    %add3A_434 = arith.addi %add3A_419, %convert_element_type3A_433 : vector<512xi32>
    %get3A_435 = arith.constant 29 : index
    %get3A_436 = arith.constant 0 : index
    %get3A_437 = vector.load %arg1[%get3A_435, %get3A_436] : memref<32x512xi16, #tpu.memory_space<vmem>>, vector<1x512xi16>
    %get3A_438 = vector.shape_cast %get3A_437 : vector<1x512xi16> to vector<512xi16>
    %broadcast_in_dim3A_439 = vector.shape_cast %get3A_438 : vector<512xi16> to vector<512x1xi16>
    %eq3A_440 = vector.broadcast %broadcast_in_dim3A_439 : vector<512x1xi16> to vector<512x769xi16>
    %eq3A_441 = arith.cmpi eq, %eq3A_440, %convert_element_type3A : vector<512x769xi16>
    %select_n3A_442 = arith.select %eq3A_441, %broadcast_in_dim3A_0, %broadcast_in_dim3A_2 : vector<512x769xi1>, vector<512x769xbf16>
    %add3A_443 = arith.addf %add3A_428, %select_n3A_442 : vector<512x769xbf16>
    %squeeze3A_444 = vector.shape_cast %broadcast_in_dim3A_439 : vector<512x1xi16> to vector<512xi16>
    %eq3A_445 = arith.constant 768 : i16
    %eq3A_446 = vector.broadcast %eq3A_445 : i16 to vector<512xi16>
    %eq3A_447 = arith.cmpi eq, %squeeze3A_444, %eq3A_446 : vector<512xi16>
    %convert_element_type3A_448 = arith.extui %eq3A_447 : vector<512xi1> to vector<512xi32>
    %add3A_449 = arith.addi %add3A_434, %convert_element_type3A_448 : vector<512xi32>
    %get3A_450 = arith.constant 30 : index
    %get3A_451 = arith.constant 0 : index
    %get3A_452 = vector.load %arg1[%get3A_450, %get3A_451] : memref<32x512xi16, #tpu.memory_space<vmem>>, vector<1x512xi16>
    %get3A_453 = vector.shape_cast %get3A_452 : vector<1x512xi16> to vector<512xi16>
    %broadcast_in_dim3A_454 = vector.shape_cast %get3A_453 : vector<512xi16> to vector<512x1xi16>
    %eq3A_455 = vector.broadcast %broadcast_in_dim3A_454 : vector<512x1xi16> to vector<512x769xi16>
    %eq3A_456 = arith.cmpi eq, %eq3A_455, %convert_element_type3A : vector<512x769xi16>
    %select_n3A_457 = arith.select %eq3A_456, %broadcast_in_dim3A_0, %broadcast_in_dim3A_2 : vector<512x769xi1>, vector<512x769xbf16>
    %add3A_458 = arith.addf %add3A_443, %select_n3A_457 : vector<512x769xbf16>
    %squeeze3A_459 = vector.shape_cast %broadcast_in_dim3A_454 : vector<512x1xi16> to vector<512xi16>
    %eq3A_460 = arith.constant 768 : i16
    %eq3A_461 = vector.broadcast %eq3A_460 : i16 to vector<512xi16>
    %eq3A_462 = arith.cmpi eq, %squeeze3A_459, %eq3A_461 : vector<512xi16>
    %convert_element_type3A_463 = arith.extui %eq3A_462 : vector<512xi1> to vector<512xi32>
    %add3A_464 = arith.addi %add3A_449, %convert_element_type3A_463 : vector<512xi32>
    %get3A_465 = arith.constant 31 : index
    %get3A_466 = arith.constant 0 : index
    %get3A_467 = vector.load %arg1[%get3A_465, %get3A_466] : memref<32x512xi16, #tpu.memory_space<vmem>>, vector<1x512xi16>
    %get3A_468 = vector.shape_cast %get3A_467 : vector<1x512xi16> to vector<512xi16>
    %broadcast_in_dim3A_469 = vector.shape_cast %get3A_468 : vector<512xi16> to vector<512x1xi16>
    %eq3A_470 = vector.broadcast %broadcast_in_dim3A_469 : vector<512x1xi16> to vector<512x769xi16>
    %eq3A_471 = arith.cmpi eq, %eq3A_470, %convert_element_type3A : vector<512x769xi16>
    %select_n3A_472 = arith.select %eq3A_471, %broadcast_in_dim3A_0, %broadcast_in_dim3A_2 : vector<512x769xi1>, vector<512x769xbf16>
    %add3A_473 = arith.addf %add3A_458, %select_n3A_472 : vector<512x769xbf16>
    %squeeze3A_474 = vector.shape_cast %broadcast_in_dim3A_469 : vector<512x1xi16> to vector<512xi16>
    %eq3A_475 = arith.constant 768 : i16
    %eq3A_476 = vector.broadcast %eq3A_475 : i16 to vector<512xi16>
    %eq3A_477 = arith.cmpi eq, %squeeze3A_474, %eq3A_476 : vector<512xi16>
    %convert_element_type3A_478 = arith.extui %eq3A_477 : vector<512xi1> to vector<512xi32>
    %add3A_479 = arith.addi %add3A_464, %convert_element_type3A_478 : vector<512xi32>
    %get3A_480 = arith.constant 0 : index
    %get3A_481 = arith.constant 0 : index
    %get3A_482 = vector.load %arg2[%get3A_480, %get3A_481] : memref<32x512xi16, #tpu.memory_space<vmem>>, vector<1x512xi16>
    %get3A_483 = vector.shape_cast %get3A_482 : vector<1x512xi16> to vector<512xi16>
    %broadcast_in_dim3A_484 = vector.shape_cast %get3A_483 : vector<512xi16> to vector<512x1xi16>
    %eq3A_485 = vector.broadcast %broadcast_in_dim3A_484 : vector<512x1xi16> to vector<512x769xi16>
    %eq3A_486 = arith.cmpi eq, %eq3A_485, %convert_element_type3A : vector<512x769xi16>
    %select_n3A_487 = arith.select %eq3A_486, %broadcast_in_dim3A_0, %broadcast_in_dim3A_2 : vector<512x769xi1>, vector<512x769xbf16>
    %add3A_488 = arith.addf %broadcast_in_dim3A_2, %select_n3A_487 : vector<512x769xbf16>
    %get3A_489 = arith.constant 1 : index
    %get3A_490 = arith.constant 0 : index
    %get3A_491 = vector.load %arg2[%get3A_489, %get3A_490] : memref<32x512xi16, #tpu.memory_space<vmem>>, vector<1x512xi16>
    %get3A_492 = vector.shape_cast %get3A_491 : vector<1x512xi16> to vector<512xi16>
    %broadcast_in_dim3A_493 = vector.shape_cast %get3A_492 : vector<512xi16> to vector<512x1xi16>
    %eq3A_494 = vector.broadcast %broadcast_in_dim3A_493 : vector<512x1xi16> to vector<512x769xi16>
    %eq3A_495 = arith.cmpi eq, %eq3A_494, %convert_element_type3A : vector<512x769xi16>
    %select_n3A_496 = arith.select %eq3A_495, %broadcast_in_dim3A_0, %broadcast_in_dim3A_2 : vector<512x769xi1>, vector<512x769xbf16>
    %add3A_497 = arith.addf %add3A_488, %select_n3A_496 : vector<512x769xbf16>
    %get3A_498 = arith.constant 2 : index
    %get3A_499 = arith.constant 0 : index
    %get3A_500 = vector.load %arg2[%get3A_498, %get3A_499] : memref<32x512xi16, #tpu.memory_space<vmem>>, vector<1x512xi16>
    %get3A_501 = vector.shape_cast %get3A_500 : vector<1x512xi16> to vector<512xi16>
    %broadcast_in_dim3A_502 = vector.shape_cast %get3A_501 : vector<512xi16> to vector<512x1xi16>
    %eq3A_503 = vector.broadcast %broadcast_in_dim3A_502 : vector<512x1xi16> to vector<512x769xi16>
    %eq3A_504 = arith.cmpi eq, %eq3A_503, %convert_element_type3A : vector<512x769xi16>
    %select_n3A_505 = arith.select %eq3A_504, %broadcast_in_dim3A_0, %broadcast_in_dim3A_2 : vector<512x769xi1>, vector<512x769xbf16>
    %add3A_506 = arith.addf %add3A_497, %select_n3A_505 : vector<512x769xbf16>
    %get3A_507 = arith.constant 3 : index
    %get3A_508 = arith.constant 0 : index
    %get3A_509 = vector.load %arg2[%get3A_507, %get3A_508] : memref<32x512xi16, #tpu.memory_space<vmem>>, vector<1x512xi16>
    %get3A_510 = vector.shape_cast %get3A_509 : vector<1x512xi16> to vector<512xi16>
    %broadcast_in_dim3A_511 = vector.shape_cast %get3A_510 : vector<512xi16> to vector<512x1xi16>
    %eq3A_512 = vector.broadcast %broadcast_in_dim3A_511 : vector<512x1xi16> to vector<512x769xi16>
    %eq3A_513 = arith.cmpi eq, %eq3A_512, %convert_element_type3A : vector<512x769xi16>
    %select_n3A_514 = arith.select %eq3A_513, %broadcast_in_dim3A_0, %broadcast_in_dim3A_2 : vector<512x769xi1>, vector<512x769xbf16>
    %add3A_515 = arith.addf %add3A_506, %select_n3A_514 : vector<512x769xbf16>
    %get3A_516 = arith.constant 4 : index
    %get3A_517 = arith.constant 0 : index
    %get3A_518 = vector.load %arg2[%get3A_516, %get3A_517] : memref<32x512xi16, #tpu.memory_space<vmem>>, vector<1x512xi16>
    %get3A_519 = vector.shape_cast %get3A_518 : vector<1x512xi16> to vector<512xi16>
    %broadcast_in_dim3A_520 = vector.shape_cast %get3A_519 : vector<512xi16> to vector<512x1xi16>
    %eq3A_521 = vector.broadcast %broadcast_in_dim3A_520 : vector<512x1xi16> to vector<512x769xi16>
    %eq3A_522 = arith.cmpi eq, %eq3A_521, %convert_element_type3A : vector<512x769xi16>
    %select_n3A_523 = arith.select %eq3A_522, %broadcast_in_dim3A_0, %broadcast_in_dim3A_2 : vector<512x769xi1>, vector<512x769xbf16>
    %add3A_524 = arith.addf %add3A_515, %select_n3A_523 : vector<512x769xbf16>
    %get3A_525 = arith.constant 5 : index
    %get3A_526 = arith.constant 0 : index
    %get3A_527 = vector.load %arg2[%get3A_525, %get3A_526] : memref<32x512xi16, #tpu.memory_space<vmem>>, vector<1x512xi16>
    %get3A_528 = vector.shape_cast %get3A_527 : vector<1x512xi16> to vector<512xi16>
    %broadcast_in_dim3A_529 = vector.shape_cast %get3A_528 : vector<512xi16> to vector<512x1xi16>
    %eq3A_530 = vector.broadcast %broadcast_in_dim3A_529 : vector<512x1xi16> to vector<512x769xi16>
    %eq3A_531 = arith.cmpi eq, %eq3A_530, %convert_element_type3A : vector<512x769xi16>
    %select_n3A_532 = arith.select %eq3A_531, %broadcast_in_dim3A_0, %broadcast_in_dim3A_2 : vector<512x769xi1>, vector<512x769xbf16>
    %add3A_533 = arith.addf %add3A_524, %select_n3A_532 : vector<512x769xbf16>
    %get3A_534 = arith.constant 6 : index
    %get3A_535 = arith.constant 0 : index
    %get3A_536 = vector.load %arg2[%get3A_534, %get3A_535] : memref<32x512xi16, #tpu.memory_space<vmem>>, vector<1x512xi16>
    %get3A_537 = vector.shape_cast %get3A_536 : vector<1x512xi16> to vector<512xi16>
    %broadcast_in_dim3A_538 = vector.shape_cast %get3A_537 : vector<512xi16> to vector<512x1xi16>
    %eq3A_539 = vector.broadcast %broadcast_in_dim3A_538 : vector<512x1xi16> to vector<512x769xi16>
    %eq3A_540 = arith.cmpi eq, %eq3A_539, %convert_element_type3A : vector<512x769xi16>
    %select_n3A_541 = arith.select %eq3A_540, %broadcast_in_dim3A_0, %broadcast_in_dim3A_2 : vector<512x769xi1>, vector<512x769xbf16>
    %add3A_542 = arith.addf %add3A_533, %select_n3A_541 : vector<512x769xbf16>
    %get3A_543 = arith.constant 7 : index
    %get3A_544 = arith.constant 0 : index
    %get3A_545 = vector.load %arg2[%get3A_543, %get3A_544] : memref<32x512xi16, #tpu.memory_space<vmem>>, vector<1x512xi16>
    %get3A_546 = vector.shape_cast %get3A_545 : vector<1x512xi16> to vector<512xi16>
    %broadcast_in_dim3A_547 = vector.shape_cast %get3A_546 : vector<512xi16> to vector<512x1xi16>
    %eq3A_548 = vector.broadcast %broadcast_in_dim3A_547 : vector<512x1xi16> to vector<512x769xi16>
    %eq3A_549 = arith.cmpi eq, %eq3A_548, %convert_element_type3A : vector<512x769xi16>
    %select_n3A_550 = arith.select %eq3A_549, %broadcast_in_dim3A_0, %broadcast_in_dim3A_2 : vector<512x769xi1>, vector<512x769xbf16>
    %add3A_551 = arith.addf %add3A_542, %select_n3A_550 : vector<512x769xbf16>
    %get3A_552 = arith.constant 8 : index
    %get3A_553 = arith.constant 0 : index
    %get3A_554 = vector.load %arg2[%get3A_552, %get3A_553] : memref<32x512xi16, #tpu.memory_space<vmem>>, vector<1x512xi16>
    %get3A_555 = vector.shape_cast %get3A_554 : vector<1x512xi16> to vector<512xi16>
    %broadcast_in_dim3A_556 = vector.shape_cast %get3A_555 : vector<512xi16> to vector<512x1xi16>
    %eq3A_557 = vector.broadcast %broadcast_in_dim3A_556 : vector<512x1xi16> to vector<512x769xi16>
    %eq3A_558 = arith.cmpi eq, %eq3A_557, %convert_element_type3A : vector<512x769xi16>
    %select_n3A_559 = arith.select %eq3A_558, %broadcast_in_dim3A_0, %broadcast_in_dim3A_2 : vector<512x769xi1>, vector<512x769xbf16>
    %add3A_560 = arith.addf %add3A_551, %select_n3A_559 : vector<512x769xbf16>
    %get3A_561 = arith.constant 9 : index
    %get3A_562 = arith.constant 0 : index
    %get3A_563 = vector.load %arg2[%get3A_561, %get3A_562] : memref<32x512xi16, #tpu.memory_space<vmem>>, vector<1x512xi16>
    %get3A_564 = vector.shape_cast %get3A_563 : vector<1x512xi16> to vector<512xi16>
    %broadcast_in_dim3A_565 = vector.shape_cast %get3A_564 : vector<512xi16> to vector<512x1xi16>
    %eq3A_566 = vector.broadcast %broadcast_in_dim3A_565 : vector<512x1xi16> to vector<512x769xi16>
    %eq3A_567 = arith.cmpi eq, %eq3A_566, %convert_element_type3A : vector<512x769xi16>
    %select_n3A_568 = arith.select %eq3A_567, %broadcast_in_dim3A_0, %broadcast_in_dim3A_2 : vector<512x769xi1>, vector<512x769xbf16>
    %add3A_569 = arith.addf %add3A_560, %select_n3A_568 : vector<512x769xbf16>
    %get3A_570 = arith.constant 10 : index
    %get3A_571 = arith.constant 0 : index
    %get3A_572 = vector.load %arg2[%get3A_570, %get3A_571] : memref<32x512xi16, #tpu.memory_space<vmem>>, vector<1x512xi16>
    %get3A_573 = vector.shape_cast %get3A_572 : vector<1x512xi16> to vector<512xi16>
    %broadcast_in_dim3A_574 = vector.shape_cast %get3A_573 : vector<512xi16> to vector<512x1xi16>
    %eq3A_575 = vector.broadcast %broadcast_in_dim3A_574 : vector<512x1xi16> to vector<512x769xi16>
    %eq3A_576 = arith.cmpi eq, %eq3A_575, %convert_element_type3A : vector<512x769xi16>
    %select_n3A_577 = arith.select %eq3A_576, %broadcast_in_dim3A_0, %broadcast_in_dim3A_2 : vector<512x769xi1>, vector<512x769xbf16>
    %add3A_578 = arith.addf %add3A_569, %select_n3A_577 : vector<512x769xbf16>
    %get3A_579 = arith.constant 11 : index
    %get3A_580 = arith.constant 0 : index
    %get3A_581 = vector.load %arg2[%get3A_579, %get3A_580] : memref<32x512xi16, #tpu.memory_space<vmem>>, vector<1x512xi16>
    %get3A_582 = vector.shape_cast %get3A_581 : vector<1x512xi16> to vector<512xi16>
    %broadcast_in_dim3A_583 = vector.shape_cast %get3A_582 : vector<512xi16> to vector<512x1xi16>
    %eq3A_584 = vector.broadcast %broadcast_in_dim3A_583 : vector<512x1xi16> to vector<512x769xi16>
    %eq3A_585 = arith.cmpi eq, %eq3A_584, %convert_element_type3A : vector<512x769xi16>
    %select_n3A_586 = arith.select %eq3A_585, %broadcast_in_dim3A_0, %broadcast_in_dim3A_2 : vector<512x769xi1>, vector<512x769xbf16>
    %add3A_587 = arith.addf %add3A_578, %select_n3A_586 : vector<512x769xbf16>
    %get3A_588 = arith.constant 12 : index
    %get3A_589 = arith.constant 0 : index
    %get3A_590 = vector.load %arg2[%get3A_588, %get3A_589] : memref<32x512xi16, #tpu.memory_space<vmem>>, vector<1x512xi16>
    %get3A_591 = vector.shape_cast %get3A_590 : vector<1x512xi16> to vector<512xi16>
    %broadcast_in_dim3A_592 = vector.shape_cast %get3A_591 : vector<512xi16> to vector<512x1xi16>
    %eq3A_593 = vector.broadcast %broadcast_in_dim3A_592 : vector<512x1xi16> to vector<512x769xi16>
    %eq3A_594 = arith.cmpi eq, %eq3A_593, %convert_element_type3A : vector<512x769xi16>
    %select_n3A_595 = arith.select %eq3A_594, %broadcast_in_dim3A_0, %broadcast_in_dim3A_2 : vector<512x769xi1>, vector<512x769xbf16>
    %add3A_596 = arith.addf %add3A_587, %select_n3A_595 : vector<512x769xbf16>
    %get3A_597 = arith.constant 13 : index
    %get3A_598 = arith.constant 0 : index
    %get3A_599 = vector.load %arg2[%get3A_597, %get3A_598] : memref<32x512xi16, #tpu.memory_space<vmem>>, vector<1x512xi16>
    %get3A_600 = vector.shape_cast %get3A_599 : vector<1x512xi16> to vector<512xi16>
    %broadcast_in_dim3A_601 = vector.shape_cast %get3A_600 : vector<512xi16> to vector<512x1xi16>
    %eq3A_602 = vector.broadcast %broadcast_in_dim3A_601 : vector<512x1xi16> to vector<512x769xi16>
    %eq3A_603 = arith.cmpi eq, %eq3A_602, %convert_element_type3A : vector<512x769xi16>
    %select_n3A_604 = arith.select %eq3A_603, %broadcast_in_dim3A_0, %broadcast_in_dim3A_2 : vector<512x769xi1>, vector<512x769xbf16>
    %add3A_605 = arith.addf %add3A_596, %select_n3A_604 : vector<512x769xbf16>
    %get3A_606 = arith.constant 14 : index
    %get3A_607 = arith.constant 0 : index
    %get3A_608 = vector.load %arg2[%get3A_606, %get3A_607] : memref<32x512xi16, #tpu.memory_space<vmem>>, vector<1x512xi16>
    %get3A_609 = vector.shape_cast %get3A_608 : vector<1x512xi16> to vector<512xi16>
    %broadcast_in_dim3A_610 = vector.shape_cast %get3A_609 : vector<512xi16> to vector<512x1xi16>
    %eq3A_611 = vector.broadcast %broadcast_in_dim3A_610 : vector<512x1xi16> to vector<512x769xi16>
    %eq3A_612 = arith.cmpi eq, %eq3A_611, %convert_element_type3A : vector<512x769xi16>
    %select_n3A_613 = arith.select %eq3A_612, %broadcast_in_dim3A_0, %broadcast_in_dim3A_2 : vector<512x769xi1>, vector<512x769xbf16>
    %add3A_614 = arith.addf %add3A_605, %select_n3A_613 : vector<512x769xbf16>
    %get3A_615 = arith.constant 15 : index
    %get3A_616 = arith.constant 0 : index
    %get3A_617 = vector.load %arg2[%get3A_615, %get3A_616] : memref<32x512xi16, #tpu.memory_space<vmem>>, vector<1x512xi16>
    %get3A_618 = vector.shape_cast %get3A_617 : vector<1x512xi16> to vector<512xi16>
    %broadcast_in_dim3A_619 = vector.shape_cast %get3A_618 : vector<512xi16> to vector<512x1xi16>
    %eq3A_620 = vector.broadcast %broadcast_in_dim3A_619 : vector<512x1xi16> to vector<512x769xi16>
    %eq3A_621 = arith.cmpi eq, %eq3A_620, %convert_element_type3A : vector<512x769xi16>
    %select_n3A_622 = arith.select %eq3A_621, %broadcast_in_dim3A_0, %broadcast_in_dim3A_2 : vector<512x769xi1>, vector<512x769xbf16>
    %add3A_623 = arith.addf %add3A_614, %select_n3A_622 : vector<512x769xbf16>
    %get3A_624 = arith.constant 16 : index
    %get3A_625 = arith.constant 0 : index
    %get3A_626 = vector.load %arg2[%get3A_624, %get3A_625] : memref<32x512xi16, #tpu.memory_space<vmem>>, vector<1x512xi16>
    %get3A_627 = vector.shape_cast %get3A_626 : vector<1x512xi16> to vector<512xi16>
    %broadcast_in_dim3A_628 = vector.shape_cast %get3A_627 : vector<512xi16> to vector<512x1xi16>
    %eq3A_629 = vector.broadcast %broadcast_in_dim3A_628 : vector<512x1xi16> to vector<512x769xi16>
    %eq3A_630 = arith.cmpi eq, %eq3A_629, %convert_element_type3A : vector<512x769xi16>
    %select_n3A_631 = arith.select %eq3A_630, %broadcast_in_dim3A_0, %broadcast_in_dim3A_2 : vector<512x769xi1>, vector<512x769xbf16>
    %add3A_632 = arith.addf %add3A_623, %select_n3A_631 : vector<512x769xbf16>
    %get3A_633 = arith.constant 17 : index
    %get3A_634 = arith.constant 0 : index
    %get3A_635 = vector.load %arg2[%get3A_633, %get3A_634] : memref<32x512xi16, #tpu.memory_space<vmem>>, vector<1x512xi16>
    %get3A_636 = vector.shape_cast %get3A_635 : vector<1x512xi16> to vector<512xi16>
    %broadcast_in_dim3A_637 = vector.shape_cast %get3A_636 : vector<512xi16> to vector<512x1xi16>
    %eq3A_638 = vector.broadcast %broadcast_in_dim3A_637 : vector<512x1xi16> to vector<512x769xi16>
    %eq3A_639 = arith.cmpi eq, %eq3A_638, %convert_element_type3A : vector<512x769xi16>
    %select_n3A_640 = arith.select %eq3A_639, %broadcast_in_dim3A_0, %broadcast_in_dim3A_2 : vector<512x769xi1>, vector<512x769xbf16>
    %add3A_641 = arith.addf %add3A_632, %select_n3A_640 : vector<512x769xbf16>
    %get3A_642 = arith.constant 18 : index
    %get3A_643 = arith.constant 0 : index
    %get3A_644 = vector.load %arg2[%get3A_642, %get3A_643] : memref<32x512xi16, #tpu.memory_space<vmem>>, vector<1x512xi16>
    %get3A_645 = vector.shape_cast %get3A_644 : vector<1x512xi16> to vector<512xi16>
    %broadcast_in_dim3A_646 = vector.shape_cast %get3A_645 : vector<512xi16> to vector<512x1xi16>
    %eq3A_647 = vector.broadcast %broadcast_in_dim3A_646 : vector<512x1xi16> to vector<512x769xi16>
    %eq3A_648 = arith.cmpi eq, %eq3A_647, %convert_element_type3A : vector<512x769xi16>
    %select_n3A_649 = arith.select %eq3A_648, %broadcast_in_dim3A_0, %broadcast_in_dim3A_2 : vector<512x769xi1>, vector<512x769xbf16>
    %add3A_650 = arith.addf %add3A_641, %select_n3A_649 : vector<512x769xbf16>
    %get3A_651 = arith.constant 19 : index
    %get3A_652 = arith.constant 0 : index
    %get3A_653 = vector.load %arg2[%get3A_651, %get3A_652] : memref<32x512xi16, #tpu.memory_space<vmem>>, vector<1x512xi16>
    %get3A_654 = vector.shape_cast %get3A_653 : vector<1x512xi16> to vector<512xi16>
    %broadcast_in_dim3A_655 = vector.shape_cast %get3A_654 : vector<512xi16> to vector<512x1xi16>
    %eq3A_656 = vector.broadcast %broadcast_in_dim3A_655 : vector<512x1xi16> to vector<512x769xi16>
    %eq3A_657 = arith.cmpi eq, %eq3A_656, %convert_element_type3A : vector<512x769xi16>
    %select_n3A_658 = arith.select %eq3A_657, %broadcast_in_dim3A_0, %broadcast_in_dim3A_2 : vector<512x769xi1>, vector<512x769xbf16>
    %add3A_659 = arith.addf %add3A_650, %select_n3A_658 : vector<512x769xbf16>
    %get3A_660 = arith.constant 20 : index
    %get3A_661 = arith.constant 0 : index
    %get3A_662 = vector.load %arg2[%get3A_660, %get3A_661] : memref<32x512xi16, #tpu.memory_space<vmem>>, vector<1x512xi16>
    %get3A_663 = vector.shape_cast %get3A_662 : vector<1x512xi16> to vector<512xi16>
    %broadcast_in_dim3A_664 = vector.shape_cast %get3A_663 : vector<512xi16> to vector<512x1xi16>
    %eq3A_665 = vector.broadcast %broadcast_in_dim3A_664 : vector<512x1xi16> to vector<512x769xi16>
    %eq3A_666 = arith.cmpi eq, %eq3A_665, %convert_element_type3A : vector<512x769xi16>
    %select_n3A_667 = arith.select %eq3A_666, %broadcast_in_dim3A_0, %broadcast_in_dim3A_2 : vector<512x769xi1>, vector<512x769xbf16>
    %add3A_668 = arith.addf %add3A_659, %select_n3A_667 : vector<512x769xbf16>
    %get3A_669 = arith.constant 21 : index
    %get3A_670 = arith.constant 0 : index
    %get3A_671 = vector.load %arg2[%get3A_669, %get3A_670] : memref<32x512xi16, #tpu.memory_space<vmem>>, vector<1x512xi16>
    %get3A_672 = vector.shape_cast %get3A_671 : vector<1x512xi16> to vector<512xi16>
    %broadcast_in_dim3A_673 = vector.shape_cast %get3A_672 : vector<512xi16> to vector<512x1xi16>
    %eq3A_674 = vector.broadcast %broadcast_in_dim3A_673 : vector<512x1xi16> to vector<512x769xi16>
    %eq3A_675 = arith.cmpi eq, %eq3A_674, %convert_element_type3A : vector<512x769xi16>
    %select_n3A_676 = arith.select %eq3A_675, %broadcast_in_dim3A_0, %broadcast_in_dim3A_2 : vector<512x769xi1>, vector<512x769xbf16>
    %add3A_677 = arith.addf %add3A_668, %select_n3A_676 : vector<512x769xbf16>
    %get3A_678 = arith.constant 22 : index
    %get3A_679 = arith.constant 0 : index
    %get3A_680 = vector.load %arg2[%get3A_678, %get3A_679] : memref<32x512xi16, #tpu.memory_space<vmem>>, vector<1x512xi16>
    %get3A_681 = vector.shape_cast %get3A_680 : vector<1x512xi16> to vector<512xi16>
    %broadcast_in_dim3A_682 = vector.shape_cast %get3A_681 : vector<512xi16> to vector<512x1xi16>
    %eq3A_683 = vector.broadcast %broadcast_in_dim3A_682 : vector<512x1xi16> to vector<512x769xi16>
    %eq3A_684 = arith.cmpi eq, %eq3A_683, %convert_element_type3A : vector<512x769xi16>
    %select_n3A_685 = arith.select %eq3A_684, %broadcast_in_dim3A_0, %broadcast_in_dim3A_2 : vector<512x769xi1>, vector<512x769xbf16>
    %add3A_686 = arith.addf %add3A_677, %select_n3A_685 : vector<512x769xbf16>
    %get3A_687 = arith.constant 23 : index
    %get3A_688 = arith.constant 0 : index
    %get3A_689 = vector.load %arg2[%get3A_687, %get3A_688] : memref<32x512xi16, #tpu.memory_space<vmem>>, vector<1x512xi16>
    %get3A_690 = vector.shape_cast %get3A_689 : vector<1x512xi16> to vector<512xi16>
    %broadcast_in_dim3A_691 = vector.shape_cast %get3A_690 : vector<512xi16> to vector<512x1xi16>
    %eq3A_692 = vector.broadcast %broadcast_in_dim3A_691 : vector<512x1xi16> to vector<512x769xi16>
    %eq3A_693 = arith.cmpi eq, %eq3A_692, %convert_element_type3A : vector<512x769xi16>
    %select_n3A_694 = arith.select %eq3A_693, %broadcast_in_dim3A_0, %broadcast_in_dim3A_2 : vector<512x769xi1>, vector<512x769xbf16>
    %add3A_695 = arith.addf %add3A_686, %select_n3A_694 : vector<512x769xbf16>
    %get3A_696 = arith.constant 24 : index
    %get3A_697 = arith.constant 0 : index
    %get3A_698 = vector.load %arg2[%get3A_696, %get3A_697] : memref<32x512xi16, #tpu.memory_space<vmem>>, vector<1x512xi16>
    %get3A_699 = vector.shape_cast %get3A_698 : vector<1x512xi16> to vector<512xi16>
    %broadcast_in_dim3A_700 = vector.shape_cast %get3A_699 : vector<512xi16> to vector<512x1xi16>
    %eq3A_701 = vector.broadcast %broadcast_in_dim3A_700 : vector<512x1xi16> to vector<512x769xi16>
    %eq3A_702 = arith.cmpi eq, %eq3A_701, %convert_element_type3A : vector<512x769xi16>
    %select_n3A_703 = arith.select %eq3A_702, %broadcast_in_dim3A_0, %broadcast_in_dim3A_2 : vector<512x769xi1>, vector<512x769xbf16>
    %add3A_704 = arith.addf %add3A_695, %select_n3A_703 : vector<512x769xbf16>
    %get3A_705 = arith.constant 25 : index
    %get3A_706 = arith.constant 0 : index
    %get3A_707 = vector.load %arg2[%get3A_705, %get3A_706] : memref<32x512xi16, #tpu.memory_space<vmem>>, vector<1x512xi16>
    %get3A_708 = vector.shape_cast %get3A_707 : vector<1x512xi16> to vector<512xi16>
    %broadcast_in_dim3A_709 = vector.shape_cast %get3A_708 : vector<512xi16> to vector<512x1xi16>
    %eq3A_710 = vector.broadcast %broadcast_in_dim3A_709 : vector<512x1xi16> to vector<512x769xi16>
    %eq3A_711 = arith.cmpi eq, %eq3A_710, %convert_element_type3A : vector<512x769xi16>
    %select_n3A_712 = arith.select %eq3A_711, %broadcast_in_dim3A_0, %broadcast_in_dim3A_2 : vector<512x769xi1>, vector<512x769xbf16>
    %add3A_713 = arith.addf %add3A_704, %select_n3A_712 : vector<512x769xbf16>
    %get3A_714 = arith.constant 26 : index
    %get3A_715 = arith.constant 0 : index
    %get3A_716 = vector.load %arg2[%get3A_714, %get3A_715] : memref<32x512xi16, #tpu.memory_space<vmem>>, vector<1x512xi16>
    %get3A_717 = vector.shape_cast %get3A_716 : vector<1x512xi16> to vector<512xi16>
    %broadcast_in_dim3A_718 = vector.shape_cast %get3A_717 : vector<512xi16> to vector<512x1xi16>
    %eq3A_719 = vector.broadcast %broadcast_in_dim3A_718 : vector<512x1xi16> to vector<512x769xi16>
    %eq3A_720 = arith.cmpi eq, %eq3A_719, %convert_element_type3A : vector<512x769xi16>
    %select_n3A_721 = arith.select %eq3A_720, %broadcast_in_dim3A_0, %broadcast_in_dim3A_2 : vector<512x769xi1>, vector<512x769xbf16>
    %add3A_722 = arith.addf %add3A_713, %select_n3A_721 : vector<512x769xbf16>
    %get3A_723 = arith.constant 27 : index
    %get3A_724 = arith.constant 0 : index
    %get3A_725 = vector.load %arg2[%get3A_723, %get3A_724] : memref<32x512xi16, #tpu.memory_space<vmem>>, vector<1x512xi16>
    %get3A_726 = vector.shape_cast %get3A_725 : vector<1x512xi16> to vector<512xi16>
    %broadcast_in_dim3A_727 = vector.shape_cast %get3A_726 : vector<512xi16> to vector<512x1xi16>
    %eq3A_728 = vector.broadcast %broadcast_in_dim3A_727 : vector<512x1xi16> to vector<512x769xi16>
    %eq3A_729 = arith.cmpi eq, %eq3A_728, %convert_element_type3A : vector<512x769xi16>
    %select_n3A_730 = arith.select %eq3A_729, %broadcast_in_dim3A_0, %broadcast_in_dim3A_2 : vector<512x769xi1>, vector<512x769xbf16>
    %add3A_731 = arith.addf %add3A_722, %select_n3A_730 : vector<512x769xbf16>
    %get3A_732 = arith.constant 28 : index
    %get3A_733 = arith.constant 0 : index
    %get3A_734 = vector.load %arg2[%get3A_732, %get3A_733] : memref<32x512xi16, #tpu.memory_space<vmem>>, vector<1x512xi16>
    %get3A_735 = vector.shape_cast %get3A_734 : vector<1x512xi16> to vector<512xi16>
    %broadcast_in_dim3A_736 = vector.shape_cast %get3A_735 : vector<512xi16> to vector<512x1xi16>
    %eq3A_737 = vector.broadcast %broadcast_in_dim3A_736 : vector<512x1xi16> to vector<512x769xi16>
    %eq3A_738 = arith.cmpi eq, %eq3A_737, %convert_element_type3A : vector<512x769xi16>
    %select_n3A_739 = arith.select %eq3A_738, %broadcast_in_dim3A_0, %broadcast_in_dim3A_2 : vector<512x769xi1>, vector<512x769xbf16>
    %add3A_740 = arith.addf %add3A_731, %select_n3A_739 : vector<512x769xbf16>
    %get3A_741 = arith.constant 29 : index
    %get3A_742 = arith.constant 0 : index
    %get3A_743 = vector.load %arg2[%get3A_741, %get3A_742] : memref<32x512xi16, #tpu.memory_space<vmem>>, vector<1x512xi16>
    %get3A_744 = vector.shape_cast %get3A_743 : vector<1x512xi16> to vector<512xi16>
    %broadcast_in_dim3A_745 = vector.shape_cast %get3A_744 : vector<512xi16> to vector<512x1xi16>
    %eq3A_746 = vector.broadcast %broadcast_in_dim3A_745 : vector<512x1xi16> to vector<512x769xi16>
    %eq3A_747 = arith.cmpi eq, %eq3A_746, %convert_element_type3A : vector<512x769xi16>
    %select_n3A_748 = arith.select %eq3A_747, %broadcast_in_dim3A_0, %broadcast_in_dim3A_2 : vector<512x769xi1>, vector<512x769xbf16>
    %add3A_749 = arith.addf %add3A_740, %select_n3A_748 : vector<512x769xbf16>
    %get3A_750 = arith.constant 30 : index
    %get3A_751 = arith.constant 0 : index
    %get3A_752 = vector.load %arg2[%get3A_750, %get3A_751] : memref<32x512xi16, #tpu.memory_space<vmem>>, vector<1x512xi16>
    %get3A_753 = vector.shape_cast %get3A_752 : vector<1x512xi16> to vector<512xi16>
    %broadcast_in_dim3A_754 = vector.shape_cast %get3A_753 : vector<512xi16> to vector<512x1xi16>
    %eq3A_755 = vector.broadcast %broadcast_in_dim3A_754 : vector<512x1xi16> to vector<512x769xi16>
    %eq3A_756 = arith.cmpi eq, %eq3A_755, %convert_element_type3A : vector<512x769xi16>
    %select_n3A_757 = arith.select %eq3A_756, %broadcast_in_dim3A_0, %broadcast_in_dim3A_2 : vector<512x769xi1>, vector<512x769xbf16>
    %add3A_758 = arith.addf %add3A_749, %select_n3A_757 : vector<512x769xbf16>
    %get3A_759 = arith.constant 31 : index
    %get3A_760 = arith.constant 0 : index
    %get3A_761 = vector.load %arg2[%get3A_759, %get3A_760] : memref<32x512xi16, #tpu.memory_space<vmem>>, vector<1x512xi16>
    %get3A_762 = vector.shape_cast %get3A_761 : vector<1x512xi16> to vector<512xi16>
    %broadcast_in_dim3A_763 = vector.shape_cast %get3A_762 : vector<512xi16> to vector<512x1xi16>
    %eq3A_764 = vector.broadcast %broadcast_in_dim3A_763 : vector<512x1xi16> to vector<512x769xi16>
    %eq3A_765 = arith.cmpi eq, %eq3A_764, %convert_element_type3A : vector<512x769xi16>
    %select_n3A_766 = arith.select %eq3A_765, %broadcast_in_dim3A_0, %broadcast_in_dim3A_2 : vector<512x769xi1>, vector<512x769xbf16>
    %add3A_767 = arith.addf %add3A_758, %select_n3A_766 : vector<512x769xbf16>
    %get3A_768 = arith.constant 0 : index
    %get3A_769 = arith.constant 0 : index
    %get3A_770 = vector.load %arg3[%get3A_768, %get3A_769] : memref<769x1024xbf16, #tpu.memory_space<vmem>>, vector<769x1024xbf16>
    %dot_general3A = arith.constant dense<0.000000e+00> : vector<512x1024xf32>
    %dot_general3A_771 = tpu.matmul %add3A_473, %get3A_770, %dot_general3A {dimension_numbers = #tpu.dot_dimension_numbers<[1], [0], [0], [1], [0, 0, 1, 1], [], []>, transpose_lhs_hint = false} : vector<512x769xbf16>, vector<769x1024xbf16>, vector<512x1024xf32> -> vector<512x1024xf32>
    %get3A_772 = arith.constant 0 : index
    %get3A_773 = arith.constant 0 : index
    %get3A_774 = vector.load %arg4[%get3A_772, %get3A_773] : memref<769x1024xbf16, #tpu.memory_space<vmem>>, vector<769x1024xbf16>
    %dot_general3A_775 = arith.constant dense<0.000000e+00> : vector<512x1024xf32>
    %dot_general3A_776 = tpu.matmul %add3A_473, %get3A_774, %dot_general3A_775 {dimension_numbers = #tpu.dot_dimension_numbers<[1], [0], [0], [1], [0, 0, 1, 1], [], []>, transpose_lhs_hint = false} : vector<512x769xbf16>, vector<769x1024xbf16>, vector<512x1024xf32> -> vector<512x1024xf32>
    %mul3A = arith.constant 2.560000e+02 : f32
    %mul3A_777 = vector.broadcast %mul3A : f32 to vector<512x1024xf32>
    %mul3A_778 = arith.mulf %dot_general3A_771, %mul3A_777 : vector<512x1024xf32>
    %add3A_779 = arith.addf %mul3A_778, %dot_general3A_776 : vector<512x1024xf32>
    %mul3A_780 = arith.constant 1.90734863E-6 : f32
    %mul3A_781 = vector.broadcast %mul3A_780 : f32 to vector<512x1024xf32>
    %mul3A_782 = arith.mulf %add3A_779, %mul3A_781 : vector<512x1024xf32>
    %get3A_783 = arith.constant 0 : index
    %get3A_784 = arith.constant 0 : index
    %get3A_785 = vector.load %arg5[%get3A_783, %get3A_784] : memref<1x1024xf32, #tpu.memory_space<vmem>>, vector<1x1024xf32>
    %add3A_786 = vector.broadcast %get3A_785 : vector<1x1024xf32> to vector<512x1024xf32>
    %add3A_787 = arith.addf %mul3A_782, %add3A_786 : vector<512x1024xf32>
    %jit3A = arith.constant 0.000000e+00 : f32
    %jit3A_788 = arith.constant 1.000000e+00 : f32
    %max3A = vector.broadcast %jit3A : f32 to vector<512x1024xf32>
    %max3A_789 = arith.maximumf %max3A, %add3A_787 : vector<512x1024xf32>
    %min3A = vector.broadcast %jit3A_788 : f32 to vector<512x1024xf32>
    %min3A_790 = arith.minimumf %min3A, %max3A_789 : vector<512x1024xf32>
    %mul3A_791 = arith.mulf %min3A_790, %min3A_790 : vector<512x1024xf32>
    %get3A_792 = arith.constant 0 : index
    %get3A_793 = arith.constant 0 : index
    %get3A_794 = vector.load %arg3[%get3A_792, %get3A_793] : memref<769x1024xbf16, #tpu.memory_space<vmem>>, vector<769x1024xbf16>
    %dot_general3A_795 = arith.constant dense<0.000000e+00> : vector<512x1024xf32>
    %dot_general3A_796 = tpu.matmul %add3A_767, %get3A_794, %dot_general3A_795 {dimension_numbers = #tpu.dot_dimension_numbers<[1], [0], [0], [1], [0, 0, 1, 1], [], []>, transpose_lhs_hint = false} : vector<512x769xbf16>, vector<769x1024xbf16>, vector<512x1024xf32> -> vector<512x1024xf32>
    %get3A_797 = arith.constant 0 : index
    %get3A_798 = arith.constant 0 : index
    %get3A_799 = vector.load %arg4[%get3A_797, %get3A_798] : memref<769x1024xbf16, #tpu.memory_space<vmem>>, vector<769x1024xbf16>
    %dot_general3A_800 = arith.constant dense<0.000000e+00> : vector<512x1024xf32>
    %dot_general3A_801 = tpu.matmul %add3A_767, %get3A_799, %dot_general3A_800 {dimension_numbers = #tpu.dot_dimension_numbers<[1], [0], [0], [1], [0, 0, 1, 1], [], []>, transpose_lhs_hint = false} : vector<512x769xbf16>, vector<769x1024xbf16>, vector<512x1024xf32> -> vector<512x1024xf32>
    %mul3A_802 = arith.constant 2.560000e+02 : f32
    %mul3A_803 = vector.broadcast %mul3A_802 : f32 to vector<512x1024xf32>
    %mul3A_804 = arith.mulf %dot_general3A_796, %mul3A_803 : vector<512x1024xf32>
    %add3A_805 = arith.addf %mul3A_804, %dot_general3A_801 : vector<512x1024xf32>
    %mul3A_806 = arith.constant 1.90734863E-6 : f32
    %mul3A_807 = vector.broadcast %mul3A_806 : f32 to vector<512x1024xf32>
    %mul3A_808 = arith.mulf %add3A_805, %mul3A_807 : vector<512x1024xf32>
    %get3A_809 = arith.constant 0 : index
    %get3A_810 = arith.constant 0 : index
    %get3A_811 = vector.load %arg5[%get3A_809, %get3A_810] : memref<1x1024xf32, #tpu.memory_space<vmem>>, vector<1x1024xf32>
    %add3A_812 = vector.broadcast %get3A_811 : vector<1x1024xf32> to vector<512x1024xf32>
    %add3A_813 = arith.addf %mul3A_808, %add3A_812 : vector<512x1024xf32>
    %jit3A_814 = arith.constant 0.000000e+00 : f32
    %jit3A_815 = arith.constant 1.000000e+00 : f32
    %max3A_816 = vector.broadcast %jit3A_814 : f32 to vector<512x1024xf32>
    %max3A_817 = arith.maximumf %max3A_816, %add3A_813 : vector<512x1024xf32>
    %min3A_818 = vector.broadcast %jit3A_815 : f32 to vector<512x1024xf32>
    %min3A_819 = arith.minimumf %min3A_818, %max3A_817 : vector<512x1024xf32>
    %mul3A_820 = arith.mulf %min3A_819, %min3A_819 : vector<512x1024xf32>
    %get3A_821 = arith.constant 0 : index
    %get3A_822 = arith.constant 0 : index
    %get3A_823 = vector.load %arg6[%get3A_821, %get3A_822] : memref<1024x8xf32, #tpu.memory_space<vmem>>, vector<1024x8xf32>
    %dot_general3A_824 = arith.constant dense<0.000000e+00> : vector<512x8xf32>
    %dot_general3A_825 = tpu.matmul %mul3A_791, %get3A_823, %dot_general3A_824 {dimension_numbers = #tpu.dot_dimension_numbers<[1], [0], [0], [1], [0, 0, 1, 1], [], []>, transpose_lhs_hint = false} : vector<512x1024xf32>, vector<1024x8xf32>, vector<512x8xf32> -> vector<512x8xf32>
    %get3A_826 = arith.constant 0 : index
    %get3A_827 = arith.constant 0 : index
    %get3A_828 = vector.load %arg7[%get3A_826, %get3A_827] : memref<1024x8xf32, #tpu.memory_space<vmem>>, vector<1024x8xf32>
    %dot_general3A_829 = arith.constant dense<0.000000e+00> : vector<512x8xf32>
    %dot_general3A_830 = tpu.matmul %mul3A_820, %get3A_828, %dot_general3A_829 {dimension_numbers = #tpu.dot_dimension_numbers<[1], [0], [0], [1], [0, 0, 1, 1], [], []>, transpose_lhs_hint = false} : vector<512x1024xf32>, vector<1024x8xf32>, vector<512x8xf32> -> vector<512x8xf32>
    %add3A_831 = arith.addf %dot_general3A_825, %dot_general3A_830 : vector<512x8xf32>
    %sub3A = arith.constant 32 : i32
    %sub3A_832 = vector.broadcast %sub3A : i32 to vector<512xi32>
    %sub3A_833 = arith.subi %sub3A_832, %add3A_479 : vector<512xi32>
    %sub3A_834 = arith.constant 2 : i32
    %sub3A_835 = vector.broadcast %sub3A_834 : i32 to vector<512xi32>
    %sub3A_836 = arith.subi %sub3A_833, %sub3A_835 : vector<512xi32>
    %shift_right_arithmetic3A = arith.constant 2 : i32
    %shift_right_arithmetic3A_837 = vector.broadcast %shift_right_arithmetic3A : i32 to vector<512xi32>
    %shift_right_arithmetic3A_838 = arith.shrsi %sub3A_836, %shift_right_arithmetic3A_837 : vector<512xi32>
    %max3A_839 = arith.constant 0 : i32
    %max3A_840 = vector.broadcast %max3A_839 : i32 to vector<512xi32>
    %max3A_841 = arith.maxsi %shift_right_arithmetic3A_838, %max3A_840 : vector<512xi32>
    %broadcast_in_dim3A_842 = arith.constant 0.000000e+00 : f32
    %broadcast_in_dim3A_843 = vector.broadcast %broadcast_in_dim3A_842 : f32 to vector<512xf32>
    %eq3A_844 = arith.constant 0 : i32
    %eq3A_845 = vector.broadcast %eq3A_844 : i32 to vector<512xi32>
    %eq3A_846 = arith.cmpi eq, %max3A_841, %eq3A_845 : vector<512xi32>
    %slice3A = vector.extract_strided_slice %add3A_831 {offsets = [0, 0], sizes = [512, 1], strides = [1, 1]} : vector<512x8xf32> to vector<512x1xf32>
    %squeeze3A_847 = vector.shape_cast %slice3A : vector<512x1xf32> to vector<512xf32>
    %get3A_848 = arith.constant 0 : index
    %get3A_849 = memref.load %arg8[%get3A_848] : memref<8xf32, #tpu.memory_space<smem>>
    %add3A_850 = vector.broadcast %get3A_849 : f32 to vector<512xf32>
    %add3A_851 = arith.addf %squeeze3A_847, %add3A_850 : vector<512xf32>
    %jit3A_852 = arith.constant 0.000000e+00 : f32
    %broadcast_in_dim3A_853 = vector.broadcast %jit3A_852 : f32 to vector<512xf32>
    %select_n3A_854 = arith.select %eq3A_846, %add3A_851, %broadcast_in_dim3A_853 : vector<512xi1>, vector<512xf32>
    %add3A_855 = arith.addf %broadcast_in_dim3A_843, %select_n3A_854 : vector<512xf32>
    %eq3A_856 = arith.constant 1 : i32
    %eq3A_857 = vector.broadcast %eq3A_856 : i32 to vector<512xi32>
    %eq3A_858 = arith.cmpi eq, %max3A_841, %eq3A_857 : vector<512xi32>
    %slice3A_859 = vector.extract_strided_slice %add3A_831 {offsets = [0, 1], sizes = [512, 1], strides = [1, 1]} : vector<512x8xf32> to vector<512x1xf32>
    %squeeze3A_860 = vector.shape_cast %slice3A_859 : vector<512x1xf32> to vector<512xf32>
    %get3A_861 = arith.constant 1 : index
    %get3A_862 = memref.load %arg8[%get3A_861] : memref<8xf32, #tpu.memory_space<smem>>
    %add3A_863 = vector.broadcast %get3A_862 : f32 to vector<512xf32>
    %add3A_864 = arith.addf %squeeze3A_860, %add3A_863 : vector<512xf32>
    %jit3A_865 = arith.constant 0.000000e+00 : f32
    %broadcast_in_dim3A_866 = vector.broadcast %jit3A_865 : f32 to vector<512xf32>
    %select_n3A_867 = arith.select %eq3A_858, %add3A_864, %broadcast_in_dim3A_866 : vector<512xi1>, vector<512xf32>
    %add3A_868 = arith.addf %add3A_855, %select_n3A_867 : vector<512xf32>
    %eq3A_869 = arith.constant 2 : i32
    %eq3A_870 = vector.broadcast %eq3A_869 : i32 to vector<512xi32>
    %eq3A_871 = arith.cmpi eq, %max3A_841, %eq3A_870 : vector<512xi32>
    %slice3A_872 = vector.extract_strided_slice %add3A_831 {offsets = [0, 2], sizes = [512, 1], strides = [1, 1]} : vector<512x8xf32> to vector<512x1xf32>
    %squeeze3A_873 = vector.shape_cast %slice3A_872 : vector<512x1xf32> to vector<512xf32>
    %get3A_874 = arith.constant 2 : index
    %get3A_875 = memref.load %arg8[%get3A_874] : memref<8xf32, #tpu.memory_space<smem>>
    %add3A_876 = vector.broadcast %get3A_875 : f32 to vector<512xf32>
    %add3A_877 = arith.addf %squeeze3A_873, %add3A_876 : vector<512xf32>
    %jit3A_878 = arith.constant 0.000000e+00 : f32
    %broadcast_in_dim3A_879 = vector.broadcast %jit3A_878 : f32 to vector<512xf32>
    %select_n3A_880 = arith.select %eq3A_871, %add3A_877, %broadcast_in_dim3A_879 : vector<512xi1>, vector<512xf32>
    %add3A_881 = arith.addf %add3A_868, %select_n3A_880 : vector<512xf32>
    %eq3A_882 = arith.constant 3 : i32
    %eq3A_883 = vector.broadcast %eq3A_882 : i32 to vector<512xi32>
    %eq3A_884 = arith.cmpi eq, %max3A_841, %eq3A_883 : vector<512xi32>
    %slice3A_885 = vector.extract_strided_slice %add3A_831 {offsets = [0, 3], sizes = [512, 1], strides = [1, 1]} : vector<512x8xf32> to vector<512x1xf32>
    %squeeze3A_886 = vector.shape_cast %slice3A_885 : vector<512x1xf32> to vector<512xf32>
    %get3A_887 = arith.constant 3 : index
    %get3A_888 = memref.load %arg8[%get3A_887] : memref<8xf32, #tpu.memory_space<smem>>
    %add3A_889 = vector.broadcast %get3A_888 : f32 to vector<512xf32>
    %add3A_890 = arith.addf %squeeze3A_886, %add3A_889 : vector<512xf32>
    %jit3A_891 = arith.constant 0.000000e+00 : f32
    %broadcast_in_dim3A_892 = vector.broadcast %jit3A_891 : f32 to vector<512xf32>
    %select_n3A_893 = arith.select %eq3A_884, %add3A_890, %broadcast_in_dim3A_892 : vector<512xi1>, vector<512xf32>
    %add3A_894 = arith.addf %add3A_881, %select_n3A_893 : vector<512xf32>
    %eq3A_895 = arith.constant 4 : i32
    %eq3A_896 = vector.broadcast %eq3A_895 : i32 to vector<512xi32>
    %eq3A_897 = arith.cmpi eq, %max3A_841, %eq3A_896 : vector<512xi32>
    %slice3A_898 = vector.extract_strided_slice %add3A_831 {offsets = [0, 4], sizes = [512, 1], strides = [1, 1]} : vector<512x8xf32> to vector<512x1xf32>
    %squeeze3A_899 = vector.shape_cast %slice3A_898 : vector<512x1xf32> to vector<512xf32>
    %get3A_900 = arith.constant 4 : index
    %get3A_901 = memref.load %arg8[%get3A_900] : memref<8xf32, #tpu.memory_space<smem>>
    %add3A_902 = vector.broadcast %get3A_901 : f32 to vector<512xf32>
    %add3A_903 = arith.addf %squeeze3A_899, %add3A_902 : vector<512xf32>
    %jit3A_904 = arith.constant 0.000000e+00 : f32
    %broadcast_in_dim3A_905 = vector.broadcast %jit3A_904 : f32 to vector<512xf32>
    %select_n3A_906 = arith.select %eq3A_897, %add3A_903, %broadcast_in_dim3A_905 : vector<512xi1>, vector<512xf32>
    %add3A_907 = arith.addf %add3A_894, %select_n3A_906 : vector<512xf32>
    %eq3A_908 = arith.constant 5 : i32
    %eq3A_909 = vector.broadcast %eq3A_908 : i32 to vector<512xi32>
    %eq3A_910 = arith.cmpi eq, %max3A_841, %eq3A_909 : vector<512xi32>
    %slice3A_911 = vector.extract_strided_slice %add3A_831 {offsets = [0, 5], sizes = [512, 1], strides = [1, 1]} : vector<512x8xf32> to vector<512x1xf32>
    %squeeze3A_912 = vector.shape_cast %slice3A_911 : vector<512x1xf32> to vector<512xf32>
    %get3A_913 = arith.constant 5 : index
    %get3A_914 = memref.load %arg8[%get3A_913] : memref<8xf32, #tpu.memory_space<smem>>
    %add3A_915 = vector.broadcast %get3A_914 : f32 to vector<512xf32>
    %add3A_916 = arith.addf %squeeze3A_912, %add3A_915 : vector<512xf32>
    %jit3A_917 = arith.constant 0.000000e+00 : f32
    %broadcast_in_dim3A_918 = vector.broadcast %jit3A_917 : f32 to vector<512xf32>
    %select_n3A_919 = arith.select %eq3A_910, %add3A_916, %broadcast_in_dim3A_918 : vector<512xi1>, vector<512xf32>
    %add3A_920 = arith.addf %add3A_907, %select_n3A_919 : vector<512xf32>
    %eq3A_921 = arith.constant 6 : i32
    %eq3A_922 = vector.broadcast %eq3A_921 : i32 to vector<512xi32>
    %eq3A_923 = arith.cmpi eq, %max3A_841, %eq3A_922 : vector<512xi32>
    %slice3A_924 = vector.extract_strided_slice %add3A_831 {offsets = [0, 6], sizes = [512, 1], strides = [1, 1]} : vector<512x8xf32> to vector<512x1xf32>
    %squeeze3A_925 = vector.shape_cast %slice3A_924 : vector<512x1xf32> to vector<512xf32>
    %get3A_926 = arith.constant 6 : index
    %get3A_927 = memref.load %arg8[%get3A_926] : memref<8xf32, #tpu.memory_space<smem>>
    %add3A_928 = vector.broadcast %get3A_927 : f32 to vector<512xf32>
    %add3A_929 = arith.addf %squeeze3A_925, %add3A_928 : vector<512xf32>
    %jit3A_930 = arith.constant 0.000000e+00 : f32
    %broadcast_in_dim3A_931 = vector.broadcast %jit3A_930 : f32 to vector<512xf32>
    %select_n3A_932 = arith.select %eq3A_923, %add3A_929, %broadcast_in_dim3A_931 : vector<512xi1>, vector<512xf32>
    %add3A_933 = arith.addf %add3A_920, %select_n3A_932 : vector<512xf32>
    %eq3A_934 = arith.constant 7 : i32
    %eq3A_935 = vector.broadcast %eq3A_934 : i32 to vector<512xi32>
    %eq3A_936 = arith.cmpi eq, %max3A_841, %eq3A_935 : vector<512xi32>
    %slice3A_937 = vector.extract_strided_slice %add3A_831 {offsets = [0, 7], sizes = [512, 1], strides = [1, 1]} : vector<512x8xf32> to vector<512x1xf32>
    %squeeze3A_938 = vector.shape_cast %slice3A_937 : vector<512x1xf32> to vector<512xf32>
    %get3A_939 = arith.constant 7 : index
    %get3A_940 = memref.load %arg8[%get3A_939] : memref<8xf32, #tpu.memory_space<smem>>
    %add3A_941 = vector.broadcast %get3A_940 : f32 to vector<512xf32>
    %add3A_942 = arith.addf %squeeze3A_938, %add3A_941 : vector<512xf32>
    %jit3A_943 = arith.constant 0.000000e+00 : f32
    %broadcast_in_dim3A_944 = vector.broadcast %jit3A_943 : f32 to vector<512xf32>
    %select_n3A_945 = arith.select %eq3A_936, %add3A_942, %broadcast_in_dim3A_944 : vector<512xi1>, vector<512xf32>
    %add3A_946 = arith.addf %add3A_933, %select_n3A_945 : vector<512xf32>
    %swap3A = arith.constant 0 : index
    %swap3A_947 = vector.load %arg9[%swap3A] : memref<512xf32, #tpu.memory_space<vmem>>, vector<512xf32>
    tpu.vector_store %arg9[%swap3A], %add3A_946 {strides = array<i32>} : memref<512xf32, #tpu.memory_space<vmem>>, vector<512xf32>,
    return
  }
  func.func @transform_0(%arg0: i32) -> (i32, i32) {
    %c0_i32 = arith.constant 0 : i32
    %c0_i32_0 = arith.constant 0 : i32
    return %c0_i32, %arg0 : i32, i32
  }
  func.func @transform_1(%arg0: i32) -> (i32, i32) {
    %c0_i32 = arith.constant 0 : i32
    %c0_i32_0 = arith.constant 0 : i32
    return %c0_i32, %arg0 : i32, i32
  }
  func.func @transform_2(%arg0: i32) -> (i32, i32) {
    %c0_i32 = arith.constant 0 : i32
    %c0_i32_0 = arith.constant 0 : i32
    %c0_i32_1 = arith.constant 0 : i32
    return %c0_i32, %c0_i32_0 : i32, i32
  }
  func.func @transform_3(%arg0: i32) -> (i32, i32) {
    %c0_i32 = arith.constant 0 : i32
    %c0_i32_0 = arith.constant 0 : i32
    %c0_i32_1 = arith.constant 0 : i32
    return %c0_i32, %c0_i32_0 : i32, i32
  }
  func.func @transform_4(%arg0: i32) -> (i32, i32) {
    %c0_i32 = arith.constant 0 : i32
    %c0_i32_0 = arith.constant 0 : i32
    %c0_i32_1 = arith.constant 0 : i32
    return %c0_i32, %c0_i32_0 : i32, i32
  }
  func.func @transform_5(%arg0: i32) -> (i32, i32) {
    %c0_i32 = arith.constant 0 : i32
    %c0_i32_0 = arith.constant 0 : i32
    %c0_i32_1 = arith.constant 0 : i32
    return %c0_i32, %c0_i32_0 : i32, i32
  }
  func.func @transform_6(%arg0: i32) -> (i32, i32) {
    %c0_i32 = arith.constant 0 : i32
    %c0_i32_0 = arith.constant 0 : i32
    %c0_i32_1 = arith.constant 0 : i32
    return %c0_i32, %c0_i32_0 : i32, i32
  }
  func.func @transform_7(%arg0: i32) -> i32 {
    %c0_i32 = arith.constant 0 : i32
    %c0_i32_0 = arith.constant 0 : i32
    return %c0_i32 : i32
  }
  func.func @transform_8(%arg0: i32) -> i32 {
    %c0_i32 = arith.constant 0 : i32
    return %arg0 : i32
  }
}

</mosaic_0001>

<sc_bundles>
// kernel: kernel.4.cloned.1.call-start
scs
__scs_entry_jumppad:
0x0: {  	(pc) =	sbr.rel $0x88, $3  }
0x1: {  	(tag) =	ssettag $0x0;
	lr =	simm.s32 $0x1  }
0x2: {  	[smem:$0x3F9B] =	sst lr;
	_ =	strace $0xD0000000  }
0x3: {  	_ = 	snop  }
0x4: {  	_ = 	snop  }
0x5: {  	_ = 	snop  }
0x6: {  	_ = 	snop  }
0x7: {  	_ = 	snop  }
__scs_overlays_trampoline_lowered:
0x8: {  	[smem:$0x3FAA] =	sst s0  }
0x9: {  	[smem:$0x3FAB] =	sst s1  }
0xa: {  	[smem:$0x3FAC] =	sst s2  }
0xb: {  	[smem:$0x3FAD] =	sst s3  }
0xc: {  	[smem:$0x3FAE] =	sst s4  }
0xd: {  	[smem:$0x3FAF] =	sst s5  }
0xe: {  	[smem:$0x3FB0] =	sst s6  }
0xf: {  	[smem:$0x3FB1] =	sst s7  }
0x10: {  	[smem:$0x3FB2] =	sst s8  }
0x11: {  	[smem:$0x3FB3] =	sst s9;
	s0 =	simm.s32 @!p0 $0x0  }
0x12: {  	s1 =	sld [smem:$0x3F99];
	s0 =	simm.s32 @p0 $0x1  }
0x13: {  	[smem:$0x3FB4] =	sst s0;
	s0 =	simm.s32 @!p1 $0x0  }
0x14: {  	s2 =	sld [smem:$0x3F98];
	s0 =	simm.s32 @p1 $0x1  }
0x15: {  	[smem:$0x3FB5] =	sst s0;
	s0 =	simm.s32 @!p2 $0x0  }
0x16: {  	s3 =	sld [smem:$0x3FDB];
	s0 =	simm.s32 @p2 $0x1  }
0x17: {  	s4 =	simm.s32 $0x1BF5;
	[smem:$0x3FB7] =	sst s0  }
0x18: {  	s0 =	sld [smem:$0x3F9A];
	_ =	swait.ge [sflag:s4], $0x0  }
0x19: {  	s7 =	sld [smem:$0x3F9B]  }
0x1a: {  	s8 =	sadd.s32 $0xFFFFE003, lr  }
0x1b: {  	s9 =	sadd.s32 $0xFFFFFEF7, lr;
	s5 =	simm.s32 $0xFFFFFFFF;
	p2 =	slt.u32 s8, $0xFFFFF086  }
0x1c: {  	p1 =	slt.u32 s9, $0xF7A;
	s5 =	simm.s32 @!p2 $0x0  }
0x1d: {  	s5 =	simm.s32 @p1 $0x1;
	p0 =	seq.s32 s7, s2  }
0x1e: {  	s7 =	smul.u32 @!p0 $0xF7A, s2;
	p2 =	seq.s32 @!p0 s5, $0x0  }
0x1f: {  	s9 =	smul.u32 $0xF7A, s1;
	s8 =	simm.s32 @!p0 $0x1BF5;
	p2 =	por !p2, p0  }
0x20: {  	[sflag:s8] =	ssyncset.s32 @!p0 $0xFFFFF086;
	s6 =	sadd.s32 @!p0 s3, s7;
	s7 =	simm.s32 @!p0 $0x108  }
0x21: {  	s3 =	sadd.s32 s3, s9;
	s6 =	sadd.s32 @!p0 $0x88, s6;
	s7 =	simm.s32 @p2 $0x1082  }
0x22: {  	[simem:s7], [sflag:s8] =	dma.local @!p0 [hbm:s6], $0xF7A  }
0x23: {  	s9 =	sor.u32 $0xD0000000, s2;
	s6 =	simm.s32 $0x108;
	_ =	swait.ge @!p0 [sflag:s8], $0x0  }
0x24: {  	s3 =	sadd.s32 $0x88, s3;
	s6 =	simm.s32 @!p1 $0x1082;
	[sflag:s4] =	ssyncset.s32 $0xFFFFF086  }
0x25: {  	[simem:s6], [sflag:s4] =	dma.local [hbm:s3], $0xF7A  }
0x26: {  	[smem:$0x3F9B] =	sst s1;
	(tag) =	ssettag s2;
	_ =	strace s9  }
0x27: {  	s1 =	sld [smem:$0x3FAB]  }
0x28: {  	s2 =	sld [smem:$0x3FAC]  }
0x29: {  	s4 =	sld [smem:$0x3FAE]  }
0x2a: {  	p0 =	seq.s32 s5, $0x0;
	s5 =	sld [smem:$0x3FAF]  }
0x2b: {  	s6 =	sld [smem:$0x3FB0]  }
0x2c: {  	s7 =	sld [smem:$0x3FB1]  }
0x2d: {  	s3 =	simm.s32 $0x108;
	s8 =	sld [smem:$0x3FB2]  }
0x2e: {  	s3 =	simm.s32 @!p0 $0x1082;
	s9 =	sld [smem:$0x3FB3]  }
0x2f: {  	lr =	sadd.s32 s0, s3;
	s0 =	sld [smem:$0x3FAA]  }
0x30: {  	s3 =	sld [smem:$0x3FAD]  }
0x31: {  	[smem:$0x3FB6] =	sst s10  }
0x32: {  	s10 =	sld [smem:$0x3FB4];
	_ =	sdelay $0x3  }
0x33: {  	p0 =	seq.s32 s10, $0x1;
	s10 =	sld [smem:$0x3FB6];
	_ =	sdelay $0x3  }
0x34: {  	[smem:$0x3FB6] =	sst s10  }
0x35: {  	s10 =	sld [smem:$0x3FB5];
	_ =	sdelay $0x3  }
0x36: {  	p1 =	seq.s32 s10, $0x1;
	s10 =	sld [smem:$0x3FB6];
	_ =	sdelay $0x3  }
0x37: {  	[smem:$0x3FB6] =	sst s10  }
0x38: {  	s10 =	sld [smem:$0x3FB7]  }
0x39: {  	_ = 	snop;
	(pc) =	sbr.ind lr, $3  }
0x3a: {  	_ = 	snop  }
0x3b: {  	_ = 	snop  }
0x3c: {  	p2 =	seq.s32 s10, $0x1;
	s10 =	sld [smem:$0x3FB6]  }
0x3d: {  	_ =	shalt  }
0x3e: {  	_ =	shalt  }
0x3f: {  	_ =	shalt  }
0x40: {  	_ =	shalt  }
0x41: {  	_ =	shalt  }
0x42: {  	_ =	shalt  }
0x43: {  	_ =	shalt  }
0x44: {  	_ =	shalt  }
0x45: {  	_ =	shalt  }
0x46: {  	_ =	shalt  }
0x47: {  	_ =	shalt  }
0x48: {  	_ =	shalt  }
0x49: {  	_ =	shalt  }
0x4a: {  	_ =	shalt  }
0x4b: {  	_ =	shalt  }
0x4c: {  	_ =	shalt  }
0x4d: {  	_ =	shalt  }
0x4e: {  	_ =	shalt  }
0x4f: {  	_ =	shalt  }
0x50: {  	_ =	shalt  }
0x51: {  	_ =	shalt  }
0x52: {  	_ =	shalt  }
0x53: {  	_ =	shalt  }
0x54: {  	_ =	shalt  }
0x55: {  	_ =	shalt  }
0x56: {  	_ =	shalt  }
0x57: {  	_ =	shalt  }
0x58: {  	_ =	shalt  }
0x59: {  	_ =	shalt  }
0x5a: {  	_ =	shalt  }
0x5b: {  	_ =	shalt  }
0x5c: {  	_ =	shalt  }
0x5d: {  	_ =	shalt  }
0x5e: {  	_ =	shalt  }
0x5f: {  	_ =	shalt  }
0x60: {  	_ =	shalt  }
0x61: {  	_ =	shalt  }
0x62: {  	_ =	shalt  }
0x63: {  	_ =	shalt  }
0x64: {  	_ =	shalt  }
0x65: {  	_ =	shalt  }
0x66: {  	_ =	shalt  }
0x67: {  	_ =	shalt  }
0x68: {  	_ =	shalt  }
0x69: {  	_ =	shalt  }
0x6a: {  	_ =	shalt  }
0x6b: {  	_ =	shalt  }
0x6c: {  	_ =	shalt  }
0x6d: {  	_ =	shalt  }
0x6e: {  	_ =	shalt  }
0x6f: {  	_ =	shalt  }
0x70: {  	_ =	shalt  }
0x71: {  	_ =	shalt  }
0x72: {  	_ =	shalt  }
0x73: {  	_ =	shalt  }
0x74: {  	_ =	shalt  }
0x75: {  	_ =	shalt  }
0x76: {  	_ =	shalt  }
0x77: {  	_ =	shalt  }
0x78: {  	_ =	shalt  }
0x79: {  	_ =	shalt  }
0x7a: {  	_ =	shalt  }
0x7b: {  	_ =	shalt  }
0x7c: {  	_ =	shalt  }
0x7d: {  	_ =	shalt  }
0x7e: {  	_ =	shalt  }
0x7f: {  	_ =	shalt  }
0x80: {  	_ =	shalt  }
0x81: {  	_ =	shalt  }
0x82: {  	_ =	shalt  }
0x83: {  	_ =	shalt  }
0x84: {  	_ =	shalt  }
0x85: {  	_ =	shalt  }
0x86: {  	_ =	shalt  }
0x87: {  	_ =	shalt  }
.Lfunc_end0:
.L_simem_size_0:
called_computation_lowered:
.L_overlay_start_0:
0x88: {  	s2 =	sld [smem:$0x3FD9]  }
0x89: {  	s3 =	sld [smem:$0x3FFE];
	_ =	sdelay $0x1  }
0x8a: {  	s1 =	srdreg.scid  }
0x8b: {  	s0 =	sand.u32 $0x1, s1  }
0x8c: {  	s17 =	sshll.u32 s0, $0xA;
	s2 =	sadd.s32 s3, s2  }
0x8d: {  	s2 =	sadd.s32 s2, s17  }
0x8e: {  	[smem:$0x3FC2] =	sst s2  }
0x8f: {  	_ = 	snop  }
0x90: {  	s2 =	sld [smem:$0x3FC6]  }
0x91: {  	s18 =	sld [smem:$0x3FD0];
	(tm) =	ssettm $0x1  }
0x92: {  	s4 =	sld [smem:$0x3FFB];
	_ =	sdelay $0x3  }
0x93: {  	_ =	strace s4  }
0x94: {  	s4 =	sld [smem:$0x3FFC];
	_ =	sdelay $0x3  }
0x95: {  	_ =	strace s4  }
0x96: {  	s4 =	sld [smem:$0x3FFD];
	_ =	sdelay $0x3  }
0x97: {  	_ =	strace s4  }
0x98: {  	_ =	strace $0x8FFFFFFF  }
0x99: {  	s19 =	sld [smem:$0x3FDB];
	_ =	sdelay $0x1  }
0x9a: {  	s5 =	simm.s32 $_scs_section_size  }
0x9b: {  	s6 =	simm.s32 $_size__tile_overlayer_lowered;
	s7 =	simm.s32 $_tile_overlayer_lowered  }
0x9c: {  	s22 =	simm.s32 $0x1BFF;
	s21 =	sshll.u32 s7, $0x1;
	s4 =	sadd.s32 s5, s19  }
0x9d: {  	s8 =	simm.s32 $0x0;
	s20 =	sshll.u32 s6, $0x1;
	s6 =	sadd.s32 s21, s4  }
0x9e: {  	[timem:s8], [sflag:s22] =	dma.local [hbm:s6], s20  }
0x9f: {  	_ =	swait.ge [sflag:s22], s20  }
0xa0: {  	s5 =	ssub.s32 $0x0, s20;
	[sflag:s22] =	ssyncset.done $0x0  }
0xa1: {  	[sflag:s22] =	ssyncadd.s32 s5;
	_ =	sdelay $0x1  }
0xa2: {  	s23 =	simm.s32 $0x1B8B  }
0xa3: {  	_ =	swait.ge [sflag:s23], $0x1  }
0xa4: {  	[sflag:s23] =	ssyncset.done $0x0  }
0xa5: {  	s25 =	simm.s32 $0x1B8E;
	s24 =	sld [smem:$0x3FFE];
	[sflag:s23] =	ssyncadd.s32 $0xFFFFFFFF  }
0xa6: {  	s26 =	simm.s32 $execute0_lowered;
	[smem:$0x3FD2] =	sst s25  }
0xa7: {  	s6 =	sshll.u32 s26, $0x1;
	_ =	strace $0x80000046;
	[dreg:$0x1] =	wrdreg $0xFFFFFFFF  }
0xa8: {  	s28 =	simm.s32 $_size_execute0_lowered;
	s4 =	sadd.s32 s4, s6;
	[dreg:$0x0] =	wrdreg $0x0  }
0xa9: {  	s6 =	sshll.u32 s28, $0x1;
	[dreg:$0x2] =	wrdreg s4  }
0xaa: {  	[dreg:$0x3] =	wrdreg s6  }
0xab: {  	[dreg:$0x4] =	wrdreg $0xC0  }
0xac: {  	_ =	task [dreg:s8], $0x5FFFF  }
0xad: {  	[dreg:$0x1] =	wrdreg $0xFFFFFFFF  }
0xae: {  	[dreg:$0x0] =	wrdreg $0x60  }
0xaf: {  	[dreg:$0x2] =	wrdreg s24  }
0xb0: {  	[dreg:$0x3] =	wrdreg s2  }
0xb1: {  	[dreg:$0x4] =	wrdreg s18  }
0xb2: {  	[dreg:$0x5] =	wrdreg $0x14CD00  }
0xb3: {  	[dreg:$0x6] =	wrdreg $0x9  }
0xb4: {  	_ =	task.clear_ibuf [dreg:s8], $0x7FFFF;
	_ =	strace $0x90000046  }
0xb5: {  	s29 =	simm.s32 $0x9;
	_ =	strace $0x80000048  }
0xb6: {  	_ =	swait.ge [sflag:s29], $0x1  }
0xb7: {  	[sflag:s29] =	ssyncadd.s32 $0xFFFFFFFF  }
0xb8: {  	_ =	strace $0x90000048  }
0xb9: {  	_ =	sfence  }
0xba: {  	s30 =	sld [smem:$0x0];
	_ =	sdelay $0x2  }
0xbb: {  	s31 =	sshll.u32 s1, $0xD;
	s1 =	sshrl.u32 s1, $0x2  }
0xbc: {  	s3 =	sand.u32 $0x4000, s31;
	s1 =	sadd.s32 s1, s30  }
0xbd: {  	s0 =	sor.u32 s3, s0;
	s1 =	sshll.u32 s1, $0x11  }
0xbe: {  	s0 =	sor.u32 s1, s0  }
0xbf: {  	s0 =	sadd.s32 $0x8F2B, s0  }
0xc0: {  	[sflag:s0] =	ssyncadd.remote.s32 $0x1  }
0xc1: {  	_ =	sfence.sel $0xFFFF  }
0xc2: {  	[dreg:$0x0] =	wrdreg $0xFFFFFFFF;
	(pc) =	sbr.abs _section_cstart, $3  }
0xc3: {  	[dreg:$0x1] =	wrdreg $0xFFFFFFFF  }
0xc4: {  	_ =	task.clear_ibuf [dreg:s8], $0x2FFFF;
	_ =	strace $0x9FFFFFFF  }
0xc5: {  	(tm) =	ssettm $0x7FFFFFFF  }
tec
execute0_lowered:
.L_overlay_start_1:
0x0: {  	(tag) =	ssettag $0x1  }
0x1: {  	s0 =	rddreg [dreg:$0x0]  }
0x2: {  	s1 =	rddreg [dreg:$0x1]  }
0x3: {  	s2 =	rddreg [dreg:$0x2]  }
0x4: {  	s3 =	rddreg [dreg:$0x3];
	s11 =	simm.s32 $0x0;
	s10 =	stileid.u32  }
0x5: {  	s4 =	srdreg.scid;
	[smem:$0x7FF] =	sst s11  }
0x6: {  	s5 =	sadd.s32 $0x1C200, s0;
	s24 =	smul.u32 $0x1808, s10;
	s4 =	sand.u32 $0x1, s4  }
0x7: {  	s6 =	sadd.s32 $0x1A200, s0;
	s25 =	sshll.u32 s10, $0x6;
	s12 =	sadd.s32 $0x1E200, s0  }
0x8: {  	s28 =	sshll.u32 s10, $0x3;
	_ =	strace $0x80000047;
	[smem:$0x7F2] =	sst s5  }
0x9: {  	p0 =	seq.s32 s10, $0x0;
	s29 =	sshll.u32 s10, $0xA;
	[smem:$0x7F3] =	sst s6  }
0xa: {  	s7 =	sshll.u32 s4, $0xA;
	s4 =	ssub.s32 $0x2, s4;
	[smem:$0x7F5] =	sst s12  }
0xb: {  	s8 =	sadd.s32 s25, s0;
	s2 =	sadd.s32 s2, s25;
	[smem:$0x7F4] =	sst s7  }
0xc: {  	s1 =	sadd.s32 s1, s28;
	s30 =	sadd.s32 s25, s3;
	[smem:$0x7F7] =	sst s2  }
0xd: {  	s5 =	sadd.s32 s24, s0;
	s7 =	sor.u32 s25, s7;
	[smem:$0x7F9] =	sst s1  }
0xe: {  	s9 =	sshrl.u32 s4, $0x1;
	s26 =	sadd.s32 $0x1C00, s8;
	[smem:$0x7FB] =	sst s30  }
0xf: {  	s1 =	sadd.s32 s29, s3;
	s7 =	sshrl.u32 s7, $0x3;
	[smem:$0x7F8] =	sst s26  }
0x10: {  	s4 =	ssub.s32 s4, s9;
	s5 =	sadd.s32 $0x2000, s5;
	[smem:$0x7FA] =	sst s1  }
0x11: {  	[smem:$0x7F6] =	sst s5;
	s5 =	simm.f32 $1.000000000e+00;
	s31 =	smax.u32 s4, $0x1  }
0x12: {  	s0 =	sadd.s32 s7, s0;
	s5 =	simm.s32 @!p0 $0x0;
	[smem:$0x7FD] =	sst s31  }
0x13: {  	s0 =	sadd.s32 $0x1E400, s0;
	[dreg:$0x5] =	wrdreg s5  }
0x14: {  	v58 =	vlaneseq.u32;
	s3 =	simm.s32 $0x1;
	s1 =	simm.s32 $0x0;
	[smem:$0x7FC] =	sst s0  }
.LBB2_1:
0x15: {  	s0 =	sld [smem:$0x7F6];
	_ =	sdelay $0x1  }
0x16: {  	[smem:$0x7F1] =	sst s1  }
0x17: {  	[tilespmem:s11], [sflag:$0x1] =	stream.linear.gather [hbm4b:s0+s11], $0xC040, $0x38;
	[tilespmem:$0x150D0] =	vst v63  }
0x18: {  	_ =	swait.ge [sflag:s3], $0xC040  }
0x19: {  	s23 =	sld [smem:$0x7F7]  }
0x1a: {  	[sflag:s3] =	ssyncset.done $0x0  }
0x1b: {  	s24 =	simm.s32 $0x14040;
	[sflag:s3] =	ssyncadd.s32 $0xFFFF3FC0  }
0x1c: {  	[tilespmem:s24], [sflag:$0x1] =	stream.linear.gather [hbm4b:s23+s11], $0x200, $0x38;
	[tilespmem:$0x150D0] =	vst v63  }
0x1d: {  	_ =	swait.ge [sflag:s3], $0x200  }
0x1e: {  	s25 =	sld [smem:$0x7F8]  }
0x1f: {  	[sflag:s3] =	ssyncset.done $0x0  }
0x20: {  	s26 =	simm.s32 $0x14240;
	[sflag:s3] =	ssyncadd.s32 $0xFFFFFE00  }
0x21: {  	[tilespmem:s26], [sflag:$0x1] =	stream.linear.gather [hbm4b:s25+s11], $0x200, $0x38;
	[tilespmem:$0x150D0] =	vst v63  }
0x22: {  	_ =	swait.ge [sflag:s3], $0x200  }
0x23: {  	s28 =	sld [smem:$0x7F9]  }
0x24: {  	[sflag:s3] =	ssyncset.done $0x0  }
0x25: {  	s29 =	simm.s32 $0x14440;
	[sflag:s3] =	ssyncadd.s32 $0xFFFFFE00  }
0x26: {  	[tilespmem:s29], [sflag:$0x1] =	stream.linear.gather [hbm4b:s28+s11], $0x40, $0x38;
	[tilespmem:$0x150D0] =	vst v63  }
0x27: {  	_ =	swait.ge [sflag:s3], $0x40  }
0x28: {  	s30 =	sld [smem:$0x7F5]  }
0x29: {  	[sflag:s3] =	ssyncset.done $0x0  }
0x2a: {  	s31 =	simm.s32 $0x14480;
	[sflag:s3] =	ssyncadd.s32 $0xFFFFFFC0  }
0x2b: {  	[tilespmem:s31], [sflag:$0x1] =	stream.linear.gather [hbm4b:s30+s11], $0x10, $0x38;
	[tilespmem:$0x150D0] =	vst v63  }
0x2c: {  	_ =	swait.ge [sflag:s3], $0x10  }
0x2d: {  	[sflag:s3] =	ssyncset.done $0x0  }
0x2e: {  	[sflag:s3] =	ssyncadd.s32 $0xFFFFFFF0  }
0x2f: {  	v0 =	vimm.f32 $0.0e+00;
	v59 =	vld [tilespmem:$0x14480]  }
0x30: {  	[tilespmem:$0xC000] =	vst v0;
	v60 =	vld [tilespmem:$0x14440]  }
0x31: {  	[tilespmem:$0xC010] =	vst v0;
	v61 =	vld [tilespmem:$0x14450]  }
0x32: {  	[tilespmem:$0xC020] =	vst v0;
	v62 =	vld [tilespmem:$0x14460]  }
0x33: {  	p1 =	por $0x1, $0x1;
	s0 =	simm.s32 $0x0;
	[tilespmem:$0xC030] =	vst v0;
	v63 =	vld [tilespmem:$0x14470]  }
.LBB2_2:
0x34: {  	s1 =	sld [smem:$0x7F4];
	_ =	sdelay $0x1  }
0x35: {  	s2 =	sld [smem:$0x7F2]  }
0x36: {  	s1 =	sor.u32 s1, s0  }
0x37: {  	s1 =	sshll.u32 s1, $0x2  }
0x38: {  	s5 =	simm.s32 $0x0;
	s4 =	simm.s32 $0xC040;
	s2 =	sadd.s32 s2, s1  }
0x39: {  	[tilespmem:s4], [sflag:$0x1] =	stream.linear.gather [hbm4b:s2+s5], $0x4000, $0x38;
	[tilespmem:$0x150D0] =	vst v63  }
0x3a: {  	_ =	swait.ge [sflag:s3], $0x4000  }
0x3b: {  	s29 =	sld [smem:$0x7F3];
	_ =	sdelay $0x1  }
0x3c: {  	[sflag:s3] =	ssyncset.done $0x0  }
0x3d: {  	s30 =	simm.s32 $0x10040;
	[sflag:s3] =	ssyncadd.s32 $0xFFFFC000;
	s1 =	sadd.s32 s29, s1  }
0x3e: {  	[tilespmem:s30], [sflag:$0x1] =	stream.linear.gather [hbm4b:s1+s5], $0x4000, $0x38;
	[tilespmem:$0x150D0] =	vst v63  }
0x3f: {  	s31 =	sadd.s32 $0x14490, s0;
	_ =	swait.ge [sflag:s3], $0x4000  }
0x40: {  	p0 =	por p1, p1;
	v0 =	vmov s31;
	[sflag:s3] =	ssyncset.done $0x0  }
0x41: {  	s2 =	simm.s32 $0x10050;
	s1 =	simm.s32 $0xC050;
	[tilespmem:$0x1FFF0] =	vst v0;
	[sflag:s3] =	ssyncadd.s32 $0xFFFFC000  }
.LBB2_3:
0x42: {  	v0 =	vld [tilespmem:s2+$0x0]  }
0x43: {  	v6 =	vld [tilespmem:s1+$0x0]  }
0x44: {  	v1 =	vld [tilespmem:s2+$0xFFFFFFF0];
	_ =	sdelay $0x1  }
0x45: {  	v3 =	vld [tilespmem:s1+$0xFFFFFFF0]  }
0x46: {  	v0 =	vshll.u32 v0, $0x8  }
0x47: {  	v2 =	vshll.u32 v6, $0x8;
	v0 =	vshra.s32 v0, $0x2  }
0x48: {  	v1 =	vshll.u32 v1, $0x8;
	v2 =	vshra.s32 v2, $0x2;
	(v2sf) =	vpush v0, $0xF  }
0x49: {  	v1 =	vshra.s32 v1, $0x2;
	(v2sf) =	vpush v2, $0xF  }
0x4a: {  	[tilespmem:$0x1FEB0] =	vst v3;
	v3 =	vshll.u32 v3, $0x8;
	(v2sf) =	vpush v1, $0xF  }
0x4b: {  	v3 =	vshra.s32 v3, $0x2;
	(v2sf) =	vpush v0, $0xE  }
0x4c: {  	(v2sf) =	vpush v3, $0xF  }
0x4d: {  	(v2sf) =	vpush v2, $0xE  }
0x4e: {  	(v2sf) =	vpush v1, $0xE  }
0x4f: {  	(v2sf) =	vpush v0, $0xD  }
0x50: {  	(v2sf) =	vpush v3, $0xE  }
0x51: {  	(v2sf) =	vpush v2, $0xD  }
0x52: {  	(v2sf) =	vpush v1, $0xD  }
0x53: {  	(v2sf) =	vpush v0, $0xC  }
0x54: {  	(v2sf) =	vpush v3, $0xD  }
0x55: {  	(v2sf) =	vpush v2, $0xC  }
0x56: {  	(v2sf) =	vpush v1, $0xC  }
0x57: {  	s18 =	spop (v2sf);
	(v2sf) =	vpush v0, $0xB  }
0x58: {  	s0 =	spop (v2sf);
	(v2sf) =	vpush v3, $0xC  }
0x59: {  	s9 =	spop (v2sf);
	(v2sf) =	vpush v2, $0xB  }
0x5a: {  	s10 =	spop (v2sf);
	(v2sf) =	vpush v1, $0xB  }
0x5b: {  	s11 =	spop (v2sf);
	(v2sf) =	vpush v0, $0xA  }
0x5c: {  	s12 =	spop (v2sf);
	(v2sf) =	vpush v3, $0xB  }
0x5d: {  	s13 =	spop (v2sf);
	(v2sf) =	vpush v2, $0xA  }
0x5e: {  	s17 =	spop (v2sf);
	(v2sf) =	vpush v1, $0xA  }
0x5f: {  	s14 =	spop (v2sf);
	(v2sf) =	vpush v0, $0x9  }
0x60: {  	s15 =	spop (v2sf);
	(v2sf) =	vpush v3, $0xA  }
0x61: {  	s16 =	spop (v2sf);
	(v2sf) =	vpush v2, $0x9  }
0x62: {  	s19 =	spop (v2sf);
	(v2sf) =	vpush v1, $0x9  }
0x63: {  	s20 =	spop (v2sf);
	(v2sf) =	vpush v0, $0x8  }
0x64: {  	[smem:$0x7E8] =	sst s16;
	s16 =	spop (v2sf);
	(v2sf) =	vpush v3, $0x9  }
0x65: {  	[smem:$0x7EC] =	sst s19;
	s19 =	spop (v2sf);
	(v2sf) =	vpush v2, $0x8  }
0x66: {  	s21 =	spop (v2sf);
	(v2sf) =	vpush v1, $0x8  }
0x67: {  	s22 =	spop (v2sf);
	(v2sf) =	vpush v0, $0x7  }
0x68: {  	s26 =	spop (v2sf);
	(v2sf) =	vpush v3, $0x8  }
0x69: {  	s7 =	spop (v2sf);
	(v2sf) =	vpush v2, $0x7  }
0x6a: {  	s23 =	spop (v2sf);
	(v2sf) =	vpush v1, $0x7  }
0x6b: {  	s24 =	spop (v2sf);
	(v2sf) =	vpush v0, $0x6  }
0x6c: {  	s25 =	spop (v2sf);
	(v2sf) =	vpush v3, $0x7  }
0x6d: {  	[smem:$0x7F0] =	sst s1;
	s1 =	spop (v2sf);
	(v2sf) =	vpush v2, $0x6  }
0x6e: {  	[smem:$0x7EF] =	sst s2;
	s2 =	spop (v2sf);
	(v2sf) =	vpush v1, $0x6  }
0x6f: {  	s3 =	spop (v2sf);
	(v2sf) =	vpush v0, $0x5  }
0x70: {  	s4 =	spop (v2sf);
	(v2sf) =	vpush v3, $0x6  }
0x71: {  	[smem:$0x7E3] =	sst s5;
	(v2sf) =	vpush v2, $0x5;
	s5 =	spop (v2sf)  }
0x72: {  	(v2sf) =	vpush v1, $0x5;
	s6 =	spop (v2sf)  }
0x73: {  	(v2sf) =	vpush v0, $0x4;
	s8 =	spop (v2sf)  }
0x74: {  	[dreg:$0x1c] =	wrdreg s9;
	(v2sf) =	vpush v3, $0x5;
	s9 =	spop (v2sf)  }
0x75: {  	[smem:$0x7EE] =	sst s10;
	(v2sf) =	vpush v2, $0x4;
	s10 =	spop (v2sf)  }
0x76: {  	[smem:$0x7E4] =	sst s11;
	(v2sf) =	vpush v1, $0x4;
	s11 =	spop (v2sf)  }
0x77: {  	[smem:$0x7ED] =	sst s12;
	(v2sf) =	vpush v0, $0x3;
	s12 =	spop (v2sf)  }
0x78: {  	[dreg:$0x1f] =	wrdreg s13;
	(v2sf) =	vpush v3, $0x4;
	s13 =	spop (v2sf)  }
0x79: {  	[dreg:$0x1d] =	wrdreg s14;
	(v2sf) =	vpush v2, $0x3;
	s14 =	spop (v2sf)  }
0x7a: {  	[smem:$0x7EB] =	sst s15;
	(v2sf) =	vpush v1, $0x3;
	s15 =	spop (v2sf)  }
0x7b: {  	[smem:$0x7E9] =	sst s20;
	s20 =	spop (v2sf)  }
0x7c: {  	[smem:$0x7E6] =	sst s21;
	(v2sf) =	vpush v0, $0x2;
	s21 =	spop (v2sf)  }
0x7d: {  	[dreg:$0x7] =	wrdreg s25;
	(v2sf) =	vpush v3, $0x3;
	s25 =	spop (v2sf)  }
0x7e: {  	[dreg:$0xf] =	wrdreg s8;
	(v2sf) =	vpush v2, $0x2;
	s8 =	spop (v2sf)  }
0x7f: {  	[dreg:$0x10] =	wrdreg s6;
	(v2sf) =	vpush v1, $0x2;
	s6 =	spop (v2sf)  }
0x80: {  	[dreg:$0x11] =	wrdreg s9;
	(v2sf) =	vpush v0, $0x1;
	s9 =	spop (v2sf)  }
0x81: {  	[dreg:$0x12] =	wrdreg s10;
	(v2sf) =	vpush v3, $0x2;
	s10 =	spop (v2sf)  }
0x82: {  	[dreg:$0x13] =	wrdreg s12;
	(v2sf) =	vpush v2, $0x1;
	s12 =	spop (v2sf)  }
0x83: {  	[dreg:$0x14] =	wrdreg s11;
	(v2sf) =	vpush v1, $0x1;
	s11 =	spop (v2sf)  }
0x84: {  	[dreg:$0x15] =	wrdreg s13;
	(v2sf) =	vpush v0, $0x0;
	s13 =	spop (v2sf)  }
0x85: {  	[smem:$0x7EA] =	sst s22;
	(v2sf) =	vpush v3, $0x1;
	s22 =	spop (v2sf)  }
0x86: {  	[dreg:$0xb] =	wrdreg s3;
	(v2sf) =	vpush v2, $0x0;
	s3 =	spop (v2sf)  }
0x87: {  	[dreg:$0x6] =	wrdreg s23;
	s23 =	spop (v2sf)  }
0x88: {  	[dreg:$0xc] =	wrdreg s2;
	s2 =	spop (v2sf)  }
0x89: {  	[dreg:$0xe] =	wrdreg s5;
	s5 =	spop (v2sf)  }
0x8a: {  	v4 =	vld [tilespmem:s5+$0x30]  }
0x8b: {  	[dreg:$0x16] =	wrdreg s14;
	(v2sf) =	vpush v1, $0x0;
	s14 =	spop (v2sf);
	v12 =	vld [tilespmem:s5+$0x20]  }
0x8c: {  	[dreg:$0xd] =	wrdreg s4;
	s4 =	spop (v2sf)  }
0x8d: {  	[dreg:$0x18] =	wrdreg s15;
	v35 =	vld [tilespmem:s14+$0x0];
	s15 =	spop (v2sf)  }
0x8e: {  	[dreg:$0x17] =	wrdreg s20;
	s20 =	spop (v2sf);
	v36 =	vld [tilespmem:s15+$0x0]  }
0x8f: {  	[dreg:$0x19] =	wrdreg s21;
	s21 =	spop (v2sf);
	[tilespmem:$0x1FEE0] =	vst v4;
	v4 =	vld [tilespmem:s4+$0x30]  }
0x90: {  	[smem:$0x7E7] =	sst s24;
	s24 =	spop (v2sf);
	[tilespmem:$0x1FEF0] =	vst v12;
	v12 =	vld [tilespmem:s4+$0x20]  }
0x91: {  	(v2sf) =	vpush v3, $0x0;
	v3 =	vld [tilespmem:s3+$0x0];
	s28 =	spop (v2sf)  }
0x92: {  	[tilespmem:$0x1FEC0] =	vst v35;
	v35 =	vld [tilespmem:s5+$0x10];
	s29 =	spop (v2sf)  }
0x93: {  	s30 =	spop (v2sf);
	[tilespmem:$0x1FED0] =	vst v36;
	v36 =	vld [tilespmem:s5+$0x0]  }
0x94: {  	s31 =	spop (v2sf);
	[tilespmem:$0x1FF00] =	vst v4;
	v4 =	vld [tilespmem:s3+$0x30]  }
0x95: {  	[dreg:$0xa] =	wrdreg s1;
	s1 =	spop (v2sf);
	[tilespmem:$0x1FF20] =	vst v12;
	v12 =	vld [tilespmem:s3+$0x20]  }
0x96: {  	v9 =	vld [tilespmem:s1+$0x30]  }
0x97: {  	v57 =	vld [tilespmem:s1+$0x20]  }
0x98: {  	v15 =	vld [tilespmem:s1+$0x10]  }
0x99: {  	v16 =	vld [tilespmem:s1+$0x0]  }
0x9a: {  	[smem:$0x7E5] =	sst s0;
	s0 =	spop (v2sf);
	[tilespmem:$0x1FF10] =	vst v35;
	v35 =	vld [tilespmem:s4+$0x10]  }
0x9b: {  	v2 =	vld [tilespmem:s0+$0x30]  }
0x9c: {  	v11 =	vld [tilespmem:s0+$0x20]  }
0x9d: {  	v13 =	vld [tilespmem:s0+$0x10]  }
0x9e: {  	v27 =	vld [tilespmem:s0+$0x0]  }
0x9f: {  	[tilespmem:$0x1FF60] =	vst v4;
	v4 =	vld [tilespmem:s2+$0x20]  }
0xa0: {  	s0 =	spop (v2sf);
	[tilespmem:$0x1FF70] =	vst v12;
	v12 =	vld [tilespmem:s2+$0x10]  }
0xa1: {  	v5 =	vld [tilespmem:s0+$0x30]  }
0xa2: {  	[tilespmem:$0x1FF30] =	vst v36;
	v36 =	vld [tilespmem:s4+$0x0]  }
0xa3: {  	[tilespmem:$0x1FF40] =	vst v35;
	v35 =	vld [tilespmem:s3+$0x10]  }
0xa4: {  	[tilespmem:$0x1FFA0] =	vst v4;
	v4 =	vld [tilespmem:s23+$0x30]  }
0xa5: {  	[tilespmem:$0x1FFB0] =	vst v12;
	v12 =	vld [tilespmem:s18+$0x30]  }
0xa6: {  	s1 =	sld [smem:$0x7E5];
	v17 =	vld [tilespmem:s0+$0x20]  }
0xa7: {  	[tilespmem:$0x1FF50] =	vst v36;
	v36 =	vld [tilespmem:s2+$0x30]  }
0xa8: {  	[tilespmem:$0x1FF90] =	vst v35;
	v35 =	vld [tilespmem:s2+$0x0]  }
0xa9: {  	s2 =	rddreg [dreg:$0x1c];
	[tilespmem:$0x1FFE0] =	vst v4;
	v4 =	vld [tilespmem:s1+$0x30]  }
0xaa: {  	[tilespmem:$0x1FA70] =	vst v12;
	v12 =	vld [tilespmem:s2+$0x30]  }
0xab: {  	v22 =	vld [tilespmem:s0+$0x10];
	s3 =	sld [smem:$0x7EE]  }
0xac: {  	v24 =	vld [tilespmem:s0+$0x0];
	s0 =	sld [smem:$0x7E4];
	_ =	sdelay $0x1  }
0xad: {  	[tilespmem:$0x1FA80] =	vst v4;
	v4 =	vld [tilespmem:s3+$0x30]  }
0xae: {  	[tilespmem:$0x1FA90] =	vst v12;
	v12 =	vld [tilespmem:s0+$0x30]  }
0xaf: {  	s4 =	sld [smem:$0x7ED];
	_ =	sdelay $0x1  }
0xb0: {  	v47 =	vld [tilespmem:s14+$0x30]  }
0xb1: {  	s5 =	rddreg [dreg:$0x1f];
	[tilespmem:$0x1FAA0] =	vst v4;
	v4 =	vld [tilespmem:s4+$0x30]  }
0xb2: {  	[tilespmem:$0x1FAB0] =	vst v12;
	v12 =	vld [tilespmem:s5+$0x30]  }
0xb3: {  	v51 =	vld [tilespmem:s14+$0x20]  }
0xb4: {  	v53 =	vld [tilespmem:s14+$0x10]  }
0xb5: {  	v41 =	vld [tilespmem:s20+$0x30]  }
0xb6: {  	[tilespmem:$0x1FAC0] =	vst v4;
	v4 =	vld [tilespmem:s2+$0x20]  }
0xb7: {  	[tilespmem:$0x1FAD0] =	vst v12;
	v12 =	vld [tilespmem:s17+$0x30]  }
0xb8: {  	v40 =	vld [tilespmem:s20+$0x20]  }
0xb9: {  	v43 =	vld [tilespmem:s20+$0x10]  }
0xba: {  	v49 =	vld [tilespmem:s20+$0x0]  }
0xbb: {  	s14 =	rddreg [dreg:$0x1d];
	[tilespmem:$0x1FAE0] =	vst v4;
	v4 =	vld [tilespmem:s3+$0x20]  }
0xbc: {  	[tilespmem:$0x1FAF0] =	vst v12;
	v12 =	vld [tilespmem:s14+$0x30]  }
0xbd: {  	v33 =	vld [tilespmem:s21+$0x30]  }
0xbe: {  	s20 =	sld [smem:$0x7EB];
	v31 =	vld [tilespmem:s21+$0x20]  }
0xbf: {  	v37 =	vld [tilespmem:s21+$0x10]  }
0xc0: {  	[tilespmem:$0x1FB00] =	vst v4;
	v4 =	vld [tilespmem:s0+$0x20]  }
0xc1: {  	[tilespmem:$0x1FB10] =	vst v12;
	v12 =	vld [tilespmem:s20+$0x30]  }
0xc2: {  	v39 =	vld [tilespmem:s21+$0x0];
	s21 =	sld [smem:$0x7E8];
	_ =	sdelay $0x1  }
0xc3: {  	v42 =	vld [tilespmem:s24+$0x30]  }
0xc4: {  	[tilespmem:$0x1FB20] =	vst v4;
	v4 =	vld [tilespmem:s21+$0x30]  }
0xc5: {  	[tilespmem:$0x1FB30] =	vst v12;
	v12 =	vld [tilespmem:s4+$0x20]  }
0xc6: {  	v44 =	vld [tilespmem:s24+$0x20]  }
0xc7: {  	v45 =	vld [tilespmem:s24+$0x10]  }
0xc8: {  	v48 =	vld [tilespmem:s24+$0x0]  }
0xc9: {  	[tilespmem:$0x1FB40] =	vst v4;
	v4 =	vld [tilespmem:s5+$0x20]  }
0xca: {  	[tilespmem:$0x1FB50] =	vst v12;
	v12 =	vld [tilespmem:s2+$0x10]  }
0xcb: {  	s24 =	sld [smem:$0x7EC];
	v10 =	vld [tilespmem:s30+$0x30]  }
0xcc: {  	v7 =	vld [tilespmem:s30+$0x20]  }
0xcd: {  	v14 =	vld [tilespmem:s30+$0x10]  }
0xce: {  	[tilespmem:$0x1FB60] =	vst v4;
	v4 =	vld [tilespmem:s24+$0x30]  }
0xcf: {  	[tilespmem:$0x1FB70] =	vst v12;
	v12 =	vld [tilespmem:s17+$0x20]  }
0xd0: {  	v19 =	vld [tilespmem:s30+$0x0];
	s30 =	smov.u32 s7;
	s7 =	sld [smem:$0x7E9];
	_ =	sdelay $0x2  }
0xd1: {  	[tilespmem:$0x1FB80] =	vst v4;
	v4 =	vld [tilespmem:s7+$0x30]  }
0xd2: {  	[tilespmem:$0x1FB90] =	vst v12;
	v12 =	vld [tilespmem:s14+$0x20];
	_ =	sdelay $0x2  }
0xd3: {  	v32 =	vld [tilespmem:s28+$0x30]  }
0xd4: {  	[tilespmem:$0x1FBA0] =	vst v4;
	v4 =	vld [tilespmem:s16+$0x30]  }
0xd5: {  	[tilespmem:$0x1FBB0] =	vst v12;
	v12 =	vld [tilespmem:s19+$0x30]  }
0xd6: {  	v21 =	vld [tilespmem:s29+$0x30]  }
0xd7: {  	v20 =	vld [tilespmem:s29+$0x20]  }
0xd8: {  	v26 =	vld [tilespmem:s29+$0x10]  }
0xd9: {  	[tilespmem:$0x1FBC0] =	vst v4;
	v4 =	vld [tilespmem:s20+$0x20]  }
0xda: {  	[tilespmem:$0x1FBD0] =	vst v12;
	v12 =	vld [tilespmem:s21+$0x20]  }
0xdb: {  	v29 =	vld [tilespmem:s29+$0x0];
	s29 =	sld [smem:$0x7E6]  }
0xdc: {  	v34 =	vld [tilespmem:s28+$0x20]  }
0xdd: {  	v38 =	vld [tilespmem:s28+$0x10]  }
0xde: {  	[tilespmem:$0x1FBE0] =	vst v4;
	v4 =	vld [tilespmem:s29+$0x30]  }
0xdf: {  	[tilespmem:$0x1FBF0] =	vst v12;
	v12 =	vld [tilespmem:s24+$0x20]  }
0xe0: {  	v54 =	vld [tilespmem:s28+$0x0];
	s28 =	sld [smem:$0x7EA];
	_ =	sdelay $0x2  }
0xe1: {  	[tilespmem:$0x1FC00] =	vst v4;
	v4 =	vld [tilespmem:s28+$0x30]  }
0xe2: {  	[tilespmem:$0x1FC10] =	vst v12;
	v12 =	vld [tilespmem:s7+$0x20];
	_ =	sdelay $0x1  }
0xe3: {  	v1 =	vld [tilespmem:s22+$0x20]  }
0xe4: {  	v28 =	vld [tilespmem:s22+$0x10]  }
0xe5: {  	[tilespmem:$0x1FC20] =	vst v4;
	v4 =	vld [tilespmem:s26+$0x30]  }
0xe6: {  	[tilespmem:$0x1FC30] =	vst v12;
	v12 =	vld [tilespmem:s30+$0x30]  }
0xe7: {  	v46 =	vld [tilespmem:s15+$0x30]  }
0xe8: {  	v50 =	vld [tilespmem:s15+$0x20]  }
0xe9: {  	v52 =	vld [tilespmem:s15+$0x10]  }
0xea: {  	[tilespmem:$0x1FC40] =	vst v4;
	v4 =	vld [tilespmem:s16+$0x20]  }
0xeb: {  	[tilespmem:$0x1FC50] =	vst v12;
	v12 =	vld [tilespmem:s19+$0x20]  }
0xec: {  	v18 =	vld [tilespmem:s31+$0x30]  }
0xed: {  	v23 =	vld [tilespmem:s31+$0x20]  }
0xee: {  	s15 =	rddreg [dreg:$0x6];
	v56 =	vld [tilespmem:s31+$0x10]  }
0xef: {  	[tilespmem:$0x1FC60] =	vst v4;
	v4 =	vld [tilespmem:s15+$0x30]  }
0xf0: {  	[tilespmem:$0x1FC70] =	vst v12;
	v12 =	vld [tilespmem:s29+$0x20]  }
0xf1: {  	v55 =	vld [tilespmem:s31+$0x0];
	s31 =	sld [smem:$0x7E7]  }
0xf2: {  	v30 =	vld [tilespmem:s23+$0x20]  }
0xf3: {  	[tilespmem:$0x1FF80] =	vst v36;
	v36 =	vld [tilespmem:s22+$0x30]  }
0xf4: {  	[tilespmem:$0x1FC80] =	vst v4;
	v4 =	vld [tilespmem:s31+$0x30]  }
0xf5: {  	[tilespmem:$0x1FC90] =	vst v12;
	v12 =	vld [tilespmem:s28+$0x20]  }
0xf6: {  	v25 =	vld [tilespmem:s23+$0x10]  }
0xf7: {  	[tilespmem:$0x1FFC0] =	vst v35;
	v35 =	vld [tilespmem:s22+$0x0]  }
0xf8: {  	s22 =	rddreg [dreg:$0x7];
	[tilespmem:$0x1FFD0] =	vst v36;
	v36 =	vld [tilespmem:s23+$0x0]  }
0xf9: {  	s23 =	rddreg [dreg:$0xa];
	[tilespmem:$0x1FCA0] =	vst v4;
	v4 =	vld [tilespmem:s22+$0x30]  }
0xfa: {  	[tilespmem:$0x1FCB0] =	vst v12;
	v12 =	vld [tilespmem:s23+$0x30];
	_ =	sdelay $0x3  }
0xfb: {  	[tilespmem:$0x1FCC0] =	vst v4;
	v4 =	vld [tilespmem:s26+$0x20]  }
0xfc: {  	[tilespmem:$0x1FCD0] =	vst v12;
	v12 =	vld [tilespmem:s30+$0x20];
	_ =	sdelay $0x2  }
0xfd: {  	s23 =	rddreg [dreg:$0xc]  }
0xfe: {  	[tilespmem:$0x1FCE0] =	vst v4;
	v4 =	vld [tilespmem:s23+$0x30]  }
0xff: {  	[tilespmem:$0x1FCF0] =	vst v12;
	v12 =	vld [tilespmem:s15+$0x20];
	_ =	sdelay $0x2  }
0x100: {  	s23 =	rddreg [dreg:$0xb]  }
0x101: {  	[tilespmem:$0x1FD00] =	vst v4;
	v4 =	vld [tilespmem:s23+$0x30]  }
0x102: {  	[tilespmem:$0x1FD10] =	vst v12;
	v12 =	vld [tilespmem:s31+$0x20];
	_ =	sdelay $0x2  }
0x103: {  	s15 =	rddreg [dreg:$0xd]  }
0x104: {  	[tilespmem:$0x1FD20] =	vst v4;
	v4 =	vld [tilespmem:s15+$0x30];
	s15 =	rddreg [dreg:$0xe]  }
0x105: {  	[tilespmem:$0x1FD30] =	vst v12;
	v12 =	vld [tilespmem:s15+$0x30];
	_ =	sdelay $0x3  }
0x106: {  	[tilespmem:$0x1FD40] =	vst v4;
	v4 =	vld [tilespmem:s22+$0x20];
	s22 =	rddreg [dreg:$0xa]  }
0x107: {  	[tilespmem:$0x1FD50] =	vst v12;
	v12 =	vld [tilespmem:s22+$0x20];
	_ =	sdelay $0x2  }
0x108: {  	s22 =	rddreg [dreg:$0x10]  }
0x109: {  	[tilespmem:$0x1FD60] =	vst v4;
	v4 =	vld [tilespmem:s22+$0x30];
	s22 =	rddreg [dreg:$0xc]  }
0x10a: {  	[tilespmem:$0x1FD70] =	vst v12;
	v12 =	vld [tilespmem:s22+$0x20];
	_ =	sdelay $0x2  }
0x10b: {  	s22 =	rddreg [dreg:$0xf]  }
0x10c: {  	[tilespmem:$0x1FD80] =	vst v4;
	v4 =	vld [tilespmem:s22+$0x30]  }
0x10d: {  	[tilespmem:$0x1FD90] =	vst v12;
	v12 =	vld [tilespmem:s23+$0x20];
	_ =	sdelay $0x2  }
0x10e: {  	s23 =	rddreg [dreg:$0x11]  }
0x10f: {  	[tilespmem:$0x1FDA0] =	vst v4;
	v4 =	vld [tilespmem:s23+$0x30];
	s23 =	rddreg [dreg:$0x12]  }
0x110: {  	[tilespmem:$0x1FDB0] =	vst v12;
	v12 =	vld [tilespmem:s23+$0x30];
	_ =	sdelay $0x1  }
0x111: {  	v11 =	vadd.f32 $0.0e+00, v11;
	v13 =	vadd.f32 $0.0e+00, v13  }
0x112: {  	v8 =	vadd.f32 $0.0e+00, v5;
	v22 =	vadd.f32 $0.0e+00, v22;
	s23 =	rddreg [dreg:$0xd]  }
0x113: {  	v24 =	vadd.f32 $0.0e+00, v24;
	v11 =	vadd.f32 v7, v11;
	[tilespmem:$0x1FDC0] =	vst v4;
	v4 =	vld [tilespmem:s23+$0x20];
	s23 =	rddreg [dreg:$0xe]  }
0x114: {  	v14 =	vadd.f32 v14, v13;
	v8 =	vadd.f32 v9, v8;
	[tilespmem:$0x1FDD0] =	vst v12;
	v12 =	vld [tilespmem:s23+$0x20]  }
0x115: {  	v9 =	vadd.f32 $0.0e+00, v17;
	v17 =	vadd.f32 $0.0e+00, v27  }
0x116: {  	v20 =	vadd.f32 v20, v11;
	v26 =	vadd.f32 v26, v14  }
0x117: {  	v17 =	vadd.f32 v19, v17;
	v19 =	vadd.f32 v15, v22;
	s23 =	rddreg [dreg:$0x14]  }
0x118: {  	v22 =	vadd.f32 v16, v24;
	v8 =	vadd.f32 v18, v8;
	[tilespmem:$0x1FDE0] =	vst v4;
	v4 =	vld [tilespmem:s23+$0x30];
	s23 =	rddreg [dreg:$0x10]  }
0x119: {  	v31 =	vadd.f32 v31, v20;
	v26 =	vadd.f32 v37, v26;
	[tilespmem:$0x1FDF0] =	vst v12;
	v12 =	vld [tilespmem:s23+$0x20]  }
0x11a: {  	v22 =	vadd.f32 v55, v22;
	v8 =	vadd.f32 v32, v8;
	v32 =	vld [tilespmem:s10+$0x30]  }
0x11b: {  	v31 =	vadd.f32 v40, v31;
	v37 =	vadd.f32 v43, v26;
	v26 =	vld [tilespmem:s25+$0x20]  }
0x11c: {  	v22 =	vadd.f32 v54, v22;
	v54 =	vld [tilespmem:$0x1FEC0]  }
0x11d: {  	v40 =	vadd.f32 v51, v31;
	v31 =	vld [tilespmem:s8+$0x20];
	s23 =	rddreg [dreg:$0x13]  }
0x11e: {  	[tilespmem:$0x1FE10] =	vst v12;
	v12 =	vld [tilespmem:s23+$0x30]  }
0x11f: {  	v8 =	vadd.f32 v42, v8;
	v51 =	vld [tilespmem:$0x1FF10];
	s23 =	rddreg [dreg:$0x16]  }
0x120: {  	v13 =	vld [tilespmem:s23+$0x30]  }
0x121: {  	v8 =	vadd.f32 v46, v8;
	v46 =	vld [tilespmem:$0x1FFB0];
	[tilespmem:$0x1FE00] =	vst v4;
	v4 =	vadd.f32 $0.0e+00, v2;
	s23 =	rddreg [dreg:$0x12]  }
0x122: {  	v27 =	vadd.f32 v57, v9;
	v57 =	vld [tilespmem:s23+$0x20]  }
0x123: {  	[tilespmem:$0x1FE20] =	vst v12;
	v12 =	vadd.f32 v10, v4;
	v4 =	vld [tilespmem:s22+$0x20];
	s22 =	rddreg [dreg:$0x15]  }
0x124: {  	s23 =	rddreg [dreg:$0x14];
	v5 =	vld [tilespmem:s22+$0x30]  }
0x125: {  	[tilespmem:$0x1FE50] =	vst v13;
	v13 =	vld [tilespmem:s23+$0x20];
	s23 =	rddreg [dreg:$0x17]  }
0x126: {  	v14 =	vld [tilespmem:s23+$0x30]  }
0x127: {  	s22 =	rddreg [dreg:$0x11];
	v24 =	vadd.f32 v21, v12;
	v21 =	vld [tilespmem:s25+$0x30]  }
0x128: {  	v23 =	vadd.f32 v23, v27;
	v27 =	vadd.f32 v29, v17;
	[tilespmem:$0x1FE30] =	vst v4;
	v4 =	vld [tilespmem:s22+$0x20];
	s22 =	rddreg [dreg:$0x18]  }
0x129: {  	[tilespmem:$0x1FE40] =	vst v5;
	v5 =	vld [tilespmem:s22+$0x30]  }
0x12a: {  	v12 =	vadd.f32 v39, v27;
	v27 =	vld [tilespmem:s9+$0x30];
	v33 =	vadd.f32 v33, v24  }
0x12b: {  	v24 =	vld [tilespmem:s8+$0x30]  }
0x12c: {  	v33 =	vadd.f32 v41, v33;
	v41 =	vld [tilespmem:s12+$0x20]  }
0x12d: {  	[tilespmem:$0x1FE90] =	vst v14;
	v14 =	vadd.f32 v49, v12;
	v49 =	vadd.f32 v53, v37;
	v37 =	vld [tilespmem:s12+$0x30]  }
0x12e: {  	v19 =	vadd.f32 v56, v19;
	s22 =	rddreg [dreg:$0x13];
	[tilespmem:$0x1FE70] =	vst v5;
	v5 =	vld [tilespmem:$0x1FEB0]  }
0x12f: {  	[tilespmem:$0x1FE60] =	vst v4;
	v4 =	vld [tilespmem:s22+$0x20]  }
0x130: {  	[tilespmem:$0x1FE80] =	vst v13;
	v13 =	vadd.f32 v38, v19;
	v38 =	vadd.f32 v54, v14;
	v54 =	vld [tilespmem:$0x1FF40];
	s22 =	rddreg [dreg:$0x19]  }
0x131: {  	v18 =	vld [tilespmem:s22+$0x30];
	s22 =	rddreg [dreg:$0x15]  }
0x132: {  	v55 =	vld [tilespmem:s22+$0x20];
	s22 =	rddreg [dreg:$0x19]  }
0x133: {  	vm1 =	vne.s32 v6, $0x300;
	v48 =	vadd.f32 v48, v22;
	v22 =	vld [tilespmem:s22+$0x20];
	vm0 =	vne.s32 v5, $0x300  }
0x134: {  	v29 =	vmpcnt.ones.xlane vm1;
	[tilespmem:$0x1FEA0] =	vst v4;
	v4 =	vld [tilespmem:$0x1FED0];
	v17 =	vmpcnt.ones.xlane vm0  }
0x135: {  	s15 =	rddreg [dreg:$0x16];
	v5 =	vld [tilespmem:$0x1FEE0]  }
0x136: {  	v20 =	vadd.s32 v29, v17;
	v17 =	vld [tilespmem:s15+$0x20]  }
0x137: {  	v29 =	vadd.f32 v34, v23;
	v23 =	vld [tilespmem:s6+$0x30]  }
0x138: {  	v34 =	vadd.f32 v45, v13;
	v13 =	vld [tilespmem:$0x1FEF0]  }
0x139: {  	s15 =	rddreg [dreg:$0x18];
	v20 =	vadd.s32 $0xFFFFFFFE, v20;
	v39 =	vadd.f32 v4, v48;
	v4 =	vld [tilespmem:$0x1FF60]  }
0x13a: {  	v19 =	vshra.s32 v20, $0x2;
	v20 =	vld [tilespmem:s15+$0x20]  }
0x13b: {  	v33 =	vadd.f32 v47, v33;
	v56 =	vadd.f32 v52, v34;
	v34 =	vld [tilespmem:s11+$0x30]  }
0x13c: {  	v52 =	vld [tilespmem:$0x1FF20]  }
0x13d: {  	v12 =	vadd.f32 v5, v33;
	v33 =	vld [tilespmem:s9+$0x20];
	vm15 =	vgt.s32 v19, $0x0  }
0x13e: {  	v29 =	vadd.f32 v44, v29;
	v5 =	vld [tilespmem:$0x1FF70];
	v42 =	vnsel vm15, $0x0, v19  }
0x13f: {  	v19 =	vld [tilespmem:s23+$0x20];
	(v2sf) =	vpush v42, $0x0  }
0x140: {  	v53 =	vadd.f32 v50, v29;
	v50 =	vld [tilespmem:$0x1FF00]  }
0x141: {  	v29 =	vld [tilespmem:s6+$0x20]  }
0x142: {  	v44 =	vadd.f32 v54, v56;
	v56 =	vld [tilespmem:$0x1FF50];
	v14 =	vadd.f32 v13, v40  }
0x143: {  	v40 =	vld [tilespmem:s13+$0x30]  }
0x144: {  	v45 =	vadd.f32 v4, v12;
	v12 =	vadd.f32 v5, v14;
	v14 =	vld [tilespmem:$0x1FF90]  }
0x145: {  	v43 =	vadd.f32 v52, v53;
	v53 =	vld [tilespmem:$0x1FF30]  }
0x146: {  	v13 =	vld [tilespmem:$0x1FF80]  }
0x147: {  	v47 =	vadd.f32 v51, v49;
	v52 =	vadd.f32 v56, v39;
	v39 =	vld [tilespmem:$0x1FFA0]  }
0x148: {  	v56 =	vld [tilespmem:$0x1FFE0]  }
0x149: {  	v8 =	vadd.f32 v50, v8;
	v50 =	vadd.f32 v14, v47;
	v47 =	vld [tilespmem:$0x1FFC0]  }
0x14a: {  	v48 =	vadd.f32 v53, v38;
	v53 =	vld [tilespmem:$0x1FFD0]  }
0x14b: {  	s15 =	sld [smem:$0x7F0];
	v49 =	vadd.f32 v46, v44;
	v46 =	vld [tilespmem:s12+$0x10]  }
0x14c: {  	v44 =	vadd.f32 v1, v12;
	v38 =	vld [tilespmem:s10+$0x20]  }
0x14d: {  	s22 =	sld [smem:$0x7EF];
	v8 =	vadd.f32 v13, v8;
	v51 =	vadd.f32 v39, v43;
	v39 =	vld [tilespmem:s11+$0x20]  }
0x14e: {  	[dreg:$0x9] =	wrdreg s15;
	v48 =	vadd.f32 v3, v48;
	v43 =	vld [tilespmem:s13+$0x20];
	v52 =	vadd.f32 v47, v52;
	s23 =	spop (v2sf)  }
0x14f: {  	v54 =	vimm.f32 $0.0e+00;
	s15 =	simm.s32 $0x0;
	v53 =	vadd.f32 v53, v45;
	v45 =	vadd.f32 v56, v8;
	v8 =	vld [tilespmem:s13+$0x10];
	[dreg:$0x1a] =	wrdreg s23;
	s23 =	simm.s32 $0x1  }
.LBB2_4:
0x150: {  	v47 =	vld [tilespmem:s12+$0x0]  }
0x151: {  	v1 =	vld [tilespmem:s13+$0x0]  }
0x152: {  	v2 =	vld [tilespmem:s10+$0x10]  }
0x153: {  	v3 =	vld [tilespmem:s11+$0x10]  }
0x154: {  	v4 =	vld [tilespmem:s10+$0x0]  }
0x155: {  	v5 =	vld [tilespmem:s8+$0x10]  }
0x156: {  	v12 =	vld [tilespmem:s9+$0x10]  }
0x157: {  	v13 =	vld [tilespmem:s8+$0x0]  }
0x158: {  	v14 =	vld [tilespmem:s9+$0x0]  }
0x159: {  	v0 =	vld [tilespmem:$0x1FE70]  }
0x15a: {  	v56 =	vld [tilespmem:$0x1FE80]  }
0x15b: {  	v7 =	vld [tilespmem:$0x1FD50]  }
0x15c: {  	v41 =	vadd.f32 v41, v44;
	v44 =	vld [tilespmem:s25+$0x10]  }
0x15d: {  	s9 =	rddreg [dreg:$0x18];
	v35 =	vadd.f32 v35, v48;
	v48 =	vld [tilespmem:s6+$0x0]  }
0x15e: {  	v25 =	vadd.f32 v25, v49;
	v49 =	vld [tilespmem:s9+$0x10]  }
0x15f: {  	v28 =	vadd.f32 v28, v50;
	v50 =	vld [tilespmem:$0x1FE50]  }
0x160: {  	v30 =	vadd.f32 v30, v51;
	v51 =	vld [tilespmem:$0x1FE90]  }
0x161: {  	v36 =	vadd.f32 v36, v52;
	v52 =	vld [tilespmem:$0x1FE00]  }
0x162: {  	v40 =	vadd.f32 v40, v45;
	v45 =	vld [tilespmem:$0x1FCD0]  }
0x163: {  	v8 =	vadd.f32 v8, v25;
	v25 =	vld [tilespmem:s11+$0x0]  }
0x164: {  	v37 =	vadd.f32 v37, v53;
	v28 =	vadd.f32 v46, v28;
	v46 =	vld [tilespmem:s6+$0x10]  }
0x165: {  	v30 =	vadd.f32 v43, v30;
	v35 =	vadd.f32 v47, v35;
	v47 =	vld [tilespmem:s25+$0x0]  }
0x166: {  	s8 =	rddreg [dreg:$0xc];
	v36 =	vadd.f32 v1, v36;
	v32 =	vadd.f32 v32, v37;
	v1 =	vld [tilespmem:$0x1FE10]  }
0x167: {  	v38 =	vadd.f32 v38, v41;
	v34 =	vadd.f32 v34, v40;
	v41 =	vld [tilespmem:s8+$0x10]  }
0x168: {  	v35 =	vadd.f32 v4, v35;
	v24 =	vadd.f32 v24, v32;
	v4 =	vld [tilespmem:$0x1FE40]  }
0x169: {  	s10 =	rddreg [dreg:$0x19];
	v31 =	vadd.f32 v31, v38;
	v27 =	vadd.f32 v27, v34;
	v38 =	vld [tilespmem:$0x1FDC0]  }
0x16a: {  	v28 =	vadd.f32 v2, v28;
	v21 =	vadd.f32 v21, v24;
	v24 =	vld [tilespmem:s10+$0x10]  }
0x16b: {  	v30 =	vadd.f32 v39, v30;
	v23 =	vadd.f32 v23, v27;
	v27 =	vld [tilespmem:s9+$0x0]  }
0x16c: {  	v28 =	vadd.f32 v5, v28;
	v5 =	vld [tilespmem:$0x1FDD0]  }
0x16d: {  	v30 =	vadd.f32 v33, v30;
	s9 =	rddreg [dreg:$0x12];
	v33 =	vld [tilespmem:$0x1FEA0]  }
0x16e: {  	v53 =	vld [tilespmem:s9+$0x10]  }
0x16f: {  	v25 =	vadd.f32 v25, v36;
	v36 =	vld [tilespmem:$0x1FD80]  }
0x170: {  	s11 =	rddreg [dreg:$0x16];
	v35 =	vadd.f32 v13, v35;
	v29 =	vadd.f32 v29, v30;
	v30 =	vld [tilespmem:s10+$0x0]  }
0x171: {  	s12 =	rddreg [dreg:$0x17];
	v26 =	vadd.f32 v26, v31;
	v16 =	vadd.f32 v0, v21;
	v21 =	vld [tilespmem:s11+$0x10]  }
0x172: {  	v28 =	vadd.f32 v44, v28;
	v18 =	vadd.f32 v18, v23;
	v23 =	vld [tilespmem:s12+$0x10]  }
0x173: {  	v8 =	vadd.f32 v3, v8;
	v31 =	vadd.f32 v47, v35;
	v47 =	vld [tilespmem:$0x1FD70]  }
0x174: {  	s13 =	rddreg [dreg:$0x14];
	v20 =	vadd.f32 v20, v26;
	v26 =	vadd.f32 v49, v28;
	v28 =	vld [tilespmem:s11+$0x0]  }
0x175: {  	s25 =	rddreg [dreg:$0x15];
	v22 =	vadd.f32 v22, v29;
	v29 =	vld [tilespmem:s13+$0x10]  }
0x176: {  	v8 =	vadd.f32 v12, v8;
	v13 =	vadd.f32 v50, v16;
	v16 =	vld [tilespmem:s25+$0x10]  }
0x177: {  	v15 =	vadd.f32 v51, v18;
	v18 =	vld [tilespmem:s13+$0x0]  }
0x178: {  	v8 =	vadd.f32 v46, v8;
	v50 =	vld [tilespmem:s31+$0x0]  }
0x179: {  	v51 =	vld [tilespmem:$0x1FC50]  }
0x17a: {  	v25 =	vadd.f32 v14, v25;
	s13 =	rddreg [dreg:$0xe];
	v8 =	vadd.f32 v24, v8;
	v24 =	vld [tilespmem:s12+$0x0]  }
0x17b: {  	v37 =	vld [tilespmem:s13+$0x10]  }
0x17c: {  	s10 =	rddreg [dreg:$0x13];
	v25 =	vadd.f32 v48, v25;
	v48 =	vld [tilespmem:$0x1FD20]  }
0x17d: {  	s12 =	rddreg [dreg:$0x11];
	v10 =	vadd.f32 v4, v15;
	v15 =	vld [tilespmem:s10+$0x10]  }
0x17e: {  	v34 =	vld [tilespmem:s12+$0x0]  }
0x17f: {  	v17 =	vadd.f32 v17, v20;
	v4 =	vld [tilespmem:$0x1FE60]  }
0x180: {  	v6 =	vadd.f32 v52, v13;
	v52 =	vld [tilespmem:s26+$0x10]  }
0x181: {  	v19 =	vadd.f32 v19, v22;
	v12 =	vadd.f32 v56, v17;
	v56 =	vld [tilespmem:s29+$0x0]  }
0x182: {  	v20 =	vadd.f32 v21, v26;
	v21 =	vld [tilespmem:s25+$0x0];
	v3 =	vadd.f32 v5, v6  }
0x183: {  	v14 =	vadd.f32 v55, v19;
	v19 =	vld [tilespmem:s9+$0x0]  }
0x184: {  	v6 =	vld [tilespmem:s12+$0x10];
	v0 =	vadd.f32 v36, v3  }
0x185: {  	v25 =	vadd.f32 v30, v25;
	v9 =	vadd.f32 v57, v12;
	v12 =	vld [tilespmem:$0x1FE20]  }
0x186: {  	s25 =	rddreg [dreg:$0xf];
	v0 =	vadd.f32 v7, v0;
	v7 =	vld [tilespmem:$0x1FDF0]  }
0x187: {  	v8 =	vadd.f32 v23, v8;
	v39 =	vld [tilespmem:s25+$0x10];
	v23 =	vadd.f32 v24, v25  }
0x188: {  	s11 =	rddreg [dreg:$0x10];
	v27 =	vadd.f32 v27, v31;
	v55 =	vld [tilespmem:$0x1FCA0];
	v17 =	vadd.f32 v29, v20  }
0x189: {  	v2 =	vadd.f32 v1, v9;
	v20 =	vadd.f32 v21, v23;
	v21 =	vld [tilespmem:s11+$0x10]  }
0x18a: {  	v22 =	vadd.f32 v28, v27;
	v5 =	vadd.f32 v12, v10;
	v10 =	vld [tilespmem:s11+$0x0]  }
0x18b: {  	v11 =	vadd.f32 v33, v14;
	v2 =	vadd.f32 v7, v2;
	v7 =	vld [tilespmem:$0x1FDA0]  }
0x18c: {  	v57 =	vld [tilespmem:s28+$0x0];
	v8 =	vadd.f32 v16, v8;
	v18 =	vadd.f32 v18, v22  }
0x18d: {  	v32 =	vadd.f32 v53, v17;
	v4 =	vadd.f32 v4, v11;
	v11 =	vld [tilespmem:s13+$0x0]  }
0x18e: {  	s9 =	rddreg [dreg:$0xd];
	v16 =	vld [tilespmem:s10+$0x0];
	v35 =	vadd.f32 v19, v18;
	v1 =	vadd.f32 v38, v5  }
0x18f: {  	v43 =	vld [tilespmem:s9+$0x10];
	v9 =	vadd.f32 v21, v32  }
0x190: {  	s12 =	rddreg [dreg:$0x6];
	v10 =	vadd.f32 v10, v35;
	v1 =	vadd.f32 v7, v1;
	v7 =	vld [tilespmem:$0x1FE30]  }
0x191: {  	v49 =	vld [tilespmem:s12+$0x0]  }
0x192: {  	v3 =	vadd.f32 v37, v9;
	v9 =	vadd.f32 v11, v10;
	v11 =	vld [tilespmem:$0x1FDE0]  }
0x193: {  	v33 =	vld [tilespmem:s16+$0x10];
	v8 =	vadd.f32 v15, v8;
	v15 =	vadd.f32 v16, v20  }
0x194: {  	v36 =	vld [tilespmem:s24+$0x0]  }
0x195: {  	v40 =	vadd.f32 v34, v15;
	v15 =	vld [tilespmem:s8+$0x0];
	v4 =	vadd.f32 v7, v4  }
0x196: {  	s10 =	rddreg [dreg:$0xa];
	v6 =	vadd.f32 v6, v8;
	v8 =	vld [tilespmem:s25+$0x0]  }
0x197: {  	v4 =	vadd.f32 v11, v4;
	v11 =	vld [tilespmem:s10+$0x0]  }
0x198: {  	v10 =	vld [tilespmem:$0x1FD90]  }
0x199: {  	v53 =	vld [tilespmem:$0x1FCF0];
	s13 =	rddreg [dreg:$0x7]  }
0x19a: {  	v46 =	vld [tilespmem:s13+$0x10];
	v9 =	vadd.f32 v15, v9  }
0x19b: {  	v5 =	vadd.f32 v39, v6;
	v6 =	vadd.f32 v8, v40;
	v8 =	vld [tilespmem:$0x1FD00]  }
0x19c: {  	v9 =	vadd.f32 v11, v9;
	v11 =	vld [tilespmem:$0x1FD10]  }
0x19d: {  	s11 =	rddreg [dreg:$0xb];
	v2 =	vadd.f32 v10, v2;
	v10 =	vld [tilespmem:$0x1FD40]  }
0x19e: {  	v44 =	vld [tilespmem:s11+$0x0]  }
0x19f: {  	v7 =	vld [tilespmem:s9+$0x0];
	v2 =	vadd.f32 v47, v2  }
0x1a0: {  	v0 =	vadd.f32 v8, v0;
	v8 =	vld [tilespmem:s10+$0x10]  }
0x1a1: {  	v2 =	vadd.f32 v11, v2;
	v11 =	vld [tilespmem:$0x1FCC0]  }
0x1a2: {  	v1 =	vadd.f32 v10, v1;
	v10 =	vld [tilespmem:s11+$0x10]  }
0x1a3: {  	v38 =	vld [tilespmem:$0x1FB40]  }
0x1a4: {  	v6 =	vadd.f32 v7, v6;
	v7 =	vld [tilespmem:s12+$0x10];
	v1 =	vadd.f32 v48, v1  }
0x1a5: {  	v39 =	vld [tilespmem:s20+$0x10];
	v5 =	vadd.f32 v43, v5;
	v3 =	vadd.f32 v41, v3  }
0x1a6: {  	v1 =	vadd.f32 v11, v1;
	v11 =	vld [tilespmem:s31+$0x10]  }
0x1a7: {  	v3 =	vadd.f32 v8, v3;
	v8 =	vld [tilespmem:$0x1FDB0];
	v5 =	vadd.f32 v10, v5  }
0x1a8: {  	v10 =	vld [tilespmem:$0x1FC80]  }
0x1a9: {  	v3 =	vadd.f32 v7, v3;
	v7 =	vld [tilespmem:$0x1FD60];
	v5 =	vadd.f32 v46, v5  }
0x1aa: {  	v34 =	vld [tilespmem:$0x1FC70]  }
0x1ab: {  	v0 =	vadd.f32 v45, v0;
	v5 =	vadd.f32 v11, v5;
	v11 =	vld [tilespmem:$0x1FC90]  }
0x1ac: {  	v4 =	vadd.f32 v8, v4;
	v8 =	vld [tilespmem:s13+$0x0]  }
0x1ad: {  	v0 =	vadd.f32 v10, v0;
	v10 =	vld [tilespmem:s30+$0x10]  }
0x1ae: {  	v2 =	vadd.f32 v53, v2;
	v4 =	vadd.f32 v7, v4;
	v7 =	vld [tilespmem:s30+$0x0]  }
0x1af: {  	v32 =	vld [tilespmem:$0x1FBD0];
	v6 =	vadd.f32 v44, v6  }
0x1b0: {  	v2 =	vadd.f32 v11, v2;
	v11 =	vld [tilespmem:$0x1FC40]  }
0x1b1: {  	v9 =	vadd.f32 v49, v9;
	v6 =	vadd.f32 v8, v6;
	v8 =	vld [tilespmem:s29+$0x10]  }
0x1b2: {  	v3 =	vadd.f32 v10, v3;
	v10 =	vld [tilespmem:$0x1FD30]  }
0x1b3: {  	v1 =	vadd.f32 v55, v1;
	v7 =	vadd.f32 v7, v9;
	v9 =	vld [tilespmem:$0x1FC00]  }
0x1b4: {  	v35 =	vld [tilespmem:$0x1FC20]  }
0x1b5: {  	v1 =	vadd.f32 v11, v1;
	v11 =	vld [tilespmem:s28+$0x10]  }
0x1b6: {  	v0 =	vadd.f32 v51, v0;
	v3 =	vadd.f32 v8, v3;
	v8 =	vld [tilespmem:$0x1FCE0]  }
0x1b7: {  	v4 =	vadd.f32 v10, v4;
	v10 =	vld [tilespmem:s26+$0x0]  }
0x1b8: {  	v5 =	vadd.f32 v52, v5;
	v0 =	vadd.f32 v9, v0;
	v9 =	vld [tilespmem:s19+$0x10]  }
0x1b9: {  	v40 =	vld [tilespmem:$0x1FBF0]  }
0x1ba: {  	v6 =	vadd.f32 v50, v6;
	v5 =	vadd.f32 v11, v5;
	v11 =	vld [tilespmem:$0x1FC10]  }
0x1bb: {  	v4 =	vadd.f32 v8, v4;
	v8 =	vld [tilespmem:s19+$0x0]  }
0x1bc: {  	v6 =	vadd.f32 v10, v6;
	v10 =	vld [tilespmem:s24+$0x10]  }
0x1bd: {  	v2 =	vadd.f32 v34, v2;
	v3 =	vadd.f32 v9, v3;
	v9 =	vld [tilespmem:$0x1FCB0]  }
0x1be: {  	v37 =	vld [tilespmem:s7+$0x0];
	v7 =	vadd.f32 v56, v7  }
0x1bf: {  	v2 =	vadd.f32 v11, v2;
	v11 =	vld [tilespmem:$0x1FBC0]  }
0x1c0: {  	v7 =	vadd.f32 v8, v7;
	v8 =	vld [tilespmem:$0x1FB80]  }
0x1c1: {  	v3 =	vadd.f32 v10, v3;
	v10 =	vld [tilespmem:$0x1FC60]  }
0x1c2: {  	v1 =	vadd.f32 v35, v1;
	v4 =	vadd.f32 v9, v4;
	v9 =	vld [tilespmem:s16+$0x0]  }
0x1c3: {  	v41 =	vld [tilespmem:$0x1FBA0];
	v0 =	vadd.f32 v32, v0  }
0x1c4: {  	v1 =	vadd.f32 v11, v1;
	v11 =	vld [tilespmem:s7+$0x10]  }
0x1c5: {  	v6 =	vadd.f32 v57, v6;
	v0 =	vadd.f32 v8, v0;
	v8 =	vld [tilespmem:s21+$0x10]  }
0x1c6: {  	v4 =	vadd.f32 v10, v4;
	v10 =	vld [tilespmem:s21+$0x0]  }
0x1c7: {  	[dreg:$0x1b] =	wrdreg s23;
	v5 =	vadd.f32 v33, v5;
	v6 =	vadd.f32 v9, v6;
	v9 =	vld [tilespmem:s17+$0x10]  }
0x1c8: {  	v43 =	vld [tilespmem:s17+$0x0]  }
0x1c9: {  	v5 =	vadd.f32 v11, v5;
	v11 =	vld [tilespmem:$0x1FB90]  }
0x1ca: {  	v7 =	vadd.f32 v36, v7;
	_ =	sdelay $0x1  }
0x1cb: {  	v7 =	vadd.f32 v10, v7;
	v2 =	vadd.f32 v40, v2;
	v10 =	vld [tilespmem:$0x1FAF0];
	_ =	sdelay $0x1  }
0x1cc: {  	v3 =	vadd.f32 v8, v3;
	v2 =	vadd.f32 v11, v2;
	v11 =	vld [tilespmem:$0x1FB30]  }
0x1cd: {  	v0 =	vadd.f32 v38, v0;
	v8 =	vld [tilespmem:$0x1FC30]  }
0x1ce: {  	v3 =	vadd.f32 v9, v3;
	v9 =	vld [tilespmem:$0x1FBE0]  }
0x1cf: {  	v1 =	vadd.f32 v41, v1;
	v0 =	vadd.f32 v10, v0;
	v10 =	vld [tilespmem:s5+$0x10]  }
0x1d0: {  	v44 =	vld [tilespmem:s14+$0x0]  }
0x1d1: {  	v1 =	vadd.f32 v11, v1;
	v11 =	vld [tilespmem:s14+$0x10]  }
0x1d2: {  	v45 =	vld [tilespmem:$0x1FAD0]  }
0x1d3: {  	v47 =	vld [tilespmem:$0x1FB60]  }
0x1d4: {  	v5 =	vadd.f32 v39, v5;
	v3 =	vadd.f32 v10, v3;
	v10 =	vld [tilespmem:$0x1FBB0]  }
0x1d5: {  	v46 =	vld [tilespmem:s4+$0x10];
	v4 =	vadd.f32 v8, v4  }
0x1d6: {  	v5 =	vadd.f32 v11, v5;
	v11 =	vld [tilespmem:$0x1FB00]  }
0x1d7: {  	v8 =	vld [tilespmem:s20+$0x0];
	v4 =	vadd.f32 v9, v4  }
0x1d8: {  	v48 =	vld [tilespmem:$0x1FB10]  }
0x1d9: {  	v2 =	vadd.f32 v47, v2;
	v4 =	vadd.f32 v10, v4;
	v10 =	vld [tilespmem:$0x1FAA0]  }
0x1da: {  	v6 =	vadd.f32 v37, v6;
	v49 =	vld [tilespmem:s4+$0x0]  }
0x1db: {  	v2 =	vadd.f32 v11, v2;
	v11 =	vld [tilespmem:$0x1FAC0]  }
0x1dc: {  	v0 =	vadd.f32 v45, v0;
	v6 =	vadd.f32 v8, v6;
	v8 =	vld [tilespmem:s3+$0x10]  }
0x1dd: {  	v9 =	vld [tilespmem:s5+$0x0]  }
0x1de: {  	v1 =	vadd.f32 v48, v1;
	v0 =	vadd.f32 v10, v0;
	v10 =	vld [tilespmem:s0+$0x0]  }
0x1df: {  	v50 =	vld [tilespmem:s0+$0x10];
	v6 =	vadd.f32 v44, v6  }
0x1e0: {  	v7 =	vadd.f32 v43, v7;
	v1 =	vadd.f32 v11, v1;
	v11 =	vld [tilespmem:s1+$0x0]  }
0x1e1: {  	v6 =	vadd.f32 v49, v6;
	v3 =	vadd.f32 v8, v3;
	v8 =	vld [tilespmem:$0x1FB50]  }
0x1e2: {  	v51 =	vld [tilespmem:$0x1FA90]  }
0x1e3: {  	v7 =	vadd.f32 v9, v7;
	v9 =	vld [tilespmem:s3+$0x0];
	v6 =	vadd.f32 v10, v6  }
0x1e4: {  	v52 =	vld [tilespmem:$0x1FAB0]  }
0x1e5: {  	v6 =	vadd.f32 v11, v6;
	v11 =	vld [tilespmem:$0x1FB70]  }
0x1e6: {  	v4 =	vadd.f32 v8, v4;
	v8 =	vld [tilespmem:s2+$0x0]  }
0x1e7: {  	v53 =	vld [tilespmem:s1+$0x10]  }
0x1e8: {  	v7 =	vadd.f32 v9, v7;
	v9 =	vld [tilespmem:s18+$0x0]  }
0x1e9: {  	v55 =	vld [tilespmem:$0x1FB20]  }
0x1ea: {  	v5 =	vadd.f32 v46, v5;
	v3 =	vadd.f32 v11, v3;
	v11 =	vld [tilespmem:$0x1FA80]  }
0x1eb: {  	v56 =	vld [tilespmem:$0x1FAE0];
	v7 =	vadd.f32 v8, v7  }
0x1ec: {  	v5 =	vadd.f32 v50, v5;
	v10 =	vld [tilespmem:s18+$0x20]  }
0x1ed: {  	v7 =	vadd.f32 v9, v7;
	v9 =	vld [tilespmem:s1+$0x20];
	v1 =	vadd.f32 v52, v1  }
0x1ee: {  	v0 =	vadd.f32 v51, v0;
	v8 =	vld [tilespmem:s18+$0x10]  }
0x1ef: {  	v5 =	vadd.f32 v53, v5;
	v1 =	vadd.f32 v11, v1;
	v11 =	vld [tilespmem:$0x1FA70]  }
0x1f0: {  	s25 =	rddreg [dreg:$0x1a];
	v4 =	vadd.f32 v55, v4;
	v2 =	vadd.f32 v56, v2  }
0x1f1: {  	s0 =	sshll.u32 s25, $0x6;
	v5 =	vadd.f32 v5, v61;
	v7 =	vadd.f32 v7, v60  }
0x1f2: {  	v2 =	vadd.f32 v10, v2;
	v4 =	vadd.f32 v9, v4;
	v9 =	vld [tilespmem:s0+$0x14050]  }
0x1f3: {  	v5 =	vmax.f32 v5, $0.0e+00;
	v6 =	vadd.f32 v6, v60;
	v3 =	vadd.f32 v8, v3;
	v8 =	vld [tilespmem:s0+$0x14240]  }
0x1f4: {  	v7 =	vmax.f32 v7, $0.0e+00;
	v5 =	vmin.f32 v5, $1.000000000e+00;
	v0 =	vadd.f32 v11, v0;
	v11 =	vld [tilespmem:s0+$0x14040]  }
0x1f5: {  	s26 =	rddreg [dreg:$0x9];
	v7 =	vmin.f32 v7, $1.000000000e+00;
	v2 =	vadd.f32 v2, v62;
	v6 =	vmax.f32 v6, $0.0e+00  }
0x1f6: {  	s1 =	sadd.s32 $0x20, s26;
	v7 =	vmul.f32 v7, v7;
	v4 =	vadd.f32 v4, v62;
	v6 =	vmin.f32 v6, $1.000000000e+00  }
0x1f7: {  	v25 =	vld [tilespmem:s1+$0x0];
	v5 =	vmul.f32 v5, v5;
	v6 =	vmul.f32 v6, v6  }
0x1f8: {  	s22 =	sadd.s32 $0x20, s22;
	v2 =	vmax.f32 v2, $0.0e+00;
	v4 =	vmax.f32 v4, $0.0e+00;
	v7 =	vmul.f32 v8, v7;
	v8 =	vld [tilespmem:s0+$0x14060]  }
0x1f9: {  	v5 =	vmul.f32 v9, v5;
	v9 =	vld [tilespmem:s22+$0x0];
	v3 =	vadd.f32 v3, v61;
	v6 =	vmul.f32 v11, v6  }
0x1fa: {  	v10 =	vld [tilespmem:s0+$0x14250];
	v2 =	vmin.f32 v2, $1.000000000e+00;
	v4 =	vmin.f32 v4, $1.000000000e+00  }
0x1fb: {  	v4 =	vmul.f32 v4, v4;
	v3 =	vmax.f32 v3, $0.0e+00;
	v6 =	vadd.f32 $0.0e+00, v6  }
0x1fc: {  	v2 =	vmul.f32 v2, v2;
	v13 =	vshll.u32 v25, $0x8;
	v3 =	vmin.f32 v3, $1.000000000e+00  }
0x1fd: {  	v3 =	vmul.f32 v3, v3;
	v4 =	vmul.f32 v8, v4;
	v8 =	vld [tilespmem:s22+$0xFFFFFFF0];
	v6 =	vadd.f32 v7, v6  }
0x1fe: {  	v35 =	vshra.s32 v13, $0x2;
	v12 =	vshll.u32 v9, $0x8;
	v1 =	vadd.f32 v1, v63;
	v7 =	vld [tilespmem:s0+$0x14260]  }
0x1ff: {  	v30 =	vshra.s32 v12, $0x2;
	v3 =	vmul.f32 v10, v3;
	v5 =	vadd.f32 v5, v6  }
0x200: {  	(v2sf) =	vpush v30, $0xF;
	v1 =	vmax.f32 v1, $0.0e+00;
	v0 =	vadd.f32 v0, v63;
	v6 =	vld [tilespmem:s0+$0x14070]  }
0x201: {  	v28 =	vld [tilespmem:s1+$0xFFFFFFF0];
	(v2sf) =	vpush v35, $0xF;
	v1 =	vmin.f32 v1, $1.000000000e+00;
	v3 =	vadd.f32 v3, v5  }
0x202: {  	v57 =	vld [tilespmem:s0+$0x14270];
	v1 =	vmul.f32 v1, v1;
	v0 =	vmax.f32 v0, $0.0e+00;
	v33 =	vshll.u32 v8, $0x8  }
0x203: {  	v36 =	vshra.s32 v33, $0x2;
	v2 =	vmul.f32 v7, v2;
	v3 =	vadd.f32 v4, v3  }
0x204: {  	vm0 =	veq.s32 v42, v58;
	v0 =	vmin.f32 v0, $1.000000000e+00;
	(v2sf) =	vpush v36, $0xF  }
0x205: {  	v0 =	vmul.f32 v0, v0;
	v1 =	vmul.f32 v6, v1;
	v2 =	vadd.f32 v2, v3  }
0x206: {  	v14 =	vnsel vm0, $0x0, v59;
	v34 =	vshll.u32 v28, $0x8  }
0x207: {  	v0 =	vmul.f32 v57, v0;
	(v2sf) =	vpush v30, $0xE;
	v1 =	vadd.f32 v1, v2  }
0x208: {  	(xrf2) =	vadd.scan.msk.f32 $0xffff, v14;
	v42 =	vshra.s32 v34, $0x2  }
0x209: {  	(v2sf) =	vpush v42, $0xF;
	v0 =	vadd.f32 v0, v1;
	_ =	sdelay $0x1  }
0x20a: {  	(v2sf) =	vpush v35, $0xE;
	(xrf2) =	vadd.scan.msk.f32 $0xffff, v0;
	_ =	sdelay $0x1  }
0x20b: {  	(v2sf) =	vpush v36, $0xE;
	_ =	sdelay $0x1  }
0x20c: {  	(v2sf) =	vpush v30, $0xD;
	_ =	sdelay $0x1  }
0x20d: {  	s2 =	spop (v2sf);
	(v2sf) =	vpush v42, $0xE  }
0x20e: {  	v37, _, _ =	vpop (xrf2);
	v39 =	vld [tilespmem:s2+$0x30];
	s3 =	spop (v2sf);
	(v2sf) =	vpush v35, $0xD  }
0x20f: {  	v40 =	vld [tilespmem:s3+$0x30];
	(v2sf) =	vpush v37, $0xF;
	s4 =	spop (v2sf)  }
0x210: {  	(v2sf) =	vpush v36, $0xD;
	v41 =	vld [tilespmem:s4+$0x30]  }
0x211: {  	v56 =	vmov s15;
	v47 =	vld [tilespmem:s4+$0x20];
	v38, _, _ =	vpop (xrf2)  }
0x212: {  	vm13 =	veq.s32 v56, v58;
	s8 =	spop (v2sf);
	v58 =	vld [tilespmem:s4+$0x10];
	(v2sf) =	vpush v38, $0xF  }
0x213: {  	v43 =	vld [tilespmem:s8+$0x30];
	(v2sf) =	vpush v30, $0xC  }
0x214: {  	s9 =	spop (v2sf);
	v49 =	vld [tilespmem:s8+$0x20]  }
0x215: {  	v44 =	vld [tilespmem:s9+$0x30];
	(v2sf) =	vpush v42, $0xD  }
0x216: {  	s10 =	spop (v2sf);
	v51 =	vld [tilespmem:s9+$0x20]  }
0x217: {  	v45 =	vld [tilespmem:s10+$0x30];
	(v2sf) =	vpush v35, $0xC  }
0x218: {  	s11 =	spop (v2sf);
	v55 =	vld [tilespmem:s10+$0x20]  }
0x219: {  	v46 =	vld [tilespmem:s11+$0x30];
	(v2sf) =	vpush v36, $0xC  }
0x21a: {  	s12 =	spop (v2sf);
	v57 =	vld [tilespmem:s11+$0x20]  }
0x21b: {  	v48 =	vld [tilespmem:s12+$0x30];
	(v2sf) =	vpush v30, $0xB  }
0x21c: {  	s13 =	spop (v2sf);
	v5 =	vld [tilespmem:s12+$0x20]  }
0x21d: {  	v50 =	vld [tilespmem:s13+$0x30];
	s16 =	spop (v2sf);
	(v2sf) =	vpush v42, $0xC  }
0x21e: {  	v13 =	vld [tilespmem:s13+$0x20];
	s17 =	spop (v2sf)  }
0x21f: {  	v52 =	vld [tilespmem:s16+$0x30];
	s18 =	spop (v2sf);
	(v2sf) =	vpush v35, $0xB  }
0x220: {  	v33 =	vld [tilespmem:s16+$0x20]  }
0x221: {  	v53 =	vld [tilespmem:s18+$0x30];
	s19 =	spop (v2sf);
	(v2sf) =	vpush v36, $0xB  }
0x222: {  	v34 =	vld [tilespmem:s18+$0x20];
	s21 =	spop (v2sf)  }
0x223: {  	(v2sf) =	vpush v30, $0xA;
	v4 =	vld [tilespmem:s21+$0x30]  }
0x224: {  	[dreg:$0x8] =	wrdreg s22;
	s22 =	spop (v2sf);
	v38 =	vld [tilespmem:s21+$0x20]  }
0x225: {  	s14 =	rddreg [dreg:$0x5];
	(v2sf) =	vpush v42, $0xB;
	v12 =	vld [tilespmem:s22+$0x30]  }
0x226: {  	[tilespmem:$0x1FA80] =	vst v40;
	s0 =	smul.f32 s17, s14;
	s24 =	spop (v2sf);
	v40 =	vld [tilespmem:s22+$0x20]  }
0x227: {  	(v2sf) =	vpush v35, $0xA;
	v14 =	vld [tilespmem:s24+$0x30]  }
0x228: {  	[tilespmem:$0x1FAB0] =	vst v44;
	s0 =	sadd.f32 s19, s0;
	s19 =	spop (v2sf);
	v44 =	vld [tilespmem:s24+$0x20]  }
0x229: {  	(v2sf) =	vpush v36, $0xA;
	v32 =	vld [tilespmem:s19+$0x30]  }
0x22a: {  	p1 =	sne.s32 s23, $0xF;
	s20 =	smov.u32 s23;
	[tilespmem:$0x1FAC0] =	vst v45;
	s23 =	spop (v2sf);
	v45 =	vld [tilespmem:s19+$0x20]  }
0x22b: {  	(v2sf) =	vpush v30, $0x9;
	v37 =	vld [tilespmem:s23+$0x30]  }
0x22c: {  	[tilespmem:$0x1FAE0] =	vst v47;
	s25 =	spop (v2sf);
	v47 =	vld [tilespmem:s23+$0x20]  }
0x22d: {  	[tilespmem:$0x1FA70] =	vst v39;
	(v2sf) =	vpush v42, $0xA;
	v39 =	vld [tilespmem:s25+$0x30]  }
0x22e: {  	[tilespmem:$0x1FB00] =	vst v49;
	s26 =	spop (v2sf);
	v49 =	vld [tilespmem:s25+$0x20]  }
0x22f: {  	[tilespmem:$0x1FA90] =	vst v41;
	(v2sf) =	vpush v35, $0x9;
	v41 =	vld [tilespmem:s26+$0x30]  }
0x230: {  	[tilespmem:$0x1FB30] =	vst v52;
	v52 =	vld [tilespmem:s26+$0x20];
	s7 =	spop (v2sf)  }
0x231: {  	[tilespmem:$0x1FAA0] =	vst v43;
	(v2sf) =	vpush v36, $0x9;
	v43 =	vld [tilespmem:s7+$0x30]  }
0x232: {  	[smem:$0x7E5] =	sst s3;
	[tilespmem:$0x1FB40] =	vst v53;
	s3 =	spop (v2sf);
	v53 =	vld [tilespmem:s7+$0x20]  }
0x233: {  	[tilespmem:$0x1FAD0] =	vst v46;
	(v2sf) =	vpush v30, $0x8;
	v46 =	vld [tilespmem:s3+$0x30]  }
0x234: {  	[smem:$0x7E9] =	sst s22;
	s22 =	spop (v2sf);
	v56 =	vld [tilespmem:s3+$0x20]  }
0x235: {  	[tilespmem:$0x1FAF0] =	vst v48;
	(v2sf) =	vpush v42, $0x9;
	v48 =	vld [tilespmem:s22+$0x30]  }
0x236: {  	[dreg:$0x1c] =	wrdreg s4;
	[tilespmem:$0x1FB70] =	vst v58;
	s4 =	spop (v2sf);
	v58 =	vld [tilespmem:s22+$0x20]  }
0x237: {  	[tilespmem:$0x1FB10] =	vst v50;
	(v2sf) =	vpush v35, $0x8;
	v50 =	vld [tilespmem:s4+$0x30]  }
0x238: {  	[tilespmem:$0x1FBA0] =	vst v12;
	s5 =	spop (v2sf);
	v12 =	vld [tilespmem:s4+$0x20]  }
0x239: {  	[tilespmem:$0x1FB20] =	vst v51;
	(v2sf) =	vpush v36, $0x8;
	v51 =	vld [tilespmem:s5+$0x30]  }
0x23a: {  	[tilespmem:$0x1FBB0] =	vst v13;
	s6 =	spop (v2sf);
	v13 =	vld [tilespmem:s5+$0x20]  }
0x23b: {  	[tilespmem:$0x1FB50] =	vst v55;
	(v2sf) =	vpush v30, $0x7;
	v55 =	vld [tilespmem:s6+$0x30]  }
0x23c: {  	[smem:$0x7EE] =	sst s8;
	[tilespmem:$0x1FBD0] =	vst v32;
	s8 =	spop (v2sf);
	v32 =	vld [tilespmem:s6+$0x20]  }
0x23d: {  	[tilespmem:$0x1FB60] =	vst v57;
	(v2sf) =	vpush v42, $0x8;
	v57 =	vld [tilespmem:s8+$0x30]  }
0x23e: {  	[smem:$0x7E4] =	sst s9;
	[tilespmem:$0x1FBF0] =	vst v34;
	s9 =	spop (v2sf);
	v34 =	vld [tilespmem:s8+$0x20]  }
0x23f: {  	[tilespmem:$0x1FB80] =	vst v4;
	(v2sf) =	vpush v35, $0x7;
	v4 =	vld [tilespmem:s9+$0x30]  }
0x240: {  	[smem:$0x7ED] =	sst s10;
	[tilespmem:$0x1FC20] =	vst v39;
	v39 =	vld [tilespmem:s9+$0x20];
	s10 =	spop (v2sf)  }
0x241: {  	[tilespmem:$0x1FB90] =	vst v5;
	(v2sf) =	vpush v36, $0x7;
	v5 =	vld [tilespmem:s10+$0x30]  }
0x242: {  	[dreg:$0x1f] =	wrdreg s11;
	[tilespmem:$0x1FC30] =	vst v40;
	s11 =	spop (v2sf);
	v40 =	vld [tilespmem:s10+$0x20]  }
0x243: {  	[tilespmem:$0x1FBC0] =	vst v14;
	(v2sf) =	vpush v30, $0x6;
	v14 =	vld [tilespmem:s11+$0x30]  }
0x244: {  	[smem:$0x7E1] =	sst s12;
	[tilespmem:$0x1FC50] =	vst v43;
	s12 =	spop (v2sf);
	v43 =	vld [tilespmem:s11+$0x20]  }
0x245: {  	[tilespmem:$0x1FBE0] =	vst v33;
	(v2sf) =	vpush v42, $0x7;
	v33 =	vld [tilespmem:s12+$0x30]  }
0x246: {  	[dreg:$0x1d] =	wrdreg s13;
	[tilespmem:$0x1FC70] =	vst v45;
	s13 =	spop (v2sf);
	v45 =	vld [tilespmem:s12+$0x20]  }
0x247: {  	[tilespmem:$0x1FC00] =	vst v37;
	(v2sf) =	vpush v35, $0x6;
	v37 =	vld [tilespmem:s13+$0x30]  }
0x248: {  	[tilespmem:$0x1FCA0] =	vst v48;
	s14 =	spop (v2sf);
	v48 =	vld [tilespmem:s13+$0x20]  }
0x249: {  	[tilespmem:$0x1FC10] =	vst v38;
	(v2sf) =	vpush v36, $0x6;
	v38 =	vld [tilespmem:s14+$0x30]  }
0x24a: {  	[tilespmem:$0x1FCB0] =	vst v49;
	s15 =	spop (v2sf);
	v49 =	vld [tilespmem:s14+$0x20]  }
0x24b: {  	[tilespmem:$0x1FC40] =	vst v41;
	(v2sf) =	vpush v30, $0x5;
	v41 =	vld [tilespmem:s15+$0x30]  }
0x24c: {  	[smem:$0x7EB] =	sst s16;
	[tilespmem:$0x1FCD0] =	vst v51;
	s16 =	spop (v2sf);
	v51 =	vld [tilespmem:s15+$0x20]  }
0x24d: {  	[tilespmem:$0x1FC60] =	vst v44;
	(v2sf) =	vpush v42, $0x6;
	v44 =	vld [tilespmem:s16+$0x30]  }
0x24e: {  	[tilespmem:$0x1FCF0] =	vst v53;
	s17 =	spop (v2sf);
	v53 =	vld [tilespmem:s16+$0x20]  }
0x24f: {  	[tilespmem:$0x1FC80] =	vst v46;
	(v2sf) =	vpush v35, $0x5;
	v46 =	vld [tilespmem:s17+$0x30]  }
0x250: {  	[smem:$0x7E8] =	sst s18;
	[tilespmem:$0x1FD10] =	vst v56;
	v56 =	vld [tilespmem:s17+$0x20];
	s18 =	spop (v2sf);
	(v2sf) =	vpush v36, $0x5  }
0x251: {  	[tilespmem:$0x1FC90] =	vst v47;
	v47 =	vld [tilespmem:s18+$0x30]  }
0x252: {  	[dreg:$0x1e] =	wrdreg s20;
	[tilespmem:$0x1FD20] =	vst v57;
	s20 =	spop (v2sf);
	(v2sf) =	vpush v30, $0x4;
	v57 =	vld [tilespmem:s18+$0x20]  }
0x253: {  	[tilespmem:$0x1FCC0] =	vst v50;
	v50 =	vld [tilespmem:s20+$0x30]  }
0x254: {  	[smem:$0x7EC] =	sst s21;
	[tilespmem:$0x1FD30] =	vst v58;
	s21 =	spop (v2sf);
	(v2sf) =	vpush v42, $0x5;
	v58 =	vld [tilespmem:s20+$0x20]  }
0x255: {  	[tilespmem:$0x1FCE0] =	vst v52;
	v52 =	vld [tilespmem:s21+$0x30]  }
0x256: {  	[smem:$0x7E2] =	sst s24;
	s24 =	spop (v2sf);
	(v2sf) =	vpush v35, $0x4;
	v8 =	vld [tilespmem:s21+$0x20]  }
0x257: {  	[tilespmem:$0x1FD00] =	vst v55;
	v55 =	vld [tilespmem:s24+$0x30]  }
0x258: {  	[smem:$0x7EA] =	sst s25;
	s25 =	spop (v2sf);
	v27 =	vld [tilespmem:s24+$0x20]  }
0x259: {  	(v2sf) =	vpush v36, $0x4;
	v26 =	vld [tilespmem:s25+$0x20]  }
0x25a: {  	[dreg:$0xb] =	wrdreg s8;
	s8 =	spop (v2sf);
	[tilespmem:$0x1FE50] =	vst v47;
	v47 =	vld [tilespmem:s25+$0x30]  }
0x25b: {  	[tilespmem:$0x1FE40] =	vst v46;
	(v2sf) =	vpush v30, $0x3;
	v46 =	vld [tilespmem:s8+$0x30]  }
0x25c: {  	[dreg:$0xc] =	wrdreg s6;
	s6 =	spop (v2sf);
	v31 =	vld [tilespmem:s8+$0x20]  }
0x25d: {  	[tilespmem:$0x1FD40] =	vst v4;
	(v2sf) =	vpush v42, $0x4;
	v4 =	vld [tilespmem:s6+$0x30]  }
0x25e: {  	[dreg:$0xd] =	wrdreg s9;
	s9 =	spop (v2sf);
	(v2sf) =	vpush v35, $0x3;
	v29 =	vld [tilespmem:s6+$0x20]  }
0x25f: {  	[dreg:$0xe] =	wrdreg s10;
	[tilespmem:$0x1FE20] =	vst v44;
	v44 =	vld [tilespmem:s9+$0x30];
	s10 =	spop (v2sf);
	(v2sf) =	vpush v36, $0x3  }
0x260: {  	[tilespmem:$0x1FDA0] =	vst v33;
	v33 =	vld [tilespmem:s9+$0x20]  }
0x261: {  	[tilespmem:$0x1FD90] =	vst v32;
	[dreg:$0xf] =	wrdreg s12;
	v32 =	vld [tilespmem:s10+$0x30];
	s12 =	spop (v2sf);
	(v2sf) =	vpush v30, $0x2  }
0x262: {  	[tilespmem:$0x1FDD0] =	vst v38;
	v38 =	vld [tilespmem:s10+$0x20]  }
0x263: {  	[dreg:$0x10] =	wrdreg s11;
	[tilespmem:$0x1FDC0] =	vst v37;
	v37 =	vld [tilespmem:s12+$0x30];
	s11 =	spop (v2sf);
	(v2sf) =	vpush v42, $0x3  }
0x264: {  	[tilespmem:$0x1FE00] =	vst v41;
	v41 =	vld [tilespmem:s12+$0x20]  }
0x265: {  	[tilespmem:$0x1FDB0] =	vst v34;
	[dreg:$0x11] =	wrdreg s13;
	v34 =	vld [tilespmem:s11+$0x30];
	s13 =	spop (v2sf);
	(v2sf) =	vpush v35, $0x2  }
0x266: {  	[tilespmem:$0x1FDE0] =	vst v39;
	v39 =	vld [tilespmem:s11+$0x20]  }
0x267: {  	[tilespmem:$0x1FDF0] =	vst v40;
	v40 =	vld [tilespmem:s13+$0x30]  }
0x268: {  	[dreg:$0x12] =	wrdreg s14;
	[tilespmem:$0x1FE10] =	vst v43;
	s14 =	spop (v2sf);
	(v2sf) =	vpush v36, $0x2;
	v43 =	vld [tilespmem:s13+$0x20]  }
0x269: {  	[tilespmem:$0x1FD50] =	vst v5;
	v5 =	vld [tilespmem:s14+$0x30]  }
0x26a: {  	[tilespmem:$0x1FD80] =	vst v14;
	s28 =	spop (v2sf);
	v14 =	vld [tilespmem:s14+$0x20]  }
0x26b: {  	[tilespmem:$0x1FD60] =	vst v12;
	(v2sf) =	vpush v30, $0x1;
	v12 =	vld [tilespmem:s28+$0x30]  }
0x26c: {  	[smem:$0x7E0] =	sst s2;
	[tilespmem:$0x1FA10] =	vst v49;
	s2 =	spop (v2sf);
	v49 =	vld [tilespmem:s28+$0x20]  }
0x26d: {  	[tilespmem:$0x1FD70] =	vst v13;
	[dreg:$0x18] =	wrdreg s20;
	(v2sf) =	vpush v42, $0x2;
	v13 =	vld [tilespmem:s2+$0x30];
	s20 =	spop (v2sf)  }
0x26e: {  	[dreg:$0xa] =	wrdreg s5;
	[tilespmem:$0x1FE60] =	vst v48;
	(v2sf) =	vpush v35, $0x1;
	v48 =	vld [tilespmem:s20+$0x30];
	s5 =	spop (v2sf)  }
0x26f: {  	[tilespmem:$0x1FE30] =	vst v45;
	(v2sf) =	vpush v36, $0x1;
	v45 =	vld [tilespmem:s5+$0x30]  }
0x270: {  	s29 =	spop (v2sf);
	(v2sf) =	vpush v30, $0x0;
	v30 =	vld [tilespmem:s2+$0x20]  }
0x271: {  	[tilespmem:$0x1FE80] =	vst v51;
	v51 =	vld [tilespmem:s29+$0x30]  }
0x272: {  	[dreg:$0x14] =	wrdreg s15;
	s15 =	spop (v2sf);
	v23 =	vld [tilespmem:s29+$0x20]  }
0x273: {  	[tilespmem:$0x1FE70] =	vst v50;
	(v2sf) =	vpush v42, $0x1;
	v50 =	vld [tilespmem:s15+$0x30]  }
0x274: {  	[dreg:$0x7] =	wrdreg s4;
	s4 =	spop (v2sf);
	(v2sf) =	vpush v35, $0x0;
	v35 =	vld [tilespmem:s20+$0x20]  }
0x275: {  	[tilespmem:$0x1FE90] =	vst v52;
	v52 =	vld [tilespmem:s15+$0x20]  }
0x276: {  	[tilespmem:$0x1FEA0] =	vst v53;
	v53 =	vld [tilespmem:s4+$0x30]  }
0x277: {  	[dreg:$0x6] =	wrdreg s3;
	s3 =	spop (v2sf);
	(v2sf) =	vpush v36, $0x0;
	v36 =	vld [tilespmem:s5+$0x20]  }
0x278: {  	[tilespmem:$0x1F9F0] =	vst v56;
	v56 =	vld [tilespmem:s4+$0x20]  }
0x279: {  	[tilespmem:$0x1F9D0] =	vst v55;
	v55 =	vld [tilespmem:s3+$0x30]  }
0x27a: {  	[dreg:$0x17] =	wrdreg s21;
	s21 =	spop (v2sf);
	v20 =	vld [tilespmem:s3+$0x20]  }
0x27b: {  	[tilespmem:$0x1FA00] =	vst v58;
	v58 =	vld [tilespmem:s21+$0x30]  }
0x27c: {  	[dreg:$0x19] =	wrdreg s24;
	s24 =	spop (v2sf);
	v21 =	vld [tilespmem:s21+$0x20]  }
0x27d: {  	[tilespmem:$0x1F9E0] =	vst v57;
	v57 =	vld [tilespmem:s24+$0x30]  }
0x27e: {  	v54 =	vsel vm13, s0, v54;
	s0 =	spop (v2sf);
	v0 =	vld [tilespmem:s24+$0x20]  }
0x27f: {  	v18 =	vld [tilespmem:s0+$0x30]  }
0x280: {  	[dreg:$0x9] =	wrdreg s1;
	v2 =	vld [tilespmem:s0+$0x20];
	s1 =	spop (v2sf)  }
0x281: {  	(v2sf) =	vpush v42, $0x0;
	v19 =	vld [tilespmem:s1+$0x30]  }
0x282: {  	s30 =	spop (v2sf);
	v3 =	vld [tilespmem:s1+$0x20]  }
0x283: {  	v24 =	vld [tilespmem:s30+$0x30]  }
0x284: {  	[tilespmem:$0x1FA20] =	vst v4;
	v4 =	vld [tilespmem:s30+$0x20]  }
0x285: {  	[tilespmem:$0x1FA50] =	vst v14;
	v14 =	vld [tilespmem:s30+$0x10]  }
0x286: {  	s31 =	spop (v2sf);
	v16 =	vld [tilespmem:s30+$0x0]  }
0x287: {  	v22 =	vld [tilespmem:s31+$0x30]  }
0x288: {  	vm1 =	vne.s32 v25, $0x300;
	[dreg:$0x13] =	wrdreg s16;
	s16 =	spop (v2sf);
	v25 =	vld [tilespmem:s31+$0x20]  }
0x289: {  	v7 =	vld [tilespmem:s16+$0x30]  }
0x28a: {  	v9 =	vld [tilespmem:s16+$0x20]  }
0x28b: {  	v15 =	vld [tilespmem:s16+$0x10]  }
0x28c: {  	[dreg:$0x15] =	wrdreg s17;
	s17 =	spop (v2sf);
	v17 =	vld [tilespmem:s16+$0x0]  }
0x28d: {  	vm14 =	vne.s32 v28, $0x300;
	v1 =	vld [tilespmem:s17+$0x30]  }
0x28e: {  	v28 =	vmpcnt.ones.xlane vm14;
	v6 =	vmpcnt.ones.xlane vm1;
	v10 =	vld [tilespmem:s17+$0x20]  }
0x28f: {  	v11 =	vld [tilespmem:s17+$0x10]  }
0x290: {  	v6 =	vadd.s32 v6, v28;
	[dreg:$0x16] =	wrdreg s18;
	[tilespmem:$0x1FA60] =	vst v13;
	s18 =	spop (v2sf);
	v13 =	vld [tilespmem:s17+$0x0]  }
0x291: {  	v6 =	vadd.s32 $0xFFFFFFFE, v6;
	[tilespmem:$0x1FA40] =	vst v5;
	v5 =	vld [tilespmem:s18+$0x30]  }
0x292: {  	v6 =	vshra.s32 v6, $0x2;
	v28 =	vld [tilespmem:s18+$0x20]  }
0x293: {  	vm15 =	vgt.s32 v6, $0x0;
	[tilespmem:$0x1FA30] =	vst v12;
	v12 =	vld [tilespmem:s18+$0x10];
	v1 =	vadd.f32 $0.0e+00, v1  }
0x294: {  	v42 =	vnsel vm15, $0x0, v6;
	v6 =	vld [tilespmem:s18+$0x0];
	v10 =	vadd.f32 $0.0e+00, v10;
	v11 =	vadd.f32 $0.0e+00, v11  }
0x295: {  	v13 =	vadd.f32 $0.0e+00, v13;
	v1 =	vadd.f32 v24, v1;
	v24 =	vld [tilespmem:s1+$0x10]  }
0x296: {  	v4 =	vadd.f32 v4, v10;
	v10 =	vadd.f32 v14, v11;
	v11 =	vld [tilespmem:s1+$0x0]  }
0x297: {  	v5 =	vadd.f32 $0.0e+00, v5;
	v14 =	vld [tilespmem:s31+$0x0]  }
0x298: {  	v12 =	vadd.f32 $0.0e+00, v12;
	v13 =	vadd.f32 v16, v13;
	v16 =	vld [tilespmem:s0+$0x10]  }
0x299: {  	v6 =	vadd.f32 $0.0e+00, v6;
	v5 =	vadd.f32 v7, v5;
	v7 =	vld [tilespmem:s31+$0x10]  }
0x29a: {  	v28 =	vadd.f32 $0.0e+00, v28;
	v12 =	vadd.f32 v15, v12;
	v15 =	vld [tilespmem:s21+$0x10]  }
0x29b: {  	v6 =	vadd.f32 v17, v6;
	v17 =	vld [tilespmem:s0+$0x0]  }
0x29c: {  	v9 =	vadd.f32 v9, v28;
	v28 =	vld [tilespmem:s14+$0x10]  }
0x29d: {  	v1 =	vadd.f32 v19, v1;
	v19 =	vmov v8;
	v8 =	vld [tilespmem:s20+$0x10]  }
0x29e: {  	v3 =	vadd.f32 v3, v4;
	v4 =	vadd.f32 v22, v5;
	v5 =	vld [tilespmem:s21+$0x0]  }
0x29f: {  	v22 =	vmov v27;
	v27 =	vmov v44;
	v44 =	vld [tilespmem:s24+$0x10]  }
0x2a0: {  	v9 =	vadd.f32 v25, v9;
	v25 =	vld [tilespmem:s2+$0x10]  }
0x2a1: {  	v3 =	vadd.f32 v21, v3;
	v21 =	vmov v47;
	v47 =	vld [tilespmem:s4+$0x0]  }
0x2a2: {  	v4 =	vadd.f32 v18, v4;
	v18 =	vld [tilespmem:$0x1F9D0]  }
0x2a3: {  	v2 =	vadd.f32 v2, v9;
	v9 =	vld [tilespmem:s3+$0x0]  }
0x2a4: {  	v1 =	vadd.f32 v58, v1;
	v10 =	vadd.f32 v24, v10;
	v24 =	vmov v46;
	v46 =	vld [tilespmem:s29+$0x10]  }
0x2a5: {  	(v2sf) =	vpush v42, $0x0;
	v7 =	vadd.f32 v7, v12;
	v12 =	vld [tilespmem:s3+$0x10]  }
0x2a6: {  	v6 =	vadd.f32 v14, v6;
	v1 =	vadd.f32 v55, v1;
	v55 =	vld [tilespmem:$0x1F9F0]  }
0x2a7: {  	v3 =	vadd.f32 v20, v3;
	v20 =	vld [tilespmem:$0x1FA00]  }
0x2a8: {  	v6 =	vadd.f32 v17, v6;
	v17 =	vld [tilespmem:$0x1F9E0]  }
0x2a9: {  	v11 =	vadd.f32 v11, v13;
	v10 =	vadd.f32 v15, v10;
	v15 =	vld [tilespmem:s4+$0x10]  }
0x2aa: {  	s16 =	sld [smem:$0x7E2];
	v4 =	vadd.f32 v57, v4;
	v57 =	vld [tilespmem:$0x1FA10]  }
0x2ab: {  	s17 =	sld [smem:$0x7E1];
	v5 =	vadd.f32 v5, v11;
	v11 =	vld [tilespmem:s24+$0x0]  }
0x2ac: {  	s18 =	sld [smem:$0x7E0];
	v0 =	vadd.f32 v0, v2;
	v7 =	vadd.f32 v16, v7;
	v16 =	vld [tilespmem:s29+$0x0]  }
0x2ad: {  	s1 =	sld [smem:$0x7E5];
	v4 =	vadd.f32 v53, v4;
	v53 =	vld [tilespmem:s5+$0x0]  }
0x2ae: {  	s31 =	smov.u32 s22;
	s22 =	rddreg [dreg:$0x8];
	v1 =	vadd.f32 v51, v1;
	v0 =	vadd.f32 v56, v0;
	v56 =	vld [tilespmem:s15+$0x0]  }
0x2af: {  	s0 =	sld [smem:$0x7E4];
	v3 =	vadd.f32 v23, v3;
	v5 =	vadd.f32 v9, v5;
	v9 =	vld [tilespmem:s5+$0x10]  }
0x2b0: {  	s21 =	sld [smem:$0x7E8];
	v10 =	vadd.f32 v12, v10;
	v6 =	vadd.f32 v11, v6;
	v11 =	vld [tilespmem:s15+$0x10]  }
0x2b1: {  	s3 =	sld [smem:$0x7EE];
	v7 =	vadd.f32 v44, v7;
	v1 =	vadd.f32 v45, v1;
	v44 =	vld [tilespmem:s28+$0x0]  }
0x2b2: {  	s4 =	sld [smem:$0x7ED];
	v3 =	vadd.f32 v36, v3;
	v45 =	vld [tilespmem:$0x1FA40];
	v10 =	vadd.f32 v46, v10  }
0x2b3: {  	s30 =	smov.u32 s7;
	s24 =	sld [smem:$0x7EC];
	v7 =	vadd.f32 v15, v7;
	v2 =	vadd.f32 v47, v6;
	v6 =	vld [tilespmem:s28+$0x10]  }
0x2b4: {  	s7 =	spop (v2sf);
	s29 =	smov.u32 s23;
	s23 =	rddreg [dreg:$0x1b];
	v4 =	vadd.f32 v50, v4;
	v9 =	vadd.f32 v9, v10;
	v10 =	vld [tilespmem:s20+$0x0]  }
0x2b5: {  	[dreg:$0x1a] =	wrdreg s7;
	v5 =	vadd.f32 v16, v5;
	v7 =	vadd.f32 v11, v7;
	v11 =	vld [tilespmem:$0x1FA30]  }
0x2b6: {  	s7 =	sld [smem:$0x7E9];
	v0 =	vadd.f32 v52, v0;
	v3 =	vadd.f32 v49, v3;
	v47 =	vld [tilespmem:$0x1FA50]  }
0x2b7: {  	s5 =	rddreg [dreg:$0x1f];
	v5 =	vadd.f32 v53, v5;
	v2 =	vadd.f32 v56, v2;
	v56 =	vld [tilespmem:$0x1FA60]  }
.Ltmp0:
0x2b8: {  	v36 =	vld [tilespmem:s2+$0x0];
	s2 =	rddreg [dreg:$0x1c];
	v4 =	vadd.f32 v48, v4;
	v51 =	vadd.f32 v35, v0;
	(pc) =	sbr.rel @p1 .LBB2_4-.Ltmp0, $4  }
0x2b9: {  	v23 =	vld [tilespmem:$0x1FA20];
	s15 =	rddreg [dreg:$0x1e];
	v48 =	vadd.f32 v44, v5;
	v50 =	vadd.f32 v6, v9  }
0x2ba: {  	v35 =	vld [tilespmem:s14+$0x0];
	s14 =	rddreg [dreg:$0x1d];
	v49 =	vadd.f32 v8, v7;
	v1 =	vadd.f32 v11, v1  }
0x2bb: {  	v46 =	vld [tilespmem:s12+$0x10];
	s28 =	sld [smem:$0x7EA];
	v52 =	vadd.f32 v10, v2;
	v44 =	vadd.f32 v47, v3  }
0x2bc: {  	v58 =	vlaneseq.u32;
	s23 =	sadd.s32 $0x1, s23;
	s20 =	sld [smem:$0x7EB];
	v8 =	vld [tilespmem:s13+$0x10];
	v53 =	vadd.f32 v45, v1;
	v45 =	vadd.f32 v56, v4  }
0x2bd: {  	v0 =	vld [tilespmem:s12+$0x0]  }
0x2be: {  	v1 =	vld [tilespmem:s13+$0x0]  }
0x2bf: {  	v4 =	vld [tilespmem:s10+$0x10]  }
0x2c0: {  	v5 =	vld [tilespmem:s10+$0x0]  }
0x2c1: {  	v11 =	vld [tilespmem:s11+$0x10]  }
0x2c2: {  	v12 =	vld [tilespmem:s11+$0x0]  }
0x2c3: {  	v15 =	vld [tilespmem:s8+$0x10]  }
0x2c4: {  	v16 =	vld [tilespmem:s8+$0x0]  }
0x2c5: {  	v7 =	vadd.f32 v25, v49;
	v25 =	vld [tilespmem:s9+$0x10]  }
0x2c6: {  	v2 =	vadd.f32 v28, v50;
	v28 =	vld [tilespmem:s9+$0x0];
	s22 =	rddreg [dreg:$0x18]  }
0x2c7: {  	v13 =	vadd.f32 v41, v44;
	s23 =	rddreg [dreg:$0x19];
	v41 =	vld [tilespmem:s22+$0x10]  }
0x2c8: {  	v44 =	vld [tilespmem:s23+$0x10]  }
0x2c9: {  	s8 =	rddreg [dreg:$0x17];
	v14 =	vadd.f32 v40, v45;
	v45 =	vld [tilespmem:s23+$0x0]  }
0x2ca: {  	v49 =	vld [tilespmem:s8+$0x10]  }
0x2cb: {  	s9 =	rddreg [dreg:$0x14];
	v50 =	vld [tilespmem:s8+$0x0]  }
0x2cc: {  	v3 =	vadd.f32 v30, v51;
	v51 =	vld [tilespmem:s9+$0x10]  }
0x2cd: {  	v9 =	vadd.f32 v36, v52;
	v52 =	vld [tilespmem:s9+$0x0]  }
0x2ce: {  	v6 =	vadd.f32 v35, v48;
	v35 =	vld [tilespmem:s25+$0x0]  }
0x2cf: {  	v30 =	vadd.f32 v38, v13;
	v38 =	vld [tilespmem:s6+$0x10]  }
0x2d0: {  	v10 =	vadd.f32 v37, v53;
	v3 =	vadd.f32 v43, v3;
	v43 =	vld [tilespmem:s22+$0x0]  }
0x2d1: {  	v48 =	vld [tilespmem:$0x1FE70]  }
0x2d2: {  	v56 =	vadd.f32 v32, v10;
	v32 =	vadd.f32 v34, v14;
	v34 =	vld [tilespmem:s25+$0x10]  }
0x2d3: {  	s25 =	rddreg [dreg:$0x16];
	v3 =	vadd.f32 v39, v3;
	v39 =	vld [tilespmem:s6+$0x0]  }
0x2d4: {  	v2 =	vadd.f32 v46, v2;
	v46 =	vld [tilespmem:s25+$0x10]  }
0x2d5: {  	s13 =	rddreg [dreg:$0x10];
	v47 =	vld [tilespmem:s25+$0x0]  }
0x2d6: {  	v10 =	vadd.f32 v31, v30;
	v30 =	vld [tilespmem:s13+$0x0]  }
0x2d7: {  	s10 =	rddreg [dreg:$0x15];
	v31 =	vld [tilespmem:$0x1FDD0]  }
0x2d8: {  	v37 =	vadd.f32 v24, v56;
	v56 =	vld [tilespmem:s10+$0x10]  }
0x2d9: {  	v24 =	vld [tilespmem:$0x1FE00]  }
0x2da: {  	s22 =	rddreg [dreg:$0x11];
	v53 =	vadd.f32 v8, v7;
	v40 =	vadd.f32 v27, v32;
	v27 =	vld [tilespmem:$0x1FE80]  }
0x2db: {  	v32 =	vld [tilespmem:s22+$0x10]  }
0x2dc: {  	s12 =	rddreg [dreg:$0x13];
	v36 =	vadd.f32 v11, v53;
	v53 =	vld [tilespmem:$0x1FE50]  }
0x2dd: {  	v10 =	vadd.f32 v26, v10;
	v26 =	vld [tilespmem:s12+$0x0]  }
0x2de: {  	v3 =	vadd.f32 v33, v3;
	v33 =	vld [tilespmem:s22+$0x0]  }
0x2df: {  	v1 =	vadd.f32 v1, v9;
	v11 =	vld [tilespmem:$0x1FBB0]  }
0x2e0: {  	s11 =	rddreg [dreg:$0x12];
	v0 =	vadd.f32 v0, v6;
	v6 =	vadd.f32 v21, v37;
	v21 =	vld [tilespmem:$0x1FE90]  }
0x2e1: {  	s23 =	rddreg [dreg:$0xe];
	v1 =	vadd.f32 v12, v1;
	v12 =	vadd.f32 v23, v40;
	v23 =	vld [tilespmem:s11+$0x0]  }
0x2e2: {  	s25 =	rddreg [dreg:$0xf];
	v37 =	vld [tilespmem:s23+$0x0]  }
0x2e3: {  	v40 =	vld [tilespmem:s25+$0x0]  }
0x2e4: {  	v2 =	vadd.f32 v4, v2;
	v10 =	vadd.f32 v20, v10;
	v20 =	vld [tilespmem:s10+$0x0]  }
0x2e5: {  	v0 =	vadd.f32 v5, v0;
	v5 =	vadd.f32 v25, v36;
	v25 =	vld [tilespmem:s12+$0x10]  }
0x2e6: {  	v3 =	vadd.f32 v29, v3;
	v29 =	vld [tilespmem:s13+$0x10]  }
0x2e7: {  	v2 =	vadd.f32 v15, v2;
	v36 =	vld [tilespmem:s23+$0x10]  }
0x2e8: {  	v1 =	vadd.f32 v28, v1;
	v28 =	vld [tilespmem:$0x1FE40]  }
0x2e9: {  	s9 =	rddreg [dreg:$0xd];
	v2 =	vadd.f32 v34, v2;
	v34 =	vld [tilespmem:$0x1FE20]  }
0x2ea: {  	v6 =	vadd.f32 v48, v6;
	v48 =	vld [tilespmem:s9+$0x10]  }
0x2eb: {  	v12 =	vadd.f32 v18, v12;
	v18 =	vld [tilespmem:$0x1FD90]  }
0x2ec: {  	v0 =	vadd.f32 v16, v0;
	v16 =	vld [tilespmem:s1+$0x0]  }
0x2ed: {  	v3 =	vadd.f32 v22, v3;
	v22 =	vld [tilespmem:s11+$0x10]  }
0x2ee: {  	v5 =	vadd.f32 v38, v5;
	v38 =	vld [tilespmem:$0x1FD80]  }
0x2ef: {  	v10 =	vadd.f32 v17, v10;
	v17 =	vld [tilespmem:s4+$0x10]  }
0x2f0: {  	v0 =	vadd.f32 v35, v0;
	v35 =	vld [tilespmem:$0x1FEA0]  }
0x2f1: {  	v1 =	vadd.f32 v39, v1;
	v39 =	vld [tilespmem:s25+$0x10]  }
0x2f2: {  	s10 =	rddreg [dreg:$0xa];
	v2 =	vadd.f32 v41, v2;
	v41 =	vld [tilespmem:$0x1FE10]  }
0x2f3: {  	v6 =	vadd.f32 v53, v6;
	v53 =	vld [tilespmem:s10+$0x10]  }
0x2f4: {  	v5 =	vadd.f32 v44, v5;
	v44 =	vld [tilespmem:$0x1FE60]  }
0x2f5: {  	v3 =	vadd.f32 v19, v3;
	v19 =	vld [tilespmem:$0x1FD40]  }
0x2f6: {  	v12 =	vadd.f32 v21, v12;
	v21 =	vld [tilespmem:$0x1FDE0]  }
0x2f7: {  	v10 =	vadd.f32 v27, v10;
	v27 =	vld [tilespmem:$0x1FD70]  }
0x2f8: {  	s8 =	rddreg [dreg:$0xc];
	v0 =	vadd.f32 v43, v0;
	v43 =	vld [tilespmem:$0x1FDC0]  }
0x2f9: {  	v1 =	vadd.f32 v45, v1;
	v45 =	vld [tilespmem:s8+$0x10]  }
0x2fa: {  	v2 =	vadd.f32 v46, v2;
	v46 =	vld [tilespmem:s8+$0x0]  }
0x2fb: {  	v6 =	vadd.f32 v24, v6;
	v24 =	vld [tilespmem:$0x1FCD0]  }
0x2fc: {  	v5 =	vadd.f32 v49, v5;
	v49 =	vld [tilespmem:s9+$0x0]  }
0x2fd: {  	s11 =	rddreg [dreg:$0xb];
	v3 =	vadd.f32 v55, v3;
	v55 =	vld [tilespmem:s10+$0x0]  }
0x2fe: {  	v10 =	vadd.f32 v57, v10;
	v57 =	vld [tilespmem:s11+$0x10]  }
0x2ff: {  	v12 =	vadd.f32 v28, v12;
	v28 =	vld [tilespmem:$0x1FD20]  }
0x300: {  	v0 =	vadd.f32 v47, v0;
	v47 =	vld [tilespmem:$0x1FD50]  }
0x301: {  	v1 =	vadd.f32 v50, v1;
	v50 =	vld [tilespmem:$0x1FDF0]  }
0x302: {  	v2 =	vadd.f32 v51, v2;
	v51 =	vld [tilespmem:$0x1FDA0]  }
0x303: {  	v6 =	vadd.f32 v31, v6;
	v31 =	vld [tilespmem:s30+$0x0]  }
0x304: {  	v5 =	vadd.f32 v56, v5;
	v56 =	vld [tilespmem:$0x1FD00]  }
0x305: {  	v12 =	vadd.f32 v34, v12;
	v34 =	vld [tilespmem:s31+$0x0]  }
0x306: {  	v3 =	vadd.f32 v35, v3;
	v35 =	vld [tilespmem:$0x1FD10]  }
0x307: {  	v10 =	vadd.f32 v41, v10;
	v41 =	vld [tilespmem:s26+$0x10]  }
0x308: {  	v0 =	vadd.f32 v52, v0;
	v52 =	vld [tilespmem:$0x1FE30]  }
0x309: {  	s12 =	rddreg [dreg:$0x6];
	v1 =	vadd.f32 v20, v1;
	v20 =	vld [tilespmem:s11+$0x0]  }
0x30a: {  	v2 =	vadd.f32 v22, v2;
	v22 =	vld [tilespmem:s12+$0x10]  }
0x30b: {  	s13 =	rddreg [dreg:$0x7];
	v6 =	vadd.f32 v38, v6;
	v38 =	vld [tilespmem:s29+$0x10]  }
0x30c: {  	v5 =	vadd.f32 v25, v5;
	v25 =	vld [tilespmem:s13+$0x10]  }
0x30d: {  	v12 =	vadd.f32 v43, v12;
	v43 =	vld [tilespmem:s26+$0x0]  }
0x30e: {  	v3 =	vadd.f32 v44, v3;
	v44 =	vld [tilespmem:$0x1FCF0]  }
0x30f: {  	v0 =	vadd.f32 v23, v0;
	v23 =	vld [tilespmem:s12+$0x0]  }
0x310: {  	v1 =	vadd.f32 v26, v1;
	v26 =	vld [tilespmem:s13+$0x0]  }
0x311: {  	v2 =	vadd.f32 v29, v2;
	v29 =	vld [tilespmem:$0x1FDB0]  }
0x312: {  	v5 =	vadd.f32 v32, v5;
	v32 =	vld [tilespmem:$0x1FC80]  }
0x313: {  	v6 =	vadd.f32 v47, v6;
	v47 =	vld [tilespmem:s19+$0x10]  }
0x314: {  	v10 =	vadd.f32 v50, v10;
	v50 =	vld [tilespmem:s28+$0x10]  }
0x315: {  	v12 =	vadd.f32 v51, v12;
	v51 =	vld [tilespmem:s28+$0x0]  }
0x316: {  	v0 =	vadd.f32 v30, v0;
	v30 =	vld [tilespmem:s30+$0x10]  }
0x317: {  	v1 =	vadd.f32 v33, v1;
	v33 =	vld [tilespmem:s31+$0x10]  }
0x318: {  	v2 =	vadd.f32 v36, v2;
	v36 =	vld [tilespmem:$0x1FCC0]  }
0x319: {  	v5 =	vadd.f32 v39, v5;
	v39 =	vld [tilespmem:s29+$0x0]  }
0x31a: {  	v3 =	vadd.f32 v52, v3;
	v52 =	vld [tilespmem:$0x1FC90]  }
0x31b: {  	v6 =	vadd.f32 v56, v6;
	v56 =	vld [tilespmem:s24+$0x10]  }
0x31c: {  	v10 =	vadd.f32 v18, v10;
	v18 =	vld [tilespmem:$0x1FBD0]  }
0x31d: {  	v12 =	vadd.f32 v19, v12;
	v19 =	vld [tilespmem:s16+$0x10]  }
0x31e: {  	v0 =	vadd.f32 v37, v0;
	v37 =	vld [tilespmem:$0x1FD60]  }
0x31f: {  	v1 =	vadd.f32 v40, v1;
	v40 =	vld [tilespmem:$0x1FC50]  }
0x320: {  	v2 =	vadd.f32 v45, v2;
	v45 =	vld [tilespmem:$0x1FCA0]  }
0x321: {  	v5 =	vadd.f32 v48, v5;
	v48 =	vld [tilespmem:s19+$0x0]  }
0x322: {  	v3 =	vadd.f32 v21, v3;
	v21 =	vld [tilespmem:$0x1FC70]  }
0x323: {  	v6 =	vadd.f32 v24, v6;
	v24 =	vld [tilespmem:s21+$0x10]  }
0x324: {  	v10 =	vadd.f32 v27, v10;
	v27 =	vld [tilespmem:s7+$0x10]  }
0x325: {  	v12 =	vadd.f32 v28, v12;
	v28 =	vld [tilespmem:s7+$0x0]  }
0x326: {  	v0 =	vadd.f32 v46, v0;
	v46 =	vld [tilespmem:$0x1FD30]  }
0x327: {  	v1 =	vadd.f32 v49, v1;
	v49 =	vld [tilespmem:$0x1FC00]  }
0x328: {  	v2 =	vadd.f32 v53, v2;
	v53 =	vld [tilespmem:$0x1FC40]  }
0x329: {  	v5 =	vadd.f32 v57, v5;
	v57 =	vld [tilespmem:s24+$0x0]  }
0x32a: {  	v3 =	vadd.f32 v29, v3;
	v29 =	vld [tilespmem:$0x1FC10]  }
0x32b: {  	v6 =	vadd.f32 v32, v6;
	v32 =	vld [tilespmem:s17+$0x10]  }
0x32c: {  	v10 =	vadd.f32 v35, v10;
	v35 =	vld [tilespmem:s20+$0x10]  }
0x32d: {  	v12 =	vadd.f32 v36, v12;
	v36 =	vld [tilespmem:s20+$0x0]  }
0x32e: {  	v0 =	vadd.f32 v55, v0;
	v55 =	vld [tilespmem:$0x1FCE0]  }
0x32f: {  	v1 =	vadd.f32 v20, v1;
	v20 =	vld [tilespmem:s16+$0x0]  }
0x330: {  	v2 =	vadd.f32 v22, v2;
	v22 =	vld [tilespmem:$0x1FC20]  }
0x331: {  	v5 =	vadd.f32 v25, v5;
	v25 =	vld [tilespmem:s21+$0x0]  }
0x332: {  	v3 =	vadd.f32 v37, v3;
	v37 =	vld [tilespmem:$0x1FBF0]  }
0x333: {  	v6 =	vadd.f32 v40, v6;
	v40 =	vld [tilespmem:s5+$0x10]  }
0x334: {  	v10 =	vadd.f32 v44, v10;
	v44 =	vld [tilespmem:s14+$0x10]  }
0x335: {  	v12 =	vadd.f32 v45, v12;
	v45 =	vld [tilespmem:s14+$0x0]  }
0x336: {  	v0 =	vadd.f32 v23, v0;
	v23 =	vld [tilespmem:$0x1FCB0]  }
0x337: {  	v1 =	vadd.f32 v26, v1;
	v26 =	vld [tilespmem:$0x1FB80]  }
0x338: {  	v2 =	vadd.f32 v30, v2;
	v30 =	vld [tilespmem:$0x1FBC0]  }
0x339: {  	v5 =	vadd.f32 v33, v5;
	v33 =	vld [tilespmem:s17+$0x0]  }
0x33a: {  	v3 =	vadd.f32 v46, v3;
	v6 =	vadd.f32 v49, v6;
	v46 =	vld [tilespmem:$0x1FB90]  }
0x33b: {  	v10 =	vadd.f32 v52, v10;
	v12 =	vadd.f32 v53, v12;
	v49 =	vld [tilespmem:s3+$0x10]  }
0x33c: {  	v52 =	vld [tilespmem:$0x1FAD0];
	v0 =	vadd.f32 v31, v0;
	v1 =	vadd.f32 v34, v1  }
0x33d: {  	v53 =	vld [tilespmem:$0x1FB60];
	v2 =	vadd.f32 v38, v2;
	v3 =	vadd.f32 v55, v3  }
0x33e: {  	v31 =	vld [tilespmem:$0x1FC60];
	v5 =	vadd.f32 v41, v5;
	v6 =	vadd.f32 v18, v6  }
0x33f: {  	v34 =	vld [tilespmem:$0x1FB40];
	v10 =	vadd.f32 v21, v10;
	v12 =	vadd.f32 v22, v12  }
0x340: {  	v38 =	vld [tilespmem:$0x1FBA0];
	v0 =	vadd.f32 v39, v0;
	v1 =	vadd.f32 v43, v1  }
0x341: {  	v41 =	vld [tilespmem:s5+$0x0];
	v2 =	vadd.f32 v47, v2;
	v3 =	vadd.f32 v23, v3  }
0x342: {  	v55 =	vld [tilespmem:$0x1FB10];
	v5 =	vadd.f32 v50, v5;
	v6 =	vadd.f32 v26, v6  }
0x343: {  	v18 =	vld [tilespmem:$0x1FAA0];
	v10 =	vadd.f32 v29, v10;
	v12 =	vadd.f32 v30, v12  }
0x344: {  	v39 =	vld [tilespmem:$0x1FC30];
	v0 =	vadd.f32 v48, v0;
	v1 =	vadd.f32 v51, v1  }
0x345: {  	v43 =	vld [tilespmem:$0x1FAF0];
	v2 =	vadd.f32 v56, v2;
	v3 =	vadd.f32 v31, v3  }
0x346: {  	v47 =	vld [tilespmem:$0x1FB30];
	v5 =	vadd.f32 v19, v5;
	v6 =	vadd.f32 v34, v6  }
0x347: {  	v21 =	vld [tilespmem:s0+$0x10];
	v10 =	vadd.f32 v37, v10;
	v12 =	vadd.f32 v38, v12  }
0x348: {  	v48 =	vld [tilespmem:$0x1FBE0];
	v0 =	vadd.f32 v57, v0;
	v1 =	vadd.f32 v20, v1  }
0x349: {  	v22 =	vld [tilespmem:$0x1FAC0];
	v2 =	vadd.f32 v24, v2;
	v3 =	vadd.f32 v39, v3  }
0x34a: {  	v50 =	vld [tilespmem:s4+$0x0];
	v5 =	vadd.f32 v27, v5;
	v6 =	vadd.f32 v43, v6  }
0x34b: {  	v23 =	vld [tilespmem:s1+$0x10];
	v10 =	vadd.f32 v46, v10;
	v12 =	vadd.f32 v47, v12  }
0x34c: {  	v26 =	vld [tilespmem:$0x1FA90];
	v0 =	vadd.f32 v25, v0;
	v1 =	vadd.f32 v28, v1  }
0x34d: {  	v29 =	vld [tilespmem:$0x1FAB0];
	v2 =	vadd.f32 v32, v2;
	v3 =	vadd.f32 v48, v3  }
0x34e: {  	v19 =	vld [tilespmem:$0x1FB00];
	v5 =	vadd.f32 v35, v5;
	v6 =	vadd.f32 v52, v6  }
0x34f: {  	v30 =	vld [tilespmem:$0x1FB70];
	v9 =	vadd.f32 v53, v10;
	v10 =	vadd.f32 v55, v12  }
0x350: {  	v24 =	vld [tilespmem:$0x1FB50];
	v0 =	vadd.f32 v33, v0;
	v1 =	vadd.f32 v36, v1  }
0x351: {  	v51 =	vld [tilespmem:s3+$0x0];
	v2 =	vadd.f32 v40, v2;
	v3 =	vadd.f32 v11, v3  }
0x352: {  	v56 =	vld [tilespmem:s0+$0x0];
	v5 =	vadd.f32 v44, v5;
	v6 =	vadd.f32 v18, v6  }
0x353: {  	v34 =	vld [tilespmem:$0x1FAE0];
	v7 =	vadd.f32 v19, v9;
	v10 =	vadd.f32 v22, v10  }
0x354: {  	v38 =	vld [tilespmem:$0x1FA80];
	v1 =	vadd.f32 v45, v1;
	v0 =	vadd.f32 v41, v0  }
0x355: {  	v57 =	vld [tilespmem:s2+$0x0];
	v2 =	vadd.f32 v49, v2;
	v3 =	vadd.f32 v24, v3  }
0x356: {  	v32 =	vld [tilespmem:$0x1FB20];
	v5 =	vadd.f32 v17, v5;
	v1 =	vadd.f32 v50, v1  }
0x357: {  	v20 =	vld [tilespmem:s18+$0x0];
	v6 =	vadd.f32 v26, v6;
	v10 =	vadd.f32 v29, v10  }
0x358: {  	v33 =	vld [tilespmem:s18+$0x20];
	v0 =	vadd.f32 v51, v0;
	v1 =	vadd.f32 v56, v1  }
0x359: {  	v25 =	vld [tilespmem:s18+$0x10];
	v7 =	vadd.f32 v34, v7;
	v2 =	vadd.f32 v30, v2  }
0x35a: {  	v28 =	vld [tilespmem:s1+$0x20];
	v0 =	vadd.f32 v57, v0;
	v1 =	vadd.f32 v16, v1  }
0x35b: {  	s22 =	rddreg [dreg:$0x1a];
	v5 =	vadd.f32 v21, v5;
	v3 =	vadd.f32 v32, v3  }
0x35c: {  	s0 =	sshll.u32 s22, $0x6;
	v0 =	vadd.f32 v20, v0;
	v1 =	vadd.f32 v1, v60  }
0x35d: {  	v27 =	vld [tilespmem:s0+$0x14040];
	v7 =	vadd.f32 v33, v7;
	v8 =	vadd.f32 v38, v10  }
0x35e: {  	v4 =	vadd.f32 v23, v5;
	v0 =	vadd.f32 v0, v60;
	v1 =	vmax.f32 v1, $0.0e+00  }
0x35f: {  	v31 =	vld [tilespmem:s0+$0x14240];
	v2 =	vadd.f32 v25, v2;
	v3 =	vadd.f32 v28, v3;
	v1 =	vmin.f32 v1, $1.000000000e+00  }
0x360: {  	v40 =	vld [tilespmem:$0x1FA70];
	v4 =	vadd.f32 v4, v61;
	v0 =	vmax.f32 v0, $0.0e+00;
	v1 =	vmul.f32 v1, v1  }
0x361: {  	v35 =	vld [tilespmem:s0+$0x14050];
	v7 =	vadd.f32 v7, v62;
	v2 =	vadd.f32 v2, v61;
	v0 =	vmin.f32 v0, $1.000000000e+00  }
0x362: {  	v4 =	vmax.f32 v4, $0.0e+00;
	v0 =	vmul.f32 v0, v0;
	v1 =	vmul.f32 v27, v1  }
0x363: {  	v36 =	vld [tilespmem:s0+$0x14250];
	v3 =	vadd.f32 v3, v62;
	v2 =	vmax.f32 v2, $0.0e+00;
	v4 =	vmin.f32 v4, $1.000000000e+00  }
0x364: {  	v4 =	vmul.f32 v4, v4;
	v0 =	vmul.f32 v31, v0;
	v1 =	vadd.f32 $0.0e+00, v1  }
0x365: {  	v37 =	vld [tilespmem:s0+$0x14060];
	v5 =	vadd.f32 v40, v6;
	v2 =	vmin.f32 v2, $1.000000000e+00;
	v3 =	vmax.f32 v3, $0.0e+00  }
0x366: {  	v2 =	vmul.f32 v2, v2;
	v4 =	vmul.f32 v35, v4;
	v0 =	vadd.f32 v0, v1  }
0x367: {  	v39 =	vld [tilespmem:s0+$0x14260];
	v43 =	vadd.f32 v8, v63;
	v41 =	vmax.f32 v7, $0.0e+00;
	v3 =	vmin.f32 v3, $1.000000000e+00  }
0x368: {  	v3 =	vmul.f32 v3, v3;
	v2 =	vmul.f32 v36, v2;
	v0 =	vadd.f32 v4, v0  }
0x369: {  	v45 =	vld [tilespmem:s0+$0x14070];
	v46 =	vmax.f32 v43, $0.0e+00;
	v5 =	vadd.f32 v5, v63;
	v44 =	vmin.f32 v41, $1.000000000e+00  }
0x36a: {  	v1 =	vmul.f32 v37, v3;
	v0 =	vadd.f32 v2, v0;
	v2 =	vmul.f32 v44, v44  }
0x36b: {  	v47 =	vld [tilespmem:s0+$0x14270];
	v6 =	vmin.f32 v46, $1.000000000e+00;
	v48 =	vmax.f32 v5, $0.0e+00  }
0x36c: {  	v49 =	vmul.f32 v6, v6;
	v0 =	vadd.f32 v1, v0;
	v2 =	vmul.f32 v39, v2  }
0x36d: {  	v4 =	vmin.f32 v48, $1.000000000e+00  }
0x36e: {  	v50 =	vmul.f32 v45, v49;
	v51 =	vmul.f32 v4, v4;
	v0 =	vadd.f32 v2, v0;
	_ =	sdelay $0x1  }
0x36f: {  	vm0 =	veq.s32 v42, v58;
	v1 =	vmul.f32 v47, v51;
	v0 =	vadd.f32 v50, v0  }
0x370: {  	v52 =	vnsel vm0, $0x0, v59  }
0x371: {  	(xrf2) =	vadd.scan.msk.f32 $0xffff, v52;
	v0 =	vadd.f32 v1, v0;
	_ =	sdelay $0x1  }
0x372: {  	(xrf2) =	vadd.scan.msk.f32 $0xffff, v0;
	_ =	sdelay $0x7  }
0x373: {  	v53, _, _ =	vpop (xrf2)  }
0x374: {  	(v2sf) =	vpush v53, $0xF  }
0x375: {  	v55, _, _ =	vpop (xrf2)  }
0x376: {  	(v2sf) =	vpush v55, $0xF;
	_ =	sdelay $0x9  }
0x377: {  	s26 =	sld [smem:$0x7E3]  }
0x378: {  	v57 =	vld [tilespmem:$0x1FFF0]  }
0x379: {  	s23 =	rddreg [dreg:$0x5]  }
0x37a: {  	s30 =	sld [smem:$0x7F0];
	s5 =	sadd.s32 $0x1, s26;
	s24 =	spop (v2sf)  }
0x37b: {  	s31 =	sld [smem:$0x7EF];
	p1 =	sne.s32 s5, $0x20;
	s0 =	smul.f32 s24, s23  }
.Ltmp1:
0x37c: {  	s25 =	spop (v2sf);
	(pc) =	sbr.rel @p1 .LBB2_3-.Ltmp1, $4  }
0x37d: {  	v56 =	vmov s15;
	s0 =	sadd.f32 s25, s0  }
0x37e: {  	s28 =	sshll.u32 s26, $0x4;
	vm15 =	veq.s32 v56, v58  }
0x37f: {  	s29 =	sand.u32 $0x3FFFFFF0, s28;
	v0 =	vsel vm15, s0, v54  }
0x380: {  	s2 =	sadd.s32 $0x200, s31;
	s1 =	sadd.s32 $0x200, s30;
	[tilespmem:v57+s29+$0x0 ss:$0x1] =	vst.idx.msk $0xffff, v0  }
.Ltmp2:
0x381: {  	(pc) =	sbr.rel @p0 .LBB2_2-.Ltmp2, $2  }
0x382: {  	_ =	sdelay $0x2  }
0x383: {  	s0 =	simm.s32 $0x200;
	p1 =	por $0x0, $0x0;
	s3 =	simm.s32 $0x1  }
0x384: {  	s0 =	sld [smem:$0x7FA];
	_ =	sdelay $0x1  }
0x385: {  	s1 =	simm.s32 $0x14490  }
0x386: {  	[spmem:s0] =	stream.linear.scatter [tilespmem:s1], [sflag:$0x1], $0x400, $0x38;
	[tilespmem:$0x150D0] =	vst v63  }
0x387: {  	_ =	swait.ge [sflag:s3], $0x400  }
0x388: {  	[sflag:s3] =	ssyncset.done $0x0  }
0x389: {  	[sflag:s3] =	ssyncadd.s32 $0xFFFFFC00  }
0x38a: {  	[bflag:$0x0] =	sbarrier.arrive $0xFFFF  }
0x38b: {  	s25 =	sld [smem:$0x7FB];
	_ =	sdelay $0x1  }
0x38c: {  	s26 =	simm.s32 $0x40;
	s2 =	simm.s32 $0x400;
	s4 =	simm.s32 $0x14890  }
0x38d: {  	[tilespmem:s4], [sflag:$0x1] =	stream.strided.gather [spmem:s25], $0x400, s2, s26, $0x38;
	[tilespmem:$0x150D0] =	vst v63  }
0x38e: {  	_ =	swait.ge [sflag:s3], $0x400  }
0x38f: {  	[sflag:s3] =	ssyncset.done $0x0  }
0x390: {  	[sflag:s3] =	ssyncadd.s32 $0xFFFFFC00  }
0x391: {  	v0 =	vld [tilespmem:$0x14890]  }
0x392: {  	v1 =	vld [tilespmem:$0x148D0]  }
0x393: {  	v2 =	vld [tilespmem:$0x14910]  }
0x394: {  	v3 =	vld [tilespmem:$0x14950]  }
0x395: {  	v4 =	vld [tilespmem:$0x14990]  }
0x396: {  	v5 =	vld [tilespmem:$0x149D0]  }
0x397: {  	v6 =	vld [tilespmem:$0x14A10]  }
0x398: {  	v7 =	vld [tilespmem:$0x14A50]  }
0x399: {  	v8 =	vld [tilespmem:$0x14A90]  }
0x39a: {  	v9 =	vld [tilespmem:$0x14AD0]  }
0x39b: {  	v10 =	vld [tilespmem:$0x14B10]  }
0x39c: {  	v11 =	vld [tilespmem:$0x14B50]  }
0x39d: {  	v12 =	vld [tilespmem:$0x14B90]  }
0x39e: {  	v13 =	vld [tilespmem:$0x14BD0]  }
0x39f: {  	v14 =	vld [tilespmem:$0x14C10]  }
0x3a0: {  	v15 =	vld [tilespmem:$0x14C50]  }
0x3a1: {  	v16 =	vld [tilespmem:$0x148A0]  }
0x3a2: {  	v17 =	vld [tilespmem:$0x148E0]  }
0x3a3: {  	v18 =	vld [tilespmem:$0x14920]  }
0x3a4: {  	v19 =	vld [tilespmem:$0x14960]  }
0x3a5: {  	v20 =	vld [tilespmem:$0x149A0]  }
0x3a6: {  	v21 =	vld [tilespmem:$0x149E0]  }
0x3a7: {  	v22 =	vld [tilespmem:$0x14A20]  }
0x3a8: {  	v23 =	vld [tilespmem:$0x14A60]  }
0x3a9: {  	v24 =	vld [tilespmem:$0x14AA0]  }
0x3aa: {  	v25 =	vld [tilespmem:$0x14AE0]  }
0x3ab: {  	v26 =	vld [tilespmem:$0x14B20]  }
0x3ac: {  	v27 =	vld [tilespmem:$0x14B60]  }
0x3ad: {  	v28 =	vld [tilespmem:$0x14BA0]  }
0x3ae: {  	v29 =	vld [tilespmem:$0x14BE0]  }
0x3af: {  	v30 =	vld [tilespmem:$0x14C20]  }
0x3b0: {  	v31 =	vld [tilespmem:$0x14C60]  }
0x3b1: {  	v32 =	vld [tilespmem:$0x148B0]  }
0x3b2: {  	v33 =	vld [tilespmem:$0x148F0]  }
0x3b3: {  	v34 =	vld [tilespmem:$0x148C0]  }
0x3b4: {  	v35 =	vld [tilespmem:$0x14900]  }
0x3b5: {  	v36 =	vld [tilespmem:$0x14930]  }
0x3b6: {  	v57 =	vld [tilespmem:$0x14940];
	v0 =	vadd.f32 v1, v0  }
0x3b7: {  	v59 =	vld [tilespmem:$0x14970];
	v16 =	vadd.f32 v17, v16  }
0x3b8: {  	v61 =	vld [tilespmem:$0x14980];
	v60 =	vadd.f32 v33, v32;
	v0 =	vadd.f32 v2, v0  }
0x3b9: {  	v63 =	vld [tilespmem:$0x149B0];
	v62 =	vadd.f32 v35, v34;
	v16 =	vadd.f32 v18, v16  }
0x3ba: {  	v37 =	vld [tilespmem:$0x149C0];
	v2 =	vadd.f32 v36, v60;
	v0 =	vadd.f32 v3, v0  }
0x3bb: {  	v38 =	vld [tilespmem:$0x149F0];
	v1 =	vadd.f32 v57, v62;
	v16 =	vadd.f32 v19, v16  }
0x3bc: {  	v39 =	vld [tilespmem:$0x14A00];
	v2 =	vadd.f32 v59, v2;
	v0 =	vadd.f32 v4, v0  }
0x3bd: {  	v40 =	vld [tilespmem:$0x14A30];
	v1 =	vadd.f32 v61, v1;
	v16 =	vadd.f32 v20, v16  }
0x3be: {  	v41 =	vld [tilespmem:$0x14A40];
	v2 =	vadd.f32 v63, v2;
	v0 =	vadd.f32 v5, v0  }
0x3bf: {  	v42 =	vld [tilespmem:$0x14A70];
	v1 =	vadd.f32 v37, v1;
	v16 =	vadd.f32 v21, v16  }
0x3c0: {  	v43 =	vld [tilespmem:$0x14A80];
	v2 =	vadd.f32 v38, v2;
	v0 =	vadd.f32 v6, v0  }
0x3c1: {  	v44 =	vld [tilespmem:$0x14AB0];
	v1 =	vadd.f32 v39, v1;
	v16 =	vadd.f32 v22, v16  }
0x3c2: {  	v45 =	vld [tilespmem:$0x14AC0];
	v2 =	vadd.f32 v40, v2;
	v0 =	vadd.f32 v7, v0  }
0x3c3: {  	v46 =	vld [tilespmem:$0x14AF0];
	v1 =	vadd.f32 v41, v1;
	v16 =	vadd.f32 v23, v16  }
0x3c4: {  	v47 =	vld [tilespmem:$0x14B00];
	v2 =	vadd.f32 v42, v2;
	v0 =	vadd.f32 v8, v0  }
0x3c5: {  	v49 =	vld [tilespmem:$0x14B30];
	v1 =	vadd.f32 v43, v1;
	v48 =	vadd.f32 v24, v16  }
0x3c6: {  	v50 =	vld [tilespmem:$0x14B40];
	v2 =	vadd.f32 v44, v2;
	v0 =	vadd.f32 v9, v0  }
0x3c7: {  	v51 =	vld [tilespmem:$0x14B70];
	v1 =	vadd.f32 v45, v1;
	v8 =	vadd.f32 v25, v48  }
0x3c8: {  	v52 =	vld [tilespmem:$0x14B80];
	v2 =	vadd.f32 v46, v2;
	v0 =	vadd.f32 v10, v0  }
0x3c9: {  	v53 =	vld [tilespmem:$0x14BB0];
	v1 =	vadd.f32 v47, v1;
	v8 =	vadd.f32 v26, v8  }
0x3ca: {  	v54 =	vld [tilespmem:$0x14BC0];
	v2 =	vadd.f32 v49, v2;
	v0 =	vadd.f32 v11, v0  }
0x3cb: {  	v55 =	vld [tilespmem:$0x14BF0];
	v1 =	vadd.f32 v50, v1;
	v8 =	vadd.f32 v27, v8  }
0x3cc: {  	v56 =	vld [tilespmem:$0x14C00];
	v2 =	vadd.f32 v51, v2;
	v0 =	vadd.f32 v12, v0  }
0x3cd: {  	v57 =	vld [tilespmem:$0x14C30];
	v1 =	vadd.f32 v52, v1;
	v8 =	vadd.f32 v28, v8  }
0x3ce: {  	v59 =	vld [tilespmem:$0x14C40];
	v2 =	vadd.f32 v53, v2;
	v0 =	vadd.f32 v13, v0  }
0x3cf: {  	v60 =	vld [tilespmem:$0x14C70];
	v1 =	vadd.f32 v54, v1;
	v8 =	vadd.f32 v29, v8  }
0x3d0: {  	v61 =	vld [tilespmem:$0x14C80];
	v2 =	vadd.f32 v55, v2;
	v0 =	vadd.f32 v14, v0  }
0x3d1: {  	v1 =	vadd.f32 v56, v1;
	v8 =	vadd.f32 v30, v8  }
0x3d2: {  	v2 =	vadd.f32 v57, v2;
	v0 =	vadd.f32 v15, v0  }
0x3d3: {  	v1 =	vadd.f32 v59, v1;
	v62 =	vadd.f32 v31, v8  }
0x3d4: {  	v63 =	vadd.f32 v60, v2;
	[tilespmem:$0x14C90] =	vst v0  }
0x3d5: {  	s28 =	sld [smem:$0x7FC];
	v1 =	vadd.f32 v61, v1;
	[tilespmem:$0x14CA0] =	vst v62  }
0x3d6: {  	[tilespmem:$0x14CB0] =	vst v63  }
0x3d7: {  	s11 =	simm.s32 $0x0;
	s29 =	simm.s32 $0x14C90;
	[tilespmem:$0x14CC0] =	vst v1  }
0x3d8: {  	[hbm4b:s28+s11] =	stream.linear.scatter [tilespmem:s29], [sflag:$0x1], $0x40, $0x38;
	[tilespmem:$0x150D0] =	vst v63  }
0x3d9: {  	_ =	swait.ge [sflag:s3], $0x40  }
0x3da: {  	s30 =	sld [smem:$0x7F1]  }
0x3db: {  	s31 =	sld [smem:$0x7FD];
	_ =	sdelay $0x1  }
0x3dc: {  	s1 =	sadd.s32 $0x1, s30  }
0x3dd: {  	p0 =	sne.s32 s1, s31  }
.Ltmp3:
0x3de: {  	_ = 	snop;
	(pc) =	sbr.rel @p0 .LBB2_1-.Ltmp3, $3  }
0x3df: {  	_ =	sdelay $0x1  }
0x3e0: {  	[sflag:s3] =	ssyncset.done $0x0  }
0x3e1: {  	[sflag:s3] =	ssyncadd.s32 $0xFFFFFFC0  }
0x3e2: {  	_ =	sfence.sel $0x180000  }
0x3e3: {  	[bflag:$0x0] =	sbarrier.arrive $0xFFFF  }
0x3e4: {  	_ =	strace $0x90000047  }
0x3e5: {  	s0 =	stileid.u32;
	[bflag:$0x2] =	sbarrier.arrive $0xFFFF  }
0x3e6: {  	p0 =	sne.s32 s0, $0x0;
	s0 =	rddreg [dreg:$0x4]  }
0x3e7: {  	s0 =	sadd.s32 @!p0 $0x100000, s0  }
0x3e8: {  	[sflag:s0] =	ssyncadd.tile.s32 @!p0 $0x1;
	_ =	shalt  }
.Lfunc_end2:
_tile_overlayer_lowered:
.L_overlay_start_2:
0x3e9: {  	(tag) =	ssettag $0x2  }
0x3ea: {  	s0 =	rddreg [dreg:$0x0];
	s2 =	stileid.u32  }
0x3eb: {  	s1 =	rddreg [dreg:$0x1];
	p0 =	sne.s32 s2, $0x0  }
0x3ec: {  	s3 =	rddreg [dreg:$0x2];
	[bflag:$0x3] =	sbarrier.arrive $0xFFFF;
	s2 =	simm.s32 @!p0 $0x1C01  }
0x3ed: {  	[timem:s3], [sflag:s2] =	dma.local @!p0 [hbm:s0], s1  }
0x3ee: {  	s0 =	simm.s32 @!p0 $0x1  }
0x3ef: {  	_ =	swait.ge @!p0 [sflag:s0], s1  }
0x3f0: {  	s1 =	ssub.s32 @!p0 $0x0, s1;
	[sflag:s0] =	ssyncset.done @!p0 $0x0  }
0x3f1: {  	[sflag:s0] =	ssyncadd.s32 @!p0 s1  }
0x3f2: {  	[bflag:$0x3] =	sbarrier.arrive $0xFFFF  }
0x3f3: {  	_ =	shalt  }

</sc_bundles>
